<compile_context>
chip_gen: v7x
topology: tpu7x:2x2x1
jax: 0.10.2.dev20260603
libtpu: 0.0.44.dev20260713+nightly
codegen_flags: <defaults>
</compile_context>

<pallas_src>
import functools

import jax
import jax.numpy as jnp
from jax import lax
from jax.experimental import pallas as pl
from jax.experimental.pallas import tpu as pltpu
from jax.experimental.pallas import tpu_sc as plsc

DIM = 1024
K = 4096
KR = 16
ETA = 0.1
DECAY = 0.01
T = 2048

BT = 256
BK = 512
NT = T // BT
NK = K // BK

_BF = jnp.bfloat16
_F32 = jnp.float32


def _proj_body(x_ref, qvw_ref, wm_ref, wmb_ref, s_ref, wnx_ref, wnm_ref,
               wnb_ref, temp_ref, rl_ref, wl_ref, v_ref, q_s, m_s):
    k = pl.program_id(1)
    x = x_ref[...]

    @pl.when(k == 0)
    def _():
        qv = jax.lax.dot_general(x, qvw_ref[...], (((1,), (1,)), ((), ())),
                                 preferred_element_type=_F32)
        q_s[...] = qv[:, :DIM].astype(_BF)
        v_ref[...] = qv[:, DIM:]
        xw = x.astype(_F32) * wm_ref[...].astype(_F32)
        mlin = jnp.sum(xw, axis=1, keepdims=True)
        m_s[...] = jax.nn.sigmoid(mlin + wmb_ref[...])

    s = s_ref[...]
    sf = s.astype(_F32)
    ss = jnp.sum(sf * sf, axis=1)
    scale = 1.0 / (jnp.sqrt(ss) + 1e-6)
    rl = jax.lax.dot_general(q_s[...], s, (((1,), (1,)), ((), ())),
                             preferred_element_type=_F32)
    rl_ref[...] = rl * (scale[None, :] * temp_ref[...])
    wl = jax.lax.dot_general(x, wnx_ref[...], (((1,), (1,)), ((), ())),
                             preferred_element_type=_F32)
    wl_ref[...] = wl + m_s[...] * wnm_ref[0] + wnb_ref[0]


def _topk_body(l_ref, idx_ref, p_ref):
    s = jax.lax.bitcast_convert_type(l_ref[...], jnp.int32)
    mono = s ^ ((s >> 31) & 0x7FFFFFFF)
    kt = mono & (-4096)
    iota = jax.lax.broadcasted_iota(jnp.int32, (BT, K), 1)
    keys = kt | (4095 - iota)
    kvals = []
    for _ in range(KR):
        mx = jnp.max(keys, axis=1, keepdims=True)
        kvals.append(mx)
        keys = jnp.where(keys == mx, jnp.int32(-2 ** 31), keys)
    km = jnp.concatenate(kvals, axis=1)
    idx = 4095 - (km & 4095)
    vt = km & (-4096)
    v = jax.lax.bitcast_convert_type(vt ^ ((vt >> 31) & 0x7FFFFFFF), _F32)
    e = jnp.exp(v - v[:, :1])
    idx_ref[...] = idx
    p_ref[...] = e / jnp.sum(e, axis=1, keepdims=True)


def _route_tile(idx, p, kblk):
    kio = jax.lax.broadcasted_iota(jnp.int32, (BT, BK), 1) + kblk * BK
    tile = jnp.zeros((BT, BK), _F32)
    for j in range(KR):
        tile = tile + jnp.where(idx[:, j:j + 1] == kio, p[:, j:j + 1], 0.0)
    return tile.astype(_BF)


def _d_body(idx_ref, p_ref, v_ref, pre_ref, d_ref):
    kblk = pl.program_id(0)
    t = pl.program_id(1)
    tile = _route_tile(idx_ref[...], p_ref[...], kblk)
    vo = ((v_ref[...] - pre_ref[...]) * ETA).astype(_BF)
    contrib = jax.lax.dot_general(tile, vo, (((0,), (0,)), ((), ())),
                                  preferred_element_type=_F32)

    @pl.when(t == 0)
    def _():
        d_ref[...] = contrib

    @pl.when(t != 0)
    def _():
        d_ref[...] = d_ref[...] + contrib



_NC = 2
_NS = 16
_NW = _NC * _NS
_TPW = T // _NW
_TB = 2
_NBATCH = _TPW // _TB
_NCH = DIM // 16

@functools.cache
def _sc_mesh():
    return plsc.VectorSubcoreMesh(core_axis_name="c", subcore_axis_name="s",
                                  num_cores=_NC, num_subcores=_NS)


def _sc_token_accum(rows_ref, p_ref, orow_ref, pairbase, tt):
    w16 = p_ref[pl.ds(pairbase, KR)]
    ws = [w16.at[jnp.full((16,), j, jnp.int32)].get(mode="promise_in_bounds")
          for j in range(KR)]

    def chunk(c, _):
        sl = pl.ds(c * 16, 16)
        acc = ws[0] * rows_ref[tt * KR, sl]
        for j in range(1, KR):
            acc = acc + ws[j] * rows_ref[tt * KR + j, sl]
        orow_ref[sl] = acc
        return 0

    lax.fori_loop(0, _NCH, chunk, 0)


_GROWS = _TB * KR
_NPAIR = _NBATCH // 2


def _sc_gather_body(tab_hbm, idx_hbm, p_hbm, out_hbm, idx_v, p_v, rows_a,
                    rows_b, orow_v, sem_a, sem_b):
    wid = lax.axis_index("s") * _NC + lax.axis_index("c")
    pbase = wid * (_TPW * KR)
    tbase = wid * _TPW
    pltpu.sync_copy(idx_hbm.at[pl.ds(pbase, _TPW * KR)], idx_v)
    pltpu.sync_copy(p_hbm.at[pl.ds(pbase, _TPW * KR)], p_v)

    def start(b, buf, sem):
        pltpu.async_copy(tab_hbm.at[idx_v.at[pl.ds(b * _GROWS, _GROWS)]],
                         buf, sem)

    def drain(buf, sem):
        pltpu.make_async_copy(tab_hbm.at[pl.ds(0, _GROWS)], buf, sem).wait()

    def compute(b, buf):
        for tt in range(_TB):
            tok = b * _TB + tt
            _sc_token_accum(buf, p_v, orow_v, tok * KR, tt)
            pltpu.sync_copy(orow_v, out_hbm.at[tbase + tok])

    start(0, rows_a, sem_a)

    def pair(g, _):
        b0 = 2 * g
        b1 = b0 + 1
        start(b1, rows_b, sem_b)
        drain(rows_a, sem_a)
        compute(b0, rows_a)

        @pl.when(b1 + 1 < _NBATCH)
        def _():
            start(b1 + 1, rows_a, sem_a)

        drain(rows_b, sem_b)
        compute(b1, rows_b)
        return 0

    lax.fori_loop(0, _NPAIR, pair, 0)


def _sc_gather_call(table_f32, idx, p):
    return pl.kernel(
        _sc_gather_body,
        mesh=_sc_mesh(),
        out_type=jax.ShapeDtypeStruct((T, DIM), _F32),
        scratch_types=[
            pltpu.VMEM((_TPW * KR,), jnp.int32),
            pltpu.VMEM((_TPW * KR,), _F32),
            pltpu.VMEM((_GROWS, DIM), _F32),
            pltpu.VMEM((_GROWS, DIM), _F32),
            pltpu.VMEM((DIM,), _F32),
            pltpu.SemaphoreType.DMA,
            pltpu.SemaphoreType.DMA,
        ],
    )(table_f32, idx.reshape(-1), p.reshape(-1))


def _fin_body(rd_ref, pre_ref, x_ref, o_ref):
    o_ref[...] = rd_ref[...] + (1.0 - DECAY) * pre_ref[...] + x_ref[...]


def _topk_call(logits):
    return pl.pallas_call(
        _topk_body,
        grid=(NT,),
        in_specs=[pl.BlockSpec((BT, K), lambda t: (t, 0))],
        out_specs=[pl.BlockSpec((BT, KR), lambda t: (t, 0)),
                   pl.BlockSpec((BT, KR), lambda t: (t, 0))],
        out_shape=[jax.ShapeDtypeStruct((T, KR), jnp.int32),
                   jax.ShapeDtypeStruct((T, KR), _F32)],
    )(logits)


def kernel(x, qkv_w, S_init, read_temperature, Wn_w, Wn_b, Wm_w, Wm_b):
    x2 = x.reshape(T, DIM)
    xb = x2.astype(_BF)
    qvw = jnp.concatenate([qkv_w[:DIM], qkv_w[2 * DIM:]], axis=0).astype(_BF)
    sb = S_init.astype(_BF)
    wnx = Wn_w[:, :DIM].astype(_BF)
    wnm = Wn_w[:, DIM].reshape(NK, 1, BK)
    wnb = Wn_b.reshape(NK, 1, BK)
    wmb = Wm_b.reshape(1, 1)
    wm = Wm_w.astype(_BF)
    temp = read_temperature.reshape(1, 1)

    rl, wl, v = pl.pallas_call(
        _proj_body,
        grid=(NT, NK),
        in_specs=[pl.BlockSpec((BT, DIM), lambda t, k: (t, 0)),
                  pl.BlockSpec((2 * DIM, DIM), lambda t, k: (0, 0)),
                  pl.BlockSpec((1, DIM), lambda t, k: (0, 0)),
                  pl.BlockSpec((1, 1), lambda t, k: (0, 0)),
                  pl.BlockSpec((BK, DIM), lambda t, k: (k, 0)),
                  pl.BlockSpec((BK, DIM), lambda t, k: (k, 0)),
                  pl.BlockSpec((1, 1, BK), lambda t, k: (k, 0, 0)),
                  pl.BlockSpec((1, 1, BK), lambda t, k: (k, 0, 0)),
                  pl.BlockSpec((1, 1), lambda t, k: (0, 0))],
        out_specs=[pl.BlockSpec((BT, BK), lambda t, k: (t, k)),
                   pl.BlockSpec((BT, BK), lambda t, k: (t, k)),
                   pl.BlockSpec((BT, DIM), lambda t, k: (t, 0))],
        out_shape=[jax.ShapeDtypeStruct((T, K), _F32),
                   jax.ShapeDtypeStruct((T, K), _F32),
                   jax.ShapeDtypeStruct((T, DIM), _F32)],
        scratch_shapes=[pltpu.VMEM((BT, DIM), _BF),
                        pltpu.VMEM((BT, 1), _F32)],
    )(xb, qvw, wm, wmb, sb, wnx, wnm, wnb, temp)

    ridx, rp = _topk_call(rl)
    pre = _sc_gather_call(S_init, ridx, rp)
    widx, wp = _topk_call(wl)

    d = pl.pallas_call(
        _d_body,
        grid=(NK, NT),
        in_specs=[pl.BlockSpec((BT, KR), lambda k, t: (t, 0)),
                  pl.BlockSpec((BT, KR), lambda k, t: (t, 0)),
                  pl.BlockSpec((BT, DIM), lambda k, t: (t, 0)),
                  pl.BlockSpec((BT, DIM), lambda k, t: (t, 0))],
        out_specs=pl.BlockSpec((BK, DIM), lambda k, t: (k, 0)),
        out_shape=jax.ShapeDtypeStruct((K, DIM), _F32),
    )(widx, wp, v, pre)

    rd = _sc_gather_call(d, ridx, rp)

    out = pl.pallas_call(
        _fin_body,
        grid=(NT,),
        in_specs=[pl.BlockSpec((BT, DIM), lambda t: (t, 0)),
                  pl.BlockSpec((BT, DIM), lambda t: (t, 0)),
                  pl.BlockSpec((BT, DIM), lambda t: (t, 0))],
        out_specs=pl.BlockSpec((BT, DIM), lambda t: (t, 0)),
        out_shape=jax.ShapeDtypeStruct((T, DIM), _F32),
    )(rd, pre, x2)

    return out.reshape(x.shape)

# --- scband reference (transcript-rebuilt; emitter-appended) ---
"""Pipeline reference for scband-dsra-chunk-layer-67851893342756 (READ-ONLY COPY).

The authoritative reference and input builder live on the scoring server;
editing this copy changes nothing except your own understanding.
"""

import jax, jax.numpy as jnp
import numpy as np

DIM = 1024
K = 4096
KR = 16
ETA = 0.1
DECAY = 0.01
B = 1
T = 2048


def setup_inputs(seed: int = 0) -> dict:
    key = jax.random.key(seed)
    ks = jax.random.split(key, 8)
    x = jax.random.normal(ks[0], (B, T, DIM), dtype=jnp.float32)
    qkv_w = jax.random.normal(ks[1], (3 * DIM, DIM), dtype=jnp.float32) / np.sqrt(DIM)
    S_init = jax.random.normal(ks[2], (K, DIM), dtype=jnp.float32) / np.sqrt(DIM)
    read_temperature = jnp.array(1.0, dtype=jnp.float32)
    Wn_w = jax.random.normal(ks[3], (K, DIM + 1), dtype=jnp.float32) / np.sqrt(DIM + 1)
    Wn_b = jnp.zeros((K,), dtype=jnp.float32)
    Wm_w = jax.random.normal(ks[4], (1, DIM), dtype=jnp.float32) / np.sqrt(DIM)
    Wm_b = jnp.zeros((1,), dtype=jnp.float32)
    return {
        "x": x,
        "qkv_w": qkv_w,
        "S_init": S_init,
        "read_temperature": read_temperature,
        "Wn_w": Wn_w,
        "Wn_b": Wn_b,
        "Wm_w": Wm_w,
        "Wm_b": Wm_b,
    }


def reference(x, qkv_w, S_init, read_temperature, Wn_w, Wn_b, Wm_w, Wm_b):
    dim = x.shape[-1]
    # qkv projection (shared weight; q and v slices per _QKVProjectionView)
    qkv = x @ qkv_w.T  # [B,T,3*dim]
    q = qkv[..., :dim]
    v = qkv[..., 2 * dim:]
    # normalized slot keys (per _initial_state normalize semantics)
    S_k = S_init / (jnp.linalg.norm(S_init, axis=-1, keepdims=True) + 1e-6)
    # read routing: sparse top-k distribution over K slots
    read_logits = (q @ S_k.T) * read_temperature  # [B,T,K]
    rvals, ridx = jax.lax.top_k(read_logits, KR)
    rprobs = jax.nn.softmax(rvals, axis=-1)  # [B,T,kr]
    # pre-read (for orthogonal update): gather slot values
    pre = jnp.sum(rprobs[..., None] * jnp.take(S_init, ridx, axis=0), axis=-2)  # [B,T,dim]
    # write routing: W_m gate + W_n slot logits
    m = jax.nn.sigmoid(x @ Wm_w.T + Wm_b)  # [B,T,1]
    wl = jnp.concatenate([x, m], axis=-1) @ Wn_w.T + Wn_b  # [B,T,K]
    wvals, widx = jax.lax.top_k(wl, KR)
    wprobs = jax.nn.softmax(wvals, axis=-1)
    # orthogonal value update: remove component already stored
    v_orth = v - pre
    # decayed state + scatter-add write of top-k routed deltas
    delta = ETA * wprobs[..., None] * v_orth[..., None, :]  # [B,T,kr,dim]
    S_new = (1.0 - DECAY) * S_init
    S_new = S_new.at[widx.reshape(-1)].add(delta.reshape(-1, dim))
    # read from updated memory (gather) + bypass residual
    read = jnp.sum(rprobs[..., None] * jnp.take(S_new, ridx, axis=0), axis=-2)
    return read + x

if __name__ == "__main__":
    import jax
    _d = setup_inputs()
    print(jax.jit(kernel)(*tuple(_d.values())))

</pallas_src>

<mosaic_0001>
#map = affine_map<(d0, d1) -> (0, 0)>
#map1 = affine_map<(d0, d1) -> (0)>
module attributes {stable_mosaic.version = 14 : i64} {
  func.func @_sc_gather_body(%arg0: i32, %arg1: i32, %arg2: memref<4096x1024xf32, #tpu.memory_space<hbm>>, %arg3: memref<32768xi32, #tpu.memory_space<hbm>>, %arg4: memref<32768xf32, #tpu.memory_space<hbm>>, %arg5: memref<2048x1024xf32, #tpu.memory_space<hbm>>, %arg6: memref<1024xi32, #tpu.memory_space<vmem>>, %arg7: memref<1024xf32, #tpu.memory_space<vmem>>, %arg8: memref<32x1024xf32, #tpu.memory_space<vmem>>, %arg9: memref<32x1024xf32, #tpu.memory_space<vmem>>, %arg10: memref<1024xf32, #tpu.memory_space<vmem>>, %arg11: memref<!tpu.dma_semaphore, #tpu.memory_space<semaphore_mem>>, %arg12: memref<!tpu.dma_semaphore, #tpu.memory_space<semaphore_mem>>) attributes {dimension_semantics = [#tpu.dimension_semantics<core_parallel>, #tpu.dimension_semantics<subcore_parallel>], iteration_bounds = array<i64: 2, 16>, scalar_prefetch = 0 : i64, scratch_operands = 7 : i64, tpu.core_type = #tpu.core_type<sc_vector_subcore>, window_params = [{transform_indices = #map}, {transform_indices = #map1}, {transform_indices = #map1}, {transform_indices = #map}]} {
    %mul3A = arith.constant 2 : i32
    %mul3A_0 = arith.muli %arg1, %mul3A : i32
    %add3A = arith.addi %mul3A_0, %arg0 : i32
    %mul3A_1 = arith.constant 1024 : i32
    %mul3A_2 = arith.muli %add3A, %mul3A_1 : i32
    %mul3A_3 = arith.constant 64 : i32
    %mul3A_4 = arith.muli %add3A, %mul3A_3 : i32
    "tpu.region"() ({
      %run_scoped3A = tpu.sem_alloc : memref<!tpu.dma_semaphore, #tpu.memory_space<semaphore_mem>>
      %dma_start3A_15 = tpu.memref_slice %arg3[%mul3A_2] : memref<32768xi32, #tpu.memory_space<hbm>> -> memref<1024xi32, #tpu.memory_space<hbm>>
      %dma_start3A_16 = tpu.memref_slice %arg3[%mul3A_2] : memref<32768xi32, #tpu.memory_space<hbm>> -> memref<1024xi32, #tpu.memory_space<hbm>>
      tpu.enqueue_dma source(%dma_start3A_16 : memref<1024xi32, #tpu.memory_space<hbm>>) target(%arg6 : memref<1024xi32, #tpu.memory_space<vmem>>) target_semaphore(%run_scoped3A : memref<!tpu.dma_semaphore, #tpu.memory_space<semaphore_mem>>)
      %dma_wait3A = tpu.memref_slice %arg3[%mul3A_2] : memref<32768xi32, #tpu.memory_space<hbm>> -> memref<1024xi32, #tpu.memory_space<hbm>>
      %dma_wait3A_17 = tpu.memref_slice %arg3[%mul3A_2] : memref<32768xi32, #tpu.memory_space<hbm>> -> memref<1024xi32, #tpu.memory_space<hbm>>
      tpu.wait_dma2 semaphore(%run_scoped3A : memref<!tpu.dma_semaphore, #tpu.memory_space<semaphore_mem>>) src(%dma_wait3A_17 : memref<1024xi32, #tpu.memory_space<hbm>>) dst(%arg6 : memref<1024xi32, #tpu.memory_space<vmem>>)
      tpu.yield
    }) : () -> ()
    "tpu.region"() ({
      %run_scoped3A = tpu.sem_alloc : memref<!tpu.dma_semaphore, #tpu.memory_space<semaphore_mem>>
      %dma_start3A_15 = tpu.memref_slice %arg4[%mul3A_2] : memref<32768xf32, #tpu.memory_space<hbm>> -> memref<1024xf32, #tpu.memory_space<hbm>>
      %dma_start3A_16 = tpu.memref_slice %arg4[%mul3A_2] : memref<32768xf32, #tpu.memory_space<hbm>> -> memref<1024xf32, #tpu.memory_space<hbm>>
      tpu.enqueue_dma source(%dma_start3A_16 : memref<1024xf32, #tpu.memory_space<hbm>>) target(%arg7 : memref<1024xf32, #tpu.memory_space<vmem>>) target_semaphore(%run_scoped3A : memref<!tpu.dma_semaphore, #tpu.memory_space<semaphore_mem>>)
      %dma_wait3A = tpu.memref_slice %arg4[%mul3A_2] : memref<32768xf32, #tpu.memory_space<hbm>> -> memref<1024xf32, #tpu.memory_space<hbm>>
      %dma_wait3A_17 = tpu.memref_slice %arg4[%mul3A_2] : memref<32768xf32, #tpu.memory_space<hbm>> -> memref<1024xf32, #tpu.memory_space<hbm>>
      tpu.wait_dma2 semaphore(%run_scoped3A : memref<!tpu.dma_semaphore, #tpu.memory_space<semaphore_mem>>) src(%dma_wait3A_17 : memref<1024xf32, #tpu.memory_space<hbm>>) dst(%arg7 : memref<1024xf32, #tpu.memory_space<vmem>>)
      tpu.yield
    }) : () -> ()
    %dma_start3A = arith.constant 0 : i32
    %dma_start3A_5 = tpu.memref_slice %arg6[%dma_start3A] : memref<1024xi32, #tpu.memory_space<vmem>> -> memref<32xi32, #tpu.memory_space<vmem>>
    %dma_start3A_6 = arith.constant 0 : i32
    %dma_start3A_7 = arith.constant 0 : i32
    %dma_start3A_8 = tpu.memref_slice %arg2[%dma_start3A_6, %dma_start3A_7] : memref<4096x1024xf32, #tpu.memory_space<hbm>> -> memref<4096x1024xf32, #tpu.memory_space<hbm>>
    tpu.enqueue_indirect_dma source(%dma_start3A_8 : memref<4096x1024xf32, #tpu.memory_space<hbm>>) target(%arg8 : memref<32x1024xf32, #tpu.memory_space<vmem>>) offsets(%dma_start3A_5 : memref<32xi32, #tpu.memory_space<vmem>>) semaphore(%arg11 : memref<!tpu.dma_semaphore, #tpu.memory_space<semaphore_mem>>)
    %scan3A = arith.constant 0 : i32
    %scan3A_9 = arith.constant 0 : i32
    %scan3A_10 = arith.constant 16 : i32
    %scan3A_11 = arith.addi %scan3A_9, %scan3A_10 : i32
    %scan3A_12 = arith.constant 1 : i32
    %scan3A_13 = scf.for %scan3A_15 = %scan3A_9 to %scan3A_11 step %scan3A_12 iter_args(%scan3A_16 = %scan3A) -> (i32)  : i32 {
      %mul3A_17 = arith.constant 2 : i32
      %mul3A_18 = arith.muli %mul3A_17, %scan3A_15 : i32
      %add3A_19 = arith.constant 1 : i32
      %add3A_20 = arith.addi %mul3A_18, %add3A_19 : i32
      %mul3A_21 = arith.constant 32 : i32
      %mul3A_22 = arith.muli %add3A_20, %mul3A_21 : i32
      %dma_start3A_23 = tpu.memref_slice %arg6[%mul3A_22] : memref<1024xi32, #tpu.memory_space<vmem>> -> memref<32xi32, #tpu.memory_space<vmem>>
      %dma_start3A_24 = arith.constant 0 : i32
      %dma_start3A_25 = arith.constant 0 : i32
      %dma_start3A_26 = tpu.memref_slice %arg2[%dma_start3A_24, %dma_start3A_25] : memref<4096x1024xf32, #tpu.memory_space<hbm>> -> memref<4096x1024xf32, #tpu.memory_space<hbm>>
      tpu.enqueue_indirect_dma source(%dma_start3A_26 : memref<4096x1024xf32, #tpu.memory_space<hbm>>) target(%arg9 : memref<32x1024xf32, #tpu.memory_space<vmem>>) offsets(%dma_start3A_23 : memref<32xi32, #tpu.memory_space<vmem>>) semaphore(%arg12 : memref<!tpu.dma_semaphore, #tpu.memory_space<semaphore_mem>>)
      %dma_wait3A = arith.constant 0 : i32
      %dma_wait3A_27 = arith.constant 0 : i32
      %dma_wait3A_28 = tpu.memref_slice %arg2[%dma_wait3A, %dma_wait3A_27] : memref<4096x1024xf32, #tpu.memory_space<hbm>> -> memref<32x1024xf32, #tpu.memory_space<hbm>>
      %dma_wait3A_29 = arith.constant 0 : i32
      %dma_wait3A_30 = arith.constant 0 : i32
      %dma_wait3A_31 = tpu.memref_slice %arg2[%dma_wait3A_29, %dma_wait3A_30] : memref<4096x1024xf32, #tpu.memory_space<hbm>> -> memref<32x1024xf32, #tpu.memory_space<hbm>>
      tpu.wait_dma2 semaphore(%arg11 : memref<!tpu.dma_semaphore, #tpu.memory_space<semaphore_mem>>) src(%dma_wait3A_31 : memref<32x1024xf32, #tpu.memory_space<hbm>>) dst(%arg8 : memref<32x1024xf32, #tpu.memory_space<vmem>>)
      %mul3A_32 = arith.constant 2 : i32
      %mul3A_33 = arith.muli %mul3A_18, %mul3A_32 : i32
      %add3A_34 = arith.constant 0 : i32
      %add3A_35 = arith.addi %mul3A_33, %add3A_34 : i32
      %mul3A_36 = arith.constant 16 : i32
      %mul3A_37 = arith.muli %add3A_35, %mul3A_36 : i32
      %get3A = arith.index_cast %mul3A_37 : i32 to index
      %get3A_38 = tpu.vector_load %arg7[%get3A] {strides = array<i32>} : memref<1024xf32, #tpu.memory_space<vmem>>, vector<16xf32>,
      %get3A_39 = vector.shape_cast %get3A_38 : vector<16xf32> to vector<16xf32>
      %broadcast_in_dim3A = arith.constant 0 : i32
      %broadcast_in_dim3A_40 = vector.broadcast %broadcast_in_dim3A : i32 to vector<16xi32>
      %lt3A = arith.constant 0 : i32
      %lt3A_41 = vector.broadcast %lt3A : i32 to vector<16xi32>
      %lt3A_42 = arith.cmpi slt, %broadcast_in_dim3A_40, %lt3A_41 : vector<16xi32>
      %add3A_43 = arith.constant 16 : i32
      %add3A_44 = vector.broadcast %add3A_43 : i32 to vector<16xi32>
      %add3A_45 = arith.addi %broadcast_in_dim3A_40, %add3A_44 : vector<16xi32>
      %select_n3A = arith.select %lt3A_42, %add3A_45, %broadcast_in_dim3A_40 : vector<16xi1>, vector<16xi32>
      %broadcast_in_dim3A_46 = vector.shape_cast %select_n3A : vector<16xi32> to vector<16x1xi32>
      %gather3A = vector.shape_cast %broadcast_in_dim3A_46 : vector<16x1xi32> to vector<16xi32>
      %gather3A_47 = tpu.dynamic_gather %get3A_39[%gather3A] in [0] : vector<16xf32>, vector<16xi32> -> vector<16xf32>
      %broadcast_in_dim3A_48 = arith.constant 1 : i32
      %broadcast_in_dim3A_49 = vector.broadcast %broadcast_in_dim3A_48 : i32 to vector<16xi32>
      %lt3A_50 = arith.constant 0 : i32
      %lt3A_51 = vector.broadcast %lt3A_50 : i32 to vector<16xi32>
      %lt3A_52 = arith.cmpi slt, %broadcast_in_dim3A_49, %lt3A_51 : vector<16xi32>
      %add3A_53 = arith.constant 16 : i32
      %add3A_54 = vector.broadcast %add3A_53 : i32 to vector<16xi32>
      %add3A_55 = arith.addi %broadcast_in_dim3A_49, %add3A_54 : vector<16xi32>
      %select_n3A_56 = arith.select %lt3A_52, %add3A_55, %broadcast_in_dim3A_49 : vector<16xi1>, vector<16xi32>
      %broadcast_in_dim3A_57 = vector.shape_cast %select_n3A_56 : vector<16xi32> to vector<16x1xi32>
      %gather3A_58 = vector.shape_cast %broadcast_in_dim3A_57 : vector<16x1xi32> to vector<16xi32>
      %gather3A_59 = tpu.dynamic_gather %get3A_39[%gather3A_58] in [0] : vector<16xf32>, vector<16xi32> -> vector<16xf32>
      %broadcast_in_dim3A_60 = arith.constant 2 : i32
      %broadcast_in_dim3A_61 = vector.broadcast %broadcast_in_dim3A_60 : i32 to vector<16xi32>
      %lt3A_62 = arith.constant 0 : i32
      %lt3A_63 = vector.broadcast %lt3A_62 : i32 to vector<16xi32>
      %lt3A_64 = arith.cmpi slt, %broadcast_in_dim3A_61, %lt3A_63 : vector<16xi32>
      %add3A_65 = arith.constant 16 : i32
      %add3A_66 = vector.broadcast %add3A_65 : i32 to vector<16xi32>
      %add3A_67 = arith.addi %broadcast_in_dim3A_61, %add3A_66 : vector<16xi32>
      %select_n3A_68 = arith.select %lt3A_64, %add3A_67, %broadcast_in_dim3A_61 : vector<16xi1>, vector<16xi32>
      %broadcast_in_dim3A_69 = vector.shape_cast %select_n3A_68 : vector<16xi32> to vector<16x1xi32>
      %gather3A_70 = vector.shape_cast %broadcast_in_dim3A_69 : vector<16x1xi32> to vector<16xi32>
      %gather3A_71 = tpu.dynamic_gather %get3A_39[%gather3A_70] in [0] : vector<16xf32>, vector<16xi32> -> vector<16xf32>
      %broadcast_in_dim3A_72 = arith.constant 3 : i32
      %broadcast_in_dim3A_73 = vector.broadcast %broadcast_in_dim3A_72 : i32 to vector<16xi32>
      %lt3A_74 = arith.constant 0 : i32
      %lt3A_75 = vector.broadcast %lt3A_74 : i32 to vector<16xi32>
      %lt3A_76 = arith.cmpi slt, %broadcast_in_dim3A_73, %lt3A_75 : vector<16xi32>
      %add3A_77 = arith.constant 16 : i32
      %add3A_78 = vector.broadcast %add3A_77 : i32 to vector<16xi32>
      %add3A_79 = arith.addi %broadcast_in_dim3A_73, %add3A_78 : vector<16xi32>
      %select_n3A_80 = arith.select %lt3A_76, %add3A_79, %broadcast_in_dim3A_73 : vector<16xi1>, vector<16xi32>
      %broadcast_in_dim3A_81 = vector.shape_cast %select_n3A_80 : vector<16xi32> to vector<16x1xi32>
      %gather3A_82 = vector.shape_cast %broadcast_in_dim3A_81 : vector<16x1xi32> to vector<16xi32>
      %gather3A_83 = tpu.dynamic_gather %get3A_39[%gather3A_82] in [0] : vector<16xf32>, vector<16xi32> -> vector<16xf32>
      %broadcast_in_dim3A_84 = arith.constant 4 : i32
      %broadcast_in_dim3A_85 = vector.broadcast %broadcast_in_dim3A_84 : i32 to vector<16xi32>
      %lt3A_86 = arith.constant 0 : i32
      %lt3A_87 = vector.broadcast %lt3A_86 : i32 to vector<16xi32>
      %lt3A_88 = arith.cmpi slt, %broadcast_in_dim3A_85, %lt3A_87 : vector<16xi32>
      %add3A_89 = arith.constant 16 : i32
      %add3A_90 = vector.broadcast %add3A_89 : i32 to vector<16xi32>
      %add3A_91 = arith.addi %broadcast_in_dim3A_85, %add3A_90 : vector<16xi32>
      %select_n3A_92 = arith.select %lt3A_88, %add3A_91, %broadcast_in_dim3A_85 : vector<16xi1>, vector<16xi32>
      %broadcast_in_dim3A_93 = vector.shape_cast %select_n3A_92 : vector<16xi32> to vector<16x1xi32>
      %gather3A_94 = vector.shape_cast %broadcast_in_dim3A_93 : vector<16x1xi32> to vector<16xi32>
      %gather3A_95 = tpu.dynamic_gather %get3A_39[%gather3A_94] in [0] : vector<16xf32>, vector<16xi32> -> vector<16xf32>
      %broadcast_in_dim3A_96 = arith.constant 5 : i32
      %broadcast_in_dim3A_97 = vector.broadcast %broadcast_in_dim3A_96 : i32 to vector<16xi32>
      %lt3A_98 = arith.constant 0 : i32
      %lt3A_99 = vector.broadcast %lt3A_98 : i32 to vector<16xi32>
      %lt3A_100 = arith.cmpi slt, %broadcast_in_dim3A_97, %lt3A_99 : vector<16xi32>
      %add3A_101 = arith.constant 16 : i32
      %add3A_102 = vector.broadcast %add3A_101 : i32 to vector<16xi32>
      %add3A_103 = arith.addi %broadcast_in_dim3A_97, %add3A_102 : vector<16xi32>
      %select_n3A_104 = arith.select %lt3A_100, %add3A_103, %broadcast_in_dim3A_97 : vector<16xi1>, vector<16xi32>
      %broadcast_in_dim3A_105 = vector.shape_cast %select_n3A_104 : vector<16xi32> to vector<16x1xi32>
      %gather3A_106 = vector.shape_cast %broadcast_in_dim3A_105 : vector<16x1xi32> to vector<16xi32>
      %gather3A_107 = tpu.dynamic_gather %get3A_39[%gather3A_106] in [0] : vector<16xf32>, vector<16xi32> -> vector<16xf32>
      %broadcast_in_dim3A_108 = arith.constant 6 : i32
      %broadcast_in_dim3A_109 = vector.broadcast %broadcast_in_dim3A_108 : i32 to vector<16xi32>
      %lt3A_110 = arith.constant 0 : i32
      %lt3A_111 = vector.broadcast %lt3A_110 : i32 to vector<16xi32>
      %lt3A_112 = arith.cmpi slt, %broadcast_in_dim3A_109, %lt3A_111 : vector<16xi32>
      %add3A_113 = arith.constant 16 : i32
      %add3A_114 = vector.broadcast %add3A_113 : i32 to vector<16xi32>
      %add3A_115 = arith.addi %broadcast_in_dim3A_109, %add3A_114 : vector<16xi32>
      %select_n3A_116 = arith.select %lt3A_112, %add3A_115, %broadcast_in_dim3A_109 : vector<16xi1>, vector<16xi32>
      %broadcast_in_dim3A_117 = vector.shape_cast %select_n3A_116 : vector<16xi32> to vector<16x1xi32>
      %gather3A_118 = vector.shape_cast %broadcast_in_dim3A_117 : vector<16x1xi32> to vector<16xi32>
      %gather3A_119 = tpu.dynamic_gather %get3A_39[%gather3A_118] in [0] : vector<16xf32>, vector<16xi32> -> vector<16xf32>
      %broadcast_in_dim3A_120 = arith.constant 7 : i32
      %broadcast_in_dim3A_121 = vector.broadcast %broadcast_in_dim3A_120 : i32 to vector<16xi32>
      %lt3A_122 = arith.constant 0 : i32
      %lt3A_123 = vector.broadcast %lt3A_122 : i32 to vector<16xi32>
      %lt3A_124 = arith.cmpi slt, %broadcast_in_dim3A_121, %lt3A_123 : vector<16xi32>
      %add3A_125 = arith.constant 16 : i32
      %add3A_126 = vector.broadcast %add3A_125 : i32 to vector<16xi32>
      %add3A_127 = arith.addi %broadcast_in_dim3A_121, %add3A_126 : vector<16xi32>
      %select_n3A_128 = arith.select %lt3A_124, %add3A_127, %broadcast_in_dim3A_121 : vector<16xi1>, vector<16xi32>
      %broadcast_in_dim3A_129 = vector.shape_cast %select_n3A_128 : vector<16xi32> to vector<16x1xi32>
      %gather3A_130 = vector.shape_cast %broadcast_in_dim3A_129 : vector<16x1xi32> to vector<16xi32>
      %gather3A_131 = tpu.dynamic_gather %get3A_39[%gather3A_130] in [0] : vector<16xf32>, vector<16xi32> -> vector<16xf32>
      %broadcast_in_dim3A_132 = arith.constant 8 : i32
      %broadcast_in_dim3A_133 = vector.broadcast %broadcast_in_dim3A_132 : i32 to vector<16xi32>
      %lt3A_134 = arith.constant 0 : i32
      %lt3A_135 = vector.broadcast %lt3A_134 : i32 to vector<16xi32>
      %lt3A_136 = arith.cmpi slt, %broadcast_in_dim3A_133, %lt3A_135 : vector<16xi32>
      %add3A_137 = arith.constant 16 : i32
      %add3A_138 = vector.broadcast %add3A_137 : i32 to vector<16xi32>
      %add3A_139 = arith.addi %broadcast_in_dim3A_133, %add3A_138 : vector<16xi32>
      %select_n3A_140 = arith.select %lt3A_136, %add3A_139, %broadcast_in_dim3A_133 : vector<16xi1>, vector<16xi32>
      %broadcast_in_dim3A_141 = vector.shape_cast %select_n3A_140 : vector<16xi32> to vector<16x1xi32>
      %gather3A_142 = vector.shape_cast %broadcast_in_dim3A_141 : vector<16x1xi32> to vector<16xi32>
      %gather3A_143 = tpu.dynamic_gather %get3A_39[%gather3A_142] in [0] : vector<16xf32>, vector<16xi32> -> vector<16xf32>
      %broadcast_in_dim3A_144 = arith.constant 9 : i32
      %broadcast_in_dim3A_145 = vector.broadcast %broadcast_in_dim3A_144 : i32 to vector<16xi32>
      %lt3A_146 = arith.constant 0 : i32
      %lt3A_147 = vector.broadcast %lt3A_146 : i32 to vector<16xi32>
      %lt3A_148 = arith.cmpi slt, %broadcast_in_dim3A_145, %lt3A_147 : vector<16xi32>
      %add3A_149 = arith.constant 16 : i32
      %add3A_150 = vector.broadcast %add3A_149 : i32 to vector<16xi32>
      %add3A_151 = arith.addi %broadcast_in_dim3A_145, %add3A_150 : vector<16xi32>
      %select_n3A_152 = arith.select %lt3A_148, %add3A_151, %broadcast_in_dim3A_145 : vector<16xi1>, vector<16xi32>
      %broadcast_in_dim3A_153 = vector.shape_cast %select_n3A_152 : vector<16xi32> to vector<16x1xi32>
      %gather3A_154 = vector.shape_cast %broadcast_in_dim3A_153 : vector<16x1xi32> to vector<16xi32>
      %gather3A_155 = tpu.dynamic_gather %get3A_39[%gather3A_154] in [0] : vector<16xf32>, vector<16xi32> -> vector<16xf32>
      %broadcast_in_dim3A_156 = arith.constant 10 : i32
      %broadcast_in_dim3A_157 = vector.broadcast %broadcast_in_dim3A_156 : i32 to vector<16xi32>
      %lt3A_158 = arith.constant 0 : i32
      %lt3A_159 = vector.broadcast %lt3A_158 : i32 to vector<16xi32>
      %lt3A_160 = arith.cmpi slt, %broadcast_in_dim3A_157, %lt3A_159 : vector<16xi32>
      %add3A_161 = arith.constant 16 : i32
      %add3A_162 = vector.broadcast %add3A_161 : i32 to vector<16xi32>
      %add3A_163 = arith.addi %broadcast_in_dim3A_157, %add3A_162 : vector<16xi32>
      %select_n3A_164 = arith.select %lt3A_160, %add3A_163, %broadcast_in_dim3A_157 : vector<16xi1>, vector<16xi32>
      %broadcast_in_dim3A_165 = vector.shape_cast %select_n3A_164 : vector<16xi32> to vector<16x1xi32>
      %gather3A_166 = vector.shape_cast %broadcast_in_dim3A_165 : vector<16x1xi32> to vector<16xi32>
      %gather3A_167 = tpu.dynamic_gather %get3A_39[%gather3A_166] in [0] : vector<16xf32>, vector<16xi32> -> vector<16xf32>
      %broadcast_in_dim3A_168 = arith.constant 11 : i32
      %broadcast_in_dim3A_169 = vector.broadcast %broadcast_in_dim3A_168 : i32 to vector<16xi32>
      %lt3A_170 = arith.constant 0 : i32
      %lt3A_171 = vector.broadcast %lt3A_170 : i32 to vector<16xi32>
      %lt3A_172 = arith.cmpi slt, %broadcast_in_dim3A_169, %lt3A_171 : vector<16xi32>
      %add3A_173 = arith.constant 16 : i32
      %add3A_174 = vector.broadcast %add3A_173 : i32 to vector<16xi32>
      %add3A_175 = arith.addi %broadcast_in_dim3A_169, %add3A_174 : vector<16xi32>
      %select_n3A_176 = arith.select %lt3A_172, %add3A_175, %broadcast_in_dim3A_169 : vector<16xi1>, vector<16xi32>
      %broadcast_in_dim3A_177 = vector.shape_cast %select_n3A_176 : vector<16xi32> to vector<16x1xi32>
      %gather3A_178 = vector.shape_cast %broadcast_in_dim3A_177 : vector<16x1xi32> to vector<16xi32>
      %gather3A_179 = tpu.dynamic_gather %get3A_39[%gather3A_178] in [0] : vector<16xf32>, vector<16xi32> -> vector<16xf32>
      %broadcast_in_dim3A_180 = arith.constant 12 : i32
      %broadcast_in_dim3A_181 = vector.broadcast %broadcast_in_dim3A_180 : i32 to vector<16xi32>
      %lt3A_182 = arith.constant 0 : i32
      %lt3A_183 = vector.broadcast %lt3A_182 : i32 to vector<16xi32>
      %lt3A_184 = arith.cmpi slt, %broadcast_in_dim3A_181, %lt3A_183 : vector<16xi32>
      %add3A_185 = arith.constant 16 : i32
      %add3A_186 = vector.broadcast %add3A_185 : i32 to vector<16xi32>
      %add3A_187 = arith.addi %broadcast_in_dim3A_181, %add3A_186 : vector<16xi32>
      %select_n3A_188 = arith.select %lt3A_184, %add3A_187, %broadcast_in_dim3A_181 : vector<16xi1>, vector<16xi32>
      %broadcast_in_dim3A_189 = vector.shape_cast %select_n3A_188 : vector<16xi32> to vector<16x1xi32>
      %gather3A_190 = vector.shape_cast %broadcast_in_dim3A_189 : vector<16x1xi32> to vector<16xi32>
      %gather3A_191 = tpu.dynamic_gather %get3A_39[%gather3A_190] in [0] : vector<16xf32>, vector<16xi32> -> vector<16xf32>
      %broadcast_in_dim3A_192 = arith.constant 13 : i32
      %broadcast_in_dim3A_193 = vector.broadcast %broadcast_in_dim3A_192 : i32 to vector<16xi32>
      %lt3A_194 = arith.constant 0 : i32
      %lt3A_195 = vector.broadcast %lt3A_194 : i32 to vector<16xi32>
      %lt3A_196 = arith.cmpi slt, %broadcast_in_dim3A_193, %lt3A_195 : vector<16xi32>
      %add3A_197 = arith.constant 16 : i32
      %add3A_198 = vector.broadcast %add3A_197 : i32 to vector<16xi32>
      %add3A_199 = arith.addi %broadcast_in_dim3A_193, %add3A_198 : vector<16xi32>
      %select_n3A_200 = arith.select %lt3A_196, %add3A_199, %broadcast_in_dim3A_193 : vector<16xi1>, vector<16xi32>
      %broadcast_in_dim3A_201 = vector.shape_cast %select_n3A_200 : vector<16xi32> to vector<16x1xi32>
      %gather3A_202 = vector.shape_cast %broadcast_in_dim3A_201 : vector<16x1xi32> to vector<16xi32>
      %gather3A_203 = tpu.dynamic_gather %get3A_39[%gather3A_202] in [0] : vector<16xf32>, vector<16xi32> -> vector<16xf32>
      %broadcast_in_dim3A_204 = arith.constant 14 : i32
      %broadcast_in_dim3A_205 = vector.broadcast %broadcast_in_dim3A_204 : i32 to vector<16xi32>
      %lt3A_206 = arith.constant 0 : i32
      %lt3A_207 = vector.broadcast %lt3A_206 : i32 to vector<16xi32>
      %lt3A_208 = arith.cmpi slt, %broadcast_in_dim3A_205, %lt3A_207 : vector<16xi32>
      %add3A_209 = arith.constant 16 : i32
      %add3A_210 = vector.broadcast %add3A_209 : i32 to vector<16xi32>
      %add3A_211 = arith.addi %broadcast_in_dim3A_205, %add3A_210 : vector<16xi32>
      %select_n3A_212 = arith.select %lt3A_208, %add3A_211, %broadcast_in_dim3A_205 : vector<16xi1>, vector<16xi32>
      %broadcast_in_dim3A_213 = vector.shape_cast %select_n3A_212 : vector<16xi32> to vector<16x1xi32>
      %gather3A_214 = vector.shape_cast %broadcast_in_dim3A_213 : vector<16x1xi32> to vector<16xi32>
      %gather3A_215 = tpu.dynamic_gather %get3A_39[%gather3A_214] in [0] : vector<16xf32>, vector<16xi32> -> vector<16xf32>
      %broadcast_in_dim3A_216 = arith.constant 15 : i32
      %broadcast_in_dim3A_217 = vector.broadcast %broadcast_in_dim3A_216 : i32 to vector<16xi32>
      %lt3A_218 = arith.constant 0 : i32
      %lt3A_219 = vector.broadcast %lt3A_218 : i32 to vector<16xi32>
      %lt3A_220 = arith.cmpi slt, %broadcast_in_dim3A_217, %lt3A_219 : vector<16xi32>
      %add3A_221 = arith.constant 16 : i32
      %add3A_222 = vector.broadcast %add3A_221 : i32 to vector<16xi32>
      %add3A_223 = arith.addi %broadcast_in_dim3A_217, %add3A_222 : vector<16xi32>
      %select_n3A_224 = arith.select %lt3A_220, %add3A_223, %broadcast_in_dim3A_217 : vector<16xi1>, vector<16xi32>
      %broadcast_in_dim3A_225 = vector.shape_cast %select_n3A_224 : vector<16xi32> to vector<16x1xi32>
      %gather3A_226 = vector.shape_cast %broadcast_in_dim3A_225 : vector<16x1xi32> to vector<16xi32>
      %gather3A_227 = tpu.dynamic_gather %get3A_39[%gather3A_226] in [0] : vector<16xf32>, vector<16xi32> -> vector<16xf32>
      %scan3A_228 = arith.constant 0 : i32
      %scan3A_229 = arith.constant 0 : i32
      %scan3A_230 = arith.constant 64 : i32
      %scan3A_231 = arith.addi %scan3A_229, %scan3A_230 : i32
      %scan3A_232 = arith.constant 1 : i32
      %scan3A_233 = scf.for %scan3A_875 = %scan3A_229 to %scan3A_231 step %scan3A_232 iter_args(%scan3A_876 = %scan3A_228) -> (i32)  : i32 {
        %mul3A_877 = arith.constant 16 : i32
        %mul3A_878 = arith.muli %scan3A_875, %mul3A_877 : i32
        %get3A_879 = arith.constant 0 : i32
        %get3A_880 = arith.index_cast %get3A_879 : i32 to index
        %get3A_881 = arith.index_cast %mul3A_878 : i32 to index
        %get3A_882 = tpu.vector_load %arg8[%get3A_880, %get3A_881] {strides = array<i32>} : memref<32x1024xf32, #tpu.memory_space<vmem>>, vector<1x16xf32>,
        %get3A_883 = vector.shape_cast %get3A_882 : vector<1x16xf32> to vector<16xf32>
        %mul3A_884 = arith.mulf %gather3A_47, %get3A_883 : vector<16xf32>
        %get3A_885 = arith.constant 1 : i32
        %get3A_886 = arith.index_cast %get3A_885 : i32 to index
        %get3A_887 = arith.index_cast %mul3A_878 : i32 to index
        %get3A_888 = tpu.vector_load %arg8[%get3A_886, %get3A_887] {strides = array<i32>} : memref<32x1024xf32, #tpu.memory_space<vmem>>, vector<1x16xf32>,
        %get3A_889 = vector.shape_cast %get3A_888 : vector<1x16xf32> to vector<16xf32>
        %mul3A_890 = arith.mulf %gather3A_59, %get3A_889 : vector<16xf32>
        %add3A_891 = arith.addf %mul3A_884, %mul3A_890 : vector<16xf32>
        %get3A_892 = arith.constant 2 : i32
        %get3A_893 = arith.index_cast %get3A_892 : i32 to index
        %get3A_894 = arith.index_cast %mul3A_878 : i32 to index
        %get3A_895 = tpu.vector_load %arg8[%get3A_893, %get3A_894] {strides = array<i32>} : memref<32x1024xf32, #tpu.memory_space<vmem>>, vector<1x16xf32>,
        %get3A_896 = vector.shape_cast %get3A_895 : vector<1x16xf32> to vector<16xf32>
        %mul3A_897 = arith.mulf %gather3A_71, %get3A_896 : vector<16xf32>
        %add3A_898 = arith.addf %add3A_891, %mul3A_897 : vector<16xf32>
        %get3A_899 = arith.constant 3 : i32
        %get3A_900 = arith.index_cast %get3A_899 : i32 to index
        %get3A_901 = arith.index_cast %mul3A_878 : i32 to index
        %get3A_902 = tpu.vector_load %arg8[%get3A_900, %get3A_901] {strides = array<i32>} : memref<32x1024xf32, #tpu.memory_space<vmem>>, vector<1x16xf32>,
        %get3A_903 = vector.shape_cast %get3A_902 : vector<1x16xf32> to vector<16xf32>
        %mul3A_904 = arith.mulf %gather3A_83, %get3A_903 : vector<16xf32>
        %add3A_905 = arith.addf %add3A_898, %mul3A_904 : vector<16xf32>
        %get3A_906 = arith.constant 4 : i32
        %get3A_907 = arith.index_cast %get3A_906 : i32 to index
        %get3A_908 = arith.index_cast %mul3A_878 : i32 to index
        %get3A_909 = tpu.vector_load %arg8[%get3A_907, %get3A_908] {strides = array<i32>} : memref<32x1024xf32, #tpu.memory_space<vmem>>, vector<1x16xf32>,
        %get3A_910 = vector.shape_cast %get3A_909 : vector<1x16xf32> to vector<16xf32>
        %mul3A_911 = arith.mulf %gather3A_95, %get3A_910 : vector<16xf32>
        %add3A_912 = arith.addf %add3A_905, %mul3A_911 : vector<16xf32>
        %get3A_913 = arith.constant 5 : i32
        %get3A_914 = arith.index_cast %get3A_913 : i32 to index
        %get3A_915 = arith.index_cast %mul3A_878 : i32 to index
        %get3A_916 = tpu.vector_load %arg8[%get3A_914, %get3A_915] {strides = array<i32>} : memref<32x1024xf32, #tpu.memory_space<vmem>>, vector<1x16xf32>,
        %get3A_917 = vector.shape_cast %get3A_916 : vector<1x16xf32> to vector<16xf32>
        %mul3A_918 = arith.mulf %gather3A_107, %get3A_917 : vector<16xf32>
        %add3A_919 = arith.addf %add3A_912, %mul3A_918 : vector<16xf32>
        %get3A_920 = arith.constant 6 : i32
        %get3A_921 = arith.index_cast %get3A_920 : i32 to index
        %get3A_922 = arith.index_cast %mul3A_878 : i32 to index
        %get3A_923 = tpu.vector_load %arg8[%get3A_921, %get3A_922] {strides = array<i32>} : memref<32x1024xf32, #tpu.memory_space<vmem>>, vector<1x16xf32>,
        %get3A_924 = vector.shape_cast %get3A_923 : vector<1x16xf32> to vector<16xf32>
        %mul3A_925 = arith.mulf %gather3A_119, %get3A_924 : vector<16xf32>
        %add3A_926 = arith.addf %add3A_919, %mul3A_925 : vector<16xf32>
        %get3A_927 = arith.constant 7 : i32
        %get3A_928 = arith.index_cast %get3A_927 : i32 to index
        %get3A_929 = arith.index_cast %mul3A_878 : i32 to index
        %get3A_930 = tpu.vector_load %arg8[%get3A_928, %get3A_929] {strides = array<i32>} : memref<32x1024xf32, #tpu.memory_space<vmem>>, vector<1x16xf32>,
        %get3A_931 = vector.shape_cast %get3A_930 : vector<1x16xf32> to vector<16xf32>
        %mul3A_932 = arith.mulf %gather3A_131, %get3A_931 : vector<16xf32>
        %add3A_933 = arith.addf %add3A_926, %mul3A_932 : vector<16xf32>
        %get3A_934 = arith.constant 8 : i32
        %get3A_935 = arith.index_cast %get3A_934 : i32 to index
        %get3A_936 = arith.index_cast %mul3A_878 : i32 to index
        %get3A_937 = tpu.vector_load %arg8[%get3A_935, %get3A_936] {strides = array<i32>} : memref<32x1024xf32, #tpu.memory_space<vmem>>, vector<1x16xf32>,
        %get3A_938 = vector.shape_cast %get3A_937 : vector<1x16xf32> to vector<16xf32>
        %mul3A_939 = arith.mulf %gather3A_143, %get3A_938 : vector<16xf32>
        %add3A_940 = arith.addf %add3A_933, %mul3A_939 : vector<16xf32>
        %get3A_941 = arith.constant 9 : i32
        %get3A_942 = arith.index_cast %get3A_941 : i32 to index
        %get3A_943 = arith.index_cast %mul3A_878 : i32 to index
        %get3A_944 = tpu.vector_load %arg8[%get3A_942, %get3A_943] {strides = array<i32>} : memref<32x1024xf32, #tpu.memory_space<vmem>>, vector<1x16xf32>,
        %get3A_945 = vector.shape_cast %get3A_944 : vector<1x16xf32> to vector<16xf32>
        %mul3A_946 = arith.mulf %gather3A_155, %get3A_945 : vector<16xf32>
        %add3A_947 = arith.addf %add3A_940, %mul3A_946 : vector<16xf32>
        %get3A_948 = arith.constant 10 : i32
        %get3A_949 = arith.index_cast %get3A_948 : i32 to index
        %get3A_950 = arith.index_cast %mul3A_878 : i32 to index
        %get3A_951 = tpu.vector_load %arg8[%get3A_949, %get3A_950] {strides = array<i32>} : memref<32x1024xf32, #tpu.memory_space<vmem>>, vector<1x16xf32>,
        %get3A_952 = vector.shape_cast %get3A_951 : vector<1x16xf32> to vector<16xf32>
        %mul3A_953 = arith.mulf %gather3A_167, %get3A_952 : vector<16xf32>
        %add3A_954 = arith.addf %add3A_947, %mul3A_953 : vector<16xf32>
        %get3A_955 = arith.constant 11 : i32
        %get3A_956 = arith.index_cast %get3A_955 : i32 to index
        %get3A_957 = arith.index_cast %mul3A_878 : i32 to index
        %get3A_958 = tpu.vector_load %arg8[%get3A_956, %get3A_957] {strides = array<i32>} : memref<32x1024xf32, #tpu.memory_space<vmem>>, vector<1x16xf32>,
        %get3A_959 = vector.shape_cast %get3A_958 : vector<1x16xf32> to vector<16xf32>
        %mul3A_960 = arith.mulf %gather3A_179, %get3A_959 : vector<16xf32>
        %add3A_961 = arith.addf %add3A_954, %mul3A_960 : vector<16xf32>
        %get3A_962 = arith.constant 12 : i32
        %get3A_963 = arith.index_cast %get3A_962 : i32 to index
        %get3A_964 = arith.index_cast %mul3A_878 : i32 to index
        %get3A_965 = tpu.vector_load %arg8[%get3A_963, %get3A_964] {strides = array<i32>} : memref<32x1024xf32, #tpu.memory_space<vmem>>, vector<1x16xf32>,
        %get3A_966 = vector.shape_cast %get3A_965 : vector<1x16xf32> to vector<16xf32>
        %mul3A_967 = arith.mulf %gather3A_191, %get3A_966 : vector<16xf32>
        %add3A_968 = arith.addf %add3A_961, %mul3A_967 : vector<16xf32>
        %get3A_969 = arith.constant 13 : i32
        %get3A_970 = arith.index_cast %get3A_969 : i32 to index
        %get3A_971 = arith.index_cast %mul3A_878 : i32 to index
        %get3A_972 = tpu.vector_load %arg8[%get3A_970, %get3A_971] {strides = array<i32>} : memref<32x1024xf32, #tpu.memory_space<vmem>>, vector<1x16xf32>,
        %get3A_973 = vector.shape_cast %get3A_972 : vector<1x16xf32> to vector<16xf32>
        %mul3A_974 = arith.mulf %gather3A_203, %get3A_973 : vector<16xf32>
        %add3A_975 = arith.addf %add3A_968, %mul3A_974 : vector<16xf32>
        %get3A_976 = arith.constant 14 : i32
        %get3A_977 = arith.index_cast %get3A_976 : i32 to index
        %get3A_978 = arith.index_cast %mul3A_878 : i32 to index
        %get3A_979 = tpu.vector_load %arg8[%get3A_977, %get3A_978] {strides = array<i32>} : memref<32x1024xf32, #tpu.memory_space<vmem>>, vector<1x16xf32>,
        %get3A_980 = vector.shape_cast %get3A_979 : vector<1x16xf32> to vector<16xf32>
        %mul3A_981 = arith.mulf %gather3A_215, %get3A_980 : vector<16xf32>
        %add3A_982 = arith.addf %add3A_975, %mul3A_981 : vector<16xf32>
        %get3A_983 = arith.constant 15 : i32
        %get3A_984 = arith.index_cast %get3A_983 : i32 to index
        %get3A_985 = arith.index_cast %mul3A_878 : i32 to index
        %get3A_986 = tpu.vector_load %arg8[%get3A_984, %get3A_985] {strides = array<i32>} : memref<32x1024xf32, #tpu.memory_space<vmem>>, vector<1x16xf32>,
        %get3A_987 = vector.shape_cast %get3A_986 : vector<1x16xf32> to vector<16xf32>
        %mul3A_988 = arith.mulf %gather3A_227, %get3A_987 : vector<16xf32>
        %add3A_989 = arith.addf %add3A_982, %mul3A_988 : vector<16xf32>
        %swap3A = arith.index_cast %mul3A_878 : i32 to index
        %swap3A_990 = tpu.vector_load %arg10[%swap3A] {strides = array<i32>} : memref<1024xf32, #tpu.memory_space<vmem>>, vector<16xf32>,
        %swap3A_991 = vector.shape_cast %swap3A_990 : vector<16xf32> to vector<16xf32>
        %swap3A_992 = vector.shape_cast %add3A_989 : vector<16xf32> to vector<16xf32>
        tpu.vector_store %arg10[%swap3A], %swap3A_992 {strides = array<i32>} : memref<1024xf32, #tpu.memory_space<vmem>>, vector<16xf32>,
        %scan3A_993 = arith.constant 0 : i32
        scf.yield %scan3A_993 : i32
      }
      %scan3A_234 = arith.constant 64 : i32
      %add3A_235 = arith.addi %mul3A_4, %add3A_35 : i32
      "tpu.region"() ({
        %run_scoped3A = tpu.sem_alloc : memref<!tpu.dma_semaphore, #tpu.memory_space<semaphore_mem>>
        %dma_start3A_875 = arith.constant 0 : i32
        %dma_start3A_876 = tpu.memref_slice %arg5[%add3A_235, %dma_start3A_875] : memref<2048x1024xf32, #tpu.memory_space<hbm>> -> memref<1x1024xf32, #tpu.memory_space<hbm>>
        %dma_start3A_877 = tpu.memref_squeeze %dma_start3A_876 : memref<1x1024xf32, #tpu.memory_space<hbm>> -> memref<1024xf32, #tpu.memory_space<hbm>>
        %dma_start3A_878 = arith.constant 0 : i32
        %dma_start3A_879 = tpu.memref_slice %arg5[%add3A_235, %dma_start3A_878] : memref<2048x1024xf32, #tpu.memory_space<hbm>> -> memref<1x1024xf32, #tpu.memory_space<hbm>>
        %dma_start3A_880 = tpu.memref_squeeze %dma_start3A_879 : memref<1x1024xf32, #tpu.memory_space<hbm>> -> memref<1024xf32, #tpu.memory_space<hbm>>
        tpu.enqueue_dma source(%arg10 : memref<1024xf32, #tpu.memory_space<vmem>>) target(%dma_start3A_880 : memref<1024xf32, #tpu.memory_space<hbm>>) target_semaphore(%run_scoped3A : memref<!tpu.dma_semaphore, #tpu.memory_space<semaphore_mem>>)
        %dma_wait3A_881 = arith.constant 0 : i32
        %dma_wait3A_882 = tpu.memref_slice %arg5[%add3A_235, %dma_wait3A_881] : memref<2048x1024xf32, #tpu.memory_space<hbm>> -> memref<1x1024xf32, #tpu.memory_space<hbm>>
        %dma_wait3A_883 = tpu.memref_squeeze %dma_wait3A_882 : memref<1x1024xf32, #tpu.memory_space<hbm>> -> memref<1024xf32, #tpu.memory_space<hbm>>
        %dma_wait3A_884 = arith.constant 0 : i32
        %dma_wait3A_885 = tpu.memref_slice %arg5[%add3A_235, %dma_wait3A_884] : memref<2048x1024xf32, #tpu.memory_space<hbm>> -> memref<1x1024xf32, #tpu.memory_space<hbm>>
        %dma_wait3A_886 = tpu.memref_squeeze %dma_wait3A_885 : memref<1x1024xf32, #tpu.memory_space<hbm>> -> memref<1024xf32, #tpu.memory_space<hbm>>
        tpu.wait_dma2 semaphore(%run_scoped3A : memref<!tpu.dma_semaphore, #tpu.memory_space<semaphore_mem>>) src(%arg10 : memref<1024xf32, #tpu.memory_space<vmem>>) dst(%dma_wait3A_886 : memref<1024xf32, #tpu.memory_space<hbm>>)
        tpu.yield
      }) : () -> ()
      %mul3A_236 = arith.constant 2 : i32
      %mul3A_237 = arith.muli %mul3A_18, %mul3A_236 : i32
      %add3A_238 = arith.constant 1 : i32
      %add3A_239 = arith.addi %mul3A_237, %add3A_238 : i32
      %mul3A_240 = arith.constant 16 : i32
      %mul3A_241 = arith.muli %add3A_239, %mul3A_240 : i32
      %get3A_242 = arith.index_cast %mul3A_241 : i32 to index
      %get3A_243 = tpu.vector_load %arg7[%get3A_242] {strides = array<i32>} : memref<1024xf32, #tpu.memory_space<vmem>>, vector<16xf32>,
      %get3A_244 = vector.shape_cast %get3A_243 : vector<16xf32> to vector<16xf32>
      %broadcast_in_dim3A_245 = arith.constant 0 : i32
      %broadcast_in_dim3A_246 = vector.broadcast %broadcast_in_dim3A_245 : i32 to vector<16xi32>
      %lt3A_247 = arith.constant 0 : i32
      %lt3A_248 = vector.broadcast %lt3A_247 : i32 to vector<16xi32>
      %lt3A_249 = arith.cmpi slt, %broadcast_in_dim3A_246, %lt3A_248 : vector<16xi32>
      %add3A_250 = arith.constant 16 : i32
      %add3A_251 = vector.broadcast %add3A_250 : i32 to vector<16xi32>
      %add3A_252 = arith.addi %broadcast_in_dim3A_246, %add3A_251 : vector<16xi32>
      %select_n3A_253 = arith.select %lt3A_249, %add3A_252, %broadcast_in_dim3A_246 : vector<16xi1>, vector<16xi32>
      %broadcast_in_dim3A_254 = vector.shape_cast %select_n3A_253 : vector<16xi32> to vector<16x1xi32>
      %gather3A_255 = vector.shape_cast %broadcast_in_dim3A_254 : vector<16x1xi32> to vector<16xi32>
      %gather3A_256 = tpu.dynamic_gather %get3A_244[%gather3A_255] in [0] : vector<16xf32>, vector<16xi32> -> vector<16xf32>
      %broadcast_in_dim3A_257 = arith.constant 1 : i32
      %broadcast_in_dim3A_258 = vector.broadcast %broadcast_in_dim3A_257 : i32 to vector<16xi32>
      %lt3A_259 = arith.constant 0 : i32
      %lt3A_260 = vector.broadcast %lt3A_259 : i32 to vector<16xi32>
      %lt3A_261 = arith.cmpi slt, %broadcast_in_dim3A_258, %lt3A_260 : vector<16xi32>
      %add3A_262 = arith.constant 16 : i32
      %add3A_263 = vector.broadcast %add3A_262 : i32 to vector<16xi32>
      %add3A_264 = arith.addi %broadcast_in_dim3A_258, %add3A_263 : vector<16xi32>
      %select_n3A_265 = arith.select %lt3A_261, %add3A_264, %broadcast_in_dim3A_258 : vector<16xi1>, vector<16xi32>
      %broadcast_in_dim3A_266 = vector.shape_cast %select_n3A_265 : vector<16xi32> to vector<16x1xi32>
      %gather3A_267 = vector.shape_cast %broadcast_in_dim3A_266 : vector<16x1xi32> to vector<16xi32>
      %gather3A_268 = tpu.dynamic_gather %get3A_244[%gather3A_267] in [0] : vector<16xf32>, vector<16xi32> -> vector<16xf32>
      %broadcast_in_dim3A_269 = arith.constant 2 : i32
      %broadcast_in_dim3A_270 = vector.broadcast %broadcast_in_dim3A_269 : i32 to vector<16xi32>
      %lt3A_271 = arith.constant 0 : i32
      %lt3A_272 = vector.broadcast %lt3A_271 : i32 to vector<16xi32>
      %lt3A_273 = arith.cmpi slt, %broadcast_in_dim3A_270, %lt3A_272 : vector<16xi32>
      %add3A_274 = arith.constant 16 : i32
      %add3A_275 = vector.broadcast %add3A_274 : i32 to vector<16xi32>
      %add3A_276 = arith.addi %broadcast_in_dim3A_270, %add3A_275 : vector<16xi32>
      %select_n3A_277 = arith.select %lt3A_273, %add3A_276, %broadcast_in_dim3A_270 : vector<16xi1>, vector<16xi32>
      %broadcast_in_dim3A_278 = vector.shape_cast %select_n3A_277 : vector<16xi32> to vector<16x1xi32>
      %gather3A_279 = vector.shape_cast %broadcast_in_dim3A_278 : vector<16x1xi32> to vector<16xi32>
      %gather3A_280 = tpu.dynamic_gather %get3A_244[%gather3A_279] in [0] : vector<16xf32>, vector<16xi32> -> vector<16xf32>
      %broadcast_in_dim3A_281 = arith.constant 3 : i32
      %broadcast_in_dim3A_282 = vector.broadcast %broadcast_in_dim3A_281 : i32 to vector<16xi32>
      %lt3A_283 = arith.constant 0 : i32
      %lt3A_284 = vector.broadcast %lt3A_283 : i32 to vector<16xi32>
      %lt3A_285 = arith.cmpi slt, %broadcast_in_dim3A_282, %lt3A_284 : vector<16xi32>
      %add3A_286 = arith.constant 16 : i32
      %add3A_287 = vector.broadcast %add3A_286 : i32 to vector<16xi32>
      %add3A_288 = arith.addi %broadcast_in_dim3A_282, %add3A_287 : vector<16xi32>
      %select_n3A_289 = arith.select %lt3A_285, %add3A_288, %broadcast_in_dim3A_282 : vector<16xi1>, vector<16xi32>
      %broadcast_in_dim3A_290 = vector.shape_cast %select_n3A_289 : vector<16xi32> to vector<16x1xi32>
      %gather3A_291 = vector.shape_cast %broadcast_in_dim3A_290 : vector<16x1xi32> to vector<16xi32>
      %gather3A_292 = tpu.dynamic_gather %get3A_244[%gather3A_291] in [0] : vector<16xf32>, vector<16xi32> -> vector<16xf32>
      %broadcast_in_dim3A_293 = arith.constant 4 : i32
      %broadcast_in_dim3A_294 = vector.broadcast %broadcast_in_dim3A_293 : i32 to vector<16xi32>
      %lt3A_295 = arith.constant 0 : i32
      %lt3A_296 = vector.broadcast %lt3A_295 : i32 to vector<16xi32>
      %lt3A_297 = arith.cmpi slt, %broadcast_in_dim3A_294, %lt3A_296 : vector<16xi32>
      %add3A_298 = arith.constant 16 : i32
      %add3A_299 = vector.broadcast %add3A_298 : i32 to vector<16xi32>
      %add3A_300 = arith.addi %broadcast_in_dim3A_294, %add3A_299 : vector<16xi32>
      %select_n3A_301 = arith.select %lt3A_297, %add3A_300, %broadcast_in_dim3A_294 : vector<16xi1>, vector<16xi32>
      %broadcast_in_dim3A_302 = vector.shape_cast %select_n3A_301 : vector<16xi32> to vector<16x1xi32>
      %gather3A_303 = vector.shape_cast %broadcast_in_dim3A_302 : vector<16x1xi32> to vector<16xi32>
      %gather3A_304 = tpu.dynamic_gather %get3A_244[%gather3A_303] in [0] : vector<16xf32>, vector<16xi32> -> vector<16xf32>
      %broadcast_in_dim3A_305 = arith.constant 5 : i32
      %broadcast_in_dim3A_306 = vector.broadcast %broadcast_in_dim3A_305 : i32 to vector<16xi32>
      %lt3A_307 = arith.constant 0 : i32
      %lt3A_308 = vector.broadcast %lt3A_307 : i32 to vector<16xi32>
      %lt3A_309 = arith.cmpi slt, %broadcast_in_dim3A_306, %lt3A_308 : vector<16xi32>
      %add3A_310 = arith.constant 16 : i32
      %add3A_311 = vector.broadcast %add3A_310 : i32 to vector<16xi32>
      %add3A_312 = arith.addi %broadcast_in_dim3A_306, %add3A_311 : vector<16xi32>
      %select_n3A_313 = arith.select %lt3A_309, %add3A_312, %broadcast_in_dim3A_306 : vector<16xi1>, vector<16xi32>
      %broadcast_in_dim3A_314 = vector.shape_cast %select_n3A_313 : vector<16xi32> to vector<16x1xi32>
      %gather3A_315 = vector.shape_cast %broadcast_in_dim3A_314 : vector<16x1xi32> to vector<16xi32>
      %gather3A_316 = tpu.dynamic_gather %get3A_244[%gather3A_315] in [0] : vector<16xf32>, vector<16xi32> -> vector<16xf32>
      %broadcast_in_dim3A_317 = arith.constant 6 : i32
      %broadcast_in_dim3A_318 = vector.broadcast %broadcast_in_dim3A_317 : i32 to vector<16xi32>
      %lt3A_319 = arith.constant 0 : i32
      %lt3A_320 = vector.broadcast %lt3A_319 : i32 to vector<16xi32>
      %lt3A_321 = arith.cmpi slt, %broadcast_in_dim3A_318, %lt3A_320 : vector<16xi32>
      %add3A_322 = arith.constant 16 : i32
      %add3A_323 = vector.broadcast %add3A_322 : i32 to vector<16xi32>
      %add3A_324 = arith.addi %broadcast_in_dim3A_318, %add3A_323 : vector<16xi32>
      %select_n3A_325 = arith.select %lt3A_321, %add3A_324, %broadcast_in_dim3A_318 : vector<16xi1>, vector<16xi32>
      %broadcast_in_dim3A_326 = vector.shape_cast %select_n3A_325 : vector<16xi32> to vector<16x1xi32>
      %gather3A_327 = vector.shape_cast %broadcast_in_dim3A_326 : vector<16x1xi32> to vector<16xi32>
      %gather3A_328 = tpu.dynamic_gather %get3A_244[%gather3A_327] in [0] : vector<16xf32>, vector<16xi32> -> vector<16xf32>
      %broadcast_in_dim3A_329 = arith.constant 7 : i32
      %broadcast_in_dim3A_330 = vector.broadcast %broadcast_in_dim3A_329 : i32 to vector<16xi32>
      %lt3A_331 = arith.constant 0 : i32
      %lt3A_332 = vector.broadcast %lt3A_331 : i32 to vector<16xi32>
      %lt3A_333 = arith.cmpi slt, %broadcast_in_dim3A_330, %lt3A_332 : vector<16xi32>
      %add3A_334 = arith.constant 16 : i32
      %add3A_335 = vector.broadcast %add3A_334 : i32 to vector<16xi32>
      %add3A_336 = arith.addi %broadcast_in_dim3A_330, %add3A_335 : vector<16xi32>
      %select_n3A_337 = arith.select %lt3A_333, %add3A_336, %broadcast_in_dim3A_330 : vector<16xi1>, vector<16xi32>
      %broadcast_in_dim3A_338 = vector.shape_cast %select_n3A_337 : vector<16xi32> to vector<16x1xi32>
      %gather3A_339 = vector.shape_cast %broadcast_in_dim3A_338 : vector<16x1xi32> to vector<16xi32>
      %gather3A_340 = tpu.dynamic_gather %get3A_244[%gather3A_339] in [0] : vector<16xf32>, vector<16xi32> -> vector<16xf32>
      %broadcast_in_dim3A_341 = arith.constant 8 : i32
      %broadcast_in_dim3A_342 = vector.broadcast %broadcast_in_dim3A_341 : i32 to vector<16xi32>
      %lt3A_343 = arith.constant 0 : i32
      %lt3A_344 = vector.broadcast %lt3A_343 : i32 to vector<16xi32>
      %lt3A_345 = arith.cmpi slt, %broadcast_in_dim3A_342, %lt3A_344 : vector<16xi32>
      %add3A_346 = arith.constant 16 : i32
      %add3A_347 = vector.broadcast %add3A_346 : i32 to vector<16xi32>
      %add3A_348 = arith.addi %broadcast_in_dim3A_342, %add3A_347 : vector<16xi32>
      %select_n3A_349 = arith.select %lt3A_345, %add3A_348, %broadcast_in_dim3A_342 : vector<16xi1>, vector<16xi32>
      %broadcast_in_dim3A_350 = vector.shape_cast %select_n3A_349 : vector<16xi32> to vector<16x1xi32>
      %gather3A_351 = vector.shape_cast %broadcast_in_dim3A_350 : vector<16x1xi32> to vector<16xi32>
      %gather3A_352 = tpu.dynamic_gather %get3A_244[%gather3A_351] in [0] : vector<16xf32>, vector<16xi32> -> vector<16xf32>
      %broadcast_in_dim3A_353 = arith.constant 9 : i32
      %broadcast_in_dim3A_354 = vector.broadcast %broadcast_in_dim3A_353 : i32 to vector<16xi32>
      %lt3A_355 = arith.constant 0 : i32
      %lt3A_356 = vector.broadcast %lt3A_355 : i32 to vector<16xi32>
      %lt3A_357 = arith.cmpi slt, %broadcast_in_dim3A_354, %lt3A_356 : vector<16xi32>
      %add3A_358 = arith.constant 16 : i32
      %add3A_359 = vector.broadcast %add3A_358 : i32 to vector<16xi32>
      %add3A_360 = arith.addi %broadcast_in_dim3A_354, %add3A_359 : vector<16xi32>
      %select_n3A_361 = arith.select %lt3A_357, %add3A_360, %broadcast_in_dim3A_354 : vector<16xi1>, vector<16xi32>
      %broadcast_in_dim3A_362 = vector.shape_cast %select_n3A_361 : vector<16xi32> to vector<16x1xi32>
      %gather3A_363 = vector.shape_cast %broadcast_in_dim3A_362 : vector<16x1xi32> to vector<16xi32>
      %gather3A_364 = tpu.dynamic_gather %get3A_244[%gather3A_363] in [0] : vector<16xf32>, vector<16xi32> -> vector<16xf32>
      %broadcast_in_dim3A_365 = arith.constant 10 : i32
      %broadcast_in_dim3A_366 = vector.broadcast %broadcast_in_dim3A_365 : i32 to vector<16xi32>
      %lt3A_367 = arith.constant 0 : i32
      %lt3A_368 = vector.broadcast %lt3A_367 : i32 to vector<16xi32>
      %lt3A_369 = arith.cmpi slt, %broadcast_in_dim3A_366, %lt3A_368 : vector<16xi32>
      %add3A_370 = arith.constant 16 : i32
      %add3A_371 = vector.broadcast %add3A_370 : i32 to vector<16xi32>
      %add3A_372 = arith.addi %broadcast_in_dim3A_366, %add3A_371 : vector<16xi32>
      %select_n3A_373 = arith.select %lt3A_369, %add3A_372, %broadcast_in_dim3A_366 : vector<16xi1>, vector<16xi32>
      %broadcast_in_dim3A_374 = vector.shape_cast %select_n3A_373 : vector<16xi32> to vector<16x1xi32>
      %gather3A_375 = vector.shape_cast %broadcast_in_dim3A_374 : vector<16x1xi32> to vector<16xi32>
      %gather3A_376 = tpu.dynamic_gather %get3A_244[%gather3A_375] in [0] : vector<16xf32>, vector<16xi32> -> vector<16xf32>
      %broadcast_in_dim3A_377 = arith.constant 11 : i32
      %broadcast_in_dim3A_378 = vector.broadcast %broadcast_in_dim3A_377 : i32 to vector<16xi32>
      %lt3A_379 = arith.constant 0 : i32
      %lt3A_380 = vector.broadcast %lt3A_379 : i32 to vector<16xi32>
      %lt3A_381 = arith.cmpi slt, %broadcast_in_dim3A_378, %lt3A_380 : vector<16xi32>
      %add3A_382 = arith.constant 16 : i32
      %add3A_383 = vector.broadcast %add3A_382 : i32 to vector<16xi32>
      %add3A_384 = arith.addi %broadcast_in_dim3A_378, %add3A_383 : vector<16xi32>
      %select_n3A_385 = arith.select %lt3A_381, %add3A_384, %broadcast_in_dim3A_378 : vector<16xi1>, vector<16xi32>
      %broadcast_in_dim3A_386 = vector.shape_cast %select_n3A_385 : vector<16xi32> to vector<16x1xi32>
      %gather3A_387 = vector.shape_cast %broadcast_in_dim3A_386 : vector<16x1xi32> to vector<16xi32>
      %gather3A_388 = tpu.dynamic_gather %get3A_244[%gather3A_387] in [0] : vector<16xf32>, vector<16xi32> -> vector<16xf32>
      %broadcast_in_dim3A_389 = arith.constant 12 : i32
      %broadcast_in_dim3A_390 = vector.broadcast %broadcast_in_dim3A_389 : i32 to vector<16xi32>
      %lt3A_391 = arith.constant 0 : i32
      %lt3A_392 = vector.broadcast %lt3A_391 : i32 to vector<16xi32>
      %lt3A_393 = arith.cmpi slt, %broadcast_in_dim3A_390, %lt3A_392 : vector<16xi32>
      %add3A_394 = arith.constant 16 : i32
      %add3A_395 = vector.broadcast %add3A_394 : i32 to vector<16xi32>
      %add3A_396 = arith.addi %broadcast_in_dim3A_390, %add3A_395 : vector<16xi32>
      %select_n3A_397 = arith.select %lt3A_393, %add3A_396, %broadcast_in_dim3A_390 : vector<16xi1>, vector<16xi32>
      %broadcast_in_dim3A_398 = vector.shape_cast %select_n3A_397 : vector<16xi32> to vector<16x1xi32>
      %gather3A_399 = vector.shape_cast %broadcast_in_dim3A_398 : vector<16x1xi32> to vector<16xi32>
      %gather3A_400 = tpu.dynamic_gather %get3A_244[%gather3A_399] in [0] : vector<16xf32>, vector<16xi32> -> vector<16xf32>
      %broadcast_in_dim3A_401 = arith.constant 13 : i32
      %broadcast_in_dim3A_402 = vector.broadcast %broadcast_in_dim3A_401 : i32 to vector<16xi32>
      %lt3A_403 = arith.constant 0 : i32
      %lt3A_404 = vector.broadcast %lt3A_403 : i32 to vector<16xi32>
      %lt3A_405 = arith.cmpi slt, %broadcast_in_dim3A_402, %lt3A_404 : vector<16xi32>
      %add3A_406 = arith.constant 16 : i32
      %add3A_407 = vector.broadcast %add3A_406 : i32 to vector<16xi32>
      %add3A_408 = arith.addi %broadcast_in_dim3A_402, %add3A_407 : vector<16xi32>
      %select_n3A_409 = arith.select %lt3A_405, %add3A_408, %broadcast_in_dim3A_402 : vector<16xi1>, vector<16xi32>
      %broadcast_in_dim3A_410 = vector.shape_cast %select_n3A_409 : vector<16xi32> to vector<16x1xi32>
      %gather3A_411 = vector.shape_cast %broadcast_in_dim3A_410 : vector<16x1xi32> to vector<16xi32>
      %gather3A_412 = tpu.dynamic_gather %get3A_244[%gather3A_411] in [0] : vector<16xf32>, vector<16xi32> -> vector<16xf32>
      %broadcast_in_dim3A_413 = arith.constant 14 : i32
      %broadcast_in_dim3A_414 = vector.broadcast %broadcast_in_dim3A_413 : i32 to vector<16xi32>
      %lt3A_415 = arith.constant 0 : i32
      %lt3A_416 = vector.broadcast %lt3A_415 : i32 to vector<16xi32>
      %lt3A_417 = arith.cmpi slt, %broadcast_in_dim3A_414, %lt3A_416 : vector<16xi32>
      %add3A_418 = arith.constant 16 : i32
      %add3A_419 = vector.broadcast %add3A_418 : i32 to vector<16xi32>
      %add3A_420 = arith.addi %broadcast_in_dim3A_414, %add3A_419 : vector<16xi32>
      %select_n3A_421 = arith.select %lt3A_417, %add3A_420, %broadcast_in_dim3A_414 : vector<16xi1>, vector<16xi32>
      %broadcast_in_dim3A_422 = vector.shape_cast %select_n3A_421 : vector<16xi32> to vector<16x1xi32>
      %gather3A_423 = vector.shape_cast %broadcast_in_dim3A_422 : vector<16x1xi32> to vector<16xi32>
      %gather3A_424 = tpu.dynamic_gather %get3A_244[%gather3A_423] in [0] : vector<16xf32>, vector<16xi32> -> vector<16xf32>
      %broadcast_in_dim3A_425 = arith.constant 15 : i32
      %broadcast_in_dim3A_426 = vector.broadcast %broadcast_in_dim3A_425 : i32 to vector<16xi32>
      %lt3A_427 = arith.constant 0 : i32
      %lt3A_428 = vector.broadcast %lt3A_427 : i32 to vector<16xi32>
      %lt3A_429 = arith.cmpi slt, %broadcast_in_dim3A_426, %lt3A_428 : vector<16xi32>
      %add3A_430 = arith.constant 16 : i32
      %add3A_431 = vector.broadcast %add3A_430 : i32 to vector<16xi32>
      %add3A_432 = arith.addi %broadcast_in_dim3A_426, %add3A_431 : vector<16xi32>
      %select_n3A_433 = arith.select %lt3A_429, %add3A_432, %broadcast_in_dim3A_426 : vector<16xi1>, vector<16xi32>
      %broadcast_in_dim3A_434 = vector.shape_cast %select_n3A_433 : vector<16xi32> to vector<16x1xi32>
      %gather3A_435 = vector.shape_cast %broadcast_in_dim3A_434 : vector<16x1xi32> to vector<16xi32>
      %gather3A_436 = tpu.dynamic_gather %get3A_244[%gather3A_435] in [0] : vector<16xf32>, vector<16xi32> -> vector<16xf32>
      %scan3A_437 = arith.constant 0 : i32
      %scan3A_438 = arith.constant 0 : i32
      %scan3A_439 = arith.constant 64 : i32
      %scan3A_440 = arith.addi %scan3A_438, %scan3A_439 : i32
      %scan3A_441 = arith.constant 1 : i32
      %scan3A_442 = scf.for %scan3A_875 = %scan3A_438 to %scan3A_440 step %scan3A_441 iter_args(%scan3A_876 = %scan3A_437) -> (i32)  : i32 {
        %mul3A_877 = arith.constant 16 : i32
        %mul3A_878 = arith.muli %scan3A_875, %mul3A_877 : i32
        %get3A_879 = arith.constant 16 : i32
        %get3A_880 = arith.index_cast %get3A_879 : i32 to index
        %get3A_881 = arith.index_cast %mul3A_878 : i32 to index
        %get3A_882 = tpu.vector_load %arg8[%get3A_880, %get3A_881] {strides = array<i32>} : memref<32x1024xf32, #tpu.memory_space<vmem>>, vector<1x16xf32>,
        %get3A_883 = vector.shape_cast %get3A_882 : vector<1x16xf32> to vector<16xf32>
        %mul3A_884 = arith.mulf %gather3A_256, %get3A_883 : vector<16xf32>
        %get3A_885 = arith.constant 17 : i32
        %get3A_886 = arith.index_cast %get3A_885 : i32 to index
        %get3A_887 = arith.index_cast %mul3A_878 : i32 to index
        %get3A_888 = tpu.vector_load %arg8[%get3A_886, %get3A_887] {strides = array<i32>} : memref<32x1024xf32, #tpu.memory_space<vmem>>, vector<1x16xf32>,
        %get3A_889 = vector.shape_cast %get3A_888 : vector<1x16xf32> to vector<16xf32>
        %mul3A_890 = arith.mulf %gather3A_268, %get3A_889 : vector<16xf32>
        %add3A_891 = arith.addf %mul3A_884, %mul3A_890 : vector<16xf32>
        %get3A_892 = arith.constant 18 : i32
        %get3A_893 = arith.index_cast %get3A_892 : i32 to index
        %get3A_894 = arith.index_cast %mul3A_878 : i32 to index
        %get3A_895 = tpu.vector_load %arg8[%get3A_893, %get3A_894] {strides = array<i32>} : memref<32x1024xf32, #tpu.memory_space<vmem>>, vector<1x16xf32>,
        %get3A_896 = vector.shape_cast %get3A_895 : vector<1x16xf32> to vector<16xf32>
        %mul3A_897 = arith.mulf %gather3A_280, %get3A_896 : vector<16xf32>
        %add3A_898 = arith.addf %add3A_891, %mul3A_897 : vector<16xf32>
        %get3A_899 = arith.constant 19 : i32
        %get3A_900 = arith.index_cast %get3A_899 : i32 to index
        %get3A_901 = arith.index_cast %mul3A_878 : i32 to index
        %get3A_902 = tpu.vector_load %arg8[%get3A_900, %get3A_901] {strides = array<i32>} : memref<32x1024xf32, #tpu.memory_space<vmem>>, vector<1x16xf32>,
        %get3A_903 = vector.shape_cast %get3A_902 : vector<1x16xf32> to vector<16xf32>
        %mul3A_904 = arith.mulf %gather3A_292, %get3A_903 : vector<16xf32>
        %add3A_905 = arith.addf %add3A_898, %mul3A_904 : vector<16xf32>
        %get3A_906 = arith.constant 20 : i32
        %get3A_907 = arith.index_cast %get3A_906 : i32 to index
        %get3A_908 = arith.index_cast %mul3A_878 : i32 to index
        %get3A_909 = tpu.vector_load %arg8[%get3A_907, %get3A_908] {strides = array<i32>} : memref<32x1024xf32, #tpu.memory_space<vmem>>, vector<1x16xf32>,
        %get3A_910 = vector.shape_cast %get3A_909 : vector<1x16xf32> to vector<16xf32>
        %mul3A_911 = arith.mulf %gather3A_304, %get3A_910 : vector<16xf32>
        %add3A_912 = arith.addf %add3A_905, %mul3A_911 : vector<16xf32>
        %get3A_913 = arith.constant 21 : i32
        %get3A_914 = arith.index_cast %get3A_913 : i32 to index
        %get3A_915 = arith.index_cast %mul3A_878 : i32 to index
        %get3A_916 = tpu.vector_load %arg8[%get3A_914, %get3A_915] {strides = array<i32>} : memref<32x1024xf32, #tpu.memory_space<vmem>>, vector<1x16xf32>,
        %get3A_917 = vector.shape_cast %get3A_916 : vector<1x16xf32> to vector<16xf32>
        %mul3A_918 = arith.mulf %gather3A_316, %get3A_917 : vector<16xf32>
        %add3A_919 = arith.addf %add3A_912, %mul3A_918 : vector<16xf32>
        %get3A_920 = arith.constant 22 : i32
        %get3A_921 = arith.index_cast %get3A_920 : i32 to index
        %get3A_922 = arith.index_cast %mul3A_878 : i32 to index
        %get3A_923 = tpu.vector_load %arg8[%get3A_921, %get3A_922] {strides = array<i32>} : memref<32x1024xf32, #tpu.memory_space<vmem>>, vector<1x16xf32>,
        %get3A_924 = vector.shape_cast %get3A_923 : vector<1x16xf32> to vector<16xf32>
        %mul3A_925 = arith.mulf %gather3A_328, %get3A_924 : vector<16xf32>
        %add3A_926 = arith.addf %add3A_919, %mul3A_925 : vector<16xf32>
        %get3A_927 = arith.constant 23 : i32
        %get3A_928 = arith.index_cast %get3A_927 : i32 to index
        %get3A_929 = arith.index_cast %mul3A_878 : i32 to index
        %get3A_930 = tpu.vector_load %arg8[%get3A_928, %get3A_929] {strides = array<i32>} : memref<32x1024xf32, #tpu.memory_space<vmem>>, vector<1x16xf32>,
        %get3A_931 = vector.shape_cast %get3A_930 : vector<1x16xf32> to vector<16xf32>
        %mul3A_932 = arith.mulf %gather3A_340, %get3A_931 : vector<16xf32>
        %add3A_933 = arith.addf %add3A_926, %mul3A_932 : vector<16xf32>
        %get3A_934 = arith.constant 24 : i32
        %get3A_935 = arith.index_cast %get3A_934 : i32 to index
        %get3A_936 = arith.index_cast %mul3A_878 : i32 to index
        %get3A_937 = tpu.vector_load %arg8[%get3A_935, %get3A_936] {strides = array<i32>} : memref<32x1024xf32, #tpu.memory_space<vmem>>, vector<1x16xf32>,
        %get3A_938 = vector.shape_cast %get3A_937 : vector<1x16xf32> to vector<16xf32>
        %mul3A_939 = arith.mulf %gather3A_352, %get3A_938 : vector<16xf32>
        %add3A_940 = arith.addf %add3A_933, %mul3A_939 : vector<16xf32>
        %get3A_941 = arith.constant 25 : i32
        %get3A_942 = arith.index_cast %get3A_941 : i32 to index
        %get3A_943 = arith.index_cast %mul3A_878 : i32 to index
        %get3A_944 = tpu.vector_load %arg8[%get3A_942, %get3A_943] {strides = array<i32>} : memref<32x1024xf32, #tpu.memory_space<vmem>>, vector<1x16xf32>,
        %get3A_945 = vector.shape_cast %get3A_944 : vector<1x16xf32> to vector<16xf32>
        %mul3A_946 = arith.mulf %gather3A_364, %get3A_945 : vector<16xf32>
        %add3A_947 = arith.addf %add3A_940, %mul3A_946 : vector<16xf32>
        %get3A_948 = arith.constant 26 : i32
        %get3A_949 = arith.index_cast %get3A_948 : i32 to index
        %get3A_950 = arith.index_cast %mul3A_878 : i32 to index
        %get3A_951 = tpu.vector_load %arg8[%get3A_949, %get3A_950] {strides = array<i32>} : memref<32x1024xf32, #tpu.memory_space<vmem>>, vector<1x16xf32>,
        %get3A_952 = vector.shape_cast %get3A_951 : vector<1x16xf32> to vector<16xf32>
        %mul3A_953 = arith.mulf %gather3A_376, %get3A_952 : vector<16xf32>
        %add3A_954 = arith.addf %add3A_947, %mul3A_953 : vector<16xf32>
        %get3A_955 = arith.constant 27 : i32
        %get3A_956 = arith.index_cast %get3A_955 : i32 to index
        %get3A_957 = arith.index_cast %mul3A_878 : i32 to index
        %get3A_958 = tpu.vector_load %arg8[%get3A_956, %get3A_957] {strides = array<i32>} : memref<32x1024xf32, #tpu.memory_space<vmem>>, vector<1x16xf32>,
        %get3A_959 = vector.shape_cast %get3A_958 : vector<1x16xf32> to vector<16xf32>
        %mul3A_960 = arith.mulf %gather3A_388, %get3A_959 : vector<16xf32>
        %add3A_961 = arith.addf %add3A_954, %mul3A_960 : vector<16xf32>
        %get3A_962 = arith.constant 28 : i32
        %get3A_963 = arith.index_cast %get3A_962 : i32 to index
        %get3A_964 = arith.index_cast %mul3A_878 : i32 to index
        %get3A_965 = tpu.vector_load %arg8[%get3A_963, %get3A_964] {strides = array<i32>} : memref<32x1024xf32, #tpu.memory_space<vmem>>, vector<1x16xf32>,
        %get3A_966 = vector.shape_cast %get3A_965 : vector<1x16xf32> to vector<16xf32>
        %mul3A_967 = arith.mulf %gather3A_400, %get3A_966 : vector<16xf32>
        %add3A_968 = arith.addf %add3A_961, %mul3A_967 : vector<16xf32>
        %get3A_969 = arith.constant 29 : i32
        %get3A_970 = arith.index_cast %get3A_969 : i32 to index
        %get3A_971 = arith.index_cast %mul3A_878 : i32 to index
        %get3A_972 = tpu.vector_load %arg8[%get3A_970, %get3A_971] {strides = array<i32>} : memref<32x1024xf32, #tpu.memory_space<vmem>>, vector<1x16xf32>,
        %get3A_973 = vector.shape_cast %get3A_972 : vector<1x16xf32> to vector<16xf32>
        %mul3A_974 = arith.mulf %gather3A_412, %get3A_973 : vector<16xf32>
        %add3A_975 = arith.addf %add3A_968, %mul3A_974 : vector<16xf32>
        %get3A_976 = arith.constant 30 : i32
        %get3A_977 = arith.index_cast %get3A_976 : i32 to index
        %get3A_978 = arith.index_cast %mul3A_878 : i32 to index
        %get3A_979 = tpu.vector_load %arg8[%get3A_977, %get3A_978] {strides = array<i32>} : memref<32x1024xf32, #tpu.memory_space<vmem>>, vector<1x16xf32>,
        %get3A_980 = vector.shape_cast %get3A_979 : vector<1x16xf32> to vector<16xf32>
        %mul3A_981 = arith.mulf %gather3A_424, %get3A_980 : vector<16xf32>
        %add3A_982 = arith.addf %add3A_975, %mul3A_981 : vector<16xf32>
        %get3A_983 = arith.constant 31 : i32
        %get3A_984 = arith.index_cast %get3A_983 : i32 to index
        %get3A_985 = arith.index_cast %mul3A_878 : i32 to index
        %get3A_986 = tpu.vector_load %arg8[%get3A_984, %get3A_985] {strides = array<i32>} : memref<32x1024xf32, #tpu.memory_space<vmem>>, vector<1x16xf32>,
        %get3A_987 = vector.shape_cast %get3A_986 : vector<1x16xf32> to vector<16xf32>
        %mul3A_988 = arith.mulf %gather3A_436, %get3A_987 : vector<16xf32>
        %add3A_989 = arith.addf %add3A_982, %mul3A_988 : vector<16xf32>
        %swap3A = arith.index_cast %mul3A_878 : i32 to index
        %swap3A_990 = tpu.vector_load %arg10[%swap3A] {strides = array<i32>} : memref<1024xf32, #tpu.memory_space<vmem>>, vector<16xf32>,
        %swap3A_991 = vector.shape_cast %swap3A_990 : vector<16xf32> to vector<16xf32>
        %swap3A_992 = vector.shape_cast %add3A_989 : vector<16xf32> to vector<16xf32>
        tpu.vector_store %arg10[%swap3A], %swap3A_992 {strides = array<i32>} : memref<1024xf32, #tpu.memory_space<vmem>>, vector<16xf32>,
        %scan3A_993 = arith.constant 0 : i32
        scf.yield %scan3A_993 : i32
      }
      %scan3A_443 = arith.constant 64 : i32
      %add3A_444 = arith.addi %mul3A_4, %add3A_239 : i32
      "tpu.region"() ({
        %run_scoped3A = tpu.sem_alloc : memref<!tpu.dma_semaphore, #tpu.memory_space<semaphore_mem>>
        %dma_start3A_875 = arith.constant 0 : i32
        %dma_start3A_876 = tpu.memref_slice %arg5[%add3A_444, %dma_start3A_875] : memref<2048x1024xf32, #tpu.memory_space<hbm>> -> memref<1x1024xf32, #tpu.memory_space<hbm>>
        %dma_start3A_877 = tpu.memref_squeeze %dma_start3A_876 : memref<1x1024xf32, #tpu.memory_space<hbm>> -> memref<1024xf32, #tpu.memory_space<hbm>>
        %dma_start3A_878 = arith.constant 0 : i32
        %dma_start3A_879 = tpu.memref_slice %arg5[%add3A_444, %dma_start3A_878] : memref<2048x1024xf32, #tpu.memory_space<hbm>> -> memref<1x1024xf32, #tpu.memory_space<hbm>>
        %dma_start3A_880 = tpu.memref_squeeze %dma_start3A_879 : memref<1x1024xf32, #tpu.memory_space<hbm>> -> memref<1024xf32, #tpu.memory_space<hbm>>
        tpu.enqueue_dma source(%arg10 : memref<1024xf32, #tpu.memory_space<vmem>>) target(%dma_start3A_880 : memref<1024xf32, #tpu.memory_space<hbm>>) target_semaphore(%run_scoped3A : memref<!tpu.dma_semaphore, #tpu.memory_space<semaphore_mem>>)
        %dma_wait3A_881 = arith.constant 0 : i32
        %dma_wait3A_882 = tpu.memref_slice %arg5[%add3A_444, %dma_wait3A_881] : memref<2048x1024xf32, #tpu.memory_space<hbm>> -> memref<1x1024xf32, #tpu.memory_space<hbm>>
        %dma_wait3A_883 = tpu.memref_squeeze %dma_wait3A_882 : memref<1x1024xf32, #tpu.memory_space<hbm>> -> memref<1024xf32, #tpu.memory_space<hbm>>
        %dma_wait3A_884 = arith.constant 0 : i32
        %dma_wait3A_885 = tpu.memref_slice %arg5[%add3A_444, %dma_wait3A_884] : memref<2048x1024xf32, #tpu.memory_space<hbm>> -> memref<1x1024xf32, #tpu.memory_space<hbm>>
        %dma_wait3A_886 = tpu.memref_squeeze %dma_wait3A_885 : memref<1x1024xf32, #tpu.memory_space<hbm>> -> memref<1024xf32, #tpu.memory_space<hbm>>
        tpu.wait_dma2 semaphore(%run_scoped3A : memref<!tpu.dma_semaphore, #tpu.memory_space<semaphore_mem>>) src(%arg10 : memref<1024xf32, #tpu.memory_space<vmem>>) dst(%dma_wait3A_886 : memref<1024xf32, #tpu.memory_space<hbm>>)
        tpu.yield
      }) : () -> ()
      %add3A_445 = arith.constant 1 : i32
      %add3A_446 = arith.addi %add3A_20, %add3A_445 : i32
      %lt3A_447 = arith.constant 32 : i32
      %lt3A_448 = arith.cmpi slt, %add3A_446, %lt3A_447 : i32
      %convert_element_type3A = arith.extui %lt3A_448 : i1 to i32
      %cond3A = arith.constant 0 : i32
      %cond3A_449 = arith.cmpi ne, %convert_element_type3A, %cond3A : i32
      scf.if %cond3A_449 {
        %add3A_875 = arith.constant 1 : i32
        %add3A_876 = arith.addi %add3A_20, %add3A_875 : i32
        %mul3A_877 = arith.constant 32 : i32
        %mul3A_878 = arith.muli %add3A_876, %mul3A_877 : i32
        %dma_start3A_879 = tpu.memref_slice %arg6[%mul3A_878] : memref<1024xi32, #tpu.memory_space<vmem>> -> memref<32xi32, #tpu.memory_space<vmem>>
        %dma_start3A_880 = arith.constant 0 : i32
        %dma_start3A_881 = arith.constant 0 : i32
        %dma_start3A_882 = tpu.memref_slice %arg2[%dma_start3A_880, %dma_start3A_881] : memref<4096x1024xf32, #tpu.memory_space<hbm>> -> memref<4096x1024xf32, #tpu.memory_space<hbm>>
        tpu.enqueue_indirect_dma source(%dma_start3A_882 : memref<4096x1024xf32, #tpu.memory_space<hbm>>) target(%arg8 : memref<32x1024xf32, #tpu.memory_space<vmem>>) offsets(%dma_start3A_879 : memref<32xi32, #tpu.memory_space<vmem>>) semaphore(%arg11 : memref<!tpu.dma_semaphore, #tpu.memory_space<semaphore_mem>>)
      } else {
      }
      %dma_wait3A_450 = arith.constant 0 : i32
      %dma_wait3A_451 = arith.constant 0 : i32
      %dma_wait3A_452 = tpu.memref_slice %arg2[%dma_wait3A_450, %dma_wait3A_451] : memref<4096x1024xf32, #tpu.memory_space<hbm>> -> memref<32x1024xf32, #tpu.memory_space<hbm>>
      %dma_wait3A_453 = arith.constant 0 : i32
      %dma_wait3A_454 = arith.constant 0 : i32
      %dma_wait3A_455 = tpu.memref_slice %arg2[%dma_wait3A_453, %dma_wait3A_454] : memref<4096x1024xf32, #tpu.memory_space<hbm>> -> memref<32x1024xf32, #tpu.memory_space<hbm>>
      tpu.wait_dma2 semaphore(%arg12 : memref<!tpu.dma_semaphore, #tpu.memory_space<semaphore_mem>>) src(%dma_wait3A_455 : memref<32x1024xf32, #tpu.memory_space<hbm>>) dst(%arg9 : memref<32x1024xf32, #tpu.memory_space<vmem>>)
      %mul3A_456 = arith.constant 2 : i32
      %mul3A_457 = arith.muli %add3A_20, %mul3A_456 : i32
      %add3A_458 = arith.constant 0 : i32
      %add3A_459 = arith.addi %mul3A_457, %add3A_458 : i32
      %mul3A_460 = arith.constant 16 : i32
      %mul3A_461 = arith.muli %add3A_459, %mul3A_460 : i32
      %get3A_462 = arith.index_cast %mul3A_461 : i32 to index
      %get3A_463 = tpu.vector_load %arg7[%get3A_462] {strides = array<i32>} : memref<1024xf32, #tpu.memory_space<vmem>>, vector<16xf32>,
      %get3A_464 = vector.shape_cast %get3A_463 : vector<16xf32> to vector<16xf32>
      %broadcast_in_dim3A_465 = arith.constant 0 : i32
      %broadcast_in_dim3A_466 = vector.broadcast %broadcast_in_dim3A_465 : i32 to vector<16xi32>
      %lt3A_467 = arith.constant 0 : i32
      %lt3A_468 = vector.broadcast %lt3A_467 : i32 to vector<16xi32>
      %lt3A_469 = arith.cmpi slt, %broadcast_in_dim3A_466, %lt3A_468 : vector<16xi32>
      %add3A_470 = arith.constant 16 : i32
      %add3A_471 = vector.broadcast %add3A_470 : i32 to vector<16xi32>
      %add3A_472 = arith.addi %broadcast_in_dim3A_466, %add3A_471 : vector<16xi32>
      %select_n3A_473 = arith.select %lt3A_469, %add3A_472, %broadcast_in_dim3A_466 : vector<16xi1>, vector<16xi32>
      %broadcast_in_dim3A_474 = vector.shape_cast %select_n3A_473 : vector<16xi32> to vector<16x1xi32>
      %gather3A_475 = vector.shape_cast %broadcast_in_dim3A_474 : vector<16x1xi32> to vector<16xi32>
      %gather3A_476 = tpu.dynamic_gather %get3A_464[%gather3A_475] in [0] : vector<16xf32>, vector<16xi32> -> vector<16xf32>
      %broadcast_in_dim3A_477 = arith.constant 1 : i32
      %broadcast_in_dim3A_478 = vector.broadcast %broadcast_in_dim3A_477 : i32 to vector<16xi32>
      %lt3A_479 = arith.constant 0 : i32
      %lt3A_480 = vector.broadcast %lt3A_479 : i32 to vector<16xi32>
      %lt3A_481 = arith.cmpi slt, %broadcast_in_dim3A_478, %lt3A_480 : vector<16xi32>
      %add3A_482 = arith.constant 16 : i32
      %add3A_483 = vector.broadcast %add3A_482 : i32 to vector<16xi32>
      %add3A_484 = arith.addi %broadcast_in_dim3A_478, %add3A_483 : vector<16xi32>
      %select_n3A_485 = arith.select %lt3A_481, %add3A_484, %broadcast_in_dim3A_478 : vector<16xi1>, vector<16xi32>
      %broadcast_in_dim3A_486 = vector.shape_cast %select_n3A_485 : vector<16xi32> to vector<16x1xi32>
      %gather3A_487 = vector.shape_cast %broadcast_in_dim3A_486 : vector<16x1xi32> to vector<16xi32>
      %gather3A_488 = tpu.dynamic_gather %get3A_464[%gather3A_487] in [0] : vector<16xf32>, vector<16xi32> -> vector<16xf32>
      %broadcast_in_dim3A_489 = arith.constant 2 : i32
      %broadcast_in_dim3A_490 = vector.broadcast %broadcast_in_dim3A_489 : i32 to vector<16xi32>
      %lt3A_491 = arith.constant 0 : i32
      %lt3A_492 = vector.broadcast %lt3A_491 : i32 to vector<16xi32>
      %lt3A_493 = arith.cmpi slt, %broadcast_in_dim3A_490, %lt3A_492 : vector<16xi32>
      %add3A_494 = arith.constant 16 : i32
      %add3A_495 = vector.broadcast %add3A_494 : i32 to vector<16xi32>
      %add3A_496 = arith.addi %broadcast_in_dim3A_490, %add3A_495 : vector<16xi32>
      %select_n3A_497 = arith.select %lt3A_493, %add3A_496, %broadcast_in_dim3A_490 : vector<16xi1>, vector<16xi32>
      %broadcast_in_dim3A_498 = vector.shape_cast %select_n3A_497 : vector<16xi32> to vector<16x1xi32>
      %gather3A_499 = vector.shape_cast %broadcast_in_dim3A_498 : vector<16x1xi32> to vector<16xi32>
      %gather3A_500 = tpu.dynamic_gather %get3A_464[%gather3A_499] in [0] : vector<16xf32>, vector<16xi32> -> vector<16xf32>
      %broadcast_in_dim3A_501 = arith.constant 3 : i32
      %broadcast_in_dim3A_502 = vector.broadcast %broadcast_in_dim3A_501 : i32 to vector<16xi32>
      %lt3A_503 = arith.constant 0 : i32
      %lt3A_504 = vector.broadcast %lt3A_503 : i32 to vector<16xi32>
      %lt3A_505 = arith.cmpi slt, %broadcast_in_dim3A_502, %lt3A_504 : vector<16xi32>
      %add3A_506 = arith.constant 16 : i32
      %add3A_507 = vector.broadcast %add3A_506 : i32 to vector<16xi32>
      %add3A_508 = arith.addi %broadcast_in_dim3A_502, %add3A_507 : vector<16xi32>
      %select_n3A_509 = arith.select %lt3A_505, %add3A_508, %broadcast_in_dim3A_502 : vector<16xi1>, vector<16xi32>
      %broadcast_in_dim3A_510 = vector.shape_cast %select_n3A_509 : vector<16xi32> to vector<16x1xi32>
      %gather3A_511 = vector.shape_cast %broadcast_in_dim3A_510 : vector<16x1xi32> to vector<16xi32>
      %gather3A_512 = tpu.dynamic_gather %get3A_464[%gather3A_511] in [0] : vector<16xf32>, vector<16xi32> -> vector<16xf32>
      %broadcast_in_dim3A_513 = arith.constant 4 : i32
      %broadcast_in_dim3A_514 = vector.broadcast %broadcast_in_dim3A_513 : i32 to vector<16xi32>
      %lt3A_515 = arith.constant 0 : i32
      %lt3A_516 = vector.broadcast %lt3A_515 : i32 to vector<16xi32>
      %lt3A_517 = arith.cmpi slt, %broadcast_in_dim3A_514, %lt3A_516 : vector<16xi32>
      %add3A_518 = arith.constant 16 : i32
      %add3A_519 = vector.broadcast %add3A_518 : i32 to vector<16xi32>
      %add3A_520 = arith.addi %broadcast_in_dim3A_514, %add3A_519 : vector<16xi32>
      %select_n3A_521 = arith.select %lt3A_517, %add3A_520, %broadcast_in_dim3A_514 : vector<16xi1>, vector<16xi32>
      %broadcast_in_dim3A_522 = vector.shape_cast %select_n3A_521 : vector<16xi32> to vector<16x1xi32>
      %gather3A_523 = vector.shape_cast %broadcast_in_dim3A_522 : vector<16x1xi32> to vector<16xi32>
      %gather3A_524 = tpu.dynamic_gather %get3A_464[%gather3A_523] in [0] : vector<16xf32>, vector<16xi32> -> vector<16xf32>
      %broadcast_in_dim3A_525 = arith.constant 5 : i32
      %broadcast_in_dim3A_526 = vector.broadcast %broadcast_in_dim3A_525 : i32 to vector<16xi32>
      %lt3A_527 = arith.constant 0 : i32
      %lt3A_528 = vector.broadcast %lt3A_527 : i32 to vector<16xi32>
      %lt3A_529 = arith.cmpi slt, %broadcast_in_dim3A_526, %lt3A_528 : vector<16xi32>
      %add3A_530 = arith.constant 16 : i32
      %add3A_531 = vector.broadcast %add3A_530 : i32 to vector<16xi32>
      %add3A_532 = arith.addi %broadcast_in_dim3A_526, %add3A_531 : vector<16xi32>
      %select_n3A_533 = arith.select %lt3A_529, %add3A_532, %broadcast_in_dim3A_526 : vector<16xi1>, vector<16xi32>
      %broadcast_in_dim3A_534 = vector.shape_cast %select_n3A_533 : vector<16xi32> to vector<16x1xi32>
      %gather3A_535 = vector.shape_cast %broadcast_in_dim3A_534 : vector<16x1xi32> to vector<16xi32>
      %gather3A_536 = tpu.dynamic_gather %get3A_464[%gather3A_535] in [0] : vector<16xf32>, vector<16xi32> -> vector<16xf32>
      %broadcast_in_dim3A_537 = arith.constant 6 : i32
      %broadcast_in_dim3A_538 = vector.broadcast %broadcast_in_dim3A_537 : i32 to vector<16xi32>
      %lt3A_539 = arith.constant 0 : i32
      %lt3A_540 = vector.broadcast %lt3A_539 : i32 to vector<16xi32>
      %lt3A_541 = arith.cmpi slt, %broadcast_in_dim3A_538, %lt3A_540 : vector<16xi32>
      %add3A_542 = arith.constant 16 : i32
      %add3A_543 = vector.broadcast %add3A_542 : i32 to vector<16xi32>
      %add3A_544 = arith.addi %broadcast_in_dim3A_538, %add3A_543 : vector<16xi32>
      %select_n3A_545 = arith.select %lt3A_541, %add3A_544, %broadcast_in_dim3A_538 : vector<16xi1>, vector<16xi32>
      %broadcast_in_dim3A_546 = vector.shape_cast %select_n3A_545 : vector<16xi32> to vector<16x1xi32>
      %gather3A_547 = vector.shape_cast %broadcast_in_dim3A_546 : vector<16x1xi32> to vector<16xi32>
      %gather3A_548 = tpu.dynamic_gather %get3A_464[%gather3A_547] in [0] : vector<16xf32>, vector<16xi32> -> vector<16xf32>
      %broadcast_in_dim3A_549 = arith.constant 7 : i32
      %broadcast_in_dim3A_550 = vector.broadcast %broadcast_in_dim3A_549 : i32 to vector<16xi32>
      %lt3A_551 = arith.constant 0 : i32
      %lt3A_552 = vector.broadcast %lt3A_551 : i32 to vector<16xi32>
      %lt3A_553 = arith.cmpi slt, %broadcast_in_dim3A_550, %lt3A_552 : vector<16xi32>
      %add3A_554 = arith.constant 16 : i32
      %add3A_555 = vector.broadcast %add3A_554 : i32 to vector<16xi32>
      %add3A_556 = arith.addi %broadcast_in_dim3A_550, %add3A_555 : vector<16xi32>
      %select_n3A_557 = arith.select %lt3A_553, %add3A_556, %broadcast_in_dim3A_550 : vector<16xi1>, vector<16xi32>
      %broadcast_in_dim3A_558 = vector.shape_cast %select_n3A_557 : vector<16xi32> to vector<16x1xi32>
      %gather3A_559 = vector.shape_cast %broadcast_in_dim3A_558 : vector<16x1xi32> to vector<16xi32>
      %gather3A_560 = tpu.dynamic_gather %get3A_464[%gather3A_559] in [0] : vector<16xf32>, vector<16xi32> -> vector<16xf32>
      %broadcast_in_dim3A_561 = arith.constant 8 : i32
      %broadcast_in_dim3A_562 = vector.broadcast %broadcast_in_dim3A_561 : i32 to vector<16xi32>
      %lt3A_563 = arith.constant 0 : i32
      %lt3A_564 = vector.broadcast %lt3A_563 : i32 to vector<16xi32>
      %lt3A_565 = arith.cmpi slt, %broadcast_in_dim3A_562, %lt3A_564 : vector<16xi32>
      %add3A_566 = arith.constant 16 : i32
      %add3A_567 = vector.broadcast %add3A_566 : i32 to vector<16xi32>
      %add3A_568 = arith.addi %broadcast_in_dim3A_562, %add3A_567 : vector<16xi32>
      %select_n3A_569 = arith.select %lt3A_565, %add3A_568, %broadcast_in_dim3A_562 : vector<16xi1>, vector<16xi32>
      %broadcast_in_dim3A_570 = vector.shape_cast %select_n3A_569 : vector<16xi32> to vector<16x1xi32>
      %gather3A_571 = vector.shape_cast %broadcast_in_dim3A_570 : vector<16x1xi32> to vector<16xi32>
      %gather3A_572 = tpu.dynamic_gather %get3A_464[%gather3A_571] in [0] : vector<16xf32>, vector<16xi32> -> vector<16xf32>
      %broadcast_in_dim3A_573 = arith.constant 9 : i32
      %broadcast_in_dim3A_574 = vector.broadcast %broadcast_in_dim3A_573 : i32 to vector<16xi32>
      %lt3A_575 = arith.constant 0 : i32
      %lt3A_576 = vector.broadcast %lt3A_575 : i32 to vector<16xi32>
      %lt3A_577 = arith.cmpi slt, %broadcast_in_dim3A_574, %lt3A_576 : vector<16xi32>
      %add3A_578 = arith.constant 16 : i32
      %add3A_579 = vector.broadcast %add3A_578 : i32 to vector<16xi32>
      %add3A_580 = arith.addi %broadcast_in_dim3A_574, %add3A_579 : vector<16xi32>
      %select_n3A_581 = arith.select %lt3A_577, %add3A_580, %broadcast_in_dim3A_574 : vector<16xi1>, vector<16xi32>
      %broadcast_in_dim3A_582 = vector.shape_cast %select_n3A_581 : vector<16xi32> to vector<16x1xi32>
      %gather3A_583 = vector.shape_cast %broadcast_in_dim3A_582 : vector<16x1xi32> to vector<16xi32>
      %gather3A_584 = tpu.dynamic_gather %get3A_464[%gather3A_583] in [0] : vector<16xf32>, vector<16xi32> -> vector<16xf32>
      %broadcast_in_dim3A_585 = arith.constant 10 : i32
      %broadcast_in_dim3A_586 = vector.broadcast %broadcast_in_dim3A_585 : i32 to vector<16xi32>
      %lt3A_587 = arith.constant 0 : i32
      %lt3A_588 = vector.broadcast %lt3A_587 : i32 to vector<16xi32>
      %lt3A_589 = arith.cmpi slt, %broadcast_in_dim3A_586, %lt3A_588 : vector<16xi32>
      %add3A_590 = arith.constant 16 : i32
      %add3A_591 = vector.broadcast %add3A_590 : i32 to vector<16xi32>
      %add3A_592 = arith.addi %broadcast_in_dim3A_586, %add3A_591 : vector<16xi32>
      %select_n3A_593 = arith.select %lt3A_589, %add3A_592, %broadcast_in_dim3A_586 : vector<16xi1>, vector<16xi32>
      %broadcast_in_dim3A_594 = vector.shape_cast %select_n3A_593 : vector<16xi32> to vector<16x1xi32>
      %gather3A_595 = vector.shape_cast %broadcast_in_dim3A_594 : vector<16x1xi32> to vector<16xi32>
      %gather3A_596 = tpu.dynamic_gather %get3A_464[%gather3A_595] in [0] : vector<16xf32>, vector<16xi32> -> vector<16xf32>
      %broadcast_in_dim3A_597 = arith.constant 11 : i32
      %broadcast_in_dim3A_598 = vector.broadcast %broadcast_in_dim3A_597 : i32 to vector<16xi32>
      %lt3A_599 = arith.constant 0 : i32
      %lt3A_600 = vector.broadcast %lt3A_599 : i32 to vector<16xi32>
      %lt3A_601 = arith.cmpi slt, %broadcast_in_dim3A_598, %lt3A_600 : vector<16xi32>
      %add3A_602 = arith.constant 16 : i32
      %add3A_603 = vector.broadcast %add3A_602 : i32 to vector<16xi32>
      %add3A_604 = arith.addi %broadcast_in_dim3A_598, %add3A_603 : vector<16xi32>
      %select_n3A_605 = arith.select %lt3A_601, %add3A_604, %broadcast_in_dim3A_598 : vector<16xi1>, vector<16xi32>
      %broadcast_in_dim3A_606 = vector.shape_cast %select_n3A_605 : vector<16xi32> to vector<16x1xi32>
      %gather3A_607 = vector.shape_cast %broadcast_in_dim3A_606 : vector<16x1xi32> to vector<16xi32>
      %gather3A_608 = tpu.dynamic_gather %get3A_464[%gather3A_607] in [0] : vector<16xf32>, vector<16xi32> -> vector<16xf32>
      %broadcast_in_dim3A_609 = arith.constant 12 : i32
      %broadcast_in_dim3A_610 = vector.broadcast %broadcast_in_dim3A_609 : i32 to vector<16xi32>
      %lt3A_611 = arith.constant 0 : i32
      %lt3A_612 = vector.broadcast %lt3A_611 : i32 to vector<16xi32>
      %lt3A_613 = arith.cmpi slt, %broadcast_in_dim3A_610, %lt3A_612 : vector<16xi32>
      %add3A_614 = arith.constant 16 : i32
      %add3A_615 = vector.broadcast %add3A_614 : i32 to vector<16xi32>
      %add3A_616 = arith.addi %broadcast_in_dim3A_610, %add3A_615 : vector<16xi32>
      %select_n3A_617 = arith.select %lt3A_613, %add3A_616, %broadcast_in_dim3A_610 : vector<16xi1>, vector<16xi32>
      %broadcast_in_dim3A_618 = vector.shape_cast %select_n3A_617 : vector<16xi32> to vector<16x1xi32>
      %gather3A_619 = vector.shape_cast %broadcast_in_dim3A_618 : vector<16x1xi32> to vector<16xi32>
      %gather3A_620 = tpu.dynamic_gather %get3A_464[%gather3A_619] in [0] : vector<16xf32>, vector<16xi32> -> vector<16xf32>
      %broadcast_in_dim3A_621 = arith.constant 13 : i32
      %broadcast_in_dim3A_622 = vector.broadcast %broadcast_in_dim3A_621 : i32 to vector<16xi32>
      %lt3A_623 = arith.constant 0 : i32
      %lt3A_624 = vector.broadcast %lt3A_623 : i32 to vector<16xi32>
      %lt3A_625 = arith.cmpi slt, %broadcast_in_dim3A_622, %lt3A_624 : vector<16xi32>
      %add3A_626 = arith.constant 16 : i32
      %add3A_627 = vector.broadcast %add3A_626 : i32 to vector<16xi32>
      %add3A_628 = arith.addi %broadcast_in_dim3A_622, %add3A_627 : vector<16xi32>
      %select_n3A_629 = arith.select %lt3A_625, %add3A_628, %broadcast_in_dim3A_622 : vector<16xi1>, vector<16xi32>
      %broadcast_in_dim3A_630 = vector.shape_cast %select_n3A_629 : vector<16xi32> to vector<16x1xi32>
      %gather3A_631 = vector.shape_cast %broadcast_in_dim3A_630 : vector<16x1xi32> to vector<16xi32>
      %gather3A_632 = tpu.dynamic_gather %get3A_464[%gather3A_631] in [0] : vector<16xf32>, vector<16xi32> -> vector<16xf32>
      %broadcast_in_dim3A_633 = arith.constant 14 : i32
      %broadcast_in_dim3A_634 = vector.broadcast %broadcast_in_dim3A_633 : i32 to vector<16xi32>
      %lt3A_635 = arith.constant 0 : i32
      %lt3A_636 = vector.broadcast %lt3A_635 : i32 to vector<16xi32>
      %lt3A_637 = arith.cmpi slt, %broadcast_in_dim3A_634, %lt3A_636 : vector<16xi32>
      %add3A_638 = arith.constant 16 : i32
      %add3A_639 = vector.broadcast %add3A_638 : i32 to vector<16xi32>
      %add3A_640 = arith.addi %broadcast_in_dim3A_634, %add3A_639 : vector<16xi32>
      %select_n3A_641 = arith.select %lt3A_637, %add3A_640, %broadcast_in_dim3A_634 : vector<16xi1>, vector<16xi32>
      %broadcast_in_dim3A_642 = vector.shape_cast %select_n3A_641 : vector<16xi32> to vector<16x1xi32>
      %gather3A_643 = vector.shape_cast %broadcast_in_dim3A_642 : vector<16x1xi32> to vector<16xi32>
      %gather3A_644 = tpu.dynamic_gather %get3A_464[%gather3A_643] in [0] : vector<16xf32>, vector<16xi32> -> vector<16xf32>
      %broadcast_in_dim3A_645 = arith.constant 15 : i32
      %broadcast_in_dim3A_646 = vector.broadcast %broadcast_in_dim3A_645 : i32 to vector<16xi32>
      %lt3A_647 = arith.constant 0 : i32
      %lt3A_648 = vector.broadcast %lt3A_647 : i32 to vector<16xi32>
      %lt3A_649 = arith.cmpi slt, %broadcast_in_dim3A_646, %lt3A_648 : vector<16xi32>
      %add3A_650 = arith.constant 16 : i32
      %add3A_651 = vector.broadcast %add3A_650 : i32 to vector<16xi32>
      %add3A_652 = arith.addi %broadcast_in_dim3A_646, %add3A_651 : vector<16xi32>
      %select_n3A_653 = arith.select %lt3A_649, %add3A_652, %broadcast_in_dim3A_646 : vector<16xi1>, vector<16xi32>
      %broadcast_in_dim3A_654 = vector.shape_cast %select_n3A_653 : vector<16xi32> to vector<16x1xi32>
      %gather3A_655 = vector.shape_cast %broadcast_in_dim3A_654 : vector<16x1xi32> to vector<16xi32>
      %gather3A_656 = tpu.dynamic_gather %get3A_464[%gather3A_655] in [0] : vector<16xf32>, vector<16xi32> -> vector<16xf32>
      %scan3A_657 = arith.constant 0 : i32
      %scan3A_658 = arith.constant 0 : i32
      %scan3A_659 = arith.constant 64 : i32
      %scan3A_660 = arith.addi %scan3A_658, %scan3A_659 : i32
      %scan3A_661 = arith.constant 1 : i32
      %scan3A_662 = scf.for %scan3A_875 = %scan3A_658 to %scan3A_660 step %scan3A_661 iter_args(%scan3A_876 = %scan3A_657) -> (i32)  : i32 {
        %mul3A_877 = arith.constant 16 : i32
        %mul3A_878 = arith.muli %scan3A_875, %mul3A_877 : i32
        %get3A_879 = arith.constant 0 : i32
        %get3A_880 = arith.index_cast %get3A_879 : i32 to index
        %get3A_881 = arith.index_cast %mul3A_878 : i32 to index
        %get3A_882 = tpu.vector_load %arg9[%get3A_880, %get3A_881] {strides = array<i32>} : memref<32x1024xf32, #tpu.memory_space<vmem>>, vector<1x16xf32>,
        %get3A_883 = vector.shape_cast %get3A_882 : vector<1x16xf32> to vector<16xf32>
        %mul3A_884 = arith.mulf %gather3A_476, %get3A_883 : vector<16xf32>
        %get3A_885 = arith.constant 1 : i32
        %get3A_886 = arith.index_cast %get3A_885 : i32 to index
        %get3A_887 = arith.index_cast %mul3A_878 : i32 to index
        %get3A_888 = tpu.vector_load %arg9[%get3A_886, %get3A_887] {strides = array<i32>} : memref<32x1024xf32, #tpu.memory_space<vmem>>, vector<1x16xf32>,
        %get3A_889 = vector.shape_cast %get3A_888 : vector<1x16xf32> to vector<16xf32>
        %mul3A_890 = arith.mulf %gather3A_488, %get3A_889 : vector<16xf32>
        %add3A_891 = arith.addf %mul3A_884, %mul3A_890 : vector<16xf32>
        %get3A_892 = arith.constant 2 : i32
        %get3A_893 = arith.index_cast %get3A_892 : i32 to index
        %get3A_894 = arith.index_cast %mul3A_878 : i32 to index
        %get3A_895 = tpu.vector_load %arg9[%get3A_893, %get3A_894] {strides = array<i32>} : memref<32x1024xf32, #tpu.memory_space<vmem>>, vector<1x16xf32>,
        %get3A_896 = vector.shape_cast %get3A_895 : vector<1x16xf32> to vector<16xf32>
        %mul3A_897 = arith.mulf %gather3A_500, %get3A_896 : vector<16xf32>
        %add3A_898 = arith.addf %add3A_891, %mul3A_897 : vector<16xf32>
        %get3A_899 = arith.constant 3 : i32
        %get3A_900 = arith.index_cast %get3A_899 : i32 to index
        %get3A_901 = arith.index_cast %mul3A_878 : i32 to index
        %get3A_902 = tpu.vector_load %arg9[%get3A_900, %get3A_901] {strides = array<i32>} : memref<32x1024xf32, #tpu.memory_space<vmem>>, vector<1x16xf32>,
        %get3A_903 = vector.shape_cast %get3A_902 : vector<1x16xf32> to vector<16xf32>
        %mul3A_904 = arith.mulf %gather3A_512, %get3A_903 : vector<16xf32>
        %add3A_905 = arith.addf %add3A_898, %mul3A_904 : vector<16xf32>
        %get3A_906 = arith.constant 4 : i32
        %get3A_907 = arith.index_cast %get3A_906 : i32 to index
        %get3A_908 = arith.index_cast %mul3A_878 : i32 to index
        %get3A_909 = tpu.vector_load %arg9[%get3A_907, %get3A_908] {strides = array<i32>} : memref<32x1024xf32, #tpu.memory_space<vmem>>, vector<1x16xf32>,
        %get3A_910 = vector.shape_cast %get3A_909 : vector<1x16xf32> to vector<16xf32>
        %mul3A_911 = arith.mulf %gather3A_524, %get3A_910 : vector<16xf32>
        %add3A_912 = arith.addf %add3A_905, %mul3A_911 : vector<16xf32>
        %get3A_913 = arith.constant 5 : i32
        %get3A_914 = arith.index_cast %get3A_913 : i32 to index
        %get3A_915 = arith.index_cast %mul3A_878 : i32 to index
        %get3A_916 = tpu.vector_load %arg9[%get3A_914, %get3A_915] {strides = array<i32>} : memref<32x1024xf32, #tpu.memory_space<vmem>>, vector<1x16xf32>,
        %get3A_917 = vector.shape_cast %get3A_916 : vector<1x16xf32> to vector<16xf32>
        %mul3A_918 = arith.mulf %gather3A_536, %get3A_917 : vector<16xf32>
        %add3A_919 = arith.addf %add3A_912, %mul3A_918 : vector<16xf32>
        %get3A_920 = arith.constant 6 : i32
        %get3A_921 = arith.index_cast %get3A_920 : i32 to index
        %get3A_922 = arith.index_cast %mul3A_878 : i32 to index
        %get3A_923 = tpu.vector_load %arg9[%get3A_921, %get3A_922] {strides = array<i32>} : memref<32x1024xf32, #tpu.memory_space<vmem>>, vector<1x16xf32>,
        %get3A_924 = vector.shape_cast %get3A_923 : vector<1x16xf32> to vector<16xf32>
        %mul3A_925 = arith.mulf %gather3A_548, %get3A_924 : vector<16xf32>
        %add3A_926 = arith.addf %add3A_919, %mul3A_925 : vector<16xf32>
        %get3A_927 = arith.constant 7 : i32
        %get3A_928 = arith.index_cast %get3A_927 : i32 to index
        %get3A_929 = arith.index_cast %mul3A_878 : i32 to index
        %get3A_930 = tpu.vector_load %arg9[%get3A_928, %get3A_929] {strides = array<i32>} : memref<32x1024xf32, #tpu.memory_space<vmem>>, vector<1x16xf32>,
        %get3A_931 = vector.shape_cast %get3A_930 : vector<1x16xf32> to vector<16xf32>
        %mul3A_932 = arith.mulf %gather3A_560, %get3A_931 : vector<16xf32>
        %add3A_933 = arith.addf %add3A_926, %mul3A_932 : vector<16xf32>
        %get3A_934 = arith.constant 8 : i32
        %get3A_935 = arith.index_cast %get3A_934 : i32 to index
        %get3A_936 = arith.index_cast %mul3A_878 : i32 to index
        %get3A_937 = tpu.vector_load %arg9[%get3A_935, %get3A_936] {strides = array<i32>} : memref<32x1024xf32, #tpu.memory_space<vmem>>, vector<1x16xf32>,
        %get3A_938 = vector.shape_cast %get3A_937 : vector<1x16xf32> to vector<16xf32>
        %mul3A_939 = arith.mulf %gather3A_572, %get3A_938 : vector<16xf32>
        %add3A_940 = arith.addf %add3A_933, %mul3A_939 : vector<16xf32>
        %get3A_941 = arith.constant 9 : i32
        %get3A_942 = arith.index_cast %get3A_941 : i32 to index
        %get3A_943 = arith.index_cast %mul3A_878 : i32 to index
        %get3A_944 = tpu.vector_load %arg9[%get3A_942, %get3A_943] {strides = array<i32>} : memref<32x1024xf32, #tpu.memory_space<vmem>>, vector<1x16xf32>,
        %get3A_945 = vector.shape_cast %get3A_944 : vector<1x16xf32> to vector<16xf32>
        %mul3A_946 = arith.mulf %gather3A_584, %get3A_945 : vector<16xf32>
        %add3A_947 = arith.addf %add3A_940, %mul3A_946 : vector<16xf32>
        %get3A_948 = arith.constant 10 : i32
        %get3A_949 = arith.index_cast %get3A_948 : i32 to index
        %get3A_950 = arith.index_cast %mul3A_878 : i32 to index
        %get3A_951 = tpu.vector_load %arg9[%get3A_949, %get3A_950] {strides = array<i32>} : memref<32x1024xf32, #tpu.memory_space<vmem>>, vector<1x16xf32>,
        %get3A_952 = vector.shape_cast %get3A_951 : vector<1x16xf32> to vector<16xf32>
        %mul3A_953 = arith.mulf %gather3A_596, %get3A_952 : vector<16xf32>
        %add3A_954 = arith.addf %add3A_947, %mul3A_953 : vector<16xf32>
        %get3A_955 = arith.constant 11 : i32
        %get3A_956 = arith.index_cast %get3A_955 : i32 to index
        %get3A_957 = arith.index_cast %mul3A_878 : i32 to index
        %get3A_958 = tpu.vector_load %arg9[%get3A_956, %get3A_957] {strides = array<i32>} : memref<32x1024xf32, #tpu.memory_space<vmem>>, vector<1x16xf32>,
        %get3A_959 = vector.shape_cast %get3A_958 : vector<1x16xf32> to vector<16xf32>
        %mul3A_960 = arith.mulf %gather3A_608, %get3A_959 : vector<16xf32>
        %add3A_961 = arith.addf %add3A_954, %mul3A_960 : vector<16xf32>
        %get3A_962 = arith.constant 12 : i32
        %get3A_963 = arith.index_cast %get3A_962 : i32 to index
        %get3A_964 = arith.index_cast %mul3A_878 : i32 to index
        %get3A_965 = tpu.vector_load %arg9[%get3A_963, %get3A_964] {strides = array<i32>} : memref<32x1024xf32, #tpu.memory_space<vmem>>, vector<1x16xf32>,
        %get3A_966 = vector.shape_cast %get3A_965 : vector<1x16xf32> to vector<16xf32>
        %mul3A_967 = arith.mulf %gather3A_620, %get3A_966 : vector<16xf32>
        %add3A_968 = arith.addf %add3A_961, %mul3A_967 : vector<16xf32>
        %get3A_969 = arith.constant 13 : i32
        %get3A_970 = arith.index_cast %get3A_969 : i32 to index
        %get3A_971 = arith.index_cast %mul3A_878 : i32 to index
        %get3A_972 = tpu.vector_load %arg9[%get3A_970, %get3A_971] {strides = array<i32>} : memref<32x1024xf32, #tpu.memory_space<vmem>>, vector<1x16xf32>,
        %get3A_973 = vector.shape_cast %get3A_972 : vector<1x16xf32> to vector<16xf32>
        %mul3A_974 = arith.mulf %gather3A_632, %get3A_973 : vector<16xf32>
        %add3A_975 = arith.addf %add3A_968, %mul3A_974 : vector<16xf32>
        %get3A_976 = arith.constant 14 : i32
        %get3A_977 = arith.index_cast %get3A_976 : i32 to index
        %get3A_978 = arith.index_cast %mul3A_878 : i32 to index
        %get3A_979 = tpu.vector_load %arg9[%get3A_977, %get3A_978] {strides = array<i32>} : memref<32x1024xf32, #tpu.memory_space<vmem>>, vector<1x16xf32>,
        %get3A_980 = vector.shape_cast %get3A_979 : vector<1x16xf32> to vector<16xf32>
        %mul3A_981 = arith.mulf %gather3A_644, %get3A_980 : vector<16xf32>
        %add3A_982 = arith.addf %add3A_975, %mul3A_981 : vector<16xf32>
        %get3A_983 = arith.constant 15 : i32
        %get3A_984 = arith.index_cast %get3A_983 : i32 to index
        %get3A_985 = arith.index_cast %mul3A_878 : i32 to index
        %get3A_986 = tpu.vector_load %arg9[%get3A_984, %get3A_985] {strides = array<i32>} : memref<32x1024xf32, #tpu.memory_space<vmem>>, vector<1x16xf32>,
        %get3A_987 = vector.shape_cast %get3A_986 : vector<1x16xf32> to vector<16xf32>
        %mul3A_988 = arith.mulf %gather3A_656, %get3A_987 : vector<16xf32>
        %add3A_989 = arith.addf %add3A_982, %mul3A_988 : vector<16xf32>
        %swap3A = arith.index_cast %mul3A_878 : i32 to index
        %swap3A_990 = tpu.vector_load %arg10[%swap3A] {strides = array<i32>} : memref<1024xf32, #tpu.memory_space<vmem>>, vector<16xf32>,
        %swap3A_991 = vector.shape_cast %swap3A_990 : vector<16xf32> to vector<16xf32>
        %swap3A_992 = vector.shape_cast %add3A_989 : vector<16xf32> to vector<16xf32>
        tpu.vector_store %arg10[%swap3A], %swap3A_992 {strides = array<i32>} : memref<1024xf32, #tpu.memory_space<vmem>>, vector<16xf32>,
        %scan3A_993 = arith.constant 0 : i32
        scf.yield %scan3A_993 : i32
      }
      %scan3A_663 = arith.constant 64 : i32
      %add3A_664 = arith.addi %mul3A_4, %add3A_459 : i32
      "tpu.region"() ({
        %run_scoped3A = tpu.sem_alloc : memref<!tpu.dma_semaphore, #tpu.memory_space<semaphore_mem>>
        %dma_start3A_875 = arith.constant 0 : i32
        %dma_start3A_876 = tpu.memref_slice %arg5[%add3A_664, %dma_start3A_875] : memref<2048x1024xf32, #tpu.memory_space<hbm>> -> memref<1x1024xf32, #tpu.memory_space<hbm>>
        %dma_start3A_877 = tpu.memref_squeeze %dma_start3A_876 : memref<1x1024xf32, #tpu.memory_space<hbm>> -> memref<1024xf32, #tpu.memory_space<hbm>>
        %dma_start3A_878 = arith.constant 0 : i32
        %dma_start3A_879 = tpu.memref_slice %arg5[%add3A_664, %dma_start3A_878] : memref<2048x1024xf32, #tpu.memory_space<hbm>> -> memref<1x1024xf32, #tpu.memory_space<hbm>>
        %dma_start3A_880 = tpu.memref_squeeze %dma_start3A_879 : memref<1x1024xf32, #tpu.memory_space<hbm>> -> memref<1024xf32, #tpu.memory_space<hbm>>
        tpu.enqueue_dma source(%arg10 : memref<1024xf32, #tpu.memory_space<vmem>>) target(%dma_start3A_880 : memref<1024xf32, #tpu.memory_space<hbm>>) target_semaphore(%run_scoped3A : memref<!tpu.dma_semaphore, #tpu.memory_space<semaphore_mem>>)
        %dma_wait3A_881 = arith.constant 0 : i32
        %dma_wait3A_882 = tpu.memref_slice %arg5[%add3A_664, %dma_wait3A_881] : memref<2048x1024xf32, #tpu.memory_space<hbm>> -> memref<1x1024xf32, #tpu.memory_space<hbm>>
        %dma_wait3A_883 = tpu.memref_squeeze %dma_wait3A_882 : memref<1x1024xf32, #tpu.memory_space<hbm>> -> memref<1024xf32, #tpu.memory_space<hbm>>
        %dma_wait3A_884 = arith.constant 0 : i32
        %dma_wait3A_885 = tpu.memref_slice %arg5[%add3A_664, %dma_wait3A_884] : memref<2048x1024xf32, #tpu.memory_space<hbm>> -> memref<1x1024xf32, #tpu.memory_space<hbm>>
        %dma_wait3A_886 = tpu.memref_squeeze %dma_wait3A_885 : memref<1x1024xf32, #tpu.memory_space<hbm>> -> memref<1024xf32, #tpu.memory_space<hbm>>
        tpu.wait_dma2 semaphore(%run_scoped3A : memref<!tpu.dma_semaphore, #tpu.memory_space<semaphore_mem>>) src(%arg10 : memref<1024xf32, #tpu.memory_space<vmem>>) dst(%dma_wait3A_886 : memref<1024xf32, #tpu.memory_space<hbm>>)
        tpu.yield
      }) : () -> ()
      %mul3A_665 = arith.constant 2 : i32
      %mul3A_666 = arith.muli %add3A_20, %mul3A_665 : i32
      %add3A_667 = arith.constant 1 : i32
      %add3A_668 = arith.addi %mul3A_666, %add3A_667 : i32
      %mul3A_669 = arith.constant 16 : i32
      %mul3A_670 = arith.muli %add3A_668, %mul3A_669 : i32
      %get3A_671 = arith.index_cast %mul3A_670 : i32 to index
      %get3A_672 = tpu.vector_load %arg7[%get3A_671] {strides = array<i32>} : memref<1024xf32, #tpu.memory_space<vmem>>, vector<16xf32>,
      %get3A_673 = vector.shape_cast %get3A_672 : vector<16xf32> to vector<16xf32>
      %broadcast_in_dim3A_674 = arith.constant 0 : i32
      %broadcast_in_dim3A_675 = vector.broadcast %broadcast_in_dim3A_674 : i32 to vector<16xi32>
      %lt3A_676 = arith.constant 0 : i32
      %lt3A_677 = vector.broadcast %lt3A_676 : i32 to vector<16xi32>
      %lt3A_678 = arith.cmpi slt, %broadcast_in_dim3A_675, %lt3A_677 : vector<16xi32>
      %add3A_679 = arith.constant 16 : i32
      %add3A_680 = vector.broadcast %add3A_679 : i32 to vector<16xi32>
      %add3A_681 = arith.addi %broadcast_in_dim3A_675, %add3A_680 : vector<16xi32>
      %select_n3A_682 = arith.select %lt3A_678, %add3A_681, %broadcast_in_dim3A_675 : vector<16xi1>, vector<16xi32>
      %broadcast_in_dim3A_683 = vector.shape_cast %select_n3A_682 : vector<16xi32> to vector<16x1xi32>
      %gather3A_684 = vector.shape_cast %broadcast_in_dim3A_683 : vector<16x1xi32> to vector<16xi32>
      %gather3A_685 = tpu.dynamic_gather %get3A_673[%gather3A_684] in [0] : vector<16xf32>, vector<16xi32> -> vector<16xf32>
      %broadcast_in_dim3A_686 = arith.constant 1 : i32
      %broadcast_in_dim3A_687 = vector.broadcast %broadcast_in_dim3A_686 : i32 to vector<16xi32>
      %lt3A_688 = arith.constant 0 : i32
      %lt3A_689 = vector.broadcast %lt3A_688 : i32 to vector<16xi32>
      %lt3A_690 = arith.cmpi slt, %broadcast_in_dim3A_687, %lt3A_689 : vector<16xi32>
      %add3A_691 = arith.constant 16 : i32
      %add3A_692 = vector.broadcast %add3A_691 : i32 to vector<16xi32>
      %add3A_693 = arith.addi %broadcast_in_dim3A_687, %add3A_692 : vector<16xi32>
      %select_n3A_694 = arith.select %lt3A_690, %add3A_693, %broadcast_in_dim3A_687 : vector<16xi1>, vector<16xi32>
      %broadcast_in_dim3A_695 = vector.shape_cast %select_n3A_694 : vector<16xi32> to vector<16x1xi32>
      %gather3A_696 = vector.shape_cast %broadcast_in_dim3A_695 : vector<16x1xi32> to vector<16xi32>
      %gather3A_697 = tpu.dynamic_gather %get3A_673[%gather3A_696] in [0] : vector<16xf32>, vector<16xi32> -> vector<16xf32>
      %broadcast_in_dim3A_698 = arith.constant 2 : i32
      %broadcast_in_dim3A_699 = vector.broadcast %broadcast_in_dim3A_698 : i32 to vector<16xi32>
      %lt3A_700 = arith.constant 0 : i32
      %lt3A_701 = vector.broadcast %lt3A_700 : i32 to vector<16xi32>
      %lt3A_702 = arith.cmpi slt, %broadcast_in_dim3A_699, %lt3A_701 : vector<16xi32>
      %add3A_703 = arith.constant 16 : i32
      %add3A_704 = vector.broadcast %add3A_703 : i32 to vector<16xi32>
      %add3A_705 = arith.addi %broadcast_in_dim3A_699, %add3A_704 : vector<16xi32>
      %select_n3A_706 = arith.select %lt3A_702, %add3A_705, %broadcast_in_dim3A_699 : vector<16xi1>, vector<16xi32>
      %broadcast_in_dim3A_707 = vector.shape_cast %select_n3A_706 : vector<16xi32> to vector<16x1xi32>
      %gather3A_708 = vector.shape_cast %broadcast_in_dim3A_707 : vector<16x1xi32> to vector<16xi32>
      %gather3A_709 = tpu.dynamic_gather %get3A_673[%gather3A_708] in [0] : vector<16xf32>, vector<16xi32> -> vector<16xf32>
      %broadcast_in_dim3A_710 = arith.constant 3 : i32
      %broadcast_in_dim3A_711 = vector.broadcast %broadcast_in_dim3A_710 : i32 to vector<16xi32>
      %lt3A_712 = arith.constant 0 : i32
      %lt3A_713 = vector.broadcast %lt3A_712 : i32 to vector<16xi32>
      %lt3A_714 = arith.cmpi slt, %broadcast_in_dim3A_711, %lt3A_713 : vector<16xi32>
      %add3A_715 = arith.constant 16 : i32
      %add3A_716 = vector.broadcast %add3A_715 : i32 to vector<16xi32>
      %add3A_717 = arith.addi %broadcast_in_dim3A_711, %add3A_716 : vector<16xi32>
      %select_n3A_718 = arith.select %lt3A_714, %add3A_717, %broadcast_in_dim3A_711 : vector<16xi1>, vector<16xi32>
      %broadcast_in_dim3A_719 = vector.shape_cast %select_n3A_718 : vector<16xi32> to vector<16x1xi32>
      %gather3A_720 = vector.shape_cast %broadcast_in_dim3A_719 : vector<16x1xi32> to vector<16xi32>
      %gather3A_721 = tpu.dynamic_gather %get3A_673[%gather3A_720] in [0] : vector<16xf32>, vector<16xi32> -> vector<16xf32>
      %broadcast_in_dim3A_722 = arith.constant 4 : i32
      %broadcast_in_dim3A_723 = vector.broadcast %broadcast_in_dim3A_722 : i32 to vector<16xi32>
      %lt3A_724 = arith.constant 0 : i32
      %lt3A_725 = vector.broadcast %lt3A_724 : i32 to vector<16xi32>
      %lt3A_726 = arith.cmpi slt, %broadcast_in_dim3A_723, %lt3A_725 : vector<16xi32>
      %add3A_727 = arith.constant 16 : i32
      %add3A_728 = vector.broadcast %add3A_727 : i32 to vector<16xi32>
      %add3A_729 = arith.addi %broadcast_in_dim3A_723, %add3A_728 : vector<16xi32>
      %select_n3A_730 = arith.select %lt3A_726, %add3A_729, %broadcast_in_dim3A_723 : vector<16xi1>, vector<16xi32>
      %broadcast_in_dim3A_731 = vector.shape_cast %select_n3A_730 : vector<16xi32> to vector<16x1xi32>
      %gather3A_732 = vector.shape_cast %broadcast_in_dim3A_731 : vector<16x1xi32> to vector<16xi32>
      %gather3A_733 = tpu.dynamic_gather %get3A_673[%gather3A_732] in [0] : vector<16xf32>, vector<16xi32> -> vector<16xf32>
      %broadcast_in_dim3A_734 = arith.constant 5 : i32
      %broadcast_in_dim3A_735 = vector.broadcast %broadcast_in_dim3A_734 : i32 to vector<16xi32>
      %lt3A_736 = arith.constant 0 : i32
      %lt3A_737 = vector.broadcast %lt3A_736 : i32 to vector<16xi32>
      %lt3A_738 = arith.cmpi slt, %broadcast_in_dim3A_735, %lt3A_737 : vector<16xi32>
      %add3A_739 = arith.constant 16 : i32
      %add3A_740 = vector.broadcast %add3A_739 : i32 to vector<16xi32>
      %add3A_741 = arith.addi %broadcast_in_dim3A_735, %add3A_740 : vector<16xi32>
      %select_n3A_742 = arith.select %lt3A_738, %add3A_741, %broadcast_in_dim3A_735 : vector<16xi1>, vector<16xi32>
      %broadcast_in_dim3A_743 = vector.shape_cast %select_n3A_742 : vector<16xi32> to vector<16x1xi32>
      %gather3A_744 = vector.shape_cast %broadcast_in_dim3A_743 : vector<16x1xi32> to vector<16xi32>
      %gather3A_745 = tpu.dynamic_gather %get3A_673[%gather3A_744] in [0] : vector<16xf32>, vector<16xi32> -> vector<16xf32>
      %broadcast_in_dim3A_746 = arith.constant 6 : i32
      %broadcast_in_dim3A_747 = vector.broadcast %broadcast_in_dim3A_746 : i32 to vector<16xi32>
      %lt3A_748 = arith.constant 0 : i32
      %lt3A_749 = vector.broadcast %lt3A_748 : i32 to vector<16xi32>
      %lt3A_750 = arith.cmpi slt, %broadcast_in_dim3A_747, %lt3A_749 : vector<16xi32>
      %add3A_751 = arith.constant 16 : i32
      %add3A_752 = vector.broadcast %add3A_751 : i32 to vector<16xi32>
      %add3A_753 = arith.addi %broadcast_in_dim3A_747, %add3A_752 : vector<16xi32>
      %select_n3A_754 = arith.select %lt3A_750, %add3A_753, %broadcast_in_dim3A_747 : vector<16xi1>, vector<16xi32>
      %broadcast_in_dim3A_755 = vector.shape_cast %select_n3A_754 : vector<16xi32> to vector<16x1xi32>
      %gather3A_756 = vector.shape_cast %broadcast_in_dim3A_755 : vector<16x1xi32> to vector<16xi32>
      %gather3A_757 = tpu.dynamic_gather %get3A_673[%gather3A_756] in [0] : vector<16xf32>, vector<16xi32> -> vector<16xf32>
      %broadcast_in_dim3A_758 = arith.constant 7 : i32
      %broadcast_in_dim3A_759 = vector.broadcast %broadcast_in_dim3A_758 : i32 to vector<16xi32>
      %lt3A_760 = arith.constant 0 : i32
      %lt3A_761 = vector.broadcast %lt3A_760 : i32 to vector<16xi32>
      %lt3A_762 = arith.cmpi slt, %broadcast_in_dim3A_759, %lt3A_761 : vector<16xi32>
      %add3A_763 = arith.constant 16 : i32
      %add3A_764 = vector.broadcast %add3A_763 : i32 to vector<16xi32>
      %add3A_765 = arith.addi %broadcast_in_dim3A_759, %add3A_764 : vector<16xi32>
      %select_n3A_766 = arith.select %lt3A_762, %add3A_765, %broadcast_in_dim3A_759 : vector<16xi1>, vector<16xi32>
      %broadcast_in_dim3A_767 = vector.shape_cast %select_n3A_766 : vector<16xi32> to vector<16x1xi32>
      %gather3A_768 = vector.shape_cast %broadcast_in_dim3A_767 : vector<16x1xi32> to vector<16xi32>
      %gather3A_769 = tpu.dynamic_gather %get3A_673[%gather3A_768] in [0] : vector<16xf32>, vector<16xi32> -> vector<16xf32>
      %broadcast_in_dim3A_770 = arith.constant 8 : i32
      %broadcast_in_dim3A_771 = vector.broadcast %broadcast_in_dim3A_770 : i32 to vector<16xi32>
      %lt3A_772 = arith.constant 0 : i32
      %lt3A_773 = vector.broadcast %lt3A_772 : i32 to vector<16xi32>
      %lt3A_774 = arith.cmpi slt, %broadcast_in_dim3A_771, %lt3A_773 : vector<16xi32>
      %add3A_775 = arith.constant 16 : i32
      %add3A_776 = vector.broadcast %add3A_775 : i32 to vector<16xi32>
      %add3A_777 = arith.addi %broadcast_in_dim3A_771, %add3A_776 : vector<16xi32>
      %select_n3A_778 = arith.select %lt3A_774, %add3A_777, %broadcast_in_dim3A_771 : vector<16xi1>, vector<16xi32>
      %broadcast_in_dim3A_779 = vector.shape_cast %select_n3A_778 : vector<16xi32> to vector<16x1xi32>
      %gather3A_780 = vector.shape_cast %broadcast_in_dim3A_779 : vector<16x1xi32> to vector<16xi32>
      %gather3A_781 = tpu.dynamic_gather %get3A_673[%gather3A_780] in [0] : vector<16xf32>, vector<16xi32> -> vector<16xf32>
      %broadcast_in_dim3A_782 = arith.constant 9 : i32
      %broadcast_in_dim3A_783 = vector.broadcast %broadcast_in_dim3A_782 : i32 to vector<16xi32>
      %lt3A_784 = arith.constant 0 : i32
      %lt3A_785 = vector.broadcast %lt3A_784 : i32 to vector<16xi32>
      %lt3A_786 = arith.cmpi slt, %broadcast_in_dim3A_783, %lt3A_785 : vector<16xi32>
      %add3A_787 = arith.constant 16 : i32
      %add3A_788 = vector.broadcast %add3A_787 : i32 to vector<16xi32>
      %add3A_789 = arith.addi %broadcast_in_dim3A_783, %add3A_788 : vector<16xi32>
      %select_n3A_790 = arith.select %lt3A_786, %add3A_789, %broadcast_in_dim3A_783 : vector<16xi1>, vector<16xi32>
      %broadcast_in_dim3A_791 = vector.shape_cast %select_n3A_790 : vector<16xi32> to vector<16x1xi32>
      %gather3A_792 = vector.shape_cast %broadcast_in_dim3A_791 : vector<16x1xi32> to vector<16xi32>
      %gather3A_793 = tpu.dynamic_gather %get3A_673[%gather3A_792] in [0] : vector<16xf32>, vector<16xi32> -> vector<16xf32>
      %broadcast_in_dim3A_794 = arith.constant 10 : i32
      %broadcast_in_dim3A_795 = vector.broadcast %broadcast_in_dim3A_794 : i32 to vector<16xi32>
      %lt3A_796 = arith.constant 0 : i32
      %lt3A_797 = vector.broadcast %lt3A_796 : i32 to vector<16xi32>
      %lt3A_798 = arith.cmpi slt, %broadcast_in_dim3A_795, %lt3A_797 : vector<16xi32>
      %add3A_799 = arith.constant 16 : i32
      %add3A_800 = vector.broadcast %add3A_799 : i32 to vector<16xi32>
      %add3A_801 = arith.addi %broadcast_in_dim3A_795, %add3A_800 : vector<16xi32>
      %select_n3A_802 = arith.select %lt3A_798, %add3A_801, %broadcast_in_dim3A_795 : vector<16xi1>, vector<16xi32>
      %broadcast_in_dim3A_803 = vector.shape_cast %select_n3A_802 : vector<16xi32> to vector<16x1xi32>
      %gather3A_804 = vector.shape_cast %broadcast_in_dim3A_803 : vector<16x1xi32> to vector<16xi32>
      %gather3A_805 = tpu.dynamic_gather %get3A_673[%gather3A_804] in [0] : vector<16xf32>, vector<16xi32> -> vector<16xf32>
      %broadcast_in_dim3A_806 = arith.constant 11 : i32
      %broadcast_in_dim3A_807 = vector.broadcast %broadcast_in_dim3A_806 : i32 to vector<16xi32>
      %lt3A_808 = arith.constant 0 : i32
      %lt3A_809 = vector.broadcast %lt3A_808 : i32 to vector<16xi32>
      %lt3A_810 = arith.cmpi slt, %broadcast_in_dim3A_807, %lt3A_809 : vector<16xi32>
      %add3A_811 = arith.constant 16 : i32
      %add3A_812 = vector.broadcast %add3A_811 : i32 to vector<16xi32>
      %add3A_813 = arith.addi %broadcast_in_dim3A_807, %add3A_812 : vector<16xi32>
      %select_n3A_814 = arith.select %lt3A_810, %add3A_813, %broadcast_in_dim3A_807 : vector<16xi1>, vector<16xi32>
      %broadcast_in_dim3A_815 = vector.shape_cast %select_n3A_814 : vector<16xi32> to vector<16x1xi32>
      %gather3A_816 = vector.shape_cast %broadcast_in_dim3A_815 : vector<16x1xi32> to vector<16xi32>
      %gather3A_817 = tpu.dynamic_gather %get3A_673[%gather3A_816] in [0] : vector<16xf32>, vector<16xi32> -> vector<16xf32>
      %broadcast_in_dim3A_818 = arith.constant 12 : i32
      %broadcast_in_dim3A_819 = vector.broadcast %broadcast_in_dim3A_818 : i32 to vector<16xi32>
      %lt3A_820 = arith.constant 0 : i32
      %lt3A_821 = vector.broadcast %lt3A_820 : i32 to vector<16xi32>
      %lt3A_822 = arith.cmpi slt, %broadcast_in_dim3A_819, %lt3A_821 : vector<16xi32>
      %add3A_823 = arith.constant 16 : i32
      %add3A_824 = vector.broadcast %add3A_823 : i32 to vector<16xi32>
      %add3A_825 = arith.addi %broadcast_in_dim3A_819, %add3A_824 : vector<16xi32>
      %select_n3A_826 = arith.select %lt3A_822, %add3A_825, %broadcast_in_dim3A_819 : vector<16xi1>, vector<16xi32>
      %broadcast_in_dim3A_827 = vector.shape_cast %select_n3A_826 : vector<16xi32> to vector<16x1xi32>
      %gather3A_828 = vector.shape_cast %broadcast_in_dim3A_827 : vector<16x1xi32> to vector<16xi32>
      %gather3A_829 = tpu.dynamic_gather %get3A_673[%gather3A_828] in [0] : vector<16xf32>, vector<16xi32> -> vector<16xf32>
      %broadcast_in_dim3A_830 = arith.constant 13 : i32
      %broadcast_in_dim3A_831 = vector.broadcast %broadcast_in_dim3A_830 : i32 to vector<16xi32>
      %lt3A_832 = arith.constant 0 : i32
      %lt3A_833 = vector.broadcast %lt3A_832 : i32 to vector<16xi32>
      %lt3A_834 = arith.cmpi slt, %broadcast_in_dim3A_831, %lt3A_833 : vector<16xi32>
      %add3A_835 = arith.constant 16 : i32
      %add3A_836 = vector.broadcast %add3A_835 : i32 to vector<16xi32>
      %add3A_837 = arith.addi %broadcast_in_dim3A_831, %add3A_836 : vector<16xi32>
      %select_n3A_838 = arith.select %lt3A_834, %add3A_837, %broadcast_in_dim3A_831 : vector<16xi1>, vector<16xi32>
      %broadcast_in_dim3A_839 = vector.shape_cast %select_n3A_838 : vector<16xi32> to vector<16x1xi32>
      %gather3A_840 = vector.shape_cast %broadcast_in_dim3A_839 : vector<16x1xi32> to vector<16xi32>
      %gather3A_841 = tpu.dynamic_gather %get3A_673[%gather3A_840] in [0] : vector<16xf32>, vector<16xi32> -> vector<16xf32>
      %broadcast_in_dim3A_842 = arith.constant 14 : i32
      %broadcast_in_dim3A_843 = vector.broadcast %broadcast_in_dim3A_842 : i32 to vector<16xi32>
      %lt3A_844 = arith.constant 0 : i32
      %lt3A_845 = vector.broadcast %lt3A_844 : i32 to vector<16xi32>
      %lt3A_846 = arith.cmpi slt, %broadcast_in_dim3A_843, %lt3A_845 : vector<16xi32>
      %add3A_847 = arith.constant 16 : i32
      %add3A_848 = vector.broadcast %add3A_847 : i32 to vector<16xi32>
      %add3A_849 = arith.addi %broadcast_in_dim3A_843, %add3A_848 : vector<16xi32>
      %select_n3A_850 = arith.select %lt3A_846, %add3A_849, %broadcast_in_dim3A_843 : vector<16xi1>, vector<16xi32>
      %broadcast_in_dim3A_851 = vector.shape_cast %select_n3A_850 : vector<16xi32> to vector<16x1xi32>
      %gather3A_852 = vector.shape_cast %broadcast_in_dim3A_851 : vector<16x1xi32> to vector<16xi32>
      %gather3A_853 = tpu.dynamic_gather %get3A_673[%gather3A_852] in [0] : vector<16xf32>, vector<16xi32> -> vector<16xf32>
      %broadcast_in_dim3A_854 = arith.constant 15 : i32
      %broadcast_in_dim3A_855 = vector.broadcast %broadcast_in_dim3A_854 : i32 to vector<16xi32>
      %lt3A_856 = arith.constant 0 : i32
      %lt3A_857 = vector.broadcast %lt3A_856 : i32 to vector<16xi32>
      %lt3A_858 = arith.cmpi slt, %broadcast_in_dim3A_855, %lt3A_857 : vector<16xi32>
      %add3A_859 = arith.constant 16 : i32
      %add3A_860 = vector.broadcast %add3A_859 : i32 to vector<16xi32>
      %add3A_861 = arith.addi %broadcast_in_dim3A_855, %add3A_860 : vector<16xi32>
      %select_n3A_862 = arith.select %lt3A_858, %add3A_861, %broadcast_in_dim3A_855 : vector<16xi1>, vector<16xi32>
      %broadcast_in_dim3A_863 = vector.shape_cast %select_n3A_862 : vector<16xi32> to vector<16x1xi32>
      %gather3A_864 = vector.shape_cast %broadcast_in_dim3A_863 : vector<16x1xi32> to vector<16xi32>
      %gather3A_865 = tpu.dynamic_gather %get3A_673[%gather3A_864] in [0] : vector<16xf32>, vector<16xi32> -> vector<16xf32>
      %scan3A_866 = arith.constant 0 : i32
      %scan3A_867 = arith.constant 0 : i32
      %scan3A_868 = arith.constant 64 : i32
      %scan3A_869 = arith.addi %scan3A_867, %scan3A_868 : i32
      %scan3A_870 = arith.constant 1 : i32
      %scan3A_871 = scf.for %scan3A_875 = %scan3A_867 to %scan3A_869 step %scan3A_870 iter_args(%scan3A_876 = %scan3A_866) -> (i32)  : i32 {
        %mul3A_877 = arith.constant 16 : i32
        %mul3A_878 = arith.muli %scan3A_875, %mul3A_877 : i32
        %get3A_879 = arith.constant 16 : i32
        %get3A_880 = arith.index_cast %get3A_879 : i32 to index
        %get3A_881 = arith.index_cast %mul3A_878 : i32 to index
        %get3A_882 = tpu.vector_load %arg9[%get3A_880, %get3A_881] {strides = array<i32>} : memref<32x1024xf32, #tpu.memory_space<vmem>>, vector<1x16xf32>,
        %get3A_883 = vector.shape_cast %get3A_882 : vector<1x16xf32> to vector<16xf32>
        %mul3A_884 = arith.mulf %gather3A_685, %get3A_883 : vector<16xf32>
        %get3A_885 = arith.constant 17 : i32
        %get3A_886 = arith.index_cast %get3A_885 : i32 to index
        %get3A_887 = arith.index_cast %mul3A_878 : i32 to index
        %get3A_888 = tpu.vector_load %arg9[%get3A_886, %get3A_887] {strides = array<i32>} : memref<32x1024xf32, #tpu.memory_space<vmem>>, vector<1x16xf32>,
        %get3A_889 = vector.shape_cast %get3A_888 : vector<1x16xf32> to vector<16xf32>
        %mul3A_890 = arith.mulf %gather3A_697, %get3A_889 : vector<16xf32>
        %add3A_891 = arith.addf %mul3A_884, %mul3A_890 : vector<16xf32>
        %get3A_892 = arith.constant 18 : i32
        %get3A_893 = arith.index_cast %get3A_892 : i32 to index
        %get3A_894 = arith.index_cast %mul3A_878 : i32 to index
        %get3A_895 = tpu.vector_load %arg9[%get3A_893, %get3A_894] {strides = array<i32>} : memref<32x1024xf32, #tpu.memory_space<vmem>>, vector<1x16xf32>,
        %get3A_896 = vector.shape_cast %get3A_895 : vector<1x16xf32> to vector<16xf32>
        %mul3A_897 = arith.mulf %gather3A_709, %get3A_896 : vector<16xf32>
        %add3A_898 = arith.addf %add3A_891, %mul3A_897 : vector<16xf32>
        %get3A_899 = arith.constant 19 : i32
        %get3A_900 = arith.index_cast %get3A_899 : i32 to index
        %get3A_901 = arith.index_cast %mul3A_878 : i32 to index
        %get3A_902 = tpu.vector_load %arg9[%get3A_900, %get3A_901] {strides = array<i32>} : memref<32x1024xf32, #tpu.memory_space<vmem>>, vector<1x16xf32>,
        %get3A_903 = vector.shape_cast %get3A_902 : vector<1x16xf32> to vector<16xf32>
        %mul3A_904 = arith.mulf %gather3A_721, %get3A_903 : vector<16xf32>
        %add3A_905 = arith.addf %add3A_898, %mul3A_904 : vector<16xf32>
        %get3A_906 = arith.constant 20 : i32
        %get3A_907 = arith.index_cast %get3A_906 : i32 to index
        %get3A_908 = arith.index_cast %mul3A_878 : i32 to index
        %get3A_909 = tpu.vector_load %arg9[%get3A_907, %get3A_908] {strides = array<i32>} : memref<32x1024xf32, #tpu.memory_space<vmem>>, vector<1x16xf32>,
        %get3A_910 = vector.shape_cast %get3A_909 : vector<1x16xf32> to vector<16xf32>
        %mul3A_911 = arith.mulf %gather3A_733, %get3A_910 : vector<16xf32>
        %add3A_912 = arith.addf %add3A_905, %mul3A_911 : vector<16xf32>
        %get3A_913 = arith.constant 21 : i32
        %get3A_914 = arith.index_cast %get3A_913 : i32 to index
        %get3A_915 = arith.index_cast %mul3A_878 : i32 to index
        %get3A_916 = tpu.vector_load %arg9[%get3A_914, %get3A_915] {strides = array<i32>} : memref<32x1024xf32, #tpu.memory_space<vmem>>, vector<1x16xf32>,
        %get3A_917 = vector.shape_cast %get3A_916 : vector<1x16xf32> to vector<16xf32>
        %mul3A_918 = arith.mulf %gather3A_745, %get3A_917 : vector<16xf32>
        %add3A_919 = arith.addf %add3A_912, %mul3A_918 : vector<16xf32>
        %get3A_920 = arith.constant 22 : i32
        %get3A_921 = arith.index_cast %get3A_920 : i32 to index
        %get3A_922 = arith.index_cast %mul3A_878 : i32 to index
        %get3A_923 = tpu.vector_load %arg9[%get3A_921, %get3A_922] {strides = array<i32>} : memref<32x1024xf32, #tpu.memory_space<vmem>>, vector<1x16xf32>,
        %get3A_924 = vector.shape_cast %get3A_923 : vector<1x16xf32> to vector<16xf32>
        %mul3A_925 = arith.mulf %gather3A_757, %get3A_924 : vector<16xf32>
        %add3A_926 = arith.addf %add3A_919, %mul3A_925 : vector<16xf32>
        %get3A_927 = arith.constant 23 : i32
        %get3A_928 = arith.index_cast %get3A_927 : i32 to index
        %get3A_929 = arith.index_cast %mul3A_878 : i32 to index
        %get3A_930 = tpu.vector_load %arg9[%get3A_928, %get3A_929] {strides = array<i32>} : memref<32x1024xf32, #tpu.memory_space<vmem>>, vector<1x16xf32>,
        %get3A_931 = vector.shape_cast %get3A_930 : vector<1x16xf32> to vector<16xf32>
        %mul3A_932 = arith.mulf %gather3A_769, %get3A_931 : vector<16xf32>
        %add3A_933 = arith.addf %add3A_926, %mul3A_932 : vector<16xf32>
        %get3A_934 = arith.constant 24 : i32
        %get3A_935 = arith.index_cast %get3A_934 : i32 to index
        %get3A_936 = arith.index_cast %mul3A_878 : i32 to index
        %get3A_937 = tpu.vector_load %arg9[%get3A_935, %get3A_936] {strides = array<i32>} : memref<32x1024xf32, #tpu.memory_space<vmem>>, vector<1x16xf32>,
        %get3A_938 = vector.shape_cast %get3A_937 : vector<1x16xf32> to vector<16xf32>
        %mul3A_939 = arith.mulf %gather3A_781, %get3A_938 : vector<16xf32>
        %add3A_940 = arith.addf %add3A_933, %mul3A_939 : vector<16xf32>
        %get3A_941 = arith.constant 25 : i32
        %get3A_942 = arith.index_cast %get3A_941 : i32 to index
        %get3A_943 = arith.index_cast %mul3A_878 : i32 to index
        %get3A_944 = tpu.vector_load %arg9[%get3A_942, %get3A_943] {strides = array<i32>} : memref<32x1024xf32, #tpu.memory_space<vmem>>, vector<1x16xf32>,
        %get3A_945 = vector.shape_cast %get3A_944 : vector<1x16xf32> to vector<16xf32>
        %mul3A_946 = arith.mulf %gather3A_793, %get3A_945 : vector<16xf32>
        %add3A_947 = arith.addf %add3A_940, %mul3A_946 : vector<16xf32>
        %get3A_948 = arith.constant 26 : i32
        %get3A_949 = arith.index_cast %get3A_948 : i32 to index
        %get3A_950 = arith.index_cast %mul3A_878 : i32 to index
        %get3A_951 = tpu.vector_load %arg9[%get3A_949, %get3A_950] {strides = array<i32>} : memref<32x1024xf32, #tpu.memory_space<vmem>>, vector<1x16xf32>,
        %get3A_952 = vector.shape_cast %get3A_951 : vector<1x16xf32> to vector<16xf32>
        %mul3A_953 = arith.mulf %gather3A_805, %get3A_952 : vector<16xf32>
        %add3A_954 = arith.addf %add3A_947, %mul3A_953 : vector<16xf32>
        %get3A_955 = arith.constant 27 : i32
        %get3A_956 = arith.index_cast %get3A_955 : i32 to index
        %get3A_957 = arith.index_cast %mul3A_878 : i32 to index
        %get3A_958 = tpu.vector_load %arg9[%get3A_956, %get3A_957] {strides = array<i32>} : memref<32x1024xf32, #tpu.memory_space<vmem>>, vector<1x16xf32>,
        %get3A_959 = vector.shape_cast %get3A_958 : vector<1x16xf32> to vector<16xf32>
        %mul3A_960 = arith.mulf %gather3A_817, %get3A_959 : vector<16xf32>
        %add3A_961 = arith.addf %add3A_954, %mul3A_960 : vector<16xf32>
        %get3A_962 = arith.constant 28 : i32
        %get3A_963 = arith.index_cast %get3A_962 : i32 to index
        %get3A_964 = arith.index_cast %mul3A_878 : i32 to index
        %get3A_965 = tpu.vector_load %arg9[%get3A_963, %get3A_964] {strides = array<i32>} : memref<32x1024xf32, #tpu.memory_space<vmem>>, vector<1x16xf32>,
        %get3A_966 = vector.shape_cast %get3A_965 : vector<1x16xf32> to vector<16xf32>
        %mul3A_967 = arith.mulf %gather3A_829, %get3A_966 : vector<16xf32>
        %add3A_968 = arith.addf %add3A_961, %mul3A_967 : vector<16xf32>
        %get3A_969 = arith.constant 29 : i32
        %get3A_970 = arith.index_cast %get3A_969 : i32 to index
        %get3A_971 = arith.index_cast %mul3A_878 : i32 to index
        %get3A_972 = tpu.vector_load %arg9[%get3A_970, %get3A_971] {strides = array<i32>} : memref<32x1024xf32, #tpu.memory_space<vmem>>, vector<1x16xf32>,
        %get3A_973 = vector.shape_cast %get3A_972 : vector<1x16xf32> to vector<16xf32>
        %mul3A_974 = arith.mulf %gather3A_841, %get3A_973 : vector<16xf32>
        %add3A_975 = arith.addf %add3A_968, %mul3A_974 : vector<16xf32>
        %get3A_976 = arith.constant 30 : i32
        %get3A_977 = arith.index_cast %get3A_976 : i32 to index
        %get3A_978 = arith.index_cast %mul3A_878 : i32 to index
        %get3A_979 = tpu.vector_load %arg9[%get3A_977, %get3A_978] {strides = array<i32>} : memref<32x1024xf32, #tpu.memory_space<vmem>>, vector<1x16xf32>,
        %get3A_980 = vector.shape_cast %get3A_979 : vector<1x16xf32> to vector<16xf32>
        %mul3A_981 = arith.mulf %gather3A_853, %get3A_980 : vector<16xf32>
        %add3A_982 = arith.addf %add3A_975, %mul3A_981 : vector<16xf32>
        %get3A_983 = arith.constant 31 : i32
        %get3A_984 = arith.index_cast %get3A_983 : i32 to index
        %get3A_985 = arith.index_cast %mul3A_878 : i32 to index
        %get3A_986 = tpu.vector_load %arg9[%get3A_984, %get3A_985] {strides = array<i32>} : memref<32x1024xf32, #tpu.memory_space<vmem>>, vector<1x16xf32>,
        %get3A_987 = vector.shape_cast %get3A_986 : vector<1x16xf32> to vector<16xf32>
        %mul3A_988 = arith.mulf %gather3A_865, %get3A_987 : vector<16xf32>
        %add3A_989 = arith.addf %add3A_982, %mul3A_988 : vector<16xf32>
        %swap3A = arith.index_cast %mul3A_878 : i32 to index
        %swap3A_990 = tpu.vector_load %arg10[%swap3A] {strides = array<i32>} : memref<1024xf32, #tpu.memory_space<vmem>>, vector<16xf32>,
        %swap3A_991 = vector.shape_cast %swap3A_990 : vector<16xf32> to vector<16xf32>
        %swap3A_992 = vector.shape_cast %add3A_989 : vector<16xf32> to vector<16xf32>
        tpu.vector_store %arg10[%swap3A], %swap3A_992 {strides = array<i32>} : memref<1024xf32, #tpu.memory_space<vmem>>, vector<16xf32>,
        %scan3A_993 = arith.constant 0 : i32
        scf.yield %scan3A_993 : i32
      }
      %scan3A_872 = arith.constant 64 : i32
      %add3A_873 = arith.addi %mul3A_4, %add3A_668 : i32
      "tpu.region"() ({
        %run_scoped3A = tpu.sem_alloc : memref<!tpu.dma_semaphore, #tpu.memory_space<semaphore_mem>>
        %dma_start3A_875 = arith.constant 0 : i32
        %dma_start3A_876 = tpu.memref_slice %arg5[%add3A_873, %dma_start3A_875] : memref<2048x1024xf32, #tpu.memory_space<hbm>> -> memref<1x1024xf32, #tpu.memory_space<hbm>>
        %dma_start3A_877 = tpu.memref_squeeze %dma_start3A_876 : memref<1x1024xf32, #tpu.memory_space<hbm>> -> memref<1024xf32, #tpu.memory_space<hbm>>
        %dma_start3A_878 = arith.constant 0 : i32
        %dma_start3A_879 = tpu.memref_slice %arg5[%add3A_873, %dma_start3A_878] : memref<2048x1024xf32, #tpu.memory_space<hbm>> -> memref<1x1024xf32, #tpu.memory_space<hbm>>
        %dma_start3A_880 = tpu.memref_squeeze %dma_start3A_879 : memref<1x1024xf32, #tpu.memory_space<hbm>> -> memref<1024xf32, #tpu.memory_space<hbm>>
        tpu.enqueue_dma source(%arg10 : memref<1024xf32, #tpu.memory_space<vmem>>) target(%dma_start3A_880 : memref<1024xf32, #tpu.memory_space<hbm>>) target_semaphore(%run_scoped3A : memref<!tpu.dma_semaphore, #tpu.memory_space<semaphore_mem>>)
        %dma_wait3A_881 = arith.constant 0 : i32
        %dma_wait3A_882 = tpu.memref_slice %arg5[%add3A_873, %dma_wait3A_881] : memref<2048x1024xf32, #tpu.memory_space<hbm>> -> memref<1x1024xf32, #tpu.memory_space<hbm>>
        %dma_wait3A_883 = tpu.memref_squeeze %dma_wait3A_882 : memref<1x1024xf32, #tpu.memory_space<hbm>> -> memref<1024xf32, #tpu.memory_space<hbm>>
        %dma_wait3A_884 = arith.constant 0 : i32
        %dma_wait3A_885 = tpu.memref_slice %arg5[%add3A_873, %dma_wait3A_884] : memref<2048x1024xf32, #tpu.memory_space<hbm>> -> memref<1x1024xf32, #tpu.memory_space<hbm>>
        %dma_wait3A_886 = tpu.memref_squeeze %dma_wait3A_885 : memref<1x1024xf32, #tpu.memory_space<hbm>> -> memref<1024xf32, #tpu.memory_space<hbm>>
        tpu.wait_dma2 semaphore(%run_scoped3A : memref<!tpu.dma_semaphore, #tpu.memory_space<semaphore_mem>>) src(%arg10 : memref<1024xf32, #tpu.memory_space<vmem>>) dst(%dma_wait3A_886 : memref<1024xf32, #tpu.memory_space<hbm>>)
        tpu.yield
      }) : () -> ()
      %scan3A_874 = arith.constant 0 : i32
      scf.yield %scan3A_874 : i32
    }
    %scan3A_14 = arith.constant 16 : i32
    return
  }
}

#map = affine_map<(d0, d1) -> (0, 0)>
#map1 = affine_map<(d0, d1) -> (0)>
module attributes {stable_mosaic.version = 14 : i64} {
  func.func @_sc_gather_body(%arg0: i32, %arg1: i32, %arg2: memref<4096x1024xf32, #tpu.memory_space<hbm>>, %arg3: memref<32768xi32, #tpu.memory_space<hbm>>, %arg4: memref<32768xf32, #tpu.memory_space<hbm>>, %arg5: memref<2048x1024xf32, #tpu.memory_space<hbm>>, %arg6: memref<1024xi32, #tpu.memory_space<vmem>>, %arg7: memref<1024xf32, #tpu.memory_space<vmem>>, %arg8: memref<32x1024xf32, #tpu.memory_space<vmem>>, %arg9: memref<32x1024xf32, #tpu.memory_space<vmem>>, %arg10: memref<1024xf32, #tpu.memory_space<vmem>>, %arg11: memref<!tpu.dma_semaphore, #tpu.memory_space<semaphore_mem>>, %arg12: memref<!tpu.dma_semaphore, #tpu.memory_space<semaphore_mem>>) attributes {dimension_semantics = [#tpu.dimension_semantics<core_parallel>, #tpu.dimension_semantics<subcore_parallel>], iteration_bounds = array<i64: 2, 16>, scalar_prefetch = 0 : i64, scratch_operands = 7 : i64, tpu.core_type = #tpu.core_type<sc_vector_subcore>, window_params = [{transform_indices = #map}, {transform_indices = #map1}, {transform_indices = #map1}, {transform_indices = #map}]} {
    %mul3A = arith.constant 2 : i32
    %mul3A_0 = arith.muli %arg1, %mul3A : i32
    %add3A = arith.addi %mul3A_0, %arg0 : i32
    %mul3A_1 = arith.constant 1024 : i32
    %mul3A_2 = arith.muli %add3A, %mul3A_1 : i32
    %mul3A_3 = arith.constant 64 : i32
    %mul3A_4 = arith.muli %add3A, %mul3A_3 : i32
    "tpu.region"() ({
      %run_scoped3A = tpu.sem_alloc : memref<!tpu.dma_semaphore, #tpu.memory_space<semaphore_mem>>
      %dma_start3A_15 = tpu.memref_slice %arg3[%mul3A_2] : memref<32768xi32, #tpu.memory_space<hbm>> -> memref<1024xi32, #tpu.memory_space<hbm>>
      %dma_start3A_16 = tpu.memref_slice %arg3[%mul3A_2] : memref<32768xi32, #tpu.memory_space<hbm>> -> memref<1024xi32, #tpu.memory_space<hbm>>
      tpu.enqueue_dma source(%dma_start3A_16 : memref<1024xi32, #tpu.memory_space<hbm>>) target(%arg6 : memref<1024xi32, #tpu.memory_space<vmem>>) target_semaphore(%run_scoped3A : memref<!tpu.dma_semaphore, #tpu.memory_space<semaphore_mem>>)
      %dma_wait3A = tpu.memref_slice %arg3[%mul3A_2] : memref<32768xi32, #tpu.memory_space<hbm>> -> memref<1024xi32, #tpu.memory_space<hbm>>
      %dma_wait3A_17 = tpu.memref_slice %arg3[%mul3A_2] : memref<32768xi32, #tpu.memory_space<hbm>> -> memref<1024xi32, #tpu.memory_space<hbm>>
      tpu.wait_dma2 semaphore(%run_scoped3A : memref<!tpu.dma_semaphore, #tpu.memory_space<semaphore_mem>>) src(%dma_wait3A_17 : memref<1024xi32, #tpu.memory_space<hbm>>) dst(%arg6 : memref<1024xi32, #tpu.memory_space<vmem>>)
      tpu.yield
    }) : () -> ()
    "tpu.region"() ({
      %run_scoped3A = tpu.sem_alloc : memref<!tpu.dma_semaphore, #tpu.memory_space<semaphore_mem>>
      %dma_start3A_15 = tpu.memref_slice %arg4[%mul3A_2] : memref<32768xf32, #tpu.memory_space<hbm>> -> memref<1024xf32, #tpu.memory_space<hbm>>
      %dma_start3A_16 = tpu.memref_slice %arg4[%mul3A_2] : memref<32768xf32, #tpu.memory_space<hbm>> -> memref<1024xf32, #tpu.memory_space<hbm>>
      tpu.enqueue_dma source(%dma_start3A_16 : memref<1024xf32, #tpu.memory_space<hbm>>) target(%arg7 : memref<1024xf32, #tpu.memory_space<vmem>>) target_semaphore(%run_scoped3A : memref<!tpu.dma_semaphore, #tpu.memory_space<semaphore_mem>>)
      %dma_wait3A = tpu.memref_slice %arg4[%mul3A_2] : memref<32768xf32, #tpu.memory_space<hbm>> -> memref<1024xf32, #tpu.memory_space<hbm>>
      %dma_wait3A_17 = tpu.memref_slice %arg4[%mul3A_2] : memref<32768xf32, #tpu.memory_space<hbm>> -> memref<1024xf32, #tpu.memory_space<hbm>>
      tpu.wait_dma2 semaphore(%run_scoped3A : memref<!tpu.dma_semaphore, #tpu.memory_space<semaphore_mem>>) src(%dma_wait3A_17 : memref<1024xf32, #tpu.memory_space<hbm>>) dst(%arg7 : memref<1024xf32, #tpu.memory_space<vmem>>)
      tpu.yield
    }) : () -> ()
    %dma_start3A = arith.constant 0 : i32
    %dma_start3A_5 = tpu.memref_slice %arg6[%dma_start3A] : memref<1024xi32, #tpu.memory_space<vmem>> -> memref<32xi32, #tpu.memory_space<vmem>>
    %dma_start3A_6 = arith.constant 0 : i32
    %dma_start3A_7 = arith.constant 0 : i32
    %dma_start3A_8 = tpu.memref_slice %arg2[%dma_start3A_6, %dma_start3A_7] : memref<4096x1024xf32, #tpu.memory_space<hbm>> -> memref<4096x1024xf32, #tpu.memory_space<hbm>>
    tpu.enqueue_indirect_dma source(%dma_start3A_8 : memref<4096x1024xf32, #tpu.memory_space<hbm>>) target(%arg8 : memref<32x1024xf32, #tpu.memory_space<vmem>>) offsets(%dma_start3A_5 : memref<32xi32, #tpu.memory_space<vmem>>) semaphore(%arg11 : memref<!tpu.dma_semaphore, #tpu.memory_space<semaphore_mem>>)
    %scan3A = arith.constant 0 : i32
    %scan3A_9 = arith.constant 0 : i32
    %scan3A_10 = arith.constant 16 : i32
    %scan3A_11 = arith.addi %scan3A_9, %scan3A_10 : i32
    %scan3A_12 = arith.constant 1 : i32
    %scan3A_13 = scf.for %scan3A_15 = %scan3A_9 to %scan3A_11 step %scan3A_12 iter_args(%scan3A_16 = %scan3A) -> (i32)  : i32 {
      %mul3A_17 = arith.constant 2 : i32
      %mul3A_18 = arith.muli %mul3A_17, %scan3A_15 : i32
      %add3A_19 = arith.constant 1 : i32
      %add3A_20 = arith.addi %mul3A_18, %add3A_19 : i32
      %mul3A_21 = arith.constant 32 : i32
      %mul3A_22 = arith.muli %add3A_20, %mul3A_21 : i32
      %dma_start3A_23 = tpu.memref_slice %arg6[%mul3A_22] : memref<1024xi32, #tpu.memory_space<vmem>> -> memref<32xi32, #tpu.memory_space<vmem>>
      %dma_start3A_24 = arith.constant 0 : i32
      %dma_start3A_25 = arith.constant 0 : i32
      %dma_start3A_26 = tpu.memref_slice %arg2[%dma_start3A_24, %dma_start3A_25] : memref<4096x1024xf32, #tpu.memory_space<hbm>> -> memref<4096x1024xf32, #tpu.memory_space<hbm>>
      tpu.enqueue_indirect_dma source(%dma_start3A_26 : memref<4096x1024xf32, #tpu.memory_space<hbm>>) target(%arg9 : memref<32x1024xf32, #tpu.memory_space<vmem>>) offsets(%dma_start3A_23 : memref<32xi32, #tpu.memory_space<vmem>>) semaphore(%arg12 : memref<!tpu.dma_semaphore, #tpu.memory_space<semaphore_mem>>)
      %dma_wait3A = arith.constant 0 : i32
      %dma_wait3A_27 = arith.constant 0 : i32
      %dma_wait3A_28 = tpu.memref_slice %arg2[%dma_wait3A, %dma_wait3A_27] : memref<4096x1024xf32, #tpu.memory_space<hbm>> -> memref<32x1024xf32, #tpu.memory_space<hbm>>
      %dma_wait3A_29 = arith.constant 0 : i32
      %dma_wait3A_30 = arith.constant 0 : i32
      %dma_wait3A_31 = tpu.memref_slice %arg2[%dma_wait3A_29, %dma_wait3A_30] : memref<4096x1024xf32, #tpu.memory_space<hbm>> -> memref<32x1024xf32, #tpu.memory_space<hbm>>
      tpu.wait_dma2 semaphore(%arg11 : memref<!tpu.dma_semaphore, #tpu.memory_space<semaphore_mem>>) src(%dma_wait3A_31 : memref<32x1024xf32, #tpu.memory_space<hbm>>) dst(%arg8 : memref<32x1024xf32, #tpu.memory_space<vmem>>)
      %mul3A_32 = arith.constant 2 : i32
      %mul3A_33 = arith.muli %mul3A_18, %mul3A_32 : i32
      %add3A_34 = arith.constant 0 : i32
      %add3A_35 = arith.addi %mul3A_33, %add3A_34 : i32
      %mul3A_36 = arith.constant 16 : i32
      %mul3A_37 = arith.muli %add3A_35, %mul3A_36 : i32
      %get3A = arith.index_cast %mul3A_37 : i32 to index
      %get3A_38 = tpu.vector_load %arg7[%get3A] {strides = array<i32>} : memref<1024xf32, #tpu.memory_space<vmem>>, vector<16xf32>,
      %get3A_39 = vector.shape_cast %get3A_38 : vector<16xf32> to vector<16xf32>
      %broadcast_in_dim3A = arith.constant 0 : i32
      %broadcast_in_dim3A_40 = vector.broadcast %broadcast_in_dim3A : i32 to vector<16xi32>
      %lt3A = arith.constant 0 : i32
      %lt3A_41 = vector.broadcast %lt3A : i32 to vector<16xi32>
      %lt3A_42 = arith.cmpi slt, %broadcast_in_dim3A_40, %lt3A_41 : vector<16xi32>
      %add3A_43 = arith.constant 16 : i32
      %add3A_44 = vector.broadcast %add3A_43 : i32 to vector<16xi32>
      %add3A_45 = arith.addi %broadcast_in_dim3A_40, %add3A_44 : vector<16xi32>
      %select_n3A = arith.select %lt3A_42, %add3A_45, %broadcast_in_dim3A_40 : vector<16xi1>, vector<16xi32>
      %broadcast_in_dim3A_46 = vector.shape_cast %select_n3A : vector<16xi32> to vector<16x1xi32>
      %gather3A = vector.shape_cast %broadcast_in_dim3A_46 : vector<16x1xi32> to vector<16xi32>
      %gather3A_47 = tpu.dynamic_gather %get3A_39[%gather3A] in [0] : vector<16xf32>, vector<16xi32> -> vector<16xf32>
      %broadcast_in_dim3A_48 = arith.constant 1 : i32
      %broadcast_in_dim3A_49 = vector.broadcast %broadcast_in_dim3A_48 : i32 to vector<16xi32>
      %lt3A_50 = arith.constant 0 : i32
      %lt3A_51 = vector.broadcast %lt3A_50 : i32 to vector<16xi32>
      %lt3A_52 = arith.cmpi slt, %broadcast_in_dim3A_49, %lt3A_51 : vector<16xi32>
      %add3A_53 = arith.constant 16 : i32
      %add3A_54 = vector.broadcast %add3A_53 : i32 to vector<16xi32>
      %add3A_55 = arith.addi %broadcast_in_dim3A_49, %add3A_54 : vector<16xi32>
      %select_n3A_56 = arith.select %lt3A_52, %add3A_55, %broadcast_in_dim3A_49 : vector<16xi1>, vector<16xi32>
      %broadcast_in_dim3A_57 = vector.shape_cast %select_n3A_56 : vector<16xi32> to vector<16x1xi32>
      %gather3A_58 = vector.shape_cast %broadcast_in_dim3A_57 : vector<16x1xi32> to vector<16xi32>
      %gather3A_59 = tpu.dynamic_gather %get3A_39[%gather3A_58] in [0] : vector<16xf32>, vector<16xi32> -> vector<16xf32>
      %broadcast_in_dim3A_60 = arith.constant 2 : i32
      %broadcast_in_dim3A_61 = vector.broadcast %broadcast_in_dim3A_60 : i32 to vector<16xi32>
      %lt3A_62 = arith.constant 0 : i32
      %lt3A_63 = vector.broadcast %lt3A_62 : i32 to vector<16xi32>
      %lt3A_64 = arith.cmpi slt, %broadcast_in_dim3A_61, %lt3A_63 : vector<16xi32>
      %add3A_65 = arith.constant 16 : i32
      %add3A_66 = vector.broadcast %add3A_65 : i32 to vector<16xi32>
      %add3A_67 = arith.addi %broadcast_in_dim3A_61, %add3A_66 : vector<16xi32>
      %select_n3A_68 = arith.select %lt3A_64, %add3A_67, %broadcast_in_dim3A_61 : vector<16xi1>, vector<16xi32>
      %broadcast_in_dim3A_69 = vector.shape_cast %select_n3A_68 : vector<16xi32> to vector<16x1xi32>
      %gather3A_70 = vector.shape_cast %broadcast_in_dim3A_69 : vector<16x1xi32> to vector<16xi32>
      %gather3A_71 = tpu.dynamic_gather %get3A_39[%gather3A_70] in [0] : vector<16xf32>, vector<16xi32> -> vector<16xf32>
      %broadcast_in_dim3A_72 = arith.constant 3 : i32
      %broadcast_in_dim3A_73 = vector.broadcast %broadcast_in_dim3A_72 : i32 to vector<16xi32>
      %lt3A_74 = arith.constant 0 : i32
      %lt3A_75 = vector.broadcast %lt3A_74 : i32 to vector<16xi32>
      %lt3A_76 = arith.cmpi slt, %broadcast_in_dim3A_73, %lt3A_75 : vector<16xi32>
      %add3A_77 = arith.constant 16 : i32
      %add3A_78 = vector.broadcast %add3A_77 : i32 to vector<16xi32>
      %add3A_79 = arith.addi %broadcast_in_dim3A_73, %add3A_78 : vector<16xi32>
      %select_n3A_80 = arith.select %lt3A_76, %add3A_79, %broadcast_in_dim3A_73 : vector<16xi1>, vector<16xi32>
      %broadcast_in_dim3A_81 = vector.shape_cast %select_n3A_80 : vector<16xi32> to vector<16x1xi32>
      %gather3A_82 = vector.shape_cast %broadcast_in_dim3A_81 : vector<16x1xi32> to vector<16xi32>
      %gather3A_83 = tpu.dynamic_gather %get3A_39[%gather3A_82] in [0] : vector<16xf32>, vector<16xi32> -> vector<16xf32>
      %broadcast_in_dim3A_84 = arith.constant 4 : i32
      %broadcast_in_dim3A_85 = vector.broadcast %broadcast_in_dim3A_84 : i32 to vector<16xi32>
      %lt3A_86 = arith.constant 0 : i32
      %lt3A_87 = vector.broadcast %lt3A_86 : i32 to vector<16xi32>
      %lt3A_88 = arith.cmpi slt, %broadcast_in_dim3A_85, %lt3A_87 : vector<16xi32>
      %add3A_89 = arith.constant 16 : i32
      %add3A_90 = vector.broadcast %add3A_89 : i32 to vector<16xi32>
      %add3A_91 = arith.addi %broadcast_in_dim3A_85, %add3A_90 : vector<16xi32>
      %select_n3A_92 = arith.select %lt3A_88, %add3A_91, %broadcast_in_dim3A_85 : vector<16xi1>, vector<16xi32>
      %broadcast_in_dim3A_93 = vector.shape_cast %select_n3A_92 : vector<16xi32> to vector<16x1xi32>
      %gather3A_94 = vector.shape_cast %broadcast_in_dim3A_93 : vector<16x1xi32> to vector<16xi32>
      %gather3A_95 = tpu.dynamic_gather %get3A_39[%gather3A_94] in [0] : vector<16xf32>, vector<16xi32> -> vector<16xf32>
      %broadcast_in_dim3A_96 = arith.constant 5 : i32
      %broadcast_in_dim3A_97 = vector.broadcast %broadcast_in_dim3A_96 : i32 to vector<16xi32>
      %lt3A_98 = arith.constant 0 : i32
      %lt3A_99 = vector.broadcast %lt3A_98 : i32 to vector<16xi32>
      %lt3A_100 = arith.cmpi slt, %broadcast_in_dim3A_97, %lt3A_99 : vector<16xi32>
      %add3A_101 = arith.constant 16 : i32
      %add3A_102 = vector.broadcast %add3A_101 : i32 to vector<16xi32>
      %add3A_103 = arith.addi %broadcast_in_dim3A_97, %add3A_102 : vector<16xi32>
      %select_n3A_104 = arith.select %lt3A_100, %add3A_103, %broadcast_in_dim3A_97 : vector<16xi1>, vector<16xi32>
      %broadcast_in_dim3A_105 = vector.shape_cast %select_n3A_104 : vector<16xi32> to vector<16x1xi32>
      %gather3A_106 = vector.shape_cast %broadcast_in_dim3A_105 : vector<16x1xi32> to vector<16xi32>
      %gather3A_107 = tpu.dynamic_gather %get3A_39[%gather3A_106] in [0] : vector<16xf32>, vector<16xi32> -> vector<16xf32>
      %broadcast_in_dim3A_108 = arith.constant 6 : i32
      %broadcast_in_dim3A_109 = vector.broadcast %broadcast_in_dim3A_108 : i32 to vector<16xi32>
      %lt3A_110 = arith.constant 0 : i32
      %lt3A_111 = vector.broadcast %lt3A_110 : i32 to vector<16xi32>
      %lt3A_112 = arith.cmpi slt, %broadcast_in_dim3A_109, %lt3A_111 : vector<16xi32>
      %add3A_113 = arith.constant 16 : i32
      %add3A_114 = vector.broadcast %add3A_113 : i32 to vector<16xi32>
      %add3A_115 = arith.addi %broadcast_in_dim3A_109, %add3A_114 : vector<16xi32>
      %select_n3A_116 = arith.select %lt3A_112, %add3A_115, %broadcast_in_dim3A_109 : vector<16xi1>, vector<16xi32>
      %broadcast_in_dim3A_117 = vector.shape_cast %select_n3A_116 : vector<16xi32> to vector<16x1xi32>
      %gather3A_118 = vector.shape_cast %broadcast_in_dim3A_117 : vector<16x1xi32> to vector<16xi32>
      %gather3A_119 = tpu.dynamic_gather %get3A_39[%gather3A_118] in [0] : vector<16xf32>, vector<16xi32> -> vector<16xf32>
      %broadcast_in_dim3A_120 = arith.constant 7 : i32
      %broadcast_in_dim3A_121 = vector.broadcast %broadcast_in_dim3A_120 : i32 to vector<16xi32>
      %lt3A_122 = arith.constant 0 : i32
      %lt3A_123 = vector.broadcast %lt3A_122 : i32 to vector<16xi32>
      %lt3A_124 = arith.cmpi slt, %broadcast_in_dim3A_121, %lt3A_123 : vector<16xi32>
      %add3A_125 = arith.constant 16 : i32
      %add3A_126 = vector.broadcast %add3A_125 : i32 to vector<16xi32>
      %add3A_127 = arith.addi %broadcast_in_dim3A_121, %add3A_126 : vector<16xi32>
      %select_n3A_128 = arith.select %lt3A_124, %add3A_127, %broadcast_in_dim3A_121 : vector<16xi1>, vector<16xi32>
      %broadcast_in_dim3A_129 = vector.shape_cast %select_n3A_128 : vector<16xi32> to vector<16x1xi32>
      %gather3A_130 = vector.shape_cast %broadcast_in_dim3A_129 : vector<16x1xi32> to vector<16xi32>
      %gather3A_131 = tpu.dynamic_gather %get3A_39[%gather3A_130] in [0] : vector<16xf32>, vector<16xi32> -> vector<16xf32>
      %broadcast_in_dim3A_132 = arith.constant 8 : i32
      %broadcast_in_dim3A_133 = vector.broadcast %broadcast_in_dim3A_132 : i32 to vector<16xi32>
      %lt3A_134 = arith.constant 0 : i32
      %lt3A_135 = vector.broadcast %lt3A_134 : i32 to vector<16xi32>
      %lt3A_136 = arith.cmpi slt, %broadcast_in_dim3A_133, %lt3A_135 : vector<16xi32>
      %add3A_137 = arith.constant 16 : i32
      %add3A_138 = vector.broadcast %add3A_137 : i32 to vector<16xi32>
      %add3A_139 = arith.addi %broadcast_in_dim3A_133, %add3A_138 : vector<16xi32>
      %select_n3A_140 = arith.select %lt3A_136, %add3A_139, %broadcast_in_dim3A_133 : vector<16xi1>, vector<16xi32>
      %broadcast_in_dim3A_141 = vector.shape_cast %select_n3A_140 : vector<16xi32> to vector<16x1xi32>
      %gather3A_142 = vector.shape_cast %broadcast_in_dim3A_141 : vector<16x1xi32> to vector<16xi32>
      %gather3A_143 = tpu.dynamic_gather %get3A_39[%gather3A_142] in [0] : vector<16xf32>, vector<16xi32> -> vector<16xf32>
      %broadcast_in_dim3A_144 = arith.constant 9 : i32
      %broadcast_in_dim3A_145 = vector.broadcast %broadcast_in_dim3A_144 : i32 to vector<16xi32>
      %lt3A_146 = arith.constant 0 : i32
      %lt3A_147 = vector.broadcast %lt3A_146 : i32 to vector<16xi32>
      %lt3A_148 = arith.cmpi slt, %broadcast_in_dim3A_145, %lt3A_147 : vector<16xi32>
      %add3A_149 = arith.constant 16 : i32
      %add3A_150 = vector.broadcast %add3A_149 : i32 to vector<16xi32>
      %add3A_151 = arith.addi %broadcast_in_dim3A_145, %add3A_150 : vector<16xi32>
      %select_n3A_152 = arith.select %lt3A_148, %add3A_151, %broadcast_in_dim3A_145 : vector<16xi1>, vector<16xi32>
      %broadcast_in_dim3A_153 = vector.shape_cast %select_n3A_152 : vector<16xi32> to vector<16x1xi32>
      %gather3A_154 = vector.shape_cast %broadcast_in_dim3A_153 : vector<16x1xi32> to vector<16xi32>
      %gather3A_155 = tpu.dynamic_gather %get3A_39[%gather3A_154] in [0] : vector<16xf32>, vector<16xi32> -> vector<16xf32>
      %broadcast_in_dim3A_156 = arith.constant 10 : i32
      %broadcast_in_dim3A_157 = vector.broadcast %broadcast_in_dim3A_156 : i32 to vector<16xi32>
      %lt3A_158 = arith.constant 0 : i32
      %lt3A_159 = vector.broadcast %lt3A_158 : i32 to vector<16xi32>
      %lt3A_160 = arith.cmpi slt, %broadcast_in_dim3A_157, %lt3A_159 : vector<16xi32>
      %add3A_161 = arith.constant 16 : i32
      %add3A_162 = vector.broadcast %add3A_161 : i32 to vector<16xi32>
      %add3A_163 = arith.addi %broadcast_in_dim3A_157, %add3A_162 : vector<16xi32>
      %select_n3A_164 = arith.select %lt3A_160, %add3A_163, %broadcast_in_dim3A_157 : vector<16xi1>, vector<16xi32>
      %broadcast_in_dim3A_165 = vector.shape_cast %select_n3A_164 : vector<16xi32> to vector<16x1xi32>
      %gather3A_166 = vector.shape_cast %broadcast_in_dim3A_165 : vector<16x1xi32> to vector<16xi32>
      %gather3A_167 = tpu.dynamic_gather %get3A_39[%gather3A_166] in [0] : vector<16xf32>, vector<16xi32> -> vector<16xf32>
      %broadcast_in_dim3A_168 = arith.constant 11 : i32
      %broadcast_in_dim3A_169 = vector.broadcast %broadcast_in_dim3A_168 : i32 to vector<16xi32>
      %lt3A_170 = arith.constant 0 : i32
      %lt3A_171 = vector.broadcast %lt3A_170 : i32 to vector<16xi32>
      %lt3A_172 = arith.cmpi slt, %broadcast_in_dim3A_169, %lt3A_171 : vector<16xi32>
      %add3A_173 = arith.constant 16 : i32
      %add3A_174 = vector.broadcast %add3A_173 : i32 to vector<16xi32>
      %add3A_175 = arith.addi %broadcast_in_dim3A_169, %add3A_174 : vector<16xi32>
      %select_n3A_176 = arith.select %lt3A_172, %add3A_175, %broadcast_in_dim3A_169 : vector<16xi1>, vector<16xi32>
      %broadcast_in_dim3A_177 = vector.shape_cast %select_n3A_176 : vector<16xi32> to vector<16x1xi32>
      %gather3A_178 = vector.shape_cast %broadcast_in_dim3A_177 : vector<16x1xi32> to vector<16xi32>
      %gather3A_179 = tpu.dynamic_gather %get3A_39[%gather3A_178] in [0] : vector<16xf32>, vector<16xi32> -> vector<16xf32>
      %broadcast_in_dim3A_180 = arith.constant 12 : i32
      %broadcast_in_dim3A_181 = vector.broadcast %broadcast_in_dim3A_180 : i32 to vector<16xi32>
      %lt3A_182 = arith.constant 0 : i32
      %lt3A_183 = vector.broadcast %lt3A_182 : i32 to vector<16xi32>
      %lt3A_184 = arith.cmpi slt, %broadcast_in_dim3A_181, %lt3A_183 : vector<16xi32>
      %add3A_185 = arith.constant 16 : i32
      %add3A_186 = vector.broadcast %add3A_185 : i32 to vector<16xi32>
      %add3A_187 = arith.addi %broadcast_in_dim3A_181, %add3A_186 : vector<16xi32>
      %select_n3A_188 = arith.select %lt3A_184, %add3A_187, %broadcast_in_dim3A_181 : vector<16xi1>, vector<16xi32>
      %broadcast_in_dim3A_189 = vector.shape_cast %select_n3A_188 : vector<16xi32> to vector<16x1xi32>
      %gather3A_190 = vector.shape_cast %broadcast_in_dim3A_189 : vector<16x1xi32> to vector<16xi32>
      %gather3A_191 = tpu.dynamic_gather %get3A_39[%gather3A_190] in [0] : vector<16xf32>, vector<16xi32> -> vector<16xf32>
      %broadcast_in_dim3A_192 = arith.constant 13 : i32
      %broadcast_in_dim3A_193 = vector.broadcast %broadcast_in_dim3A_192 : i32 to vector<16xi32>
      %lt3A_194 = arith.constant 0 : i32
      %lt3A_195 = vector.broadcast %lt3A_194 : i32 to vector<16xi32>
      %lt3A_196 = arith.cmpi slt, %broadcast_in_dim3A_193, %lt3A_195 : vector<16xi32>
      %add3A_197 = arith.constant 16 : i32
      %add3A_198 = vector.broadcast %add3A_197 : i32 to vector<16xi32>
      %add3A_199 = arith.addi %broadcast_in_dim3A_193, %add3A_198 : vector<16xi32>
      %select_n3A_200 = arith.select %lt3A_196, %add3A_199, %broadcast_in_dim3A_193 : vector<16xi1>, vector<16xi32>
      %broadcast_in_dim3A_201 = vector.shape_cast %select_n3A_200 : vector<16xi32> to vector<16x1xi32>
      %gather3A_202 = vector.shape_cast %broadcast_in_dim3A_201 : vector<16x1xi32> to vector<16xi32>
      %gather3A_203 = tpu.dynamic_gather %get3A_39[%gather3A_202] in [0] : vector<16xf32>, vector<16xi32> -> vector<16xf32>
      %broadcast_in_dim3A_204 = arith.constant 14 : i32
      %broadcast_in_dim3A_205 = vector.broadcast %broadcast_in_dim3A_204 : i32 to vector<16xi32>
      %lt3A_206 = arith.constant 0 : i32
      %lt3A_207 = vector.broadcast %lt3A_206 : i32 to vector<16xi32>
      %lt3A_208 = arith.cmpi slt, %broadcast_in_dim3A_205, %lt3A_207 : vector<16xi32>
      %add3A_209 = arith.constant 16 : i32
      %add3A_210 = vector.broadcast %add3A_209 : i32 to vector<16xi32>
      %add3A_211 = arith.addi %broadcast_in_dim3A_205, %add3A_210 : vector<16xi32>
      %select_n3A_212 = arith.select %lt3A_208, %add3A_211, %broadcast_in_dim3A_205 : vector<16xi1>, vector<16xi32>
      %broadcast_in_dim3A_213 = vector.shape_cast %select_n3A_212 : vector<16xi32> to vector<16x1xi32>
      %gather3A_214 = vector.shape_cast %broadcast_in_dim3A_213 : vector<16x1xi32> to vector<16xi32>
      %gather3A_215 = tpu.dynamic_gather %get3A_39[%gather3A_214] in [0] : vector<16xf32>, vector<16xi32> -> vector<16xf32>
      %broadcast_in_dim3A_216 = arith.constant 15 : i32
      %broadcast_in_dim3A_217 = vector.broadcast %broadcast_in_dim3A_216 : i32 to vector<16xi32>
      %lt3A_218 = arith.constant 0 : i32
      %lt3A_219 = vector.broadcast %lt3A_218 : i32 to vector<16xi32>
      %lt3A_220 = arith.cmpi slt, %broadcast_in_dim3A_217, %lt3A_219 : vector<16xi32>
      %add3A_221 = arith.constant 16 : i32
      %add3A_222 = vector.broadcast %add3A_221 : i32 to vector<16xi32>
      %add3A_223 = arith.addi %broadcast_in_dim3A_217, %add3A_222 : vector<16xi32>
      %select_n3A_224 = arith.select %lt3A_220, %add3A_223, %broadcast_in_dim3A_217 : vector<16xi1>, vector<16xi32>
      %broadcast_in_dim3A_225 = vector.shape_cast %select_n3A_224 : vector<16xi32> to vector<16x1xi32>
      %gather3A_226 = vector.shape_cast %broadcast_in_dim3A_225 : vector<16x1xi32> to vector<16xi32>
      %gather3A_227 = tpu.dynamic_gather %get3A_39[%gather3A_226] in [0] : vector<16xf32>, vector<16xi32> -> vector<16xf32>
      %scan3A_228 = arith.constant 0 : i32
      %scan3A_229 = arith.constant 0 : i32
      %scan3A_230 = arith.constant 64 : i32
      %scan3A_231 = arith.addi %scan3A_229, %scan3A_230 : i32
      %scan3A_232 = arith.constant 1 : i32
      %scan3A_233 = scf.for %scan3A_875 = %scan3A_229 to %scan3A_231 step %scan3A_232 iter_args(%scan3A_876 = %scan3A_228) -> (i32)  : i32 {
        %mul3A_877 = arith.constant 16 : i32
        %mul3A_878 = arith.muli %scan3A_875, %mul3A_877 : i32
        %get3A_879 = arith.constant 0 : i32
        %get3A_880 = arith.index_cast %get3A_879 : i32 to index
        %get3A_881 = arith.index_cast %mul3A_878 : i32 to index
        %get3A_882 = tpu.vector_load %arg8[%get3A_880, %get3A_881] {strides = array<i32>} : memref<32x1024xf32, #tpu.memory_space<vmem>>, vector<1x16xf32>,
        %get3A_883 = vector.shape_cast %get3A_882 : vector<1x16xf32> to vector<16xf32>
        %mul3A_884 = arith.mulf %gather3A_47, %get3A_883 : vector<16xf32>
        %get3A_885 = arith.constant 1 : i32
        %get3A_886 = arith.index_cast %get3A_885 : i32 to index
        %get3A_887 = arith.index_cast %mul3A_878 : i32 to index
        %get3A_888 = tpu.vector_load %arg8[%get3A_886, %get3A_887] {strides = array<i32>} : memref<32x1024xf32, #tpu.memory_space<vmem>>, vector<1x16xf32>,
        %get3A_889 = vector.shape_cast %get3A_888 : vector<1x16xf32> to vector<16xf32>
        %mul3A_890 = arith.mulf %gather3A_59, %get3A_889 : vector<16xf32>
        %add3A_891 = arith.addf %mul3A_884, %mul3A_890 : vector<16xf32>
        %get3A_892 = arith.constant 2 : i32
        %get3A_893 = arith.index_cast %get3A_892 : i32 to index
        %get3A_894 = arith.index_cast %mul3A_878 : i32 to index
        %get3A_895 = tpu.vector_load %arg8[%get3A_893, %get3A_894] {strides = array<i32>} : memref<32x1024xf32, #tpu.memory_space<vmem>>, vector<1x16xf32>,
        %get3A_896 = vector.shape_cast %get3A_895 : vector<1x16xf32> to vector<16xf32>
        %mul3A_897 = arith.mulf %gather3A_71, %get3A_896 : vector<16xf32>
        %add3A_898 = arith.addf %add3A_891, %mul3A_897 : vector<16xf32>
        %get3A_899 = arith.constant 3 : i32
        %get3A_900 = arith.index_cast %get3A_899 : i32 to index
        %get3A_901 = arith.index_cast %mul3A_878 : i32 to index
        %get3A_902 = tpu.vector_load %arg8[%get3A_900, %get3A_901] {strides = array<i32>} : memref<32x1024xf32, #tpu.memory_space<vmem>>, vector<1x16xf32>,
        %get3A_903 = vector.shape_cast %get3A_902 : vector<1x16xf32> to vector<16xf32>
        %mul3A_904 = arith.mulf %gather3A_83, %get3A_903 : vector<16xf32>
        %add3A_905 = arith.addf %add3A_898, %mul3A_904 : vector<16xf32>
        %get3A_906 = arith.constant 4 : i32
        %get3A_907 = arith.index_cast %get3A_906 : i32 to index
        %get3A_908 = arith.index_cast %mul3A_878 : i32 to index
        %get3A_909 = tpu.vector_load %arg8[%get3A_907, %get3A_908] {strides = array<i32>} : memref<32x1024xf32, #tpu.memory_space<vmem>>, vector<1x16xf32>,
        %get3A_910 = vector.shape_cast %get3A_909 : vector<1x16xf32> to vector<16xf32>
        %mul3A_911 = arith.mulf %gather3A_95, %get3A_910 : vector<16xf32>
        %add3A_912 = arith.addf %add3A_905, %mul3A_911 : vector<16xf32>
        %get3A_913 = arith.constant 5 : i32
        %get3A_914 = arith.index_cast %get3A_913 : i32 to index
        %get3A_915 = arith.index_cast %mul3A_878 : i32 to index
        %get3A_916 = tpu.vector_load %arg8[%get3A_914, %get3A_915] {strides = array<i32>} : memref<32x1024xf32, #tpu.memory_space<vmem>>, vector<1x16xf32>,
        %get3A_917 = vector.shape_cast %get3A_916 : vector<1x16xf32> to vector<16xf32>
        %mul3A_918 = arith.mulf %gather3A_107, %get3A_917 : vector<16xf32>
        %add3A_919 = arith.addf %add3A_912, %mul3A_918 : vector<16xf32>
        %get3A_920 = arith.constant 6 : i32
        %get3A_921 = arith.index_cast %get3A_920 : i32 to index
        %get3A_922 = arith.index_cast %mul3A_878 : i32 to index
        %get3A_923 = tpu.vector_load %arg8[%get3A_921, %get3A_922] {strides = array<i32>} : memref<32x1024xf32, #tpu.memory_space<vmem>>, vector<1x16xf32>,
        %get3A_924 = vector.shape_cast %get3A_923 : vector<1x16xf32> to vector<16xf32>
        %mul3A_925 = arith.mulf %gather3A_119, %get3A_924 : vector<16xf32>
        %add3A_926 = arith.addf %add3A_919, %mul3A_925 : vector<16xf32>
        %get3A_927 = arith.constant 7 : i32
        %get3A_928 = arith.index_cast %get3A_927 : i32 to index
        %get3A_929 = arith.index_cast %mul3A_878 : i32 to index
        %get3A_930 = tpu.vector_load %arg8[%get3A_928, %get3A_929] {strides = array<i32>} : memref<32x1024xf32, #tpu.memory_space<vmem>>, vector<1x16xf32>,
        %get3A_931 = vector.shape_cast %get3A_930 : vector<1x16xf32> to vector<16xf32>
        %mul3A_932 = arith.mulf %gather3A_131, %get3A_931 : vector<16xf32>
        %add3A_933 = arith.addf %add3A_926, %mul3A_932 : vector<16xf32>
        %get3A_934 = arith.constant 8 : i32
        %get3A_935 = arith.index_cast %get3A_934 : i32 to index
        %get3A_936 = arith.index_cast %mul3A_878 : i32 to index
        %get3A_937 = tpu.vector_load %arg8[%get3A_935, %get3A_936] {strides = array<i32>} : memref<32x1024xf32, #tpu.memory_space<vmem>>, vector<1x16xf32>,
        %get3A_938 = vector.shape_cast %get3A_937 : vector<1x16xf32> to vector<16xf32>
        %mul3A_939 = arith.mulf %gather3A_143, %get3A_938 : vector<16xf32>
        %add3A_940 = arith.addf %add3A_933, %mul3A_939 : vector<16xf32>
        %get3A_941 = arith.constant 9 : i32
        %get3A_942 = arith.index_cast %get3A_941 : i32 to index
        %get3A_943 = arith.index_cast %mul3A_878 : i32 to index
        %get3A_944 = tpu.vector_load %arg8[%get3A_942, %get3A_943] {strides = array<i32>} : memref<32x1024xf32, #tpu.memory_space<vmem>>, vector<1x16xf32>,
        %get3A_945 = vector.shape_cast %get3A_944 : vector<1x16xf32> to vector<16xf32>
        %mul3A_946 = arith.mulf %gather3A_155, %get3A_945 : vector<16xf32>
        %add3A_947 = arith.addf %add3A_940, %mul3A_946 : vector<16xf32>
        %get3A_948 = arith.constant 10 : i32
        %get3A_949 = arith.index_cast %get3A_948 : i32 to index
        %get3A_950 = arith.index_cast %mul3A_878 : i32 to index
        %get3A_951 = tpu.vector_load %arg8[%get3A_949, %get3A_950] {strides = array<i32>} : memref<32x1024xf32, #tpu.memory_space<vmem>>, vector<1x16xf32>,
        %get3A_952 = vector.shape_cast %get3A_951 : vector<1x16xf32> to vector<16xf32>
        %mul3A_953 = arith.mulf %gather3A_167, %get3A_952 : vector<16xf32>
        %add3A_954 = arith.addf %add3A_947, %mul3A_953 : vector<16xf32>
        %get3A_955 = arith.constant 11 : i32
        %get3A_956 = arith.index_cast %get3A_955 : i32 to index
        %get3A_957 = arith.index_cast %mul3A_878 : i32 to index
        %get3A_958 = tpu.vector_load %arg8[%get3A_956, %get3A_957] {strides = array<i32>} : memref<32x1024xf32, #tpu.memory_space<vmem>>, vector<1x16xf32>,
        %get3A_959 = vector.shape_cast %get3A_958 : vector<1x16xf32> to vector<16xf32>
        %mul3A_960 = arith.mulf %gather3A_179, %get3A_959 : vector<16xf32>
        %add3A_961 = arith.addf %add3A_954, %mul3A_960 : vector<16xf32>
        %get3A_962 = arith.constant 12 : i32
        %get3A_963 = arith.index_cast %get3A_962 : i32 to index
        %get3A_964 = arith.index_cast %mul3A_878 : i32 to index
        %get3A_965 = tpu.vector_load %arg8[%get3A_963, %get3A_964] {strides = array<i32>} : memref<32x1024xf32, #tpu.memory_space<vmem>>, vector<1x16xf32>,
        %get3A_966 = vector.shape_cast %get3A_965 : vector<1x16xf32> to vector<16xf32>
        %mul3A_967 = arith.mulf %gather3A_191, %get3A_966 : vector<16xf32>
        %add3A_968 = arith.addf %add3A_961, %mul3A_967 : vector<16xf32>
        %get3A_969 = arith.constant 13 : i32
        %get3A_970 = arith.index_cast %get3A_969 : i32 to index
        %get3A_971 = arith.index_cast %mul3A_878 : i32 to index
        %get3A_972 = tpu.vector_load %arg8[%get3A_970, %get3A_971] {strides = array<i32>} : memref<32x1024xf32, #tpu.memory_space<vmem>>, vector<1x16xf32>,
        %get3A_973 = vector.shape_cast %get3A_972 : vector<1x16xf32> to vector<16xf32>
        %mul3A_974 = arith.mulf %gather3A_203, %get3A_973 : vector<16xf32>
        %add3A_975 = arith.addf %add3A_968, %mul3A_974 : vector<16xf32>
        %get3A_976 = arith.constant 14 : i32
        %get3A_977 = arith.index_cast %get3A_976 : i32 to index
        %get3A_978 = arith.index_cast %mul3A_878 : i32 to index
        %get3A_979 = tpu.vector_load %arg8[%get3A_977, %get3A_978] {strides = array<i32>} : memref<32x1024xf32, #tpu.memory_space<vmem>>, vector<1x16xf32>,
        %get3A_980 = vector.shape_cast %get3A_979 : vector<1x16xf32> to vector<16xf32>
        %mul3A_981 = arith.mulf %gather3A_215, %get3A_980 : vector<16xf32>
        %add3A_982 = arith.addf %add3A_975, %mul3A_981 : vector<16xf32>
        %get3A_983 = arith.constant 15 : i32
        %get3A_984 = arith.index_cast %get3A_983 : i32 to index
        %get3A_985 = arith.index_cast %mul3A_878 : i32 to index
        %get3A_986 = tpu.vector_load %arg8[%get3A_984, %get3A_985] {strides = array<i32>} : memref<32x1024xf32, #tpu.memory_space<vmem>>, vector<1x16xf32>,
        %get3A_987 = vector.shape_cast %get3A_986 : vector<1x16xf32> to vector<16xf32>
        %mul3A_988 = arith.mulf %gather3A_227, %get3A_987 : vector<16xf32>
        %add3A_989 = arith.addf %add3A_982, %mul3A_988 : vector<16xf32>
        %swap3A = arith.index_cast %mul3A_878 : i32 to index
        %swap3A_990 = tpu.vector_load %arg10[%swap3A] {strides = array<i32>} : memref<1024xf32, #tpu.memory_space<vmem>>, vector<16xf32>,
        %swap3A_991 = vector.shape_cast %swap3A_990 : vector<16xf32> to vector<16xf32>
        %swap3A_992 = vector.shape_cast %add3A_989 : vector<16xf32> to vector<16xf32>
        tpu.vector_store %arg10[%swap3A], %swap3A_992 {strides = array<i32>} : memref<1024xf32, #tpu.memory_space<vmem>>, vector<16xf32>,
        %scan3A_993 = arith.constant 0 : i32
        scf.yield %scan3A_993 : i32
      }
      %scan3A_234 = arith.constant 64 : i32
      %add3A_235 = arith.addi %mul3A_4, %add3A_35 : i32
      "tpu.region"() ({
        %run_scoped3A = tpu.sem_alloc : memref<!tpu.dma_semaphore, #tpu.memory_space<semaphore_mem>>
        %dma_start3A_875 = arith.constant 0 : i32
        %dma_start3A_876 = tpu.memref_slice %arg5[%add3A_235, %dma_start3A_875] : memref<2048x1024xf32, #tpu.memory_space<hbm>> -> memref<1x1024xf32, #tpu.memory_space<hbm>>
        %dma_start3A_877 = tpu.memref_squeeze %dma_start3A_876 : memref<1x1024xf32, #tpu.memory_space<hbm>> -> memref<1024xf32, #tpu.memory_space<hbm>>
        %dma_start3A_878 = arith.constant 0 : i32
        %dma_start3A_879 = tpu.memref_slice %arg5[%add3A_235, %dma_start3A_878] : memref<2048x1024xf32, #tpu.memory_space<hbm>> -> memref<1x1024xf32, #tpu.memory_space<hbm>>
        %dma_start3A_880 = tpu.memref_squeeze %dma_start3A_879 : memref<1x1024xf32, #tpu.memory_space<hbm>> -> memref<1024xf32, #tpu.memory_space<hbm>>
        tpu.enqueue_dma source(%arg10 : memref<1024xf32, #tpu.memory_space<vmem>>) target(%dma_start3A_880 : memref<1024xf32, #tpu.memory_space<hbm>>) target_semaphore(%run_scoped3A : memref<!tpu.dma_semaphore, #tpu.memory_space<semaphore_mem>>)
        %dma_wait3A_881 = arith.constant 0 : i32
        %dma_wait3A_882 = tpu.memref_slice %arg5[%add3A_235, %dma_wait3A_881] : memref<2048x1024xf32, #tpu.memory_space<hbm>> -> memref<1x1024xf32, #tpu.memory_space<hbm>>
        %dma_wait3A_883 = tpu.memref_squeeze %dma_wait3A_882 : memref<1x1024xf32, #tpu.memory_space<hbm>> -> memref<1024xf32, #tpu.memory_space<hbm>>
        %dma_wait3A_884 = arith.constant 0 : i32
        %dma_wait3A_885 = tpu.memref_slice %arg5[%add3A_235, %dma_wait3A_884] : memref<2048x1024xf32, #tpu.memory_space<hbm>> -> memref<1x1024xf32, #tpu.memory_space<hbm>>
        %dma_wait3A_886 = tpu.memref_squeeze %dma_wait3A_885 : memref<1x1024xf32, #tpu.memory_space<hbm>> -> memref<1024xf32, #tpu.memory_space<hbm>>
        tpu.wait_dma2 semaphore(%run_scoped3A : memref<!tpu.dma_semaphore, #tpu.memory_space<semaphore_mem>>) src(%arg10 : memref<1024xf32, #tpu.memory_space<vmem>>) dst(%dma_wait3A_886 : memref<1024xf32, #tpu.memory_space<hbm>>)
        tpu.yield
      }) : () -> ()
      %mul3A_236 = arith.constant 2 : i32
      %mul3A_237 = arith.muli %mul3A_18, %mul3A_236 : i32
      %add3A_238 = arith.constant 1 : i32
      %add3A_239 = arith.addi %mul3A_237, %add3A_238 : i32
      %mul3A_240 = arith.constant 16 : i32
      %mul3A_241 = arith.muli %add3A_239, %mul3A_240 : i32
      %get3A_242 = arith.index_cast %mul3A_241 : i32 to index
      %get3A_243 = tpu.vector_load %arg7[%get3A_242] {strides = array<i32>} : memref<1024xf32, #tpu.memory_space<vmem>>, vector<16xf32>,
      %get3A_244 = vector.shape_cast %get3A_243 : vector<16xf32> to vector<16xf32>
      %broadcast_in_dim3A_245 = arith.constant 0 : i32
      %broadcast_in_dim3A_246 = vector.broadcast %broadcast_in_dim3A_245 : i32 to vector<16xi32>
      %lt3A_247 = arith.constant 0 : i32
      %lt3A_248 = vector.broadcast %lt3A_247 : i32 to vector<16xi32>
      %lt3A_249 = arith.cmpi slt, %broadcast_in_dim3A_246, %lt3A_248 : vector<16xi32>
      %add3A_250 = arith.constant 16 : i32
      %add3A_251 = vector.broadcast %add3A_250 : i32 to vector<16xi32>
      %add3A_252 = arith.addi %broadcast_in_dim3A_246, %add3A_251 : vector<16xi32>
      %select_n3A_253 = arith.select %lt3A_249, %add3A_252, %broadcast_in_dim3A_246 : vector<16xi1>, vector<16xi32>
      %broadcast_in_dim3A_254 = vector.shape_cast %select_n3A_253 : vector<16xi32> to vector<16x1xi32>
      %gather3A_255 = vector.shape_cast %broadcast_in_dim3A_254 : vector<16x1xi32> to vector<16xi32>
      %gather3A_256 = tpu.dynamic_gather %get3A_244[%gather3A_255] in [0] : vector<16xf32>, vector<16xi32> -> vector<16xf32>
      %broadcast_in_dim3A_257 = arith.constant 1 : i32
      %broadcast_in_dim3A_258 = vector.broadcast %broadcast_in_dim3A_257 : i32 to vector<16xi32>
      %lt3A_259 = arith.constant 0 : i32
      %lt3A_260 = vector.broadcast %lt3A_259 : i32 to vector<16xi32>
      %lt3A_261 = arith.cmpi slt, %broadcast_in_dim3A_258, %lt3A_260 : vector<16xi32>
      %add3A_262 = arith.constant 16 : i32
      %add3A_263 = vector.broadcast %add3A_262 : i32 to vector<16xi32>
      %add3A_264 = arith.addi %broadcast_in_dim3A_258, %add3A_263 : vector<16xi32>
      %select_n3A_265 = arith.select %lt3A_261, %add3A_264, %broadcast_in_dim3A_258 : vector<16xi1>, vector<16xi32>
      %broadcast_in_dim3A_266 = vector.shape_cast %select_n3A_265 : vector<16xi32> to vector<16x1xi32>
      %gather3A_267 = vector.shape_cast %broadcast_in_dim3A_266 : vector<16x1xi32> to vector<16xi32>
      %gather3A_268 = tpu.dynamic_gather %get3A_244[%gather3A_267] in [0] : vector<16xf32>, vector<16xi32> -> vector<16xf32>
      %broadcast_in_dim3A_269 = arith.constant 2 : i32
      %broadcast_in_dim3A_270 = vector.broadcast %broadcast_in_dim3A_269 : i32 to vector<16xi32>
      %lt3A_271 = arith.constant 0 : i32
      %lt3A_272 = vector.broadcast %lt3A_271 : i32 to vector<16xi32>
      %lt3A_273 = arith.cmpi slt, %broadcast_in_dim3A_270, %lt3A_272 : vector<16xi32>
      %add3A_274 = arith.constant 16 : i32
      %add3A_275 = vector.broadcast %add3A_274 : i32 to vector<16xi32>
      %add3A_276 = arith.addi %broadcast_in_dim3A_270, %add3A_275 : vector<16xi32>
      %select_n3A_277 = arith.select %lt3A_273, %add3A_276, %broadcast_in_dim3A_270 : vector<16xi1>, vector<16xi32>
      %broadcast_in_dim3A_278 = vector.shape_cast %select_n3A_277 : vector<16xi32> to vector<16x1xi32>
      %gather3A_279 = vector.shape_cast %broadcast_in_dim3A_278 : vector<16x1xi32> to vector<16xi32>
      %gather3A_280 = tpu.dynamic_gather %get3A_244[%gather3A_279] in [0] : vector<16xf32>, vector<16xi32> -> vector<16xf32>
      %broadcast_in_dim3A_281 = arith.constant 3 : i32
      %broadcast_in_dim3A_282 = vector.broadcast %broadcast_in_dim3A_281 : i32 to vector<16xi32>
      %lt3A_283 = arith.constant 0 : i32
      %lt3A_284 = vector.broadcast %lt3A_283 : i32 to vector<16xi32>
      %lt3A_285 = arith.cmpi slt, %broadcast_in_dim3A_282, %lt3A_284 : vector<16xi32>
      %add3A_286 = arith.constant 16 : i32
      %add3A_287 = vector.broadcast %add3A_286 : i32 to vector<16xi32>
      %add3A_288 = arith.addi %broadcast_in_dim3A_282, %add3A_287 : vector<16xi32>
      %select_n3A_289 = arith.select %lt3A_285, %add3A_288, %broadcast_in_dim3A_282 : vector<16xi1>, vector<16xi32>
      %broadcast_in_dim3A_290 = vector.shape_cast %select_n3A_289 : vector<16xi32> to vector<16x1xi32>
      %gather3A_291 = vector.shape_cast %broadcast_in_dim3A_290 : vector<16x1xi32> to vector<16xi32>
      %gather3A_292 = tpu.dynamic_gather %get3A_244[%gather3A_291] in [0] : vector<16xf32>, vector<16xi32> -> vector<16xf32>
      %broadcast_in_dim3A_293 = arith.constant 4 : i32
      %broadcast_in_dim3A_294 = vector.broadcast %broadcast_in_dim3A_293 : i32 to vector<16xi32>
      %lt3A_295 = arith.constant 0 : i32
      %lt3A_296 = vector.broadcast %lt3A_295 : i32 to vector<16xi32>
      %lt3A_297 = arith.cmpi slt, %broadcast_in_dim3A_294, %lt3A_296 : vector<16xi32>
      %add3A_298 = arith.constant 16 : i32
      %add3A_299 = vector.broadcast %add3A_298 : i32 to vector<16xi32>
      %add3A_300 = arith.addi %broadcast_in_dim3A_294, %add3A_299 : vector<16xi32>
      %select_n3A_301 = arith.select %lt3A_297, %add3A_300, %broadcast_in_dim3A_294 : vector<16xi1>, vector<16xi32>
      %broadcast_in_dim3A_302 = vector.shape_cast %select_n3A_301 : vector<16xi32> to vector<16x1xi32>
      %gather3A_303 = vector.shape_cast %broadcast_in_dim3A_302 : vector<16x1xi32> to vector<16xi32>
      %gather3A_304 = tpu.dynamic_gather %get3A_244[%gather3A_303] in [0] : vector<16xf32>, vector<16xi32> -> vector<16xf32>
      %broadcast_in_dim3A_305 = arith.constant 5 : i32
      %broadcast_in_dim3A_306 = vector.broadcast %broadcast_in_dim3A_305 : i32 to vector<16xi32>
      %lt3A_307 = arith.constant 0 : i32
      %lt3A_308 = vector.broadcast %lt3A_307 : i32 to vector<16xi32>
      %lt3A_309 = arith.cmpi slt, %broadcast_in_dim3A_306, %lt3A_308 : vector<16xi32>
      %add3A_310 = arith.constant 16 : i32
      %add3A_311 = vector.broadcast %add3A_310 : i32 to vector<16xi32>
      %add3A_312 = arith.addi %broadcast_in_dim3A_306, %add3A_311 : vector<16xi32>
      %select_n3A_313 = arith.select %lt3A_309, %add3A_312, %broadcast_in_dim3A_306 : vector<16xi1>, vector<16xi32>
      %broadcast_in_dim3A_314 = vector.shape_cast %select_n3A_313 : vector<16xi32> to vector<16x1xi32>
      %gather3A_315 = vector.shape_cast %broadcast_in_dim3A_314 : vector<16x1xi32> to vector<16xi32>
      %gather3A_316 = tpu.dynamic_gather %get3A_244[%gather3A_315] in [0] : vector<16xf32>, vector<16xi32> -> vector<16xf32>
      %broadcast_in_dim3A_317 = arith.constant 6 : i32
      %broadcast_in_dim3A_318 = vector.broadcast %broadcast_in_dim3A_317 : i32 to vector<16xi32>
      %lt3A_319 = arith.constant 0 : i32
      %lt3A_320 = vector.broadcast %lt3A_319 : i32 to vector<16xi32>
      %lt3A_321 = arith.cmpi slt, %broadcast_in_dim3A_318, %lt3A_320 : vector<16xi32>
      %add3A_322 = arith.constant 16 : i32
      %add3A_323 = vector.broadcast %add3A_322 : i32 to vector<16xi32>
      %add3A_324 = arith.addi %broadcast_in_dim3A_318, %add3A_323 : vector<16xi32>
      %select_n3A_325 = arith.select %lt3A_321, %add3A_324, %broadcast_in_dim3A_318 : vector<16xi1>, vector<16xi32>
      %broadcast_in_dim3A_326 = vector.shape_cast %select_n3A_325 : vector<16xi32> to vector<16x1xi32>
      %gather3A_327 = vector.shape_cast %broadcast_in_dim3A_326 : vector<16x1xi32> to vector<16xi32>
      %gather3A_328 = tpu.dynamic_gather %get3A_244[%gather3A_327] in [0] : vector<16xf32>, vector<16xi32> -> vector<16xf32>
      %broadcast_in_dim3A_329 = arith.constant 7 : i32
      %broadcast_in_dim3A_330 = vector.broadcast %broadcast_in_dim3A_329 : i32 to vector<16xi32>
      %lt3A_331 = arith.constant 0 : i32
      %lt3A_332 = vector.broadcast %lt3A_331 : i32 to vector<16xi32>
      %lt3A_333 = arith.cmpi slt, %broadcast_in_dim3A_330, %lt3A_332 : vector<16xi32>
      %add3A_334 = arith.constant 16 : i32
      %add3A_335 = vector.broadcast %add3A_334 : i32 to vector<16xi32>
      %add3A_336 = arith.addi %broadcast_in_dim3A_330, %add3A_335 : vector<16xi32>
      %select_n3A_337 = arith.select %lt3A_333, %add3A_336, %broadcast_in_dim3A_330 : vector<16xi1>, vector<16xi32>
      %broadcast_in_dim3A_338 = vector.shape_cast %select_n3A_337 : vector<16xi32> to vector<16x1xi32>
      %gather3A_339 = vector.shape_cast %broadcast_in_dim3A_338 : vector<16x1xi32> to vector<16xi32>
      %gather3A_340 = tpu.dynamic_gather %get3A_244[%gather3A_339] in [0] : vector<16xf32>, vector<16xi32> -> vector<16xf32>
      %broadcast_in_dim3A_341 = arith.constant 8 : i32
      %broadcast_in_dim3A_342 = vector.broadcast %broadcast_in_dim3A_341 : i32 to vector<16xi32>
      %lt3A_343 = arith.constant 0 : i32
      %lt3A_344 = vector.broadcast %lt3A_343 : i32 to vector<16xi32>
      %lt3A_345 = arith.cmpi slt, %broadcast_in_dim3A_342, %lt3A_344 : vector<16xi32>
      %add3A_346 = arith.constant 16 : i32
      %add3A_347 = vector.broadcast %add3A_346 : i32 to vector<16xi32>
      %add3A_348 = arith.addi %broadcast_in_dim3A_342, %add3A_347 : vector<16xi32>
      %select_n3A_349 = arith.select %lt3A_345, %add3A_348, %broadcast_in_dim3A_342 : vector<16xi1>, vector<16xi32>
      %broadcast_in_dim3A_350 = vector.shape_cast %select_n3A_349 : vector<16xi32> to vector<16x1xi32>
      %gather3A_351 = vector.shape_cast %broadcast_in_dim3A_350 : vector<16x1xi32> to vector<16xi32>
      %gather3A_352 = tpu.dynamic_gather %get3A_244[%gather3A_351] in [0] : vector<16xf32>, vector<16xi32> -> vector<16xf32>
      %broadcast_in_dim3A_353 = arith.constant 9 : i32
      %broadcast_in_dim3A_354 = vector.broadcast %broadcast_in_dim3A_353 : i32 to vector<16xi32>
      %lt3A_355 = arith.constant 0 : i32
      %lt3A_356 = vector.broadcast %lt3A_355 : i32 to vector<16xi32>
      %lt3A_357 = arith.cmpi slt, %broadcast_in_dim3A_354, %lt3A_356 : vector<16xi32>
      %add3A_358 = arith.constant 16 : i32
      %add3A_359 = vector.broadcast %add3A_358 : i32 to vector<16xi32>
      %add3A_360 = arith.addi %broadcast_in_dim3A_354, %add3A_359 : vector<16xi32>
      %select_n3A_361 = arith.select %lt3A_357, %add3A_360, %broadcast_in_dim3A_354 : vector<16xi1>, vector<16xi32>
      %broadcast_in_dim3A_362 = vector.shape_cast %select_n3A_361 : vector<16xi32> to vector<16x1xi32>
      %gather3A_363 = vector.shape_cast %broadcast_in_dim3A_362 : vector<16x1xi32> to vector<16xi32>
      %gather3A_364 = tpu.dynamic_gather %get3A_244[%gather3A_363] in [0] : vector<16xf32>, vector<16xi32> -> vector<16xf32>
      %broadcast_in_dim3A_365 = arith.constant 10 : i32
      %broadcast_in_dim3A_366 = vector.broadcast %broadcast_in_dim3A_365 : i32 to vector<16xi32>
      %lt3A_367 = arith.constant 0 : i32
      %lt3A_368 = vector.broadcast %lt3A_367 : i32 to vector<16xi32>
      %lt3A_369 = arith.cmpi slt, %broadcast_in_dim3A_366, %lt3A_368 : vector<16xi32>
      %add3A_370 = arith.constant 16 : i32
      %add3A_371 = vector.broadcast %add3A_370 : i32 to vector<16xi32>
      %add3A_372 = arith.addi %broadcast_in_dim3A_366, %add3A_371 : vector<16xi32>
      %select_n3A_373 = arith.select %lt3A_369, %add3A_372, %broadcast_in_dim3A_366 : vector<16xi1>, vector<16xi32>
      %broadcast_in_dim3A_374 = vector.shape_cast %select_n3A_373 : vector<16xi32> to vector<16x1xi32>
      %gather3A_375 = vector.shape_cast %broadcast_in_dim3A_374 : vector<16x1xi32> to vector<16xi32>
      %gather3A_376 = tpu.dynamic_gather %get3A_244[%gather3A_375] in [0] : vector<16xf32>, vector<16xi32> -> vector<16xf32>
      %broadcast_in_dim3A_377 = arith.constant 11 : i32
      %broadcast_in_dim3A_378 = vector.broadcast %broadcast_in_dim3A_377 : i32 to vector<16xi32>
      %lt3A_379 = arith.constant 0 : i32
      %lt3A_380 = vector.broadcast %lt3A_379 : i32 to vector<16xi32>
      %lt3A_381 = arith.cmpi slt, %broadcast_in_dim3A_378, %lt3A_380 : vector<16xi32>
      %add3A_382 = arith.constant 16 : i32
      %add3A_383 = vector.broadcast %add3A_382 : i32 to vector<16xi32>
      %add3A_384 = arith.addi %broadcast_in_dim3A_378, %add3A_383 : vector<16xi32>
      %select_n3A_385 = arith.select %lt3A_381, %add3A_384, %broadcast_in_dim3A_378 : vector<16xi1>, vector<16xi32>
      %broadcast_in_dim3A_386 = vector.shape_cast %select_n3A_385 : vector<16xi32> to vector<16x1xi32>
      %gather3A_387 = vector.shape_cast %broadcast_in_dim3A_386 : vector<16x1xi32> to vector<16xi32>
      %gather3A_388 = tpu.dynamic_gather %get3A_244[%gather3A_387] in [0] : vector<16xf32>, vector<16xi32> -> vector<16xf32>
      %broadcast_in_dim3A_389 = arith.constant 12 : i32
      %broadcast_in_dim3A_390 = vector.broadcast %broadcast_in_dim3A_389 : i32 to vector<16xi32>
      %lt3A_391 = arith.constant 0 : i32
      %lt3A_392 = vector.broadcast %lt3A_391 : i32 to vector<16xi32>
      %lt3A_393 = arith.cmpi slt, %broadcast_in_dim3A_390, %lt3A_392 : vector<16xi32>
      %add3A_394 = arith.constant 16 : i32
      %add3A_395 = vector.broadcast %add3A_394 : i32 to vector<16xi32>
      %add3A_396 = arith.addi %broadcast_in_dim3A_390, %add3A_395 : vector<16xi32>
      %select_n3A_397 = arith.select %lt3A_393, %add3A_396, %broadcast_in_dim3A_390 : vector<16xi1>, vector<16xi32>
      %broadcast_in_dim3A_398 = vector.shape_cast %select_n3A_397 : vector<16xi32> to vector<16x1xi32>
      %gather3A_399 = vector.shape_cast %broadcast_in_dim3A_398 : vector<16x1xi32> to vector<16xi32>
      %gather3A_400 = tpu.dynamic_gather %get3A_244[%gather3A_399] in [0] : vector<16xf32>, vector<16xi32> -> vector<16xf32>
      %broadcast_in_dim3A_401 = arith.constant 13 : i32
      %broadcast_in_dim3A_402 = vector.broadcast %broadcast_in_dim3A_401 : i32 to vector<16xi32>
      %lt3A_403 = arith.constant 0 : i32
      %lt3A_404 = vector.broadcast %lt3A_403 : i32 to vector<16xi32>
      %lt3A_405 = arith.cmpi slt, %broadcast_in_dim3A_402, %lt3A_404 : vector<16xi32>
      %add3A_406 = arith.constant 16 : i32
      %add3A_407 = vector.broadcast %add3A_406 : i32 to vector<16xi32>
      %add3A_408 = arith.addi %broadcast_in_dim3A_402, %add3A_407 : vector<16xi32>
      %select_n3A_409 = arith.select %lt3A_405, %add3A_408, %broadcast_in_dim3A_402 : vector<16xi1>, vector<16xi32>
      %broadcast_in_dim3A_410 = vector.shape_cast %select_n3A_409 : vector<16xi32> to vector<16x1xi32>
      %gather3A_411 = vector.shape_cast %broadcast_in_dim3A_410 : vector<16x1xi32> to vector<16xi32>
      %gather3A_412 = tpu.dynamic_gather %get3A_244[%gather3A_411] in [0] : vector<16xf32>, vector<16xi32> -> vector<16xf32>
      %broadcast_in_dim3A_413 = arith.constant 14 : i32
      %broadcast_in_dim3A_414 = vector.broadcast %broadcast_in_dim3A_413 : i32 to vector<16xi32>
      %lt3A_415 = arith.constant 0 : i32
      %lt3A_416 = vector.broadcast %lt3A_415 : i32 to vector<16xi32>
      %lt3A_417 = arith.cmpi slt, %broadcast_in_dim3A_414, %lt3A_416 : vector<16xi32>
      %add3A_418 = arith.constant 16 : i32
      %add3A_419 = vector.broadcast %add3A_418 : i32 to vector<16xi32>
      %add3A_420 = arith.addi %broadcast_in_dim3A_414, %add3A_419 : vector<16xi32>
      %select_n3A_421 = arith.select %lt3A_417, %add3A_420, %broadcast_in_dim3A_414 : vector<16xi1>, vector<16xi32>
      %broadcast_in_dim3A_422 = vector.shape_cast %select_n3A_421 : vector<16xi32> to vector<16x1xi32>
      %gather3A_423 = vector.shape_cast %broadcast_in_dim3A_422 : vector<16x1xi32> to vector<16xi32>
      %gather3A_424 = tpu.dynamic_gather %get3A_244[%gather3A_423] in [0] : vector<16xf32>, vector<16xi32> -> vector<16xf32>
      %broadcast_in_dim3A_425 = arith.constant 15 : i32
      %broadcast_in_dim3A_426 = vector.broadcast %broadcast_in_dim3A_425 : i32 to vector<16xi32>
      %lt3A_427 = arith.constant 0 : i32
      %lt3A_428 = vector.broadcast %lt3A_427 : i32 to vector<16xi32>
      %lt3A_429 = arith.cmpi slt, %broadcast_in_dim3A_426, %lt3A_428 : vector<16xi32>
      %add3A_430 = arith.constant 16 : i32
      %add3A_431 = vector.broadcast %add3A_430 : i32 to vector<16xi32>
      %add3A_432 = arith.addi %broadcast_in_dim3A_426, %add3A_431 : vector<16xi32>
      %select_n3A_433 = arith.select %lt3A_429, %add3A_432, %broadcast_in_dim3A_426 : vector<16xi1>, vector<16xi32>
      %broadcast_in_dim3A_434 = vector.shape_cast %select_n3A_433 : vector<16xi32> to vector<16x1xi32>
      %gather3A_435 = vector.shape_cast %broadcast_in_dim3A_434 : vector<16x1xi32> to vector<16xi32>
      %gather3A_436 = tpu.dynamic_gather %get3A_244[%gather3A_435] in [0] : vector<16xf32>, vector<16xi32> -> vector<16xf32>
      %scan3A_437 = arith.constant 0 : i32
      %scan3A_438 = arith.constant 0 : i32
      %scan3A_439 = arith.constant 64 : i32
      %scan3A_440 = arith.addi %scan3A_438, %scan3A_439 : i32
      %scan3A_441 = arith.constant 1 : i32
      %scan3A_442 = scf.for %scan3A_875 = %scan3A_438 to %scan3A_440 step %scan3A_441 iter_args(%scan3A_876 = %scan3A_437) -> (i32)  : i32 {
        %mul3A_877 = arith.constant 16 : i32
        %mul3A_878 = arith.muli %scan3A_875, %mul3A_877 : i32
        %get3A_879 = arith.constant 16 : i32
        %get3A_880 = arith.index_cast %get3A_879 : i32 to index
        %get3A_881 = arith.index_cast %mul3A_878 : i32 to index
        %get3A_882 = tpu.vector_load %arg8[%get3A_880, %get3A_881] {strides = array<i32>} : memref<32x1024xf32, #tpu.memory_space<vmem>>, vector<1x16xf32>,
        %get3A_883 = vector.shape_cast %get3A_882 : vector<1x16xf32> to vector<16xf32>
        %mul3A_884 = arith.mulf %gather3A_256, %get3A_883 : vector<16xf32>
        %get3A_885 = arith.constant 17 : i32
        %get3A_886 = arith.index_cast %get3A_885 : i32 to index
        %get3A_887 = arith.index_cast %mul3A_878 : i32 to index
        %get3A_888 = tpu.vector_load %arg8[%get3A_886, %get3A_887] {strides = array<i32>} : memref<32x1024xf32, #tpu.memory_space<vmem>>, vector<1x16xf32>,
        %get3A_889 = vector.shape_cast %get3A_888 : vector<1x16xf32> to vector<16xf32>
        %mul3A_890 = arith.mulf %gather3A_268, %get3A_889 : vector<16xf32>
        %add3A_891 = arith.addf %mul3A_884, %mul3A_890 : vector<16xf32>
        %get3A_892 = arith.constant 18 : i32
        %get3A_893 = arith.index_cast %get3A_892 : i32 to index
        %get3A_894 = arith.index_cast %mul3A_878 : i32 to index
        %get3A_895 = tpu.vector_load %arg8[%get3A_893, %get3A_894] {strides = array<i32>} : memref<32x1024xf32, #tpu.memory_space<vmem>>, vector<1x16xf32>,
        %get3A_896 = vector.shape_cast %get3A_895 : vector<1x16xf32> to vector<16xf32>
        %mul3A_897 = arith.mulf %gather3A_280, %get3A_896 : vector<16xf32>
        %add3A_898 = arith.addf %add3A_891, %mul3A_897 : vector<16xf32>
        %get3A_899 = arith.constant 19 : i32
        %get3A_900 = arith.index_cast %get3A_899 : i32 to index
        %get3A_901 = arith.index_cast %mul3A_878 : i32 to index
        %get3A_902 = tpu.vector_load %arg8[%get3A_900, %get3A_901] {strides = array<i32>} : memref<32x1024xf32, #tpu.memory_space<vmem>>, vector<1x16xf32>,
        %get3A_903 = vector.shape_cast %get3A_902 : vector<1x16xf32> to vector<16xf32>
        %mul3A_904 = arith.mulf %gather3A_292, %get3A_903 : vector<16xf32>
        %add3A_905 = arith.addf %add3A_898, %mul3A_904 : vector<16xf32>
        %get3A_906 = arith.constant 20 : i32
        %get3A_907 = arith.index_cast %get3A_906 : i32 to index
        %get3A_908 = arith.index_cast %mul3A_878 : i32 to index
        %get3A_909 = tpu.vector_load %arg8[%get3A_907, %get3A_908] {strides = array<i32>} : memref<32x1024xf32, #tpu.memory_space<vmem>>, vector<1x16xf32>,
        %get3A_910 = vector.shape_cast %get3A_909 : vector<1x16xf32> to vector<16xf32>
        %mul3A_911 = arith.mulf %gather3A_304, %get3A_910 : vector<16xf32>
        %add3A_912 = arith.addf %add3A_905, %mul3A_911 : vector<16xf32>
        %get3A_913 = arith.constant 21 : i32
        %get3A_914 = arith.index_cast %get3A_913 : i32 to index
        %get3A_915 = arith.index_cast %mul3A_878 : i32 to index
        %get3A_916 = tpu.vector_load %arg8[%get3A_914, %get3A_915] {strides = array<i32>} : memref<32x1024xf32, #tpu.memory_space<vmem>>, vector<1x16xf32>,
        %get3A_917 = vector.shape_cast %get3A_916 : vector<1x16xf32> to vector<16xf32>
        %mul3A_918 = arith.mulf %gather3A_316, %get3A_917 : vector<16xf32>
        %add3A_919 = arith.addf %add3A_912, %mul3A_918 : vector<16xf32>
        %get3A_920 = arith.constant 22 : i32
        %get3A_921 = arith.index_cast %get3A_920 : i32 to index
        %get3A_922 = arith.index_cast %mul3A_878 : i32 to index
        %get3A_923 = tpu.vector_load %arg8[%get3A_921, %get3A_922] {strides = array<i32>} : memref<32x1024xf32, #tpu.memory_space<vmem>>, vector<1x16xf32>,
        %get3A_924 = vector.shape_cast %get3A_923 : vector<1x16xf32> to vector<16xf32>
        %mul3A_925 = arith.mulf %gather3A_328, %get3A_924 : vector<16xf32>
        %add3A_926 = arith.addf %add3A_919, %mul3A_925 : vector<16xf32>
        %get3A_927 = arith.constant 23 : i32
        %get3A_928 = arith.index_cast %get3A_927 : i32 to index
        %get3A_929 = arith.index_cast %mul3A_878 : i32 to index
        %get3A_930 = tpu.vector_load %arg8[%get3A_928, %get3A_929] {strides = array<i32>} : memref<32x1024xf32, #tpu.memory_space<vmem>>, vector<1x16xf32>,
        %get3A_931 = vector.shape_cast %get3A_930 : vector<1x16xf32> to vector<16xf32>
        %mul3A_932 = arith.mulf %gather3A_340, %get3A_931 : vector<16xf32>
        %add3A_933 = arith.addf %add3A_926, %mul3A_932 : vector<16xf32>
        %get3A_934 = arith.constant 24 : i32
        %get3A_935 = arith.index_cast %get3A_934 : i32 to index
        %get3A_936 = arith.index_cast %mul3A_878 : i32 to index
        %get3A_937 = tpu.vector_load %arg8[%get3A_935, %get3A_936] {strides = array<i32>} : memref<32x1024xf32, #tpu.memory_space<vmem>>, vector<1x16xf32>,
        %get3A_938 = vector.shape_cast %get3A_937 : vector<1x16xf32> to vector<16xf32>
        %mul3A_939 = arith.mulf %gather3A_352, %get3A_938 : vector<16xf32>
        %add3A_940 = arith.addf %add3A_933, %mul3A_939 : vector<16xf32>
        %get3A_941 = arith.constant 25 : i32
        %get3A_942 = arith.index_cast %get3A_941 : i32 to index
        %get3A_943 = arith.index_cast %mul3A_878 : i32 to index
        %get3A_944 = tpu.vector_load %arg8[%get3A_942, %get3A_943] {strides = array<i32>} : memref<32x1024xf32, #tpu.memory_space<vmem>>, vector<1x16xf32>,
        %get3A_945 = vector.shape_cast %get3A_944 : vector<1x16xf32> to vector<16xf32>
        %mul3A_946 = arith.mulf %gather3A_364, %get3A_945 : vector<16xf32>
        %add3A_947 = arith.addf %add3A_940, %mul3A_946 : vector<16xf32>
        %get3A_948 = arith.constant 26 : i32
        %get3A_949 = arith.index_cast %get3A_948 : i32 to index
        %get3A_950 = arith.index_cast %mul3A_878 : i32 to index
        %get3A_951 = tpu.vector_load %arg8[%get3A_949, %get3A_950] {strides = array<i32>} : memref<32x1024xf32, #tpu.memory_space<vmem>>, vector<1x16xf32>,
        %get3A_952 = vector.shape_cast %get3A_951 : vector<1x16xf32> to vector<16xf32>
        %mul3A_953 = arith.mulf %gather3A_376, %get3A_952 : vector<16xf32>
        %add3A_954 = arith.addf %add3A_947, %mul3A_953 : vector<16xf32>
        %get3A_955 = arith.constant 27 : i32
        %get3A_956 = arith.index_cast %get3A_955 : i32 to index
        %get3A_957 = arith.index_cast %mul3A_878 : i32 to index
        %get3A_958 = tpu.vector_load %arg8[%get3A_956, %get3A_957] {strides = array<i32>} : memref<32x1024xf32, #tpu.memory_space<vmem>>, vector<1x16xf32>,
        %get3A_959 = vector.shape_cast %get3A_958 : vector<1x16xf32> to vector<16xf32>
        %mul3A_960 = arith.mulf %gather3A_388, %get3A_959 : vector<16xf32>
        %add3A_961 = arith.addf %add3A_954, %mul3A_960 : vector<16xf32>
        %get3A_962 = arith.constant 28 : i32
        %get3A_963 = arith.index_cast %get3A_962 : i32 to index
        %get3A_964 = arith.index_cast %mul3A_878 : i32 to index
        %get3A_965 = tpu.vector_load %arg8[%get3A_963, %get3A_964] {strides = array<i32>} : memref<32x1024xf32, #tpu.memory_space<vmem>>, vector<1x16xf32>,
        %get3A_966 = vector.shape_cast %get3A_965 : vector<1x16xf32> to vector<16xf32>
        %mul3A_967 = arith.mulf %gather3A_400, %get3A_966 : vector<16xf32>
        %add3A_968 = arith.addf %add3A_961, %mul3A_967 : vector<16xf32>
        %get3A_969 = arith.constant 29 : i32
        %get3A_970 = arith.index_cast %get3A_969 : i32 to index
        %get3A_971 = arith.index_cast %mul3A_878 : i32 to index
        %get3A_972 = tpu.vector_load %arg8[%get3A_970, %get3A_971] {strides = array<i32>} : memref<32x1024xf32, #tpu.memory_space<vmem>>, vector<1x16xf32>,
        %get3A_973 = vector.shape_cast %get3A_972 : vector<1x16xf32> to vector<16xf32>
        %mul3A_974 = arith.mulf %gather3A_412, %get3A_973 : vector<16xf32>
        %add3A_975 = arith.addf %add3A_968, %mul3A_974 : vector<16xf32>
        %get3A_976 = arith.constant 30 : i32
        %get3A_977 = arith.index_cast %get3A_976 : i32 to index
        %get3A_978 = arith.index_cast %mul3A_878 : i32 to index
        %get3A_979 = tpu.vector_load %arg8[%get3A_977, %get3A_978] {strides = array<i32>} : memref<32x1024xf32, #tpu.memory_space<vmem>>, vector<1x16xf32>,
        %get3A_980 = vector.shape_cast %get3A_979 : vector<1x16xf32> to vector<16xf32>
        %mul3A_981 = arith.mulf %gather3A_424, %get3A_980 : vector<16xf32>
        %add3A_982 = arith.addf %add3A_975, %mul3A_981 : vector<16xf32>
        %get3A_983 = arith.constant 31 : i32
        %get3A_984 = arith.index_cast %get3A_983 : i32 to index
        %get3A_985 = arith.index_cast %mul3A_878 : i32 to index
        %get3A_986 = tpu.vector_load %arg8[%get3A_984, %get3A_985] {strides = array<i32>} : memref<32x1024xf32, #tpu.memory_space<vmem>>, vector<1x16xf32>,
        %get3A_987 = vector.shape_cast %get3A_986 : vector<1x16xf32> to vector<16xf32>
        %mul3A_988 = arith.mulf %gather3A_436, %get3A_987 : vector<16xf32>
        %add3A_989 = arith.addf %add3A_982, %mul3A_988 : vector<16xf32>
        %swap3A = arith.index_cast %mul3A_878 : i32 to index
        %swap3A_990 = tpu.vector_load %arg10[%swap3A] {strides = array<i32>} : memref<1024xf32, #tpu.memory_space<vmem>>, vector<16xf32>,
        %swap3A_991 = vector.shape_cast %swap3A_990 : vector<16xf32> to vector<16xf32>
        %swap3A_992 = vector.shape_cast %add3A_989 : vector<16xf32> to vector<16xf32>
        tpu.vector_store %arg10[%swap3A], %swap3A_992 {strides = array<i32>} : memref<1024xf32, #tpu.memory_space<vmem>>, vector<16xf32>,
        %scan3A_993 = arith.constant 0 : i32
        scf.yield %scan3A_993 : i32
      }
      %scan3A_443 = arith.constant 64 : i32
      %add3A_444 = arith.addi %mul3A_4, %add3A_239 : i32
      "tpu.region"() ({
        %run_scoped3A = tpu.sem_alloc : memref<!tpu.dma_semaphore, #tpu.memory_space<semaphore_mem>>
        %dma_start3A_875 = arith.constant 0 : i32
        %dma_start3A_876 = tpu.memref_slice %arg5[%add3A_444, %dma_start3A_875] : memref<2048x1024xf32, #tpu.memory_space<hbm>> -> memref<1x1024xf32, #tpu.memory_space<hbm>>
        %dma_start3A_877 = tpu.memref_squeeze %dma_start3A_876 : memref<1x1024xf32, #tpu.memory_space<hbm>> -> memref<1024xf32, #tpu.memory_space<hbm>>
        %dma_start3A_878 = arith.constant 0 : i32
        %dma_start3A_879 = tpu.memref_slice %arg5[%add3A_444, %dma_start3A_878] : memref<2048x1024xf32, #tpu.memory_space<hbm>> -> memref<1x1024xf32, #tpu.memory_space<hbm>>
        %dma_start3A_880 = tpu.memref_squeeze %dma_start3A_879 : memref<1x1024xf32, #tpu.memory_space<hbm>> -> memref<1024xf32, #tpu.memory_space<hbm>>
        tpu.enqueue_dma source(%arg10 : memref<1024xf32, #tpu.memory_space<vmem>>) target(%dma_start3A_880 : memref<1024xf32, #tpu.memory_space<hbm>>) target_semaphore(%run_scoped3A : memref<!tpu.dma_semaphore, #tpu.memory_space<semaphore_mem>>)
        %dma_wait3A_881 = arith.constant 0 : i32
        %dma_wait3A_882 = tpu.memref_slice %arg5[%add3A_444, %dma_wait3A_881] : memref<2048x1024xf32, #tpu.memory_space<hbm>> -> memref<1x1024xf32, #tpu.memory_space<hbm>>
        %dma_wait3A_883 = tpu.memref_squeeze %dma_wait3A_882 : memref<1x1024xf32, #tpu.memory_space<hbm>> -> memref<1024xf32, #tpu.memory_space<hbm>>
        %dma_wait3A_884 = arith.constant 0 : i32
        %dma_wait3A_885 = tpu.memref_slice %arg5[%add3A_444, %dma_wait3A_884] : memref<2048x1024xf32, #tpu.memory_space<hbm>> -> memref<1x1024xf32, #tpu.memory_space<hbm>>
        %dma_wait3A_886 = tpu.memref_squeeze %dma_wait3A_885 : memref<1x1024xf32, #tpu.memory_space<hbm>> -> memref<1024xf32, #tpu.memory_space<hbm>>
        tpu.wait_dma2 semaphore(%run_scoped3A : memref<!tpu.dma_semaphore, #tpu.memory_space<semaphore_mem>>) src(%arg10 : memref<1024xf32, #tpu.memory_space<vmem>>) dst(%dma_wait3A_886 : memref<1024xf32, #tpu.memory_space<hbm>>)
        tpu.yield
      }) : () -> ()
      %add3A_445 = arith.constant 1 : i32
      %add3A_446 = arith.addi %add3A_20, %add3A_445 : i32
      %lt3A_447 = arith.constant 32 : i32
      %lt3A_448 = arith.cmpi slt, %add3A_446, %lt3A_447 : i32
      %convert_element_type3A = arith.extui %lt3A_448 : i1 to i32
      %cond3A = arith.constant 0 : i32
      %cond3A_449 = arith.cmpi ne, %convert_element_type3A, %cond3A : i32
      scf.if %cond3A_449 {
        %add3A_875 = arith.constant 1 : i32
        %add3A_876 = arith.addi %add3A_20, %add3A_875 : i32
        %mul3A_877 = arith.constant 32 : i32
        %mul3A_878 = arith.muli %add3A_876, %mul3A_877 : i32
        %dma_start3A_879 = tpu.memref_slice %arg6[%mul3A_878] : memref<1024xi32, #tpu.memory_space<vmem>> -> memref<32xi32, #tpu.memory_space<vmem>>
        %dma_start3A_880 = arith.constant 0 : i32
        %dma_start3A_881 = arith.constant 0 : i32
        %dma_start3A_882 = tpu.memref_slice %arg2[%dma_start3A_880, %dma_start3A_881] : memref<4096x1024xf32, #tpu.memory_space<hbm>> -> memref<4096x1024xf32, #tpu.memory_space<hbm>>
        tpu.enqueue_indirect_dma source(%dma_start3A_882 : memref<4096x1024xf32, #tpu.memory_space<hbm>>) target(%arg8 : memref<32x1024xf32, #tpu.memory_space<vmem>>) offsets(%dma_start3A_879 : memref<32xi32, #tpu.memory_space<vmem>>) semaphore(%arg11 : memref<!tpu.dma_semaphore, #tpu.memory_space<semaphore_mem>>)
      } else {
      }
      %dma_wait3A_450 = arith.constant 0 : i32
      %dma_wait3A_451 = arith.constant 0 : i32
      %dma_wait3A_452 = tpu.memref_slice %arg2[%dma_wait3A_450, %dma_wait3A_451] : memref<4096x1024xf32, #tpu.memory_space<hbm>> -> memref<32x1024xf32, #tpu.memory_space<hbm>>
      %dma_wait3A_453 = arith.constant 0 : i32
      %dma_wait3A_454 = arith.constant 0 : i32
      %dma_wait3A_455 = tpu.memref_slice %arg2[%dma_wait3A_453, %dma_wait3A_454] : memref<4096x1024xf32, #tpu.memory_space<hbm>> -> memref<32x1024xf32, #tpu.memory_space<hbm>>
      tpu.wait_dma2 semaphore(%arg12 : memref<!tpu.dma_semaphore, #tpu.memory_space<semaphore_mem>>) src(%dma_wait3A_455 : memref<32x1024xf32, #tpu.memory_space<hbm>>) dst(%arg9 : memref<32x1024xf32, #tpu.memory_space<vmem>>)
      %mul3A_456 = arith.constant 2 : i32
      %mul3A_457 = arith.muli %add3A_20, %mul3A_456 : i32
      %add3A_458 = arith.constant 0 : i32
      %add3A_459 = arith.addi %mul3A_457, %add3A_458 : i32
      %mul3A_460 = arith.constant 16 : i32
      %mul3A_461 = arith.muli %add3A_459, %mul3A_460 : i32
      %get3A_462 = arith.index_cast %mul3A_461 : i32 to index
      %get3A_463 = tpu.vector_load %arg7[%get3A_462] {strides = array<i32>} : memref<1024xf32, #tpu.memory_space<vmem>>, vector<16xf32>,
      %get3A_464 = vector.shape_cast %get3A_463 : vector<16xf32> to vector<16xf32>
      %broadcast_in_dim3A_465 = arith.constant 0 : i32
      %broadcast_in_dim3A_466 = vector.broadcast %broadcast_in_dim3A_465 : i32 to vector<16xi32>
      %lt3A_467 = arith.constant 0 : i32
      %lt3A_468 = vector.broadcast %lt3A_467 : i32 to vector<16xi32>
      %lt3A_469 = arith.cmpi slt, %broadcast_in_dim3A_466, %lt3A_468 : vector<16xi32>
      %add3A_470 = arith.constant 16 : i32
      %add3A_471 = vector.broadcast %add3A_470 : i32 to vector<16xi32>
      %add3A_472 = arith.addi %broadcast_in_dim3A_466, %add3A_471 : vector<16xi32>
      %select_n3A_473 = arith.select %lt3A_469, %add3A_472, %broadcast_in_dim3A_466 : vector<16xi1>, vector<16xi32>
      %broadcast_in_dim3A_474 = vector.shape_cast %select_n3A_473 : vector<16xi32> to vector<16x1xi32>
      %gather3A_475 = vector.shape_cast %broadcast_in_dim3A_474 : vector<16x1xi32> to vector<16xi32>
      %gather3A_476 = tpu.dynamic_gather %get3A_464[%gather3A_475] in [0] : vector<16xf32>, vector<16xi32> -> vector<16xf32>
      %broadcast_in_dim3A_477 = arith.constant 1 : i32
      %broadcast_in_dim3A_478 = vector.broadcast %broadcast_in_dim3A_477 : i32 to vector<16xi32>
      %lt3A_479 = arith.constant 0 : i32
      %lt3A_480 = vector.broadcast %lt3A_479 : i32 to vector<16xi32>
      %lt3A_481 = arith.cmpi slt, %broadcast_in_dim3A_478, %lt3A_480 : vector<16xi32>
      %add3A_482 = arith.constant 16 : i32
      %add3A_483 = vector.broadcast %add3A_482 : i32 to vector<16xi32>
      %add3A_484 = arith.addi %broadcast_in_dim3A_478, %add3A_483 : vector<16xi32>
      %select_n3A_485 = arith.select %lt3A_481, %add3A_484, %broadcast_in_dim3A_478 : vector<16xi1>, vector<16xi32>
      %broadcast_in_dim3A_486 = vector.shape_cast %select_n3A_485 : vector<16xi32> to vector<16x1xi32>
      %gather3A_487 = vector.shape_cast %broadcast_in_dim3A_486 : vector<16x1xi32> to vector<16xi32>
      %gather3A_488 = tpu.dynamic_gather %get3A_464[%gather3A_487] in [0] : vector<16xf32>, vector<16xi32> -> vector<16xf32>
      %broadcast_in_dim3A_489 = arith.constant 2 : i32
      %broadcast_in_dim3A_490 = vector.broadcast %broadcast_in_dim3A_489 : i32 to vector<16xi32>
      %lt3A_491 = arith.constant 0 : i32
      %lt3A_492 = vector.broadcast %lt3A_491 : i32 to vector<16xi32>
      %lt3A_493 = arith.cmpi slt, %broadcast_in_dim3A_490, %lt3A_492 : vector<16xi32>
      %add3A_494 = arith.constant 16 : i32
      %add3A_495 = vector.broadcast %add3A_494 : i32 to vector<16xi32>
      %add3A_496 = arith.addi %broadcast_in_dim3A_490, %add3A_495 : vector<16xi32>
      %select_n3A_497 = arith.select %lt3A_493, %add3A_496, %broadcast_in_dim3A_490 : vector<16xi1>, vector<16xi32>
      %broadcast_in_dim3A_498 = vector.shape_cast %select_n3A_497 : vector<16xi32> to vector<16x1xi32>
      %gather3A_499 = vector.shape_cast %broadcast_in_dim3A_498 : vector<16x1xi32> to vector<16xi32>
      %gather3A_500 = tpu.dynamic_gather %get3A_464[%gather3A_499] in [0] : vector<16xf32>, vector<16xi32> -> vector<16xf32>
      %broadcast_in_dim3A_501 = arith.constant 3 : i32
      %broadcast_in_dim3A_502 = vector.broadcast %broadcast_in_dim3A_501 : i32 to vector<16xi32>
      %lt3A_503 = arith.constant 0 : i32
      %lt3A_504 = vector.broadcast %lt3A_503 : i32 to vector<16xi32>
      %lt3A_505 = arith.cmpi slt, %broadcast_in_dim3A_502, %lt3A_504 : vector<16xi32>
      %add3A_506 = arith.constant 16 : i32
      %add3A_507 = vector.broadcast %add3A_506 : i32 to vector<16xi32>
      %add3A_508 = arith.addi %broadcast_in_dim3A_502, %add3A_507 : vector<16xi32>
      %select_n3A_509 = arith.select %lt3A_505, %add3A_508, %broadcast_in_dim3A_502 : vector<16xi1>, vector<16xi32>
      %broadcast_in_dim3A_510 = vector.shape_cast %select_n3A_509 : vector<16xi32> to vector<16x1xi32>
      %gather3A_511 = vector.shape_cast %broadcast_in_dim3A_510 : vector<16x1xi32> to vector<16xi32>
      %gather3A_512 = tpu.dynamic_gather %get3A_464[%gather3A_511] in [0] : vector<16xf32>, vector<16xi32> -> vector<16xf32>
      %broadcast_in_dim3A_513 = arith.constant 4 : i32
      %broadcast_in_dim3A_514 = vector.broadcast %broadcast_in_dim3A_513 : i32 to vector<16xi32>
      %lt3A_515 = arith.constant 0 : i32
      %lt3A_516 = vector.broadcast %lt3A_515 : i32 to vector<16xi32>
      %lt3A_517 = arith.cmpi slt, %broadcast_in_dim3A_514, %lt3A_516 : vector<16xi32>
      %add3A_518 = arith.constant 16 : i32
      %add3A_519 = vector.broadcast %add3A_518 : i32 to vector<16xi32>
      %add3A_520 = arith.addi %broadcast_in_dim3A_514, %add3A_519 : vector<16xi32>
      %select_n3A_521 = arith.select %lt3A_517, %add3A_520, %broadcast_in_dim3A_514 : vector<16xi1>, vector<16xi32>
      %broadcast_in_dim3A_522 = vector.shape_cast %select_n3A_521 : vector<16xi32> to vector<16x1xi32>
      %gather3A_523 = vector.shape_cast %broadcast_in_dim3A_522 : vector<16x1xi32> to vector<16xi32>
      %gather3A_524 = tpu.dynamic_gather %get3A_464[%gather3A_523] in [0] : vector<16xf32>, vector<16xi32> -> vector<16xf32>
      %broadcast_in_dim3A_525 = arith.constant 5 : i32
      %broadcast_in_dim3A_526 = vector.broadcast %broadcast_in_dim3A_525 : i32 to vector<16xi32>
      %lt3A_527 = arith.constant 0 : i32
      %lt3A_528 = vector.broadcast %lt3A_527 : i32 to vector<16xi32>
      %lt3A_529 = arith.cmpi slt, %broadcast_in_dim3A_526, %lt3A_528 : vector<16xi32>
      %add3A_530 = arith.constant 16 : i32
      %add3A_531 = vector.broadcast %add3A_530 : i32 to vector<16xi32>
      %add3A_532 = arith.addi %broadcast_in_dim3A_526, %add3A_531 : vector<16xi32>
      %select_n3A_533 = arith.select %lt3A_529, %add3A_532, %broadcast_in_dim3A_526 : vector<16xi1>, vector<16xi32>
      %broadcast_in_dim3A_534 = vector.shape_cast %select_n3A_533 : vector<16xi32> to vector<16x1xi32>
      %gather3A_535 = vector.shape_cast %broadcast_in_dim3A_534 : vector<16x1xi32> to vector<16xi32>
      %gather3A_536 = tpu.dynamic_gather %get3A_464[%gather3A_535] in [0] : vector<16xf32>, vector<16xi32> -> vector<16xf32>
      %broadcast_in_dim3A_537 = arith.constant 6 : i32
      %broadcast_in_dim3A_538 = vector.broadcast %broadcast_in_dim3A_537 : i32 to vector<16xi32>
      %lt3A_539 = arith.constant 0 : i32
      %lt3A_540 = vector.broadcast %lt3A_539 : i32 to vector<16xi32>
      %lt3A_541 = arith.cmpi slt, %broadcast_in_dim3A_538, %lt3A_540 : vector<16xi32>
      %add3A_542 = arith.constant 16 : i32
      %add3A_543 = vector.broadcast %add3A_542 : i32 to vector<16xi32>
      %add3A_544 = arith.addi %broadcast_in_dim3A_538, %add3A_543 : vector<16xi32>
      %select_n3A_545 = arith.select %lt3A_541, %add3A_544, %broadcast_in_dim3A_538 : vector<16xi1>, vector<16xi32>
      %broadcast_in_dim3A_546 = vector.shape_cast %select_n3A_545 : vector<16xi32> to vector<16x1xi32>
      %gather3A_547 = vector.shape_cast %broadcast_in_dim3A_546 : vector<16x1xi32> to vector<16xi32>
      %gather3A_548 = tpu.dynamic_gather %get3A_464[%gather3A_547] in [0] : vector<16xf32>, vector<16xi32> -> vector<16xf32>
      %broadcast_in_dim3A_549 = arith.constant 7 : i32
      %broadcast_in_dim3A_550 = vector.broadcast %broadcast_in_dim3A_549 : i32 to vector<16xi32>
      %lt3A_551 = arith.constant 0 : i32
      %lt3A_552 = vector.broadcast %lt3A_551 : i32 to vector<16xi32>
      %lt3A_553 = arith.cmpi slt, %broadcast_in_dim3A_550, %lt3A_552 : vector<16xi32>
      %add3A_554 = arith.constant 16 : i32
      %add3A_555 = vector.broadcast %add3A_554 : i32 to vector<16xi32>
      %add3A_556 = arith.addi %broadcast_in_dim3A_550, %add3A_555 : vector<16xi32>
      %select_n3A_557 = arith.select %lt3A_553, %add3A_556, %broadcast_in_dim3A_550 : vector<16xi1>, vector<16xi32>
      %broadcast_in_dim3A_558 = vector.shape_cast %select_n3A_557 : vector<16xi32> to vector<16x1xi32>
      %gather3A_559 = vector.shape_cast %broadcast_in_dim3A_558 : vector<16x1xi32> to vector<16xi32>
      %gather3A_560 = tpu.dynamic_gather %get3A_464[%gather3A_559] in [0] : vector<16xf32>, vector<16xi32> -> vector<16xf32>
      %broadcast_in_dim3A_561 = arith.constant 8 : i32
      %broadcast_in_dim3A_562 = vector.broadcast %broadcast_in_dim3A_561 : i32 to vector<16xi32>
      %lt3A_563 = arith.constant 0 : i32
      %lt3A_564 = vector.broadcast %lt3A_563 : i32 to vector<16xi32>
      %lt3A_565 = arith.cmpi slt, %broadcast_in_dim3A_562, %lt3A_564 : vector<16xi32>
      %add3A_566 = arith.constant 16 : i32
      %add3A_567 = vector.broadcast %add3A_566 : i32 to vector<16xi32>
      %add3A_568 = arith.addi %broadcast_in_dim3A_562, %add3A_567 : vector<16xi32>
      %select_n3A_569 = arith.select %lt3A_565, %add3A_568, %broadcast_in_dim3A_562 : vector<16xi1>, vector<16xi32>
      %broadcast_in_dim3A_570 = vector.shape_cast %select_n3A_569 : vector<16xi32> to vector<16x1xi32>
      %gather3A_571 = vector.shape_cast %broadcast_in_dim3A_570 : vector<16x1xi32> to vector<16xi32>
      %gather3A_572 = tpu.dynamic_gather %get3A_464[%gather3A_571] in [0] : vector<16xf32>, vector<16xi32> -> vector<16xf32>
      %broadcast_in_dim3A_573 = arith.constant 9 : i32
      %broadcast_in_dim3A_574 = vector.broadcast %broadcast_in_dim3A_573 : i32 to vector<16xi32>
      %lt3A_575 = arith.constant 0 : i32
      %lt3A_576 = vector.broadcast %lt3A_575 : i32 to vector<16xi32>
      %lt3A_577 = arith.cmpi slt, %broadcast_in_dim3A_574, %lt3A_576 : vector<16xi32>
      %add3A_578 = arith.constant 16 : i32
      %add3A_579 = vector.broadcast %add3A_578 : i32 to vector<16xi32>
      %add3A_580 = arith.addi %broadcast_in_dim3A_574, %add3A_579 : vector<16xi32>
      %select_n3A_581 = arith.select %lt3A_577, %add3A_580, %broadcast_in_dim3A_574 : vector<16xi1>, vector<16xi32>
      %broadcast_in_dim3A_582 = vector.shape_cast %select_n3A_581 : vector<16xi32> to vector<16x1xi32>
      %gather3A_583 = vector.shape_cast %broadcast_in_dim3A_582 : vector<16x1xi32> to vector<16xi32>
      %gather3A_584 = tpu.dynamic_gather %get3A_464[%gather3A_583] in [0] : vector<16xf32>, vector<16xi32> -> vector<16xf32>
      %broadcast_in_dim3A_585 = arith.constant 10 : i32
      %broadcast_in_dim3A_586 = vector.broadcast %broadcast_in_dim3A_585 : i32 to vector<16xi32>
      %lt3A_587 = arith.constant 0 : i32
      %lt3A_588 = vector.broadcast %lt3A_587 : i32 to vector<16xi32>
      %lt3A_589 = arith.cmpi slt, %broadcast_in_dim3A_586, %lt3A_588 : vector<16xi32>
      %add3A_590 = arith.constant 16 : i32
      %add3A_591 = vector.broadcast %add3A_590 : i32 to vector<16xi32>
      %add3A_592 = arith.addi %broadcast_in_dim3A_586, %add3A_591 : vector<16xi32>
      %select_n3A_593 = arith.select %lt3A_589, %add3A_592, %broadcast_in_dim3A_586 : vector<16xi1>, vector<16xi32>
      %broadcast_in_dim3A_594 = vector.shape_cast %select_n3A_593 : vector<16xi32> to vector<16x1xi32>
      %gather3A_595 = vector.shape_cast %broadcast_in_dim3A_594 : vector<16x1xi32> to vector<16xi32>
      %gather3A_596 = tpu.dynamic_gather %get3A_464[%gather3A_595] in [0] : vector<16xf32>, vector<16xi32> -> vector<16xf32>
      %broadcast_in_dim3A_597 = arith.constant 11 : i32
      %broadcast_in_dim3A_598 = vector.broadcast %broadcast_in_dim3A_597 : i32 to vector<16xi32>
      %lt3A_599 = arith.constant 0 : i32
      %lt3A_600 = vector.broadcast %lt3A_599 : i32 to vector<16xi32>
      %lt3A_601 = arith.cmpi slt, %broadcast_in_dim3A_598, %lt3A_600 : vector<16xi32>
      %add3A_602 = arith.constant 16 : i32
      %add3A_603 = vector.broadcast %add3A_602 : i32 to vector<16xi32>
      %add3A_604 = arith.addi %broadcast_in_dim3A_598, %add3A_603 : vector<16xi32>
      %select_n3A_605 = arith.select %lt3A_601, %add3A_604, %broadcast_in_dim3A_598 : vector<16xi1>, vector<16xi32>
      %broadcast_in_dim3A_606 = vector.shape_cast %select_n3A_605 : vector<16xi32> to vector<16x1xi32>
      %gather3A_607 = vector.shape_cast %broadcast_in_dim3A_606 : vector<16x1xi32> to vector<16xi32>
      %gather3A_608 = tpu.dynamic_gather %get3A_464[%gather3A_607] in [0] : vector<16xf32>, vector<16xi32> -> vector<16xf32>
      %broadcast_in_dim3A_609 = arith.constant 12 : i32
      %broadcast_in_dim3A_610 = vector.broadcast %broadcast_in_dim3A_609 : i32 to vector<16xi32>
      %lt3A_611 = arith.constant 0 : i32
      %lt3A_612 = vector.broadcast %lt3A_611 : i32 to vector<16xi32>
      %lt3A_613 = arith.cmpi slt, %broadcast_in_dim3A_610, %lt3A_612 : vector<16xi32>
      %add3A_614 = arith.constant 16 : i32
      %add3A_615 = vector.broadcast %add3A_614 : i32 to vector<16xi32>
      %add3A_616 = arith.addi %broadcast_in_dim3A_610, %add3A_615 : vector<16xi32>
      %select_n3A_617 = arith.select %lt3A_613, %add3A_616, %broadcast_in_dim3A_610 : vector<16xi1>, vector<16xi32>
      %broadcast_in_dim3A_618 = vector.shape_cast %select_n3A_617 : vector<16xi32> to vector<16x1xi32>
      %gather3A_619 = vector.shape_cast %broadcast_in_dim3A_618 : vector<16x1xi32> to vector<16xi32>
      %gather3A_620 = tpu.dynamic_gather %get3A_464[%gather3A_619] in [0] : vector<16xf32>, vector<16xi32> -> vector<16xf32>
      %broadcast_in_dim3A_621 = arith.constant 13 : i32
      %broadcast_in_dim3A_622 = vector.broadcast %broadcast_in_dim3A_621 : i32 to vector<16xi32>
      %lt3A_623 = arith.constant 0 : i32
      %lt3A_624 = vector.broadcast %lt3A_623 : i32 to vector<16xi32>
      %lt3A_625 = arith.cmpi slt, %broadcast_in_dim3A_622, %lt3A_624 : vector<16xi32>
      %add3A_626 = arith.constant 16 : i32
      %add3A_627 = vector.broadcast %add3A_626 : i32 to vector<16xi32>
      %add3A_628 = arith.addi %broadcast_in_dim3A_622, %add3A_627 : vector<16xi32>
      %select_n3A_629 = arith.select %lt3A_625, %add3A_628, %broadcast_in_dim3A_622 : vector<16xi1>, vector<16xi32>
      %broadcast_in_dim3A_630 = vector.shape_cast %select_n3A_629 : vector<16xi32> to vector<16x1xi32>
      %gather3A_631 = vector.shape_cast %broadcast_in_dim3A_630 : vector<16x1xi32> to vector<16xi32>
      %gather3A_632 = tpu.dynamic_gather %get3A_464[%gather3A_631] in [0] : vector<16xf32>, vector<16xi32> -> vector<16xf32>
      %broadcast_in_dim3A_633 = arith.constant 14 : i32
      %broadcast_in_dim3A_634 = vector.broadcast %broadcast_in_dim3A_633 : i32 to vector<16xi32>
      %lt3A_635 = arith.constant 0 : i32
      %lt3A_636 = vector.broadcast %lt3A_635 : i32 to vector<16xi32>
      %lt3A_637 = arith.cmpi slt, %broadcast_in_dim3A_634, %lt3A_636 : vector<16xi32>
      %add3A_638 = arith.constant 16 : i32
      %add3A_639 = vector.broadcast %add3A_638 : i32 to vector<16xi32>
      %add3A_640 = arith.addi %broadcast_in_dim3A_634, %add3A_639 : vector<16xi32>
      %select_n3A_641 = arith.select %lt3A_637, %add3A_640, %broadcast_in_dim3A_634 : vector<16xi1>, vector<16xi32>
      %broadcast_in_dim3A_642 = vector.shape_cast %select_n3A_641 : vector<16xi32> to vector<16x1xi32>
      %gather3A_643 = vector.shape_cast %broadcast_in_dim3A_642 : vector<16x1xi32> to vector<16xi32>
      %gather3A_644 = tpu.dynamic_gather %get3A_464[%gather3A_643] in [0] : vector<16xf32>, vector<16xi32> -> vector<16xf32>
      %broadcast_in_dim3A_645 = arith.constant 15 : i32
      %broadcast_in_dim3A_646 = vector.broadcast %broadcast_in_dim3A_645 : i32 to vector<16xi32>
      %lt3A_647 = arith.constant 0 : i32
      %lt3A_648 = vector.broadcast %lt3A_647 : i32 to vector<16xi32>
      %lt3A_649 = arith.cmpi slt, %broadcast_in_dim3A_646, %lt3A_648 : vector<16xi32>
      %add3A_650 = arith.constant 16 : i32
      %add3A_651 = vector.broadcast %add3A_650 : i32 to vector<16xi32>
      %add3A_652 = arith.addi %broadcast_in_dim3A_646, %add3A_651 : vector<16xi32>
      %select_n3A_653 = arith.select %lt3A_649, %add3A_652, %broadcast_in_dim3A_646 : vector<16xi1>, vector<16xi32>
      %broadcast_in_dim3A_654 = vector.shape_cast %select_n3A_653 : vector<16xi32> to vector<16x1xi32>
      %gather3A_655 = vector.shape_cast %broadcast_in_dim3A_654 : vector<16x1xi32> to vector<16xi32>
      %gather3A_656 = tpu.dynamic_gather %get3A_464[%gather3A_655] in [0] : vector<16xf32>, vector<16xi32> -> vector<16xf32>
      %scan3A_657 = arith.constant 0 : i32
      %scan3A_658 = arith.constant 0 : i32
      %scan3A_659 = arith.constant 64 : i32
      %scan3A_660 = arith.addi %scan3A_658, %scan3A_659 : i32
      %scan3A_661 = arith.constant 1 : i32
      %scan3A_662 = scf.for %scan3A_875 = %scan3A_658 to %scan3A_660 step %scan3A_661 iter_args(%scan3A_876 = %scan3A_657) -> (i32)  : i32 {
        %mul3A_877 = arith.constant 16 : i32
        %mul3A_878 = arith.muli %scan3A_875, %mul3A_877 : i32
        %get3A_879 = arith.constant 0 : i32
        %get3A_880 = arith.index_cast %get3A_879 : i32 to index
        %get3A_881 = arith.index_cast %mul3A_878 : i32 to index
        %get3A_882 = tpu.vector_load %arg9[%get3A_880, %get3A_881] {strides = array<i32>} : memref<32x1024xf32, #tpu.memory_space<vmem>>, vector<1x16xf32>,
        %get3A_883 = vector.shape_cast %get3A_882 : vector<1x16xf32> to vector<16xf32>
        %mul3A_884 = arith.mulf %gather3A_476, %get3A_883 : vector<16xf32>
        %get3A_885 = arith.constant 1 : i32
        %get3A_886 = arith.index_cast %get3A_885 : i32 to index
        %get3A_887 = arith.index_cast %mul3A_878 : i32 to index
        %get3A_888 = tpu.vector_load %arg9[%get3A_886, %get3A_887] {strides = array<i32>} : memref<32x1024xf32, #tpu.memory_space<vmem>>, vector<1x16xf32>,
        %get3A_889 = vector.shape_cast %get3A_888 : vector<1x16xf32> to vector<16xf32>
        %mul3A_890 = arith.mulf %gather3A_488, %get3A_889 : vector<16xf32>
        %add3A_891 = arith.addf %mul3A_884, %mul3A_890 : vector<16xf32>
        %get3A_892 = arith.constant 2 : i32
        %get3A_893 = arith.index_cast %get3A_892 : i32 to index
        %get3A_894 = arith.index_cast %mul3A_878 : i32 to index
        %get3A_895 = tpu.vector_load %arg9[%get3A_893, %get3A_894] {strides = array<i32>} : memref<32x1024xf32, #tpu.memory_space<vmem>>, vector<1x16xf32>,
        %get3A_896 = vector.shape_cast %get3A_895 : vector<1x16xf32> to vector<16xf32>
        %mul3A_897 = arith.mulf %gather3A_500, %get3A_896 : vector<16xf32>
        %add3A_898 = arith.addf %add3A_891, %mul3A_897 : vector<16xf32>
        %get3A_899 = arith.constant 3 : i32
        %get3A_900 = arith.index_cast %get3A_899 : i32 to index
        %get3A_901 = arith.index_cast %mul3A_878 : i32 to index
        %get3A_902 = tpu.vector_load %arg9[%get3A_900, %get3A_901] {strides = array<i32>} : memref<32x1024xf32, #tpu.memory_space<vmem>>, vector<1x16xf32>,
        %get3A_903 = vector.shape_cast %get3A_902 : vector<1x16xf32> to vector<16xf32>
        %mul3A_904 = arith.mulf %gather3A_512, %get3A_903 : vector<16xf32>
        %add3A_905 = arith.addf %add3A_898, %mul3A_904 : vector<16xf32>
        %get3A_906 = arith.constant 4 : i32
        %get3A_907 = arith.index_cast %get3A_906 : i32 to index
        %get3A_908 = arith.index_cast %mul3A_878 : i32 to index
        %get3A_909 = tpu.vector_load %arg9[%get3A_907, %get3A_908] {strides = array<i32>} : memref<32x1024xf32, #tpu.memory_space<vmem>>, vector<1x16xf32>,
        %get3A_910 = vector.shape_cast %get3A_909 : vector<1x16xf32> to vector<16xf32>
        %mul3A_911 = arith.mulf %gather3A_524, %get3A_910 : vector<16xf32>
        %add3A_912 = arith.addf %add3A_905, %mul3A_911 : vector<16xf32>
        %get3A_913 = arith.constant 5 : i32
        %get3A_914 = arith.index_cast %get3A_913 : i32 to index
        %get3A_915 = arith.index_cast %mul3A_878 : i32 to index
        %get3A_916 = tpu.vector_load %arg9[%get3A_914, %get3A_915] {strides = array<i32>} : memref<32x1024xf32, #tpu.memory_space<vmem>>, vector<1x16xf32>,
        %get3A_917 = vector.shape_cast %get3A_916 : vector<1x16xf32> to vector<16xf32>
        %mul3A_918 = arith.mulf %gather3A_536, %get3A_917 : vector<16xf32>
        %add3A_919 = arith.addf %add3A_912, %mul3A_918 : vector<16xf32>
        %get3A_920 = arith.constant 6 : i32
        %get3A_921 = arith.index_cast %get3A_920 : i32 to index
        %get3A_922 = arith.index_cast %mul3A_878 : i32 to index
        %get3A_923 = tpu.vector_load %arg9[%get3A_921, %get3A_922] {strides = array<i32>} : memref<32x1024xf32, #tpu.memory_space<vmem>>, vector<1x16xf32>,
        %get3A_924 = vector.shape_cast %get3A_923 : vector<1x16xf32> to vector<16xf32>
        %mul3A_925 = arith.mulf %gather3A_548, %get3A_924 : vector<16xf32>
        %add3A_926 = arith.addf %add3A_919, %mul3A_925 : vector<16xf32>
        %get3A_927 = arith.constant 7 : i32
        %get3A_928 = arith.index_cast %get3A_927 : i32 to index
        %get3A_929 = arith.index_cast %mul3A_878 : i32 to index
        %get3A_930 = tpu.vector_load %arg9[%get3A_928, %get3A_929] {strides = array<i32>} : memref<32x1024xf32, #tpu.memory_space<vmem>>, vector<1x16xf32>,
        %get3A_931 = vector.shape_cast %get3A_930 : vector<1x16xf32> to vector<16xf32>
        %mul3A_932 = arith.mulf %gather3A_560, %get3A_931 : vector<16xf32>
        %add3A_933 = arith.addf %add3A_926, %mul3A_932 : vector<16xf32>
        %get3A_934 = arith.constant 8 : i32
        %get3A_935 = arith.index_cast %get3A_934 : i32 to index
        %get3A_936 = arith.index_cast %mul3A_878 : i32 to index
        %get3A_937 = tpu.vector_load %arg9[%get3A_935, %get3A_936] {strides = array<i32>} : memref<32x1024xf32, #tpu.memory_space<vmem>>, vector<1x16xf32>,
        %get3A_938 = vector.shape_cast %get3A_937 : vector<1x16xf32> to vector<16xf32>
        %mul3A_939 = arith.mulf %gather3A_572, %get3A_938 : vector<16xf32>
        %add3A_940 = arith.addf %add3A_933, %mul3A_939 : vector<16xf32>
        %get3A_941 = arith.constant 9 : i32
        %get3A_942 = arith.index_cast %get3A_941 : i32 to index
        %get3A_943 = arith.index_cast %mul3A_878 : i32 to index
        %get3A_944 = tpu.vector_load %arg9[%get3A_942, %get3A_943] {strides = array<i32>} : memref<32x1024xf32, #tpu.memory_space<vmem>>, vector<1x16xf32>,
        %get3A_945 = vector.shape_cast %get3A_944 : vector<1x16xf32> to vector<16xf32>
        %mul3A_946 = arith.mulf %gather3A_584, %get3A_945 : vector<16xf32>
        %add3A_947 = arith.addf %add3A_940, %mul3A_946 : vector<16xf32>
        %get3A_948 = arith.constant 10 : i32
        %get3A_949 = arith.index_cast %get3A_948 : i32 to index
        %get3A_950 = arith.index_cast %mul3A_878 : i32 to index
        %get3A_951 = tpu.vector_load %arg9[%get3A_949, %get3A_950] {strides = array<i32>} : memref<32x1024xf32, #tpu.memory_space<vmem>>, vector<1x16xf32>,
        %get3A_952 = vector.shape_cast %get3A_951 : vector<1x16xf32> to vector<16xf32>
        %mul3A_953 = arith.mulf %gather3A_596, %get3A_952 : vector<16xf32>
        %add3A_954 = arith.addf %add3A_947, %mul3A_953 : vector<16xf32>
        %get3A_955 = arith.constant 11 : i32
        %get3A_956 = arith.index_cast %get3A_955 : i32 to index
        %get3A_957 = arith.index_cast %mul3A_878 : i32 to index
        %get3A_958 = tpu.vector_load %arg9[%get3A_956, %get3A_957] {strides = array<i32>} : memref<32x1024xf32, #tpu.memory_space<vmem>>, vector<1x16xf32>,
        %get3A_959 = vector.shape_cast %get3A_958 : vector<1x16xf32> to vector<16xf32>
        %mul3A_960 = arith.mulf %gather3A_608, %get3A_959 : vector<16xf32>
        %add3A_961 = arith.addf %add3A_954, %mul3A_960 : vector<16xf32>
        %get3A_962 = arith.constant 12 : i32
        %get3A_963 = arith.index_cast %get3A_962 : i32 to index
        %get3A_964 = arith.index_cast %mul3A_878 : i32 to index
        %get3A_965 = tpu.vector_load %arg9[%get3A_963, %get3A_964] {strides = array<i32>} : memref<32x1024xf32, #tpu.memory_space<vmem>>, vector<1x16xf32>,
        %get3A_966 = vector.shape_cast %get3A_965 : vector<1x16xf32> to vector<16xf32>
        %mul3A_967 = arith.mulf %gather3A_620, %get3A_966 : vector<16xf32>
        %add3A_968 = arith.addf %add3A_961, %mul3A_967 : vector<16xf32>
        %get3A_969 = arith.constant 13 : i32
        %get3A_970 = arith.index_cast %get3A_969 : i32 to index
        %get3A_971 = arith.index_cast %mul3A_878 : i32 to index
        %get3A_972 = tpu.vector_load %arg9[%get3A_970, %get3A_971] {strides = array<i32>} : memref<32x1024xf32, #tpu.memory_space<vmem>>, vector<1x16xf32>,
        %get3A_973 = vector.shape_cast %get3A_972 : vector<1x16xf32> to vector<16xf32>
        %mul3A_974 = arith.mulf %gather3A_632, %get3A_973 : vector<16xf32>
        %add3A_975 = arith.addf %add3A_968, %mul3A_974 : vector<16xf32>
        %get3A_976 = arith.constant 14 : i32
        %get3A_977 = arith.index_cast %get3A_976 : i32 to index
        %get3A_978 = arith.index_cast %mul3A_878 : i32 to index
        %get3A_979 = tpu.vector_load %arg9[%get3A_977, %get3A_978] {strides = array<i32>} : memref<32x1024xf32, #tpu.memory_space<vmem>>, vector<1x16xf32>,
        %get3A_980 = vector.shape_cast %get3A_979 : vector<1x16xf32> to vector<16xf32>
        %mul3A_981 = arith.mulf %gather3A_644, %get3A_980 : vector<16xf32>
        %add3A_982 = arith.addf %add3A_975, %mul3A_981 : vector<16xf32>
        %get3A_983 = arith.constant 15 : i32
        %get3A_984 = arith.index_cast %get3A_983 : i32 to index
        %get3A_985 = arith.index_cast %mul3A_878 : i32 to index
        %get3A_986 = tpu.vector_load %arg9[%get3A_984, %get3A_985] {strides = array<i32>} : memref<32x1024xf32, #tpu.memory_space<vmem>>, vector<1x16xf32>,
        %get3A_987 = vector.shape_cast %get3A_986 : vector<1x16xf32> to vector<16xf32>
        %mul3A_988 = arith.mulf %gather3A_656, %get3A_987 : vector<16xf32>
        %add3A_989 = arith.addf %add3A_982, %mul3A_988 : vector<16xf32>
        %swap3A = arith.index_cast %mul3A_878 : i32 to index
        %swap3A_990 = tpu.vector_load %arg10[%swap3A] {strides = array<i32>} : memref<1024xf32, #tpu.memory_space<vmem>>, vector<16xf32>,
        %swap3A_991 = vector.shape_cast %swap3A_990 : vector<16xf32> to vector<16xf32>
        %swap3A_992 = vector.shape_cast %add3A_989 : vector<16xf32> to vector<16xf32>
        tpu.vector_store %arg10[%swap3A], %swap3A_992 {strides = array<i32>} : memref<1024xf32, #tpu.memory_space<vmem>>, vector<16xf32>,
        %scan3A_993 = arith.constant 0 : i32
        scf.yield %scan3A_993 : i32
      }
      %scan3A_663 = arith.constant 64 : i32
      %add3A_664 = arith.addi %mul3A_4, %add3A_459 : i32
      "tpu.region"() ({
        %run_scoped3A = tpu.sem_alloc : memref<!tpu.dma_semaphore, #tpu.memory_space<semaphore_mem>>
        %dma_start3A_875 = arith.constant 0 : i32
        %dma_start3A_876 = tpu.memref_slice %arg5[%add3A_664, %dma_start3A_875] : memref<2048x1024xf32, #tpu.memory_space<hbm>> -> memref<1x1024xf32, #tpu.memory_space<hbm>>
        %dma_start3A_877 = tpu.memref_squeeze %dma_start3A_876 : memref<1x1024xf32, #tpu.memory_space<hbm>> -> memref<1024xf32, #tpu.memory_space<hbm>>
        %dma_start3A_878 = arith.constant 0 : i32
        %dma_start3A_879 = tpu.memref_slice %arg5[%add3A_664, %dma_start3A_878] : memref<2048x1024xf32, #tpu.memory_space<hbm>> -> memref<1x1024xf32, #tpu.memory_space<hbm>>
        %dma_start3A_880 = tpu.memref_squeeze %dma_start3A_879 : memref<1x1024xf32, #tpu.memory_space<hbm>> -> memref<1024xf32, #tpu.memory_space<hbm>>
        tpu.enqueue_dma source(%arg10 : memref<1024xf32, #tpu.memory_space<vmem>>) target(%dma_start3A_880 : memref<1024xf32, #tpu.memory_space<hbm>>) target_semaphore(%run_scoped3A : memref<!tpu.dma_semaphore, #tpu.memory_space<semaphore_mem>>)
        %dma_wait3A_881 = arith.constant 0 : i32
        %dma_wait3A_882 = tpu.memref_slice %arg5[%add3A_664, %dma_wait3A_881] : memref<2048x1024xf32, #tpu.memory_space<hbm>> -> memref<1x1024xf32, #tpu.memory_space<hbm>>
        %dma_wait3A_883 = tpu.memref_squeeze %dma_wait3A_882 : memref<1x1024xf32, #tpu.memory_space<hbm>> -> memref<1024xf32, #tpu.memory_space<hbm>>
        %dma_wait3A_884 = arith.constant 0 : i32
        %dma_wait3A_885 = tpu.memref_slice %arg5[%add3A_664, %dma_wait3A_884] : memref<2048x1024xf32, #tpu.memory_space<hbm>> -> memref<1x1024xf32, #tpu.memory_space<hbm>>
        %dma_wait3A_886 = tpu.memref_squeeze %dma_wait3A_885 : memref<1x1024xf32, #tpu.memory_space<hbm>> -> memref<1024xf32, #tpu.memory_space<hbm>>
        tpu.wait_dma2 semaphore(%run_scoped3A : memref<!tpu.dma_semaphore, #tpu.memory_space<semaphore_mem>>) src(%arg10 : memref<1024xf32, #tpu.memory_space<vmem>>) dst(%dma_wait3A_886 : memref<1024xf32, #tpu.memory_space<hbm>>)
        tpu.yield
      }) : () -> ()
      %mul3A_665 = arith.constant 2 : i32
      %mul3A_666 = arith.muli %add3A_20, %mul3A_665 : i32
      %add3A_667 = arith.constant 1 : i32
      %add3A_668 = arith.addi %mul3A_666, %add3A_667 : i32
      %mul3A_669 = arith.constant 16 : i32
      %mul3A_670 = arith.muli %add3A_668, %mul3A_669 : i32
      %get3A_671 = arith.index_cast %mul3A_670 : i32 to index
      %get3A_672 = tpu.vector_load %arg7[%get3A_671] {strides = array<i32>} : memref<1024xf32, #tpu.memory_space<vmem>>, vector<16xf32>,
      %get3A_673 = vector.shape_cast %get3A_672 : vector<16xf32> to vector<16xf32>
      %broadcast_in_dim3A_674 = arith.constant 0 : i32
      %broadcast_in_dim3A_675 = vector.broadcast %broadcast_in_dim3A_674 : i32 to vector<16xi32>
      %lt3A_676 = arith.constant 0 : i32
      %lt3A_677 = vector.broadcast %lt3A_676 : i32 to vector<16xi32>
      %lt3A_678 = arith.cmpi slt, %broadcast_in_dim3A_675, %lt3A_677 : vector<16xi32>
      %add3A_679 = arith.constant 16 : i32
      %add3A_680 = vector.broadcast %add3A_679 : i32 to vector<16xi32>
      %add3A_681 = arith.addi %broadcast_in_dim3A_675, %add3A_680 : vector<16xi32>
      %select_n3A_682 = arith.select %lt3A_678, %add3A_681, %broadcast_in_dim3A_675 : vector<16xi1>, vector<16xi32>
      %broadcast_in_dim3A_683 = vector.shape_cast %select_n3A_682 : vector<16xi32> to vector<16x1xi32>
      %gather3A_684 = vector.shape_cast %broadcast_in_dim3A_683 : vector<16x1xi32> to vector<16xi32>
      %gather3A_685 = tpu.dynamic_gather %get3A_673[%gather3A_684] in [0] : vector<16xf32>, vector<16xi32> -> vector<16xf32>
      %broadcast_in_dim3A_686 = arith.constant 1 : i32
      %broadcast_in_dim3A_687 = vector.broadcast %broadcast_in_dim3A_686 : i32 to vector<16xi32>
      %lt3A_688 = arith.constant 0 : i32
      %lt3A_689 = vector.broadcast %lt3A_688 : i32 to vector<16xi32>
      %lt3A_690 = arith.cmpi slt, %broadcast_in_dim3A_687, %lt3A_689 : vector<16xi32>
      %add3A_691 = arith.constant 16 : i32
      %add3A_692 = vector.broadcast %add3A_691 : i32 to vector<16xi32>
      %add3A_693 = arith.addi %broadcast_in_dim3A_687, %add3A_692 : vector<16xi32>
      %select_n3A_694 = arith.select %lt3A_690, %add3A_693, %broadcast_in_dim3A_687 : vector<16xi1>, vector<16xi32>
      %broadcast_in_dim3A_695 = vector.shape_cast %select_n3A_694 : vector<16xi32> to vector<16x1xi32>
      %gather3A_696 = vector.shape_cast %broadcast_in_dim3A_695 : vector<16x1xi32> to vector<16xi32>
      %gather3A_697 = tpu.dynamic_gather %get3A_673[%gather3A_696] in [0] : vector<16xf32>, vector<16xi32> -> vector<16xf32>
      %broadcast_in_dim3A_698 = arith.constant 2 : i32
      %broadcast_in_dim3A_699 = vector.broadcast %broadcast_in_dim3A_698 : i32 to vector<16xi32>
      %lt3A_700 = arith.constant 0 : i32
      %lt3A_701 = vector.broadcast %lt3A_700 : i32 to vector<16xi32>
      %lt3A_702 = arith.cmpi slt, %broadcast_in_dim3A_699, %lt3A_701 : vector<16xi32>
      %add3A_703 = arith.constant 16 : i32
      %add3A_704 = vector.broadcast %add3A_703 : i32 to vector<16xi32>
      %add3A_705 = arith.addi %broadcast_in_dim3A_699, %add3A_704 : vector<16xi32>
      %select_n3A_706 = arith.select %lt3A_702, %add3A_705, %broadcast_in_dim3A_699 : vector<16xi1>, vector<16xi32>
      %broadcast_in_dim3A_707 = vector.shape_cast %select_n3A_706 : vector<16xi32> to vector<16x1xi32>
      %gather3A_708 = vector.shape_cast %broadcast_in_dim3A_707 : vector<16x1xi32> to vector<16xi32>
      %gather3A_709 = tpu.dynamic_gather %get3A_673[%gather3A_708] in [0] : vector<16xf32>, vector<16xi32> -> vector<16xf32>
      %broadcast_in_dim3A_710 = arith.constant 3 : i32
      %broadcast_in_dim3A_711 = vector.broadcast %broadcast_in_dim3A_710 : i32 to vector<16xi32>
      %lt3A_712 = arith.constant 0 : i32
      %lt3A_713 = vector.broadcast %lt3A_712 : i32 to vector<16xi32>
      %lt3A_714 = arith.cmpi slt, %broadcast_in_dim3A_711, %lt3A_713 : vector<16xi32>
      %add3A_715 = arith.constant 16 : i32
      %add3A_716 = vector.broadcast %add3A_715 : i32 to vector<16xi32>
      %add3A_717 = arith.addi %broadcast_in_dim3A_711, %add3A_716 : vector<16xi32>
      %select_n3A_718 = arith.select %lt3A_714, %add3A_717, %broadcast_in_dim3A_711 : vector<16xi1>, vector<16xi32>
      %broadcast_in_dim3A_719 = vector.shape_cast %select_n3A_718 : vector<16xi32> to vector<16x1xi32>
      %gather3A_720 = vector.shape_cast %broadcast_in_dim3A_719 : vector<16x1xi32> to vector<16xi32>
      %gather3A_721 = tpu.dynamic_gather %get3A_673[%gather3A_720] in [0] : vector<16xf32>, vector<16xi32> -> vector<16xf32>
      %broadcast_in_dim3A_722 = arith.constant 4 : i32
      %broadcast_in_dim3A_723 = vector.broadcast %broadcast_in_dim3A_722 : i32 to vector<16xi32>
      %lt3A_724 = arith.constant 0 : i32
      %lt3A_725 = vector.broadcast %lt3A_724 : i32 to vector<16xi32>
      %lt3A_726 = arith.cmpi slt, %broadcast_in_dim3A_723, %lt3A_725 : vector<16xi32>
      %add3A_727 = arith.constant 16 : i32
      %add3A_728 = vector.broadcast %add3A_727 : i32 to vector<16xi32>
      %add3A_729 = arith.addi %broadcast_in_dim3A_723, %add3A_728 : vector<16xi32>
      %select_n3A_730 = arith.select %lt3A_726, %add3A_729, %broadcast_in_dim3A_723 : vector<16xi1>, vector<16xi32>
      %broadcast_in_dim3A_731 = vector.shape_cast %select_n3A_730 : vector<16xi32> to vector<16x1xi32>
      %gather3A_732 = vector.shape_cast %broadcast_in_dim3A_731 : vector<16x1xi32> to vector<16xi32>
      %gather3A_733 = tpu.dynamic_gather %get3A_673[%gather3A_732] in [0] : vector<16xf32>, vector<16xi32> -> vector<16xf32>
      %broadcast_in_dim3A_734 = arith.constant 5 : i32
      %broadcast_in_dim3A_735 = vector.broadcast %broadcast_in_dim3A_734 : i32 to vector<16xi32>
      %lt3A_736 = arith.constant 0 : i32
      %lt3A_737 = vector.broadcast %lt3A_736 : i32 to vector<16xi32>
      %lt3A_738 = arith.cmpi slt, %broadcast_in_dim3A_735, %lt3A_737 : vector<16xi32>
      %add3A_739 = arith.constant 16 : i32
      %add3A_740 = vector.broadcast %add3A_739 : i32 to vector<16xi32>
      %add3A_741 = arith.addi %broadcast_in_dim3A_735, %add3A_740 : vector<16xi32>
      %select_n3A_742 = arith.select %lt3A_738, %add3A_741, %broadcast_in_dim3A_735 : vector<16xi1>, vector<16xi32>
      %broadcast_in_dim3A_743 = vector.shape_cast %select_n3A_742 : vector<16xi32> to vector<16x1xi32>
      %gather3A_744 = vector.shape_cast %broadcast_in_dim3A_743 : vector<16x1xi32> to vector<16xi32>
      %gather3A_745 = tpu.dynamic_gather %get3A_673[%gather3A_744] in [0] : vector<16xf32>, vector<16xi32> -> vector<16xf32>
      %broadcast_in_dim3A_746 = arith.constant 6 : i32
      %broadcast_in_dim3A_747 = vector.broadcast %broadcast_in_dim3A_746 : i32 to vector<16xi32>
      %lt3A_748 = arith.constant 0 : i32
      %lt3A_749 = vector.broadcast %lt3A_748 : i32 to vector<16xi32>
      %lt3A_750 = arith.cmpi slt, %broadcast_in_dim3A_747, %lt3A_749 : vector<16xi32>
      %add3A_751 = arith.constant 16 : i32
      %add3A_752 = vector.broadcast %add3A_751 : i32 to vector<16xi32>
      %add3A_753 = arith.addi %broadcast_in_dim3A_747, %add3A_752 : vector<16xi32>
      %select_n3A_754 = arith.select %lt3A_750, %add3A_753, %broadcast_in_dim3A_747 : vector<16xi1>, vector<16xi32>
      %broadcast_in_dim3A_755 = vector.shape_cast %select_n3A_754 : vector<16xi32> to vector<16x1xi32>
      %gather3A_756 = vector.shape_cast %broadcast_in_dim3A_755 : vector<16x1xi32> to vector<16xi32>
      %gather3A_757 = tpu.dynamic_gather %get3A_673[%gather3A_756] in [0] : vector<16xf32>, vector<16xi32> -> vector<16xf32>
      %broadcast_in_dim3A_758 = arith.constant 7 : i32
      %broadcast_in_dim3A_759 = vector.broadcast %broadcast_in_dim3A_758 : i32 to vector<16xi32>
      %lt3A_760 = arith.constant 0 : i32
      %lt3A_761 = vector.broadcast %lt3A_760 : i32 to vector<16xi32>
      %lt3A_762 = arith.cmpi slt, %broadcast_in_dim3A_759, %lt3A_761 : vector<16xi32>
      %add3A_763 = arith.constant 16 : i32
      %add3A_764 = vector.broadcast %add3A_763 : i32 to vector<16xi32>
      %add3A_765 = arith.addi %broadcast_in_dim3A_759, %add3A_764 : vector<16xi32>
      %select_n3A_766 = arith.select %lt3A_762, %add3A_765, %broadcast_in_dim3A_759 : vector<16xi1>, vector<16xi32>
      %broadcast_in_dim3A_767 = vector.shape_cast %select_n3A_766 : vector<16xi32> to vector<16x1xi32>
      %gather3A_768 = vector.shape_cast %broadcast_in_dim3A_767 : vector<16x1xi32> to vector<16xi32>
      %gather3A_769 = tpu.dynamic_gather %get3A_673[%gather3A_768] in [0] : vector<16xf32>, vector<16xi32> -> vector<16xf32>
      %broadcast_in_dim3A_770 = arith.constant 8 : i32
      %broadcast_in_dim3A_771 = vector.broadcast %broadcast_in_dim3A_770 : i32 to vector<16xi32>
      %lt3A_772 = arith.constant 0 : i32
      %lt3A_773 = vector.broadcast %lt3A_772 : i32 to vector<16xi32>
      %lt3A_774 = arith.cmpi slt, %broadcast_in_dim3A_771, %lt3A_773 : vector<16xi32>
      %add3A_775 = arith.constant 16 : i32
      %add3A_776 = vector.broadcast %add3A_775 : i32 to vector<16xi32>
      %add3A_777 = arith.addi %broadcast_in_dim3A_771, %add3A_776 : vector<16xi32>
      %select_n3A_778 = arith.select %lt3A_774, %add3A_777, %broadcast_in_dim3A_771 : vector<16xi1>, vector<16xi32>
      %broadcast_in_dim3A_779 = vector.shape_cast %select_n3A_778 : vector<16xi32> to vector<16x1xi32>
      %gather3A_780 = vector.shape_cast %broadcast_in_dim3A_779 : vector<16x1xi32> to vector<16xi32>
      %gather3A_781 = tpu.dynamic_gather %get3A_673[%gather3A_780] in [0] : vector<16xf32>, vector<16xi32> -> vector<16xf32>
      %broadcast_in_dim3A_782 = arith.constant 9 : i32
      %broadcast_in_dim3A_783 = vector.broadcast %broadcast_in_dim3A_782 : i32 to vector<16xi32>
      %lt3A_784 = arith.constant 0 : i32
      %lt3A_785 = vector.broadcast %lt3A_784 : i32 to vector<16xi32>
      %lt3A_786 = arith.cmpi slt, %broadcast_in_dim3A_783, %lt3A_785 : vector<16xi32>
      %add3A_787 = arith.constant 16 : i32
      %add3A_788 = vector.broadcast %add3A_787 : i32 to vector<16xi32>
      %add3A_789 = arith.addi %broadcast_in_dim3A_783, %add3A_788 : vector<16xi32>
      %select_n3A_790 = arith.select %lt3A_786, %add3A_789, %broadcast_in_dim3A_783 : vector<16xi1>, vector<16xi32>
      %broadcast_in_dim3A_791 = vector.shape_cast %select_n3A_790 : vector<16xi32> to vector<16x1xi32>
      %gather3A_792 = vector.shape_cast %broadcast_in_dim3A_791 : vector<16x1xi32> to vector<16xi32>
      %gather3A_793 = tpu.dynamic_gather %get3A_673[%gather3A_792] in [0] : vector<16xf32>, vector<16xi32> -> vector<16xf32>
      %broadcast_in_dim3A_794 = arith.constant 10 : i32
      %broadcast_in_dim3A_795 = vector.broadcast %broadcast_in_dim3A_794 : i32 to vector<16xi32>
      %lt3A_796 = arith.constant 0 : i32
      %lt3A_797 = vector.broadcast %lt3A_796 : i32 to vector<16xi32>
      %lt3A_798 = arith.cmpi slt, %broadcast_in_dim3A_795, %lt3A_797 : vector<16xi32>
      %add3A_799 = arith.constant 16 : i32
      %add3A_800 = vector.broadcast %add3A_799 : i32 to vector<16xi32>
      %add3A_801 = arith.addi %broadcast_in_dim3A_795, %add3A_800 : vector<16xi32>
      %select_n3A_802 = arith.select %lt3A_798, %add3A_801, %broadcast_in_dim3A_795 : vector<16xi1>, vector<16xi32>
      %broadcast_in_dim3A_803 = vector.shape_cast %select_n3A_802 : vector<16xi32> to vector<16x1xi32>
      %gather3A_804 = vector.shape_cast %broadcast_in_dim3A_803 : vector<16x1xi32> to vector<16xi32>
      %gather3A_805 = tpu.dynamic_gather %get3A_673[%gather3A_804] in [0] : vector<16xf32>, vector<16xi32> -> vector<16xf32>
      %broadcast_in_dim3A_806 = arith.constant 11 : i32
      %broadcast_in_dim3A_807 = vector.broadcast %broadcast_in_dim3A_806 : i32 to vector<16xi32>
      %lt3A_808 = arith.constant 0 : i32
      %lt3A_809 = vector.broadcast %lt3A_808 : i32 to vector<16xi32>
      %lt3A_810 = arith.cmpi slt, %broadcast_in_dim3A_807, %lt3A_809 : vector<16xi32>
      %add3A_811 = arith.constant 16 : i32
      %add3A_812 = vector.broadcast %add3A_811 : i32 to vector<16xi32>
      %add3A_813 = arith.addi %broadcast_in_dim3A_807, %add3A_812 : vector<16xi32>
      %select_n3A_814 = arith.select %lt3A_810, %add3A_813, %broadcast_in_dim3A_807 : vector<16xi1>, vector<16xi32>
      %broadcast_in_dim3A_815 = vector.shape_cast %select_n3A_814 : vector<16xi32> to vector<16x1xi32>
      %gather3A_816 = vector.shape_cast %broadcast_in_dim3A_815 : vector<16x1xi32> to vector<16xi32>
      %gather3A_817 = tpu.dynamic_gather %get3A_673[%gather3A_816] in [0] : vector<16xf32>, vector<16xi32> -> vector<16xf32>
      %broadcast_in_dim3A_818 = arith.constant 12 : i32
      %broadcast_in_dim3A_819 = vector.broadcast %broadcast_in_dim3A_818 : i32 to vector<16xi32>
      %lt3A_820 = arith.constant 0 : i32
      %lt3A_821 = vector.broadcast %lt3A_820 : i32 to vector<16xi32>
      %lt3A_822 = arith.cmpi slt, %broadcast_in_dim3A_819, %lt3A_821 : vector<16xi32>
      %add3A_823 = arith.constant 16 : i32
      %add3A_824 = vector.broadcast %add3A_823 : i32 to vector<16xi32>
      %add3A_825 = arith.addi %broadcast_in_dim3A_819, %add3A_824 : vector<16xi32>
      %select_n3A_826 = arith.select %lt3A_822, %add3A_825, %broadcast_in_dim3A_819 : vector<16xi1>, vector<16xi32>
      %broadcast_in_dim3A_827 = vector.shape_cast %select_n3A_826 : vector<16xi32> to vector<16x1xi32>
      %gather3A_828 = vector.shape_cast %broadcast_in_dim3A_827 : vector<16x1xi32> to vector<16xi32>
      %gather3A_829 = tpu.dynamic_gather %get3A_673[%gather3A_828] in [0] : vector<16xf32>, vector<16xi32> -> vector<16xf32>
      %broadcast_in_dim3A_830 = arith.constant 13 : i32
      %broadcast_in_dim3A_831 = vector.broadcast %broadcast_in_dim3A_830 : i32 to vector<16xi32>
      %lt3A_832 = arith.constant 0 : i32
      %lt3A_833 = vector.broadcast %lt3A_832 : i32 to vector<16xi32>
      %lt3A_834 = arith.cmpi slt, %broadcast_in_dim3A_831, %lt3A_833 : vector<16xi32>
      %add3A_835 = arith.constant 16 : i32
      %add3A_836 = vector.broadcast %add3A_835 : i32 to vector<16xi32>
      %add3A_837 = arith.addi %broadcast_in_dim3A_831, %add3A_836 : vector<16xi32>
      %select_n3A_838 = arith.select %lt3A_834, %add3A_837, %broadcast_in_dim3A_831 : vector<16xi1>, vector<16xi32>
      %broadcast_in_dim3A_839 = vector.shape_cast %select_n3A_838 : vector<16xi32> to vector<16x1xi32>
      %gather3A_840 = vector.shape_cast %broadcast_in_dim3A_839 : vector<16x1xi32> to vector<16xi32>
      %gather3A_841 = tpu.dynamic_gather %get3A_673[%gather3A_840] in [0] : vector<16xf32>, vector<16xi32> -> vector<16xf32>
      %broadcast_in_dim3A_842 = arith.constant 14 : i32
      %broadcast_in_dim3A_843 = vector.broadcast %broadcast_in_dim3A_842 : i32 to vector<16xi32>
      %lt3A_844 = arith.constant 0 : i32
      %lt3A_845 = vector.broadcast %lt3A_844 : i32 to vector<16xi32>
      %lt3A_846 = arith.cmpi slt, %broadcast_in_dim3A_843, %lt3A_845 : vector<16xi32>
      %add3A_847 = arith.constant 16 : i32
      %add3A_848 = vector.broadcast %add3A_847 : i32 to vector<16xi32>
      %add3A_849 = arith.addi %broadcast_in_dim3A_843, %add3A_848 : vector<16xi32>
      %select_n3A_850 = arith.select %lt3A_846, %add3A_849, %broadcast_in_dim3A_843 : vector<16xi1>, vector<16xi32>
      %broadcast_in_dim3A_851 = vector.shape_cast %select_n3A_850 : vector<16xi32> to vector<16x1xi32>
      %gather3A_852 = vector.shape_cast %broadcast_in_dim3A_851 : vector<16x1xi32> to vector<16xi32>
      %gather3A_853 = tpu.dynamic_gather %get3A_673[%gather3A_852] in [0] : vector<16xf32>, vector<16xi32> -> vector<16xf32>
      %broadcast_in_dim3A_854 = arith.constant 15 : i32
      %broadcast_in_dim3A_855 = vector.broadcast %broadcast_in_dim3A_854 : i32 to vector<16xi32>
      %lt3A_856 = arith.constant 0 : i32
      %lt3A_857 = vector.broadcast %lt3A_856 : i32 to vector<16xi32>
      %lt3A_858 = arith.cmpi slt, %broadcast_in_dim3A_855, %lt3A_857 : vector<16xi32>
      %add3A_859 = arith.constant 16 : i32
      %add3A_860 = vector.broadcast %add3A_859 : i32 to vector<16xi32>
      %add3A_861 = arith.addi %broadcast_in_dim3A_855, %add3A_860 : vector<16xi32>
      %select_n3A_862 = arith.select %lt3A_858, %add3A_861, %broadcast_in_dim3A_855 : vector<16xi1>, vector<16xi32>
      %broadcast_in_dim3A_863 = vector.shape_cast %select_n3A_862 : vector<16xi32> to vector<16x1xi32>
      %gather3A_864 = vector.shape_cast %broadcast_in_dim3A_863 : vector<16x1xi32> to vector<16xi32>
      %gather3A_865 = tpu.dynamic_gather %get3A_673[%gather3A_864] in [0] : vector<16xf32>, vector<16xi32> -> vector<16xf32>
      %scan3A_866 = arith.constant 0 : i32
      %scan3A_867 = arith.constant 0 : i32
      %scan3A_868 = arith.constant 64 : i32
      %scan3A_869 = arith.addi %scan3A_867, %scan3A_868 : i32
      %scan3A_870 = arith.constant 1 : i32
      %scan3A_871 = scf.for %scan3A_875 = %scan3A_867 to %scan3A_869 step %scan3A_870 iter_args(%scan3A_876 = %scan3A_866) -> (i32)  : i32 {
        %mul3A_877 = arith.constant 16 : i32
        %mul3A_878 = arith.muli %scan3A_875, %mul3A_877 : i32
        %get3A_879 = arith.constant 16 : i32
        %get3A_880 = arith.index_cast %get3A_879 : i32 to index
        %get3A_881 = arith.index_cast %mul3A_878 : i32 to index
        %get3A_882 = tpu.vector_load %arg9[%get3A_880, %get3A_881] {strides = array<i32>} : memref<32x1024xf32, #tpu.memory_space<vmem>>, vector<1x16xf32>,
        %get3A_883 = vector.shape_cast %get3A_882 : vector<1x16xf32> to vector<16xf32>
        %mul3A_884 = arith.mulf %gather3A_685, %get3A_883 : vector<16xf32>
        %get3A_885 = arith.constant 17 : i32
        %get3A_886 = arith.index_cast %get3A_885 : i32 to index
        %get3A_887 = arith.index_cast %mul3A_878 : i32 to index
        %get3A_888 = tpu.vector_load %arg9[%get3A_886, %get3A_887] {strides = array<i32>} : memref<32x1024xf32, #tpu.memory_space<vmem>>, vector<1x16xf32>,
        %get3A_889 = vector.shape_cast %get3A_888 : vector<1x16xf32> to vector<16xf32>
        %mul3A_890 = arith.mulf %gather3A_697, %get3A_889 : vector<16xf32>
        %add3A_891 = arith.addf %mul3A_884, %mul3A_890 : vector<16xf32>
        %get3A_892 = arith.constant 18 : i32
        %get3A_893 = arith.index_cast %get3A_892 : i32 to index
        %get3A_894 = arith.index_cast %mul3A_878 : i32 to index
        %get3A_895 = tpu.vector_load %arg9[%get3A_893, %get3A_894] {strides = array<i32>} : memref<32x1024xf32, #tpu.memory_space<vmem>>, vector<1x16xf32>,
        %get3A_896 = vector.shape_cast %get3A_895 : vector<1x16xf32> to vector<16xf32>
        %mul3A_897 = arith.mulf %gather3A_709, %get3A_896 : vector<16xf32>
        %add3A_898 = arith.addf %add3A_891, %mul3A_897 : vector<16xf32>
        %get3A_899 = arith.constant 19 : i32
        %get3A_900 = arith.index_cast %get3A_899 : i32 to index
        %get3A_901 = arith.index_cast %mul3A_878 : i32 to index
        %get3A_902 = tpu.vector_load %arg9[%get3A_900, %get3A_901] {strides = array<i32>} : memref<32x1024xf32, #tpu.memory_space<vmem>>, vector<1x16xf32>,
        %get3A_903 = vector.shape_cast %get3A_902 : vector<1x16xf32> to vector<16xf32>
        %mul3A_904 = arith.mulf %gather3A_721, %get3A_903 : vector<16xf32>
        %add3A_905 = arith.addf %add3A_898, %mul3A_904 : vector<16xf32>
        %get3A_906 = arith.constant 20 : i32
        %get3A_907 = arith.index_cast %get3A_906 : i32 to index
        %get3A_908 = arith.index_cast %mul3A_878 : i32 to index
        %get3A_909 = tpu.vector_load %arg9[%get3A_907, %get3A_908] {strides = array<i32>} : memref<32x1024xf32, #tpu.memory_space<vmem>>, vector<1x16xf32>,
        %get3A_910 = vector.shape_cast %get3A_909 : vector<1x16xf32> to vector<16xf32>
        %mul3A_911 = arith.mulf %gather3A_733, %get3A_910 : vector<16xf32>
        %add3A_912 = arith.addf %add3A_905, %mul3A_911 : vector<16xf32>
        %get3A_913 = arith.constant 21 : i32
        %get3A_914 = arith.index_cast %get3A_913 : i32 to index
        %get3A_915 = arith.index_cast %mul3A_878 : i32 to index
        %get3A_916 = tpu.vector_load %arg9[%get3A_914, %get3A_915] {strides = array<i32>} : memref<32x1024xf32, #tpu.memory_space<vmem>>, vector<1x16xf32>,
        %get3A_917 = vector.shape_cast %get3A_916 : vector<1x16xf32> to vector<16xf32>
        %mul3A_918 = arith.mulf %gather3A_745, %get3A_917 : vector<16xf32>
        %add3A_919 = arith.addf %add3A_912, %mul3A_918 : vector<16xf32>
        %get3A_920 = arith.constant 22 : i32
        %get3A_921 = arith.index_cast %get3A_920 : i32 to index
        %get3A_922 = arith.index_cast %mul3A_878 : i32 to index
        %get3A_923 = tpu.vector_load %arg9[%get3A_921, %get3A_922] {strides = array<i32>} : memref<32x1024xf32, #tpu.memory_space<vmem>>, vector<1x16xf32>,
        %get3A_924 = vector.shape_cast %get3A_923 : vector<1x16xf32> to vector<16xf32>
        %mul3A_925 = arith.mulf %gather3A_757, %get3A_924 : vector<16xf32>
        %add3A_926 = arith.addf %add3A_919, %mul3A_925 : vector<16xf32>
        %get3A_927 = arith.constant 23 : i32
        %get3A_928 = arith.index_cast %get3A_927 : i32 to index
        %get3A_929 = arith.index_cast %mul3A_878 : i32 to index
        %get3A_930 = tpu.vector_load %arg9[%get3A_928, %get3A_929] {strides = array<i32>} : memref<32x1024xf32, #tpu.memory_space<vmem>>, vector<1x16xf32>,
        %get3A_931 = vector.shape_cast %get3A_930 : vector<1x16xf32> to vector<16xf32>
        %mul3A_932 = arith.mulf %gather3A_769, %get3A_931 : vector<16xf32>
        %add3A_933 = arith.addf %add3A_926, %mul3A_932 : vector<16xf32>
        %get3A_934 = arith.constant 24 : i32
        %get3A_935 = arith.index_cast %get3A_934 : i32 to index
        %get3A_936 = arith.index_cast %mul3A_878 : i32 to index
        %get3A_937 = tpu.vector_load %arg9[%get3A_935, %get3A_936] {strides = array<i32>} : memref<32x1024xf32, #tpu.memory_space<vmem>>, vector<1x16xf32>,
        %get3A_938 = vector.shape_cast %get3A_937 : vector<1x16xf32> to vector<16xf32>
        %mul3A_939 = arith.mulf %gather3A_781, %get3A_938 : vector<16xf32>
        %add3A_940 = arith.addf %add3A_933, %mul3A_939 : vector<16xf32>
        %get3A_941 = arith.constant 25 : i32
        %get3A_942 = arith.index_cast %get3A_941 : i32 to index
        %get3A_943 = arith.index_cast %mul3A_878 : i32 to index
        %get3A_944 = tpu.vector_load %arg9[%get3A_942, %get3A_943] {strides = array<i32>} : memref<32x1024xf32, #tpu.memory_space<vmem>>, vector<1x16xf32>,
        %get3A_945 = vector.shape_cast %get3A_944 : vector<1x16xf32> to vector<16xf32>
        %mul3A_946 = arith.mulf %gather3A_793, %get3A_945 : vector<16xf32>
        %add3A_947 = arith.addf %add3A_940, %mul3A_946 : vector<16xf32>
        %get3A_948 = arith.constant 26 : i32
        %get3A_949 = arith.index_cast %get3A_948 : i32 to index
        %get3A_950 = arith.index_cast %mul3A_878 : i32 to index
        %get3A_951 = tpu.vector_load %arg9[%get3A_949, %get3A_950] {strides = array<i32>} : memref<32x1024xf32, #tpu.memory_space<vmem>>, vector<1x16xf32>,
        %get3A_952 = vector.shape_cast %get3A_951 : vector<1x16xf32> to vector<16xf32>
        %mul3A_953 = arith.mulf %gather3A_805, %get3A_952 : vector<16xf32>
        %add3A_954 = arith.addf %add3A_947, %mul3A_953 : vector<16xf32>
        %get3A_955 = arith.constant 27 : i32
        %get3A_956 = arith.index_cast %get3A_955 : i32 to index
        %get3A_957 = arith.index_cast %mul3A_878 : i32 to index
        %get3A_958 = tpu.vector_load %arg9[%get3A_956, %get3A_957] {strides = array<i32>} : memref<32x1024xf32, #tpu.memory_space<vmem>>, vector<1x16xf32>,
        %get3A_959 = vector.shape_cast %get3A_958 : vector<1x16xf32> to vector<16xf32>
        %mul3A_960 = arith.mulf %gather3A_817, %get3A_959 : vector<16xf32>
        %add3A_961 = arith.addf %add3A_954, %mul3A_960 : vector<16xf32>
        %get3A_962 = arith.constant 28 : i32
        %get3A_963 = arith.index_cast %get3A_962 : i32 to index
        %get3A_964 = arith.index_cast %mul3A_878 : i32 to index
        %get3A_965 = tpu.vector_load %arg9[%get3A_963, %get3A_964] {strides = array<i32>} : memref<32x1024xf32, #tpu.memory_space<vmem>>, vector<1x16xf32>,
        %get3A_966 = vector.shape_cast %get3A_965 : vector<1x16xf32> to vector<16xf32>
        %mul3A_967 = arith.mulf %gather3A_829, %get3A_966 : vector<16xf32>
        %add3A_968 = arith.addf %add3A_961, %mul3A_967 : vector<16xf32>
        %get3A_969 = arith.constant 29 : i32
        %get3A_970 = arith.index_cast %get3A_969 : i32 to index
        %get3A_971 = arith.index_cast %mul3A_878 : i32 to index
        %get3A_972 = tpu.vector_load %arg9[%get3A_970, %get3A_971] {strides = array<i32>} : memref<32x1024xf32, #tpu.memory_space<vmem>>, vector<1x16xf32>,
        %get3A_973 = vector.shape_cast %get3A_972 : vector<1x16xf32> to vector<16xf32>
        %mul3A_974 = arith.mulf %gather3A_841, %get3A_973 : vector<16xf32>
        %add3A_975 = arith.addf %add3A_968, %mul3A_974 : vector<16xf32>
        %get3A_976 = arith.constant 30 : i32
        %get3A_977 = arith.index_cast %get3A_976 : i32 to index
        %get3A_978 = arith.index_cast %mul3A_878 : i32 to index
        %get3A_979 = tpu.vector_load %arg9[%get3A_977, %get3A_978] {strides = array<i32>} : memref<32x1024xf32, #tpu.memory_space<vmem>>, vector<1x16xf32>,
        %get3A_980 = vector.shape_cast %get3A_979 : vector<1x16xf32> to vector<16xf32>
        %mul3A_981 = arith.mulf %gather3A_853, %get3A_980 : vector<16xf32>
        %add3A_982 = arith.addf %add3A_975, %mul3A_981 : vector<16xf32>
        %get3A_983 = arith.constant 31 : i32
        %get3A_984 = arith.index_cast %get3A_983 : i32 to index
        %get3A_985 = arith.index_cast %mul3A_878 : i32 to index
        %get3A_986 = tpu.vector_load %arg9[%get3A_984, %get3A_985] {strides = array<i32>} : memref<32x1024xf32, #tpu.memory_space<vmem>>, vector<1x16xf32>,
        %get3A_987 = vector.shape_cast %get3A_986 : vector<1x16xf32> to vector<16xf32>
        %mul3A_988 = arith.mulf %gather3A_865, %get3A_987 : vector<16xf32>
        %add3A_989 = arith.addf %add3A_982, %mul3A_988 : vector<16xf32>
        %swap3A = arith.index_cast %mul3A_878 : i32 to index
        %swap3A_990 = tpu.vector_load %arg10[%swap3A] {strides = array<i32>} : memref<1024xf32, #tpu.memory_space<vmem>>, vector<16xf32>,
        %swap3A_991 = vector.shape_cast %swap3A_990 : vector<16xf32> to vector<16xf32>
        %swap3A_992 = vector.shape_cast %add3A_989 : vector<16xf32> to vector<16xf32>
        tpu.vector_store %arg10[%swap3A], %swap3A_992 {strides = array<i32>} : memref<1024xf32, #tpu.memory_space<vmem>>, vector<16xf32>,
        %scan3A_993 = arith.constant 0 : i32
        scf.yield %scan3A_993 : i32
      }
      %scan3A_872 = arith.constant 64 : i32
      %add3A_873 = arith.addi %mul3A_4, %add3A_668 : i32
      "tpu.region"() ({
        %run_scoped3A = tpu.sem_alloc : memref<!tpu.dma_semaphore, #tpu.memory_space<semaphore_mem>>
        %dma_start3A_875 = arith.constant 0 : i32
        %dma_start3A_876 = tpu.memref_slice %arg5[%add3A_873, %dma_start3A_875] : memref<2048x1024xf32, #tpu.memory_space<hbm>> -> memref<1x1024xf32, #tpu.memory_space<hbm>>
        %dma_start3A_877 = tpu.memref_squeeze %dma_start3A_876 : memref<1x1024xf32, #tpu.memory_space<hbm>> -> memref<1024xf32, #tpu.memory_space<hbm>>
        %dma_start3A_878 = arith.constant 0 : i32
        %dma_start3A_879 = tpu.memref_slice %arg5[%add3A_873, %dma_start3A_878] : memref<2048x1024xf32, #tpu.memory_space<hbm>> -> memref<1x1024xf32, #tpu.memory_space<hbm>>
        %dma_start3A_880 = tpu.memref_squeeze %dma_start3A_879 : memref<1x1024xf32, #tpu.memory_space<hbm>> -> memref<1024xf32, #tpu.memory_space<hbm>>
        tpu.enqueue_dma source(%arg10 : memref<1024xf32, #tpu.memory_space<vmem>>) target(%dma_start3A_880 : memref<1024xf32, #tpu.memory_space<hbm>>) target_semaphore(%run_scoped3A : memref<!tpu.dma_semaphore, #tpu.memory_space<semaphore_mem>>)
        %dma_wait3A_881 = arith.constant 0 : i32
        %dma_wait3A_882 = tpu.memref_slice %arg5[%add3A_873, %dma_wait3A_881] : memref<2048x1024xf32, #tpu.memory_space<hbm>> -> memref<1x1024xf32, #tpu.memory_space<hbm>>
        %dma_wait3A_883 = tpu.memref_squeeze %dma_wait3A_882 : memref<1x1024xf32, #tpu.memory_space<hbm>> -> memref<1024xf32, #tpu.memory_space<hbm>>
        %dma_wait3A_884 = arith.constant 0 : i32
        %dma_wait3A_885 = tpu.memref_slice %arg5[%add3A_873, %dma_wait3A_884] : memref<2048x1024xf32, #tpu.memory_space<hbm>> -> memref<1x1024xf32, #tpu.memory_space<hbm>>
        %dma_wait3A_886 = tpu.memref_squeeze %dma_wait3A_885 : memref<1x1024xf32, #tpu.memory_space<hbm>> -> memref<1024xf32, #tpu.memory_space<hbm>>
        tpu.wait_dma2 semaphore(%run_scoped3A : memref<!tpu.dma_semaphore, #tpu.memory_space<semaphore_mem>>) src(%arg10 : memref<1024xf32, #tpu.memory_space<vmem>>) dst(%dma_wait3A_886 : memref<1024xf32, #tpu.memory_space<hbm>>)
        tpu.yield
      }) : () -> ()
      %scan3A_874 = arith.constant 0 : i32
      scf.yield %scan3A_874 : i32
    }
    %scan3A_14 = arith.constant 16 : i32
    return
  }
}

module attributes {stable_mosaic.version = 14 : i64} {
  func.func @_proj_body(%arg0: i32, %arg1: i32, %arg2: memref<256x1024xbf16, #tpu.memory_space<vmem>>, %arg3: memref<2048x1024xbf16, #tpu.memory_space<vmem>>, %arg4: memref<1x1024xbf16, #tpu.memory_space<vmem>>, %arg5: memref<1x1xf32, #tpu.memory_space<vmem>>, %arg6: memref<512x1024xbf16, #tpu.memory_space<vmem>>, %arg7: memref<512x1024xbf16, #tpu.memory_space<vmem>>, %arg8: memref<1x1x512xf32, #tpu.memory_space<vmem>>, %arg9: memref<1x1x512xf32, #tpu.memory_space<vmem>>, %arg10: memref<1x1xf32, #tpu.memory_space<vmem>>, %arg11: memref<256x512xf32, #tpu.memory_space<vmem>>, %arg12: memref<256x512xf32, #tpu.memory_space<vmem>>, %arg13: memref<256x1024xf32, #tpu.memory_space<vmem>>, %arg14: memref<256x1024xbf16, #tpu.memory_space<vmem>>, %arg15: memref<256x1xf32, #tpu.memory_space<vmem>>) attributes {dimension_semantics = [#tpu.dimension_semantics<arbitrary>, #tpu.dimension_semantics<arbitrary>], iteration_bounds = array<i64: 8, 8>, scalar_prefetch = 0 : i64, scratch_operands = 2 : i64, tpu.core_type = #tpu.core_type<tc>, window_params = [{transform_indices = @transform_0, window_bounds = array<i64: 256, 1024>}, {pipeline_mode = #tpu.pipeline_mode<synchronous>, transform_indices = @transform_1, window_bounds = array<i64: 2048, 1024>}, {pipeline_mode = #tpu.pipeline_mode<synchronous>, transform_indices = @transform_2, window_bounds = array<i64: 1, 1024>}, {pipeline_mode = #tpu.pipeline_mode<synchronous>, transform_indices = @transform_3, window_bounds = array<i64: 1, 1>}, {transform_indices = @transform_4, window_bounds = array<i64: 512, 1024>}, {transform_indices = @transform_5, window_bounds = array<i64: 512, 1024>}, {transform_indices = @transform_6, window_bounds = array<i64: 1, 1, 512>}, {transform_indices = @transform_7, window_bounds = array<i64: 1, 1, 512>}, {pipeline_mode = #tpu.pipeline_mode<synchronous>, transform_indices = @transform_8, window_bounds = array<i64: 1, 1>}, {transform_indices = @transform_9, window_bounds = array<i64: 256, 512>}, {transform_indices = @transform_10, window_bounds = array<i64: 256, 512>}, {transform_indices = @transform_11, window_bounds = array<i64: 256, 1024>}]} {
    %get3A = arith.constant 0 : index
    %get3A_0 = arith.constant 0 : index
    %get3A_1 = vector.load %arg2[%get3A, %get3A_0] : memref<256x1024xbf16, #tpu.memory_space<vmem>>, vector<256x1024xbf16>
    %eq3A = arith.constant 0 : i32
    %eq3A_2 = arith.cmpi eq, %arg1, %eq3A : i32
    %convert_element_type3A = arith.extui %eq3A_2 : i1 to i32
    %cond3A = arith.constant 0 : i32
    %cond3A_3 = arith.cmpi ne, %convert_element_type3A, %cond3A : i32
    scf.if %cond3A_3 {
      %get3A_53 = arith.constant 0 : index
      %get3A_54 = arith.constant 0 : index
      %get3A_55 = vector.load %arg3[%get3A_53, %get3A_54] : memref<2048x1024xbf16, #tpu.memory_space<vmem>>, vector<2048x1024xbf16>
      %dot_general3A_56 = arith.constant dense<0.000000e+00> : vector<256x2048xf32>
      %dot_general3A_57 = tpu.matmul %get3A_1, %get3A_55, %dot_general3A_56 {dimension_numbers = #tpu.dot_dimension_numbers<[1], [1], [0], [0], [0, 0, 1, 0], [], []>, transpose_lhs_hint = false} : vector<256x1024xbf16>, vector<2048x1024xbf16>, vector<256x2048xf32> -> vector<256x2048xf32>
      %slice3A = vector.extract_strided_slice %dot_general3A_57 {offsets = [0, 0], sizes = [256, 1024], strides = [1, 1]} : vector<256x2048xf32> to vector<256x1024xf32>
      %convert_element_type3A_58 = arith.truncf %slice3A : vector<256x1024xf32> to vector<256x1024xbf16>
      %swap3A_59 = arith.constant 0 : index
      %swap3A_60 = arith.constant 0 : index
      %swap3A_61 = vector.load %arg14[%swap3A_59, %swap3A_60] : memref<256x1024xbf16, #tpu.memory_space<vmem>>, vector<256x1024xbf16>
      tpu.vector_store %arg14[%swap3A_59, %swap3A_60], %convert_element_type3A_58 {strides = array<i32>} : memref<256x1024xbf16, #tpu.memory_space<vmem>>, vector<256x1024xbf16>,
      %slice3A_62 = vector.extract_strided_slice %dot_general3A_57 {offsets = [0, 1024], sizes = [256, 1024], strides = [1, 1]} : vector<256x2048xf32> to vector<256x1024xf32>
      %swap3A_63 = arith.constant 0 : index
      %swap3A_64 = arith.constant 0 : index
      %swap3A_65 = vector.load %arg13[%swap3A_63, %swap3A_64] : memref<256x1024xf32, #tpu.memory_space<vmem>>, vector<256x1024xf32>
      tpu.vector_store %arg13[%swap3A_63, %swap3A_64], %slice3A_62 {strides = array<i32>} : memref<256x1024xf32, #tpu.memory_space<vmem>>, vector<256x1024xf32>,
      %convert_element_type3A_66 = arith.extf %get3A_1 : vector<256x1024xbf16> to vector<256x1024xf32>
      %get3A_67 = arith.constant 0 : index
      %get3A_68 = arith.constant 0 : index
      %get3A_69 = vector.load %arg4[%get3A_67, %get3A_68] : memref<1x1024xbf16, #tpu.memory_space<vmem>>, vector<1x1024xbf16>
      %convert_element_type3A_70 = arith.extf %get3A_69 : vector<1x1024xbf16> to vector<1x1024xf32>
      %mul3A_71 = vector.broadcast %convert_element_type3A_70 : vector<1x1024xf32> to vector<256x1024xf32>
      %mul3A_72 = arith.mulf %convert_element_type3A_66, %mul3A_71 : vector<256x1024xf32>
      %reduce_sum3A_73 = arith.constant dense<0.000000e+00> : vector<256xf32>
      %reduce_sum3A_74 = vector.multi_reduction <add>, %mul3A_72, %reduce_sum3A_73 [1] : vector<256x1024xf32> to vector<256xf32>
      %broadcast_in_dim3A_75 = vector.shape_cast %reduce_sum3A_74 : vector<256xf32> to vector<256x1xf32>
      %get3A_76 = arith.constant 0 : index
      %get3A_77 = arith.constant 0 : index
      %get3A_78 = vector.load %arg5[%get3A_76, %get3A_77] : memref<1x1xf32, #tpu.memory_space<vmem>>, vector<1x1xf32>
      %add3A_79 = vector.broadcast %get3A_78 : vector<1x1xf32> to vector<256x1xf32>
      %add3A_80 = arith.addf %broadcast_in_dim3A_75, %add3A_79 : vector<256x1xf32>
      %logistic3A = arith.negf %add3A_80 : vector<256x1xf32>
      %logistic3A_81 = math.exp %logistic3A : vector<256x1xf32>
      %logistic3A_82 = arith.constant 1.000000e+00 : f32
      %logistic3A_83 = vector.broadcast %logistic3A_82 : f32 to vector<256x1xf32>
      %logistic3A_84 = arith.addf %logistic3A_83, %logistic3A_81 : vector<256x1xf32>
      %logistic3A_85 = arith.divf %logistic3A_83, %logistic3A_84 : vector<256x1xf32>
      %swap3A_86 = arith.constant 0 : index
      %swap3A_87 = arith.constant 0 : index
      %swap3A_88 = vector.load %arg15[%swap3A_86, %swap3A_87] : memref<256x1xf32, #tpu.memory_space<vmem>>, vector<256x1xf32>
      tpu.vector_store %arg15[%swap3A_86, %swap3A_87], %logistic3A_85 {strides = array<i32>} : memref<256x1xf32, #tpu.memory_space<vmem>>, vector<256x1xf32>,
    } else {
    }
    %get3A_4 = arith.constant 0 : index
    %get3A_5 = arith.constant 0 : index
    %get3A_6 = vector.load %arg6[%get3A_4, %get3A_5] : memref<512x1024xbf16, #tpu.memory_space<vmem>>, vector<512x1024xbf16>
    %convert_element_type3A_7 = arith.extf %get3A_6 : vector<512x1024xbf16> to vector<512x1024xf32>
    %mul3A = arith.mulf %convert_element_type3A_7, %convert_element_type3A_7 : vector<512x1024xf32>
    %reduce_sum3A = arith.constant dense<0.000000e+00> : vector<512xf32>
    %reduce_sum3A_8 = vector.multi_reduction <add>, %mul3A, %reduce_sum3A [1] : vector<512x1024xf32> to vector<512xf32>
    %sqrt3A = math.sqrt %reduce_sum3A_8 : vector<512xf32>
    %add3A = arith.constant 9.99999997E-7 : f32
    %add3A_9 = vector.broadcast %add3A : f32 to vector<512xf32>
    %add3A_10 = arith.addf %sqrt3A, %add3A_9 : vector<512xf32>
    %div3A = arith.constant 1.000000e+00 : f32
    %div3A_11 = vector.broadcast %div3A : f32 to vector<512xf32>
    %div3A_12 = arith.divf %div3A_11, %add3A_10 : vector<512xf32>
    %get3A_13 = arith.constant 0 : index
    %get3A_14 = arith.constant 0 : index
    %get3A_15 = vector.load %arg14[%get3A_13, %get3A_14] : memref<256x1024xbf16, #tpu.memory_space<vmem>>, vector<256x1024xbf16>
    %dot_general3A = arith.constant dense<0.000000e+00> : vector<256x512xf32>
    %dot_general3A_16 = tpu.matmul %get3A_15, %get3A_6, %dot_general3A {dimension_numbers = #tpu.dot_dimension_numbers<[1], [1], [0], [0], [0, 0, 1, 0], [], []>, transpose_lhs_hint = false} : vector<256x1024xbf16>, vector<512x1024xbf16>, vector<256x512xf32> -> vector<256x512xf32>
    %broadcast_in_dim3A = vector.shape_cast %div3A_12 : vector<512xf32> to vector<1x512xf32>
    %get3A_17 = arith.constant 0 : index
    %get3A_18 = arith.constant 0 : index
    %get3A_19 = vector.load %arg10[%get3A_17, %get3A_18] : memref<1x1xf32, #tpu.memory_space<vmem>>, vector<1x1xf32>
    %mul3A_20 = vector.broadcast %get3A_19 : vector<1x1xf32> to vector<1x512xf32>
    %mul3A_21 = arith.mulf %broadcast_in_dim3A, %mul3A_20 : vector<1x512xf32>
    %mul3A_22 = vector.broadcast %mul3A_21 : vector<1x512xf32> to vector<256x512xf32>
    %mul3A_23 = arith.mulf %dot_general3A_16, %mul3A_22 : vector<256x512xf32>
    %swap3A = arith.constant 0 : index
    %swap3A_24 = arith.constant 0 : index
    %swap3A_25 = vector.load %arg11[%swap3A, %swap3A_24] : memref<256x512xf32, #tpu.memory_space<vmem>>, vector<256x512xf32>
    tpu.vector_store %arg11[%swap3A, %swap3A_24], %mul3A_23 {strides = array<i32>} : memref<256x512xf32, #tpu.memory_space<vmem>>, vector<256x512xf32>,
    %get3A_26 = arith.constant 0 : index
    %get3A_27 = arith.constant 0 : index
    %get3A_28 = vector.load %arg7[%get3A_26, %get3A_27] : memref<512x1024xbf16, #tpu.memory_space<vmem>>, vector<512x1024xbf16>
    %dot_general3A_29 = arith.constant dense<0.000000e+00> : vector<256x512xf32>
    %dot_general3A_30 = tpu.matmul %get3A_1, %get3A_28, %dot_general3A_29 {dimension_numbers = #tpu.dot_dimension_numbers<[1], [1], [0], [0], [0, 0, 1, 0], [], []>, transpose_lhs_hint = false} : vector<256x1024xbf16>, vector<512x1024xbf16>, vector<256x512xf32> -> vector<256x512xf32>
    %get3A_31 = arith.constant 0 : index
    %get3A_32 = arith.constant 0 : index
    %get3A_33 = vector.load %arg15[%get3A_31, %get3A_32] : memref<256x1xf32, #tpu.memory_space<vmem>>, vector<256x1xf32>
    %get3A_34 = arith.constant 0 : index
    %get3A_35 = arith.constant 0 : index
    %get3A_36 = arith.constant 0 : index
    %get3A_37 = vector.load %arg8[%get3A_34, %get3A_35, %get3A_36] : memref<1x1x512xf32, #tpu.memory_space<vmem>>, vector<1x1x512xf32>
    %get3A_38 = vector.shape_cast %get3A_37 : vector<1x1x512xf32> to vector<1x512xf32>
    %mul3A_39 = vector.broadcast %get3A_33 : vector<256x1xf32> to vector<256x512xf32>
    %mul3A_40 = vector.broadcast %get3A_38 : vector<1x512xf32> to vector<256x512xf32>
    %mul3A_41 = arith.mulf %mul3A_39, %mul3A_40 : vector<256x512xf32>
    %add3A_42 = arith.addf %dot_general3A_30, %mul3A_41 : vector<256x512xf32>
    %get3A_43 = arith.constant 0 : index
    %get3A_44 = arith.constant 0 : index
    %get3A_45 = arith.constant 0 : index
    %get3A_46 = vector.load %arg9[%get3A_43, %get3A_44, %get3A_45] : memref<1x1x512xf32, #tpu.memory_space<vmem>>, vector<1x1x512xf32>
    %get3A_47 = vector.shape_cast %get3A_46 : vector<1x1x512xf32> to vector<1x512xf32>
    %add3A_48 = vector.broadcast %get3A_47 : vector<1x512xf32> to vector<256x512xf32>
    %add3A_49 = arith.addf %add3A_42, %add3A_48 : vector<256x512xf32>
    %swap3A_50 = arith.constant 0 : index
    %swap3A_51 = arith.constant 0 : index
    %swap3A_52 = vector.load %arg12[%swap3A_50, %swap3A_51] : memref<256x512xf32, #tpu.memory_space<vmem>>, vector<256x512xf32>
    tpu.vector_store %arg12[%swap3A_50, %swap3A_51], %add3A_49 {strides = array<i32>} : memref<256x512xf32, #tpu.memory_space<vmem>>, vector<256x512xf32>,
    return
  }
  func.func @transform_0(%arg0: i32, %arg1: i32) -> (i32, i32) {
    %c0_i32 = arith.constant 0 : i32
    %c0_i32_0 = arith.constant 0 : i32
    return %arg0, %c0_i32 : i32, i32
  }
  func.func @transform_1(%arg0: i32, %arg1: i32) -> (i32, i32) {
    %c0_i32 = arith.constant 0 : i32
    %c0_i32_0 = arith.constant 0 : i32
    %c0_i32_1 = arith.constant 0 : i32
    return %c0_i32, %c0_i32_0 : i32, i32
  }
  func.func @transform_2(%arg0: i32, %arg1: i32) -> (i32, i32) {
    %c0_i32 = arith.constant 0 : i32
    %c0_i32_0 = arith.constant 0 : i32
    %c0_i32_1 = arith.constant 0 : i32
    return %c0_i32, %c0_i32_0 : i32, i32
  }
  func.func @transform_3(%arg0: i32, %arg1: i32) -> (i32, i32) {
    %c0_i32 = arith.constant 0 : i32
    %c0_i32_0 = arith.constant 0 : i32
    %c0_i32_1 = arith.constant 0 : i32
    return %c0_i32, %c0_i32_0 : i32, i32
  }
  func.func @transform_4(%arg0: i32, %arg1: i32) -> (i32, i32) {
    %c0_i32 = arith.constant 0 : i32
    %c0_i32_0 = arith.constant 0 : i32
    return %arg1, %c0_i32 : i32, i32
  }
  func.func @transform_5(%arg0: i32, %arg1: i32) -> (i32, i32) {
    %c0_i32 = arith.constant 0 : i32
    %c0_i32_0 = arith.constant 0 : i32
    return %arg1, %c0_i32 : i32, i32
  }
  func.func @transform_6(%arg0: i32, %arg1: i32) -> (i32, i32, i32) {
    %c0_i32 = arith.constant 0 : i32
    %c0_i32_0 = arith.constant 0 : i32
    %c0_i32_1 = arith.constant 0 : i32
    return %arg1, %c0_i32, %c0_i32_0 : i32, i32, i32
  }
  func.func @transform_7(%arg0: i32, %arg1: i32) -> (i32, i32, i32) {
    %c0_i32 = arith.constant 0 : i32
    %c0_i32_0 = arith.constant 0 : i32
    %c0_i32_1 = arith.constant 0 : i32
    return %arg1, %c0_i32, %c0_i32_0 : i32, i32, i32
  }
  func.func @transform_8(%arg0: i32, %arg1: i32) -> (i32, i32) {
    %c0_i32 = arith.constant 0 : i32
    %c0_i32_0 = arith.constant 0 : i32
    %c0_i32_1 = arith.constant 0 : i32
    return %c0_i32, %c0_i32_0 : i32, i32
  }
  func.func @transform_9(%arg0: i32, %arg1: i32) -> (i32, i32) {
    %c0_i32 = arith.constant 0 : i32
    return %arg0, %arg1 : i32, i32
  }
  func.func @transform_10(%arg0: i32, %arg1: i32) -> (i32, i32) {
    %c0_i32 = arith.constant 0 : i32
    return %arg0, %arg1 : i32, i32
  }
  func.func @transform_11(%arg0: i32, %arg1: i32) -> (i32, i32) {
    %c0_i32 = arith.constant 0 : i32
    %c0_i32_0 = arith.constant 0 : i32
    return %arg0, %c0_i32 : i32, i32
  }
}

module attributes {stable_mosaic.version = 14 : i64} {
  func.func @_topk_body(%arg0: i32, %arg1: memref<256x4096xf32, #tpu.memory_space<vmem>>, %arg2: memref<256x16xi32, #tpu.memory_space<vmem>>, %arg3: memref<256x16xf32, #tpu.memory_space<vmem>>) attributes {dimension_semantics = [#tpu.dimension_semantics<arbitrary>], iteration_bounds = array<i64: 8>, scalar_prefetch = 0 : i64, scratch_operands = 0 : i64, tpu.core_type = #tpu.core_type<tc>, window_params = [{transform_indices = @transform_0, window_bounds = array<i64: 256, 4096>}, {transform_indices = @transform_1, window_bounds = array<i64: 256, 16>}, {transform_indices = @transform_2, window_bounds = array<i64: 256, 16>}]} {
    %get3A = arith.constant 0 : index
    %get3A_0 = arith.constant 0 : index
    %get3A_1 = vector.load %arg1[%get3A, %get3A_0] : memref<256x4096xf32, #tpu.memory_space<vmem>>, vector<256x4096xf32>
    %bitcast_convert_type3A = tpu.bitcast %get3A_1 : vector<256x4096xf32> -> vector<256x4096xi32>
    %shift_right_arithmetic3A = arith.constant 31 : i32
    %shift_right_arithmetic3A_2 = vector.broadcast %shift_right_arithmetic3A : i32 to vector<256x4096xi32>
    %shift_right_arithmetic3A_3 = arith.shrsi %bitcast_convert_type3A, %shift_right_arithmetic3A_2 : vector<256x4096xi32>
    %and3A = arith.constant 2147483647 : i32
    %and3A_4 = vector.broadcast %and3A : i32 to vector<256x4096xi32>
    %and3A_5 = arith.andi %shift_right_arithmetic3A_3, %and3A_4 : vector<256x4096xi32>
    %xor3A = arith.xori %bitcast_convert_type3A, %and3A_5 : vector<256x4096xi32>
    %and3A_6 = arith.constant -4096 : i32
    %and3A_7 = vector.broadcast %and3A_6 : i32 to vector<256x4096xi32>
    %and3A_8 = arith.andi %xor3A, %and3A_7 : vector<256x4096xi32>
    %iota3A = tpu.iota {dimensions = array<i32: 1>} : vector<256x4096xi32>
    %sub3A = arith.constant 4095 : i32
    %sub3A_9 = vector.broadcast %sub3A : i32 to vector<256x4096xi32>
    %sub3A_10 = arith.subi %sub3A_9, %iota3A : vector<256x4096xi32>
    %or3A = arith.ori %and3A_8, %sub3A_10 : vector<256x4096xi32>
    %reduce_max3A = arith.constant dense<-2147483648> : vector<256xi32>
    %reduce_max3A_11 = vector.multi_reduction <maxsi>, %or3A, %reduce_max3A [1] : vector<256x4096xi32> to vector<256xi32>
    %broadcast_in_dim3A = vector.shape_cast %reduce_max3A_11 : vector<256xi32> to vector<256x1xi32>
    %eq3A = vector.broadcast %broadcast_in_dim3A : vector<256x1xi32> to vector<256x4096xi32>
    %eq3A_12 = arith.cmpi eq, %or3A, %eq3A : vector<256x4096xi32>
    %jit3A = arith.constant -2147483648 : i32
    %broadcast_in_dim3A_13 = vector.broadcast %jit3A : i32 to vector<256x4096xi32>
    %select_n3A = arith.select %eq3A_12, %broadcast_in_dim3A_13, %or3A : vector<256x4096xi1>, vector<256x4096xi32>
    %reduce_max3A_14 = arith.constant dense<-2147483648> : vector<256xi32>
    %reduce_max3A_15 = vector.multi_reduction <maxsi>, %select_n3A, %reduce_max3A_14 [1] : vector<256x4096xi32> to vector<256xi32>
    %broadcast_in_dim3A_16 = vector.shape_cast %reduce_max3A_15 : vector<256xi32> to vector<256x1xi32>
    %eq3A_17 = vector.broadcast %broadcast_in_dim3A_16 : vector<256x1xi32> to vector<256x4096xi32>
    %eq3A_18 = arith.cmpi eq, %select_n3A, %eq3A_17 : vector<256x4096xi32>
    %jit3A_19 = arith.constant -2147483648 : i32
    %broadcast_in_dim3A_20 = vector.broadcast %jit3A_19 : i32 to vector<256x4096xi32>
    %select_n3A_21 = arith.select %eq3A_18, %broadcast_in_dim3A_20, %select_n3A : vector<256x4096xi1>, vector<256x4096xi32>
    %reduce_max3A_22 = arith.constant dense<-2147483648> : vector<256xi32>
    %reduce_max3A_23 = vector.multi_reduction <maxsi>, %select_n3A_21, %reduce_max3A_22 [1] : vector<256x4096xi32> to vector<256xi32>
    %broadcast_in_dim3A_24 = vector.shape_cast %reduce_max3A_23 : vector<256xi32> to vector<256x1xi32>
    %eq3A_25 = vector.broadcast %broadcast_in_dim3A_24 : vector<256x1xi32> to vector<256x4096xi32>
    %eq3A_26 = arith.cmpi eq, %select_n3A_21, %eq3A_25 : vector<256x4096xi32>
    %jit3A_27 = arith.constant -2147483648 : i32
    %broadcast_in_dim3A_28 = vector.broadcast %jit3A_27 : i32 to vector<256x4096xi32>
    %select_n3A_29 = arith.select %eq3A_26, %broadcast_in_dim3A_28, %select_n3A_21 : vector<256x4096xi1>, vector<256x4096xi32>
    %reduce_max3A_30 = arith.constant dense<-2147483648> : vector<256xi32>
    %reduce_max3A_31 = vector.multi_reduction <maxsi>, %select_n3A_29, %reduce_max3A_30 [1] : vector<256x4096xi32> to vector<256xi32>
    %broadcast_in_dim3A_32 = vector.shape_cast %reduce_max3A_31 : vector<256xi32> to vector<256x1xi32>
    %eq3A_33 = vector.broadcast %broadcast_in_dim3A_32 : vector<256x1xi32> to vector<256x4096xi32>
    %eq3A_34 = arith.cmpi eq, %select_n3A_29, %eq3A_33 : vector<256x4096xi32>
    %jit3A_35 = arith.constant -2147483648 : i32
    %broadcast_in_dim3A_36 = vector.broadcast %jit3A_35 : i32 to vector<256x4096xi32>
    %select_n3A_37 = arith.select %eq3A_34, %broadcast_in_dim3A_36, %select_n3A_29 : vector<256x4096xi1>, vector<256x4096xi32>
    %reduce_max3A_38 = arith.constant dense<-2147483648> : vector<256xi32>
    %reduce_max3A_39 = vector.multi_reduction <maxsi>, %select_n3A_37, %reduce_max3A_38 [1] : vector<256x4096xi32> to vector<256xi32>
    %broadcast_in_dim3A_40 = vector.shape_cast %reduce_max3A_39 : vector<256xi32> to vector<256x1xi32>
    %eq3A_41 = vector.broadcast %broadcast_in_dim3A_40 : vector<256x1xi32> to vector<256x4096xi32>
    %eq3A_42 = arith.cmpi eq, %select_n3A_37, %eq3A_41 : vector<256x4096xi32>
    %jit3A_43 = arith.constant -2147483648 : i32
    %broadcast_in_dim3A_44 = vector.broadcast %jit3A_43 : i32 to vector<256x4096xi32>
    %select_n3A_45 = arith.select %eq3A_42, %broadcast_in_dim3A_44, %select_n3A_37 : vector<256x4096xi1>, vector<256x4096xi32>
    %reduce_max3A_46 = arith.constant dense<-2147483648> : vector<256xi32>
    %reduce_max3A_47 = vector.multi_reduction <maxsi>, %select_n3A_45, %reduce_max3A_46 [1] : vector<256x4096xi32> to vector<256xi32>
    %broadcast_in_dim3A_48 = vector.shape_cast %reduce_max3A_47 : vector<256xi32> to vector<256x1xi32>
    %eq3A_49 = vector.broadcast %broadcast_in_dim3A_48 : vector<256x1xi32> to vector<256x4096xi32>
    %eq3A_50 = arith.cmpi eq, %select_n3A_45, %eq3A_49 : vector<256x4096xi32>
    %jit3A_51 = arith.constant -2147483648 : i32
    %broadcast_in_dim3A_52 = vector.broadcast %jit3A_51 : i32 to vector<256x4096xi32>
    %select_n3A_53 = arith.select %eq3A_50, %broadcast_in_dim3A_52, %select_n3A_45 : vector<256x4096xi1>, vector<256x4096xi32>
    %reduce_max3A_54 = arith.constant dense<-2147483648> : vector<256xi32>
    %reduce_max3A_55 = vector.multi_reduction <maxsi>, %select_n3A_53, %reduce_max3A_54 [1] : vector<256x4096xi32> to vector<256xi32>
    %broadcast_in_dim3A_56 = vector.shape_cast %reduce_max3A_55 : vector<256xi32> to vector<256x1xi32>
    %eq3A_57 = vector.broadcast %broadcast_in_dim3A_56 : vector<256x1xi32> to vector<256x4096xi32>
    %eq3A_58 = arith.cmpi eq, %select_n3A_53, %eq3A_57 : vector<256x4096xi32>
    %jit3A_59 = arith.constant -2147483648 : i32
    %broadcast_in_dim3A_60 = vector.broadcast %jit3A_59 : i32 to vector<256x4096xi32>
    %select_n3A_61 = arith.select %eq3A_58, %broadcast_in_dim3A_60, %select_n3A_53 : vector<256x4096xi1>, vector<256x4096xi32>
    %reduce_max3A_62 = arith.constant dense<-2147483648> : vector<256xi32>
    %reduce_max3A_63 = vector.multi_reduction <maxsi>, %select_n3A_61, %reduce_max3A_62 [1] : vector<256x4096xi32> to vector<256xi32>
    %broadcast_in_dim3A_64 = vector.shape_cast %reduce_max3A_63 : vector<256xi32> to vector<256x1xi32>
    %eq3A_65 = vector.broadcast %broadcast_in_dim3A_64 : vector<256x1xi32> to vector<256x4096xi32>
    %eq3A_66 = arith.cmpi eq, %select_n3A_61, %eq3A_65 : vector<256x4096xi32>
    %jit3A_67 = arith.constant -2147483648 : i32
    %broadcast_in_dim3A_68 = vector.broadcast %jit3A_67 : i32 to vector<256x4096xi32>
    %select_n3A_69 = arith.select %eq3A_66, %broadcast_in_dim3A_68, %select_n3A_61 : vector<256x4096xi1>, vector<256x4096xi32>
    %reduce_max3A_70 = arith.constant dense<-2147483648> : vector<256xi32>
    %reduce_max3A_71 = vector.multi_reduction <maxsi>, %select_n3A_69, %reduce_max3A_70 [1] : vector<256x4096xi32> to vector<256xi32>
    %broadcast_in_dim3A_72 = vector.shape_cast %reduce_max3A_71 : vector<256xi32> to vector<256x1xi32>
    %eq3A_73 = vector.broadcast %broadcast_in_dim3A_72 : vector<256x1xi32> to vector<256x4096xi32>
    %eq3A_74 = arith.cmpi eq, %select_n3A_69, %eq3A_73 : vector<256x4096xi32>
    %jit3A_75 = arith.constant -2147483648 : i32
    %broadcast_in_dim3A_76 = vector.broadcast %jit3A_75 : i32 to vector<256x4096xi32>
    %select_n3A_77 = arith.select %eq3A_74, %broadcast_in_dim3A_76, %select_n3A_69 : vector<256x4096xi1>, vector<256x4096xi32>
    %reduce_max3A_78 = arith.constant dense<-2147483648> : vector<256xi32>
    %reduce_max3A_79 = vector.multi_reduction <maxsi>, %select_n3A_77, %reduce_max3A_78 [1] : vector<256x4096xi32> to vector<256xi32>
    %broadcast_in_dim3A_80 = vector.shape_cast %reduce_max3A_79 : vector<256xi32> to vector<256x1xi32>
    %eq3A_81 = vector.broadcast %broadcast_in_dim3A_80 : vector<256x1xi32> to vector<256x4096xi32>
    %eq3A_82 = arith.cmpi eq, %select_n3A_77, %eq3A_81 : vector<256x4096xi32>
    %jit3A_83 = arith.constant -2147483648 : i32
    %broadcast_in_dim3A_84 = vector.broadcast %jit3A_83 : i32 to vector<256x4096xi32>
    %select_n3A_85 = arith.select %eq3A_82, %broadcast_in_dim3A_84, %select_n3A_77 : vector<256x4096xi1>, vector<256x4096xi32>
    %reduce_max3A_86 = arith.constant dense<-2147483648> : vector<256xi32>
    %reduce_max3A_87 = vector.multi_reduction <maxsi>, %select_n3A_85, %reduce_max3A_86 [1] : vector<256x4096xi32> to vector<256xi32>
    %broadcast_in_dim3A_88 = vector.shape_cast %reduce_max3A_87 : vector<256xi32> to vector<256x1xi32>
    %eq3A_89 = vector.broadcast %broadcast_in_dim3A_88 : vector<256x1xi32> to vector<256x4096xi32>
    %eq3A_90 = arith.cmpi eq, %select_n3A_85, %eq3A_89 : vector<256x4096xi32>
    %jit3A_91 = arith.constant -2147483648 : i32
    %broadcast_in_dim3A_92 = vector.broadcast %jit3A_91 : i32 to vector<256x4096xi32>
    %select_n3A_93 = arith.select %eq3A_90, %broadcast_in_dim3A_92, %select_n3A_85 : vector<256x4096xi1>, vector<256x4096xi32>
    %reduce_max3A_94 = arith.constant dense<-2147483648> : vector<256xi32>
    %reduce_max3A_95 = vector.multi_reduction <maxsi>, %select_n3A_93, %reduce_max3A_94 [1] : vector<256x4096xi32> to vector<256xi32>
    %broadcast_in_dim3A_96 = vector.shape_cast %reduce_max3A_95 : vector<256xi32> to vector<256x1xi32>
    %eq3A_97 = vector.broadcast %broadcast_in_dim3A_96 : vector<256x1xi32> to vector<256x4096xi32>
    %eq3A_98 = arith.cmpi eq, %select_n3A_93, %eq3A_97 : vector<256x4096xi32>
    %jit3A_99 = arith.constant -2147483648 : i32
    %broadcast_in_dim3A_100 = vector.broadcast %jit3A_99 : i32 to vector<256x4096xi32>
    %select_n3A_101 = arith.select %eq3A_98, %broadcast_in_dim3A_100, %select_n3A_93 : vector<256x4096xi1>, vector<256x4096xi32>
    %reduce_max3A_102 = arith.constant dense<-2147483648> : vector<256xi32>
    %reduce_max3A_103 = vector.multi_reduction <maxsi>, %select_n3A_101, %reduce_max3A_102 [1] : vector<256x4096xi32> to vector<256xi32>
    %broadcast_in_dim3A_104 = vector.shape_cast %reduce_max3A_103 : vector<256xi32> to vector<256x1xi32>
    %eq3A_105 = vector.broadcast %broadcast_in_dim3A_104 : vector<256x1xi32> to vector<256x4096xi32>
    %eq3A_106 = arith.cmpi eq, %select_n3A_101, %eq3A_105 : vector<256x4096xi32>
    %jit3A_107 = arith.constant -2147483648 : i32
    %broadcast_in_dim3A_108 = vector.broadcast %jit3A_107 : i32 to vector<256x4096xi32>
    %select_n3A_109 = arith.select %eq3A_106, %broadcast_in_dim3A_108, %select_n3A_101 : vector<256x4096xi1>, vector<256x4096xi32>
    %reduce_max3A_110 = arith.constant dense<-2147483648> : vector<256xi32>
    %reduce_max3A_111 = vector.multi_reduction <maxsi>, %select_n3A_109, %reduce_max3A_110 [1] : vector<256x4096xi32> to vector<256xi32>
    %broadcast_in_dim3A_112 = vector.shape_cast %reduce_max3A_111 : vector<256xi32> to vector<256x1xi32>
    %eq3A_113 = vector.broadcast %broadcast_in_dim3A_112 : vector<256x1xi32> to vector<256x4096xi32>
    %eq3A_114 = arith.cmpi eq, %select_n3A_109, %eq3A_113 : vector<256x4096xi32>
    %jit3A_115 = arith.constant -2147483648 : i32
    %broadcast_in_dim3A_116 = vector.broadcast %jit3A_115 : i32 to vector<256x4096xi32>
    %select_n3A_117 = arith.select %eq3A_114, %broadcast_in_dim3A_116, %select_n3A_109 : vector<256x4096xi1>, vector<256x4096xi32>
    %reduce_max3A_118 = arith.constant dense<-2147483648> : vector<256xi32>
    %reduce_max3A_119 = vector.multi_reduction <maxsi>, %select_n3A_117, %reduce_max3A_118 [1] : vector<256x4096xi32> to vector<256xi32>
    %broadcast_in_dim3A_120 = vector.shape_cast %reduce_max3A_119 : vector<256xi32> to vector<256x1xi32>
    %eq3A_121 = vector.broadcast %broadcast_in_dim3A_120 : vector<256x1xi32> to vector<256x4096xi32>
    %eq3A_122 = arith.cmpi eq, %select_n3A_117, %eq3A_121 : vector<256x4096xi32>
    %jit3A_123 = arith.constant -2147483648 : i32
    %broadcast_in_dim3A_124 = vector.broadcast %jit3A_123 : i32 to vector<256x4096xi32>
    %select_n3A_125 = arith.select %eq3A_122, %broadcast_in_dim3A_124, %select_n3A_117 : vector<256x4096xi1>, vector<256x4096xi32>
    %reduce_max3A_126 = arith.constant dense<-2147483648> : vector<256xi32>
    %reduce_max3A_127 = vector.multi_reduction <maxsi>, %select_n3A_125, %reduce_max3A_126 [1] : vector<256x4096xi32> to vector<256xi32>
    %broadcast_in_dim3A_128 = vector.shape_cast %reduce_max3A_127 : vector<256xi32> to vector<256x1xi32>
    %concatenate3A = tpu.concatenate %broadcast_in_dim3A, %broadcast_in_dim3A_16, %broadcast_in_dim3A_24, %broadcast_in_dim3A_32, %broadcast_in_dim3A_40, %broadcast_in_dim3A_48, %broadcast_in_dim3A_56, %broadcast_in_dim3A_64, %broadcast_in_dim3A_72, %broadcast_in_dim3A_80, %broadcast_in_dim3A_88, %broadcast_in_dim3A_96, %broadcast_in_dim3A_104, %broadcast_in_dim3A_112, %broadcast_in_dim3A_120, %broadcast_in_dim3A_128 in 1 : vector<256x1xi32>, vector<256x1xi32>, vector<256x1xi32>, vector<256x1xi32>, vector<256x1xi32>, vector<256x1xi32>, vector<256x1xi32>, vector<256x1xi32>, vector<256x1xi32>, vector<256x1xi32>, vector<256x1xi32>, vector<256x1xi32>, vector<256x1xi32>, vector<256x1xi32>, vector<256x1xi32>, vector<256x1xi32> -> vector<256x16xi32>
    %and3A_129 = arith.constant 4095 : i32
    %and3A_130 = vector.broadcast %and3A_129 : i32 to vector<256x16xi32>
    %and3A_131 = arith.andi %concatenate3A, %and3A_130 : vector<256x16xi32>
    %sub3A_132 = arith.constant 4095 : i32
    %sub3A_133 = vector.broadcast %sub3A_132 : i32 to vector<256x16xi32>
    %sub3A_134 = arith.subi %sub3A_133, %and3A_131 : vector<256x16xi32>
    %and3A_135 = arith.constant -4096 : i32
    %and3A_136 = vector.broadcast %and3A_135 : i32 to vector<256x16xi32>
    %and3A_137 = arith.andi %concatenate3A, %and3A_136 : vector<256x16xi32>
    %shift_right_arithmetic3A_138 = arith.constant 31 : i32
    %shift_right_arithmetic3A_139 = vector.broadcast %shift_right_arithmetic3A_138 : i32 to vector<256x16xi32>
    %shift_right_arithmetic3A_140 = arith.shrsi %and3A_137, %shift_right_arithmetic3A_139 : vector<256x16xi32>
    %and3A_141 = arith.constant 2147483647 : i32
    %and3A_142 = vector.broadcast %and3A_141 : i32 to vector<256x16xi32>
    %and3A_143 = arith.andi %shift_right_arithmetic3A_140, %and3A_142 : vector<256x16xi32>
    %xor3A_144 = arith.xori %and3A_137, %and3A_143 : vector<256x16xi32>
    %bitcast_convert_type3A_145 = tpu.bitcast %xor3A_144 : vector<256x16xi32> -> vector<256x16xf32>
    %slice3A = vector.extract_strided_slice %bitcast_convert_type3A_145 {offsets = [0, 0], sizes = [256, 1], strides = [1, 1]} : vector<256x16xf32> to vector<256x1xf32>
    %sub3A_146 = vector.broadcast %slice3A : vector<256x1xf32> to vector<256x16xf32>
    %sub3A_147 = arith.subf %bitcast_convert_type3A_145, %sub3A_146 : vector<256x16xf32>
    %exp3A = math.exp %sub3A_147 : vector<256x16xf32>
    %swap3A = arith.constant 0 : index
    %swap3A_148 = arith.constant 0 : index
    %swap3A_149 = vector.load %arg2[%swap3A, %swap3A_148] : memref<256x16xi32, #tpu.memory_space<vmem>>, vector<256x16xi32>
    tpu.vector_store %arg2[%swap3A, %swap3A_148], %sub3A_134 {strides = array<i32>} : memref<256x16xi32, #tpu.memory_space<vmem>>, vector<256x16xi32>,
    %reduce_sum3A = arith.constant dense<0.000000e+00> : vector<256xf32>
    %reduce_sum3A_150 = vector.multi_reduction <add>, %exp3A, %reduce_sum3A [1] : vector<256x16xf32> to vector<256xf32>
    %broadcast_in_dim3A_151 = vector.shape_cast %reduce_sum3A_150 : vector<256xf32> to vector<256x1xf32>
    %div3A = vector.broadcast %broadcast_in_dim3A_151 : vector<256x1xf32> to vector<256x16xf32>
    %div3A_152 = arith.divf %exp3A, %div3A : vector<256x16xf32>
    %swap3A_153 = arith.constant 0 : index
    %swap3A_154 = arith.constant 0 : index
    %swap3A_155 = vector.load %arg3[%swap3A_153, %swap3A_154] : memref<256x16xf32, #tpu.memory_space<vmem>>, vector<256x16xf32>
    tpu.vector_store %arg3[%swap3A_153, %swap3A_154], %div3A_152 {strides = array<i32>} : memref<256x16xf32, #tpu.memory_space<vmem>>, vector<256x16xf32>,
    return
  }
  func.func @transform_0(%arg0: i32) -> (i32, i32) {
    %c0_i32 = arith.constant 0 : i32
    %c0_i32_0 = arith.constant 0 : i32
    return %arg0, %c0_i32 : i32, i32
  }
  func.func @transform_1(%arg0: i32) -> (i32, i32) {
    %c0_i32 = arith.constant 0 : i32
    %c0_i32_0 = arith.constant 0 : i32
    return %arg0, %c0_i32 : i32, i32
  }
  func.func @transform_2(%arg0: i32) -> (i32, i32) {
    %c0_i32 = arith.constant 0 : i32
    %c0_i32_0 = arith.constant 0 : i32
    return %arg0, %c0_i32 : i32, i32
  }
}

module attributes {stable_mosaic.version = 14 : i64} {
  func.func @_d_body(%arg0: i32, %arg1: i32, %arg2: memref<256x16xi32, #tpu.memory_space<vmem>>, %arg3: memref<256x16xf32, #tpu.memory_space<vmem>>, %arg4: memref<256x1024xf32, #tpu.memory_space<vmem>>, %arg5: memref<256x1024xf32, #tpu.memory_space<vmem>>, %arg6: memref<512x1024xf32, #tpu.memory_space<vmem>>) attributes {dimension_semantics = [#tpu.dimension_semantics<arbitrary>, #tpu.dimension_semantics<arbitrary>], iteration_bounds = array<i64: 8, 8>, scalar_prefetch = 0 : i64, scratch_operands = 0 : i64, tpu.core_type = #tpu.core_type<tc>, window_params = [{transform_indices = @transform_0, window_bounds = array<i64: 256, 16>}, {transform_indices = @transform_1, window_bounds = array<i64: 256, 16>}, {transform_indices = @transform_2, window_bounds = array<i64: 256, 1024>}, {transform_indices = @transform_3, window_bounds = array<i64: 256, 1024>}, {transform_indices = @transform_4, window_bounds = array<i64: 512, 1024>}]} {
    %get3A = arith.constant 0 : index
    %get3A_0 = arith.constant 0 : index
    %get3A_1 = vector.load %arg2[%get3A, %get3A_0] : memref<256x16xi32, #tpu.memory_space<vmem>>, vector<256x16xi32>
    %get3A_2 = arith.constant 0 : index
    %get3A_3 = arith.constant 0 : index
    %get3A_4 = vector.load %arg3[%get3A_2, %get3A_3] : memref<256x16xf32, #tpu.memory_space<vmem>>, vector<256x16xf32>
    %iota3A = tpu.iota {dimensions = array<i32: 1>} : vector<256x512xi32>
    %mul3A = arith.constant 512 : i32
    %mul3A_5 = arith.muli %arg0, %mul3A : i32
    %add3A = vector.broadcast %mul3A_5 : i32 to vector<256x512xi32>
    %add3A_6 = arith.addi %iota3A, %add3A : vector<256x512xi32>
    %broadcast_in_dim3A = arith.constant 0.000000e+00 : f32
    %broadcast_in_dim3A_7 = vector.broadcast %broadcast_in_dim3A : f32 to vector<256x512xf32>
    %slice3A = vector.extract_strided_slice %get3A_1 {offsets = [0, 0], sizes = [256, 1], strides = [1, 1]} : vector<256x16xi32> to vector<256x1xi32>
    %eq3A = vector.broadcast %slice3A : vector<256x1xi32> to vector<256x512xi32>
    %eq3A_8 = arith.cmpi eq, %eq3A, %add3A_6 : vector<256x512xi32>
    %slice3A_9 = vector.extract_strided_slice %get3A_4 {offsets = [0, 0], sizes = [256, 1], strides = [1, 1]} : vector<256x16xf32> to vector<256x1xf32>
    %jit3A = arith.constant 0.000000e+00 : f32
    %broadcast_in_dim3A_10 = vector.shape_cast %slice3A_9 : vector<256x1xf32> to vector<256x1xf32>
    %broadcast_in_dim3A_11 = vector.broadcast %broadcast_in_dim3A_10 : vector<256x1xf32> to vector<256x512xf32>
    %broadcast_in_dim3A_12 = vector.broadcast %jit3A : f32 to vector<256x512xf32>
    %select_n3A = arith.select %eq3A_8, %broadcast_in_dim3A_11, %broadcast_in_dim3A_12 : vector<256x512xi1>, vector<256x512xf32>
    %add3A_13 = arith.addf %broadcast_in_dim3A_7, %select_n3A : vector<256x512xf32>
    %slice3A_14 = vector.extract_strided_slice %get3A_1 {offsets = [0, 1], sizes = [256, 1], strides = [1, 1]} : vector<256x16xi32> to vector<256x1xi32>
    %eq3A_15 = vector.broadcast %slice3A_14 : vector<256x1xi32> to vector<256x512xi32>
    %eq3A_16 = arith.cmpi eq, %eq3A_15, %add3A_6 : vector<256x512xi32>
    %slice3A_17 = vector.extract_strided_slice %get3A_4 {offsets = [0, 1], sizes = [256, 1], strides = [1, 1]} : vector<256x16xf32> to vector<256x1xf32>
    %jit3A_18 = arith.constant 0.000000e+00 : f32
    %broadcast_in_dim3A_19 = vector.shape_cast %slice3A_17 : vector<256x1xf32> to vector<256x1xf32>
    %broadcast_in_dim3A_20 = vector.broadcast %broadcast_in_dim3A_19 : vector<256x1xf32> to vector<256x512xf32>
    %broadcast_in_dim3A_21 = vector.broadcast %jit3A_18 : f32 to vector<256x512xf32>
    %select_n3A_22 = arith.select %eq3A_16, %broadcast_in_dim3A_20, %broadcast_in_dim3A_21 : vector<256x512xi1>, vector<256x512xf32>
    %add3A_23 = arith.addf %add3A_13, %select_n3A_22 : vector<256x512xf32>
    %slice3A_24 = vector.extract_strided_slice %get3A_1 {offsets = [0, 2], sizes = [256, 1], strides = [1, 1]} : vector<256x16xi32> to vector<256x1xi32>
    %eq3A_25 = vector.broadcast %slice3A_24 : vector<256x1xi32> to vector<256x512xi32>
    %eq3A_26 = arith.cmpi eq, %eq3A_25, %add3A_6 : vector<256x512xi32>
    %slice3A_27 = vector.extract_strided_slice %get3A_4 {offsets = [0, 2], sizes = [256, 1], strides = [1, 1]} : vector<256x16xf32> to vector<256x1xf32>
    %jit3A_28 = arith.constant 0.000000e+00 : f32
    %broadcast_in_dim3A_29 = vector.shape_cast %slice3A_27 : vector<256x1xf32> to vector<256x1xf32>
    %broadcast_in_dim3A_30 = vector.broadcast %broadcast_in_dim3A_29 : vector<256x1xf32> to vector<256x512xf32>
    %broadcast_in_dim3A_31 = vector.broadcast %jit3A_28 : f32 to vector<256x512xf32>
    %select_n3A_32 = arith.select %eq3A_26, %broadcast_in_dim3A_30, %broadcast_in_dim3A_31 : vector<256x512xi1>, vector<256x512xf32>
    %add3A_33 = arith.addf %add3A_23, %select_n3A_32 : vector<256x512xf32>
    %slice3A_34 = vector.extract_strided_slice %get3A_1 {offsets = [0, 3], sizes = [256, 1], strides = [1, 1]} : vector<256x16xi32> to vector<256x1xi32>
    %eq3A_35 = vector.broadcast %slice3A_34 : vector<256x1xi32> to vector<256x512xi32>
    %eq3A_36 = arith.cmpi eq, %eq3A_35, %add3A_6 : vector<256x512xi32>
    %slice3A_37 = vector.extract_strided_slice %get3A_4 {offsets = [0, 3], sizes = [256, 1], strides = [1, 1]} : vector<256x16xf32> to vector<256x1xf32>
    %jit3A_38 = arith.constant 0.000000e+00 : f32
    %broadcast_in_dim3A_39 = vector.shape_cast %slice3A_37 : vector<256x1xf32> to vector<256x1xf32>
    %broadcast_in_dim3A_40 = vector.broadcast %broadcast_in_dim3A_39 : vector<256x1xf32> to vector<256x512xf32>
    %broadcast_in_dim3A_41 = vector.broadcast %jit3A_38 : f32 to vector<256x512xf32>
    %select_n3A_42 = arith.select %eq3A_36, %broadcast_in_dim3A_40, %broadcast_in_dim3A_41 : vector<256x512xi1>, vector<256x512xf32>
    %add3A_43 = arith.addf %add3A_33, %select_n3A_42 : vector<256x512xf32>
    %slice3A_44 = vector.extract_strided_slice %get3A_1 {offsets = [0, 4], sizes = [256, 1], strides = [1, 1]} : vector<256x16xi32> to vector<256x1xi32>
    %eq3A_45 = vector.broadcast %slice3A_44 : vector<256x1xi32> to vector<256x512xi32>
    %eq3A_46 = arith.cmpi eq, %eq3A_45, %add3A_6 : vector<256x512xi32>
    %slice3A_47 = vector.extract_strided_slice %get3A_4 {offsets = [0, 4], sizes = [256, 1], strides = [1, 1]} : vector<256x16xf32> to vector<256x1xf32>
    %jit3A_48 = arith.constant 0.000000e+00 : f32
    %broadcast_in_dim3A_49 = vector.shape_cast %slice3A_47 : vector<256x1xf32> to vector<256x1xf32>
    %broadcast_in_dim3A_50 = vector.broadcast %broadcast_in_dim3A_49 : vector<256x1xf32> to vector<256x512xf32>
    %broadcast_in_dim3A_51 = vector.broadcast %jit3A_48 : f32 to vector<256x512xf32>
    %select_n3A_52 = arith.select %eq3A_46, %broadcast_in_dim3A_50, %broadcast_in_dim3A_51 : vector<256x512xi1>, vector<256x512xf32>
    %add3A_53 = arith.addf %add3A_43, %select_n3A_52 : vector<256x512xf32>
    %slice3A_54 = vector.extract_strided_slice %get3A_1 {offsets = [0, 5], sizes = [256, 1], strides = [1, 1]} : vector<256x16xi32> to vector<256x1xi32>
    %eq3A_55 = vector.broadcast %slice3A_54 : vector<256x1xi32> to vector<256x512xi32>
    %eq3A_56 = arith.cmpi eq, %eq3A_55, %add3A_6 : vector<256x512xi32>
    %slice3A_57 = vector.extract_strided_slice %get3A_4 {offsets = [0, 5], sizes = [256, 1], strides = [1, 1]} : vector<256x16xf32> to vector<256x1xf32>
    %jit3A_58 = arith.constant 0.000000e+00 : f32
    %broadcast_in_dim3A_59 = vector.shape_cast %slice3A_57 : vector<256x1xf32> to vector<256x1xf32>
    %broadcast_in_dim3A_60 = vector.broadcast %broadcast_in_dim3A_59 : vector<256x1xf32> to vector<256x512xf32>
    %broadcast_in_dim3A_61 = vector.broadcast %jit3A_58 : f32 to vector<256x512xf32>
    %select_n3A_62 = arith.select %eq3A_56, %broadcast_in_dim3A_60, %broadcast_in_dim3A_61 : vector<256x512xi1>, vector<256x512xf32>
    %add3A_63 = arith.addf %add3A_53, %select_n3A_62 : vector<256x512xf32>
    %slice3A_64 = vector.extract_strided_slice %get3A_1 {offsets = [0, 6], sizes = [256, 1], strides = [1, 1]} : vector<256x16xi32> to vector<256x1xi32>
    %eq3A_65 = vector.broadcast %slice3A_64 : vector<256x1xi32> to vector<256x512xi32>
    %eq3A_66 = arith.cmpi eq, %eq3A_65, %add3A_6 : vector<256x512xi32>
    %slice3A_67 = vector.extract_strided_slice %get3A_4 {offsets = [0, 6], sizes = [256, 1], strides = [1, 1]} : vector<256x16xf32> to vector<256x1xf32>
    %jit3A_68 = arith.constant 0.000000e+00 : f32
    %broadcast_in_dim3A_69 = vector.shape_cast %slice3A_67 : vector<256x1xf32> to vector<256x1xf32>
    %broadcast_in_dim3A_70 = vector.broadcast %broadcast_in_dim3A_69 : vector<256x1xf32> to vector<256x512xf32>
    %broadcast_in_dim3A_71 = vector.broadcast %jit3A_68 : f32 to vector<256x512xf32>
    %select_n3A_72 = arith.select %eq3A_66, %broadcast_in_dim3A_70, %broadcast_in_dim3A_71 : vector<256x512xi1>, vector<256x512xf32>
    %add3A_73 = arith.addf %add3A_63, %select_n3A_72 : vector<256x512xf32>
    %slice3A_74 = vector.extract_strided_slice %get3A_1 {offsets = [0, 7], sizes = [256, 1], strides = [1, 1]} : vector<256x16xi32> to vector<256x1xi32>
    %eq3A_75 = vector.broadcast %slice3A_74 : vector<256x1xi32> to vector<256x512xi32>
    %eq3A_76 = arith.cmpi eq, %eq3A_75, %add3A_6 : vector<256x512xi32>
    %slice3A_77 = vector.extract_strided_slice %get3A_4 {offsets = [0, 7], sizes = [256, 1], strides = [1, 1]} : vector<256x16xf32> to vector<256x1xf32>
    %jit3A_78 = arith.constant 0.000000e+00 : f32
    %broadcast_in_dim3A_79 = vector.shape_cast %slice3A_77 : vector<256x1xf32> to vector<256x1xf32>
    %broadcast_in_dim3A_80 = vector.broadcast %broadcast_in_dim3A_79 : vector<256x1xf32> to vector<256x512xf32>
    %broadcast_in_dim3A_81 = vector.broadcast %jit3A_78 : f32 to vector<256x512xf32>
    %select_n3A_82 = arith.select %eq3A_76, %broadcast_in_dim3A_80, %broadcast_in_dim3A_81 : vector<256x512xi1>, vector<256x512xf32>
    %add3A_83 = arith.addf %add3A_73, %select_n3A_82 : vector<256x512xf32>
    %slice3A_84 = vector.extract_strided_slice %get3A_1 {offsets = [0, 8], sizes = [256, 1], strides = [1, 1]} : vector<256x16xi32> to vector<256x1xi32>
    %eq3A_85 = vector.broadcast %slice3A_84 : vector<256x1xi32> to vector<256x512xi32>
    %eq3A_86 = arith.cmpi eq, %eq3A_85, %add3A_6 : vector<256x512xi32>
    %slice3A_87 = vector.extract_strided_slice %get3A_4 {offsets = [0, 8], sizes = [256, 1], strides = [1, 1]} : vector<256x16xf32> to vector<256x1xf32>
    %jit3A_88 = arith.constant 0.000000e+00 : f32
    %broadcast_in_dim3A_89 = vector.shape_cast %slice3A_87 : vector<256x1xf32> to vector<256x1xf32>
    %broadcast_in_dim3A_90 = vector.broadcast %broadcast_in_dim3A_89 : vector<256x1xf32> to vector<256x512xf32>
    %broadcast_in_dim3A_91 = vector.broadcast %jit3A_88 : f32 to vector<256x512xf32>
    %select_n3A_92 = arith.select %eq3A_86, %broadcast_in_dim3A_90, %broadcast_in_dim3A_91 : vector<256x512xi1>, vector<256x512xf32>
    %add3A_93 = arith.addf %add3A_83, %select_n3A_92 : vector<256x512xf32>
    %slice3A_94 = vector.extract_strided_slice %get3A_1 {offsets = [0, 9], sizes = [256, 1], strides = [1, 1]} : vector<256x16xi32> to vector<256x1xi32>
    %eq3A_95 = vector.broadcast %slice3A_94 : vector<256x1xi32> to vector<256x512xi32>
    %eq3A_96 = arith.cmpi eq, %eq3A_95, %add3A_6 : vector<256x512xi32>
    %slice3A_97 = vector.extract_strided_slice %get3A_4 {offsets = [0, 9], sizes = [256, 1], strides = [1, 1]} : vector<256x16xf32> to vector<256x1xf32>
    %jit3A_98 = arith.constant 0.000000e+00 : f32
    %broadcast_in_dim3A_99 = vector.shape_cast %slice3A_97 : vector<256x1xf32> to vector<256x1xf32>
    %broadcast_in_dim3A_100 = vector.broadcast %broadcast_in_dim3A_99 : vector<256x1xf32> to vector<256x512xf32>
    %broadcast_in_dim3A_101 = vector.broadcast %jit3A_98 : f32 to vector<256x512xf32>
    %select_n3A_102 = arith.select %eq3A_96, %broadcast_in_dim3A_100, %broadcast_in_dim3A_101 : vector<256x512xi1>, vector<256x512xf32>
    %add3A_103 = arith.addf %add3A_93, %select_n3A_102 : vector<256x512xf32>
    %slice3A_104 = vector.extract_strided_slice %get3A_1 {offsets = [0, 10], sizes = [256, 1], strides = [1, 1]} : vector<256x16xi32> to vector<256x1xi32>
    %eq3A_105 = vector.broadcast %slice3A_104 : vector<256x1xi32> to vector<256x512xi32>
    %eq3A_106 = arith.cmpi eq, %eq3A_105, %add3A_6 : vector<256x512xi32>
    %slice3A_107 = vector.extract_strided_slice %get3A_4 {offsets = [0, 10], sizes = [256, 1], strides = [1, 1]} : vector<256x16xf32> to vector<256x1xf32>
    %jit3A_108 = arith.constant 0.000000e+00 : f32
    %broadcast_in_dim3A_109 = vector.shape_cast %slice3A_107 : vector<256x1xf32> to vector<256x1xf32>
    %broadcast_in_dim3A_110 = vector.broadcast %broadcast_in_dim3A_109 : vector<256x1xf32> to vector<256x512xf32>
    %broadcast_in_dim3A_111 = vector.broadcast %jit3A_108 : f32 to vector<256x512xf32>
    %select_n3A_112 = arith.select %eq3A_106, %broadcast_in_dim3A_110, %broadcast_in_dim3A_111 : vector<256x512xi1>, vector<256x512xf32>
    %add3A_113 = arith.addf %add3A_103, %select_n3A_112 : vector<256x512xf32>
    %slice3A_114 = vector.extract_strided_slice %get3A_1 {offsets = [0, 11], sizes = [256, 1], strides = [1, 1]} : vector<256x16xi32> to vector<256x1xi32>
    %eq3A_115 = vector.broadcast %slice3A_114 : vector<256x1xi32> to vector<256x512xi32>
    %eq3A_116 = arith.cmpi eq, %eq3A_115, %add3A_6 : vector<256x512xi32>
    %slice3A_117 = vector.extract_strided_slice %get3A_4 {offsets = [0, 11], sizes = [256, 1], strides = [1, 1]} : vector<256x16xf32> to vector<256x1xf32>
    %jit3A_118 = arith.constant 0.000000e+00 : f32
    %broadcast_in_dim3A_119 = vector.shape_cast %slice3A_117 : vector<256x1xf32> to vector<256x1xf32>
    %broadcast_in_dim3A_120 = vector.broadcast %broadcast_in_dim3A_119 : vector<256x1xf32> to vector<256x512xf32>
    %broadcast_in_dim3A_121 = vector.broadcast %jit3A_118 : f32 to vector<256x512xf32>
    %select_n3A_122 = arith.select %eq3A_116, %broadcast_in_dim3A_120, %broadcast_in_dim3A_121 : vector<256x512xi1>, vector<256x512xf32>
    %add3A_123 = arith.addf %add3A_113, %select_n3A_122 : vector<256x512xf32>
    %slice3A_124 = vector.extract_strided_slice %get3A_1 {offsets = [0, 12], sizes = [256, 1], strides = [1, 1]} : vector<256x16xi32> to vector<256x1xi32>
    %eq3A_125 = vector.broadcast %slice3A_124 : vector<256x1xi32> to vector<256x512xi32>
    %eq3A_126 = arith.cmpi eq, %eq3A_125, %add3A_6 : vector<256x512xi32>
    %slice3A_127 = vector.extract_strided_slice %get3A_4 {offsets = [0, 12], sizes = [256, 1], strides = [1, 1]} : vector<256x16xf32> to vector<256x1xf32>
    %jit3A_128 = arith.constant 0.000000e+00 : f32
    %broadcast_in_dim3A_129 = vector.shape_cast %slice3A_127 : vector<256x1xf32> to vector<256x1xf32>
    %broadcast_in_dim3A_130 = vector.broadcast %broadcast_in_dim3A_129 : vector<256x1xf32> to vector<256x512xf32>
    %broadcast_in_dim3A_131 = vector.broadcast %jit3A_128 : f32 to vector<256x512xf32>
    %select_n3A_132 = arith.select %eq3A_126, %broadcast_in_dim3A_130, %broadcast_in_dim3A_131 : vector<256x512xi1>, vector<256x512xf32>
    %add3A_133 = arith.addf %add3A_123, %select_n3A_132 : vector<256x512xf32>
    %slice3A_134 = vector.extract_strided_slice %get3A_1 {offsets = [0, 13], sizes = [256, 1], strides = [1, 1]} : vector<256x16xi32> to vector<256x1xi32>
    %eq3A_135 = vector.broadcast %slice3A_134 : vector<256x1xi32> to vector<256x512xi32>
    %eq3A_136 = arith.cmpi eq, %eq3A_135, %add3A_6 : vector<256x512xi32>
    %slice3A_137 = vector.extract_strided_slice %get3A_4 {offsets = [0, 13], sizes = [256, 1], strides = [1, 1]} : vector<256x16xf32> to vector<256x1xf32>
    %jit3A_138 = arith.constant 0.000000e+00 : f32
    %broadcast_in_dim3A_139 = vector.shape_cast %slice3A_137 : vector<256x1xf32> to vector<256x1xf32>
    %broadcast_in_dim3A_140 = vector.broadcast %broadcast_in_dim3A_139 : vector<256x1xf32> to vector<256x512xf32>
    %broadcast_in_dim3A_141 = vector.broadcast %jit3A_138 : f32 to vector<256x512xf32>
    %select_n3A_142 = arith.select %eq3A_136, %broadcast_in_dim3A_140, %broadcast_in_dim3A_141 : vector<256x512xi1>, vector<256x512xf32>
    %add3A_143 = arith.addf %add3A_133, %select_n3A_142 : vector<256x512xf32>
    %slice3A_144 = vector.extract_strided_slice %get3A_1 {offsets = [0, 14], sizes = [256, 1], strides = [1, 1]} : vector<256x16xi32> to vector<256x1xi32>
    %eq3A_145 = vector.broadcast %slice3A_144 : vector<256x1xi32> to vector<256x512xi32>
    %eq3A_146 = arith.cmpi eq, %eq3A_145, %add3A_6 : vector<256x512xi32>
    %slice3A_147 = vector.extract_strided_slice %get3A_4 {offsets = [0, 14], sizes = [256, 1], strides = [1, 1]} : vector<256x16xf32> to vector<256x1xf32>
    %jit3A_148 = arith.constant 0.000000e+00 : f32
    %broadcast_in_dim3A_149 = vector.shape_cast %slice3A_147 : vector<256x1xf32> to vector<256x1xf32>
    %broadcast_in_dim3A_150 = vector.broadcast %broadcast_in_dim3A_149 : vector<256x1xf32> to vector<256x512xf32>
    %broadcast_in_dim3A_151 = vector.broadcast %jit3A_148 : f32 to vector<256x512xf32>
    %select_n3A_152 = arith.select %eq3A_146, %broadcast_in_dim3A_150, %broadcast_in_dim3A_151 : vector<256x512xi1>, vector<256x512xf32>
    %add3A_153 = arith.addf %add3A_143, %select_n3A_152 : vector<256x512xf32>
    %slice3A_154 = vector.extract_strided_slice %get3A_1 {offsets = [0, 15], sizes = [256, 1], strides = [1, 1]} : vector<256x16xi32> to vector<256x1xi32>
    %eq3A_155 = vector.broadcast %slice3A_154 : vector<256x1xi32> to vector<256x512xi32>
    %eq3A_156 = arith.cmpi eq, %eq3A_155, %add3A_6 : vector<256x512xi32>
    %slice3A_157 = vector.extract_strided_slice %get3A_4 {offsets = [0, 15], sizes = [256, 1], strides = [1, 1]} : vector<256x16xf32> to vector<256x1xf32>
    %jit3A_158 = arith.constant 0.000000e+00 : f32
    %broadcast_in_dim3A_159 = vector.shape_cast %slice3A_157 : vector<256x1xf32> to vector<256x1xf32>
    %broadcast_in_dim3A_160 = vector.broadcast %broadcast_in_dim3A_159 : vector<256x1xf32> to vector<256x512xf32>
    %broadcast_in_dim3A_161 = vector.broadcast %jit3A_158 : f32 to vector<256x512xf32>
    %select_n3A_162 = arith.select %eq3A_156, %broadcast_in_dim3A_160, %broadcast_in_dim3A_161 : vector<256x512xi1>, vector<256x512xf32>
    %add3A_163 = arith.addf %add3A_153, %select_n3A_162 : vector<256x512xf32>
    %convert_element_type3A = arith.truncf %add3A_163 : vector<256x512xf32> to vector<256x512xbf16>
    %get3A_164 = arith.constant 0 : index
    %get3A_165 = arith.constant 0 : index
    %get3A_166 = vector.load %arg4[%get3A_164, %get3A_165] : memref<256x1024xf32, #tpu.memory_space<vmem>>, vector<256x1024xf32>
    %get3A_167 = arith.constant 0 : index
    %get3A_168 = arith.constant 0 : index
    %get3A_169 = vector.load %arg5[%get3A_167, %get3A_168] : memref<256x1024xf32, #tpu.memory_space<vmem>>, vector<256x1024xf32>
    %sub3A = arith.subf %get3A_166, %get3A_169 : vector<256x1024xf32>
    %mul3A_170 = arith.constant 1.000000e-01 : f32
    %mul3A_171 = vector.broadcast %mul3A_170 : f32 to vector<256x1024xf32>
    %mul3A_172 = arith.mulf %sub3A, %mul3A_171 : vector<256x1024xf32>
    %convert_element_type3A_173 = arith.truncf %mul3A_172 : vector<256x1024xf32> to vector<256x1024xbf16>
    %dot_general3A = arith.constant dense<0.000000e+00> : vector<512x1024xf32>
    %dot_general3A_174 = tpu.matmul %convert_element_type3A, %convert_element_type3A_173, %dot_general3A {dimension_numbers = #tpu.dot_dimension_numbers<[0], [0], [1], [1], [0, 1, 1, 1], [], []>, transpose_lhs_hint = false} : vector<256x512xbf16>, vector<256x1024xbf16>, vector<512x1024xf32> -> vector<512x1024xf32>
    %eq3A_175 = arith.constant 0 : i32
    %eq3A_176 = arith.cmpi eq, %arg1, %eq3A_175 : i32
    %convert_element_type3A_177 = arith.extui %eq3A_176 : i1 to i32
    %cond3A = arith.constant 0 : i32
    %cond3A_178 = arith.cmpi ne, %convert_element_type3A_177, %cond3A : i32
    scf.if %cond3A_178 {
      %swap3A = arith.constant 0 : index
      %swap3A_183 = arith.constant 0 : index
      %swap3A_184 = vector.load %arg6[%swap3A, %swap3A_183] : memref<512x1024xf32, #tpu.memory_space<vmem>>, vector<512x1024xf32>
      tpu.vector_store %arg6[%swap3A, %swap3A_183], %dot_general3A_174 {strides = array<i32>} : memref<512x1024xf32, #tpu.memory_space<vmem>>, vector<512x1024xf32>,
    } else {
    }
    %ne3A = arith.constant 0 : i32
    %ne3A_179 = arith.cmpi ne, %arg1, %ne3A : i32
    %convert_element_type3A_180 = arith.extui %ne3A_179 : i1 to i32
    %cond3A_181 = arith.constant 0 : i32
    %cond3A_182 = arith.cmpi ne, %convert_element_type3A_180, %cond3A_181 : i32
    scf.if %cond3A_182 {
      %get3A_183 = arith.constant 0 : index
      %get3A_184 = arith.constant 0 : index
      %get3A_185 = vector.load %arg6[%get3A_183, %get3A_184] : memref<512x1024xf32, #tpu.memory_space<vmem>>, vector<512x1024xf32>
      %add3A_186 = arith.addf %get3A_185, %dot_general3A_174 : vector<512x1024xf32>
      %swap3A = arith.constant 0 : index
      %swap3A_187 = arith.constant 0 : index
      %swap3A_188 = vector.load %arg6[%swap3A, %swap3A_187] : memref<512x1024xf32, #tpu.memory_space<vmem>>, vector<512x1024xf32>
      tpu.vector_store %arg6[%swap3A, %swap3A_187], %add3A_186 {strides = array<i32>} : memref<512x1024xf32, #tpu.memory_space<vmem>>, vector<512x1024xf32>,
    } else {
    }
    return
  }
  func.func @transform_0(%arg0: i32, %arg1: i32) -> (i32, i32) {
    %c0_i32 = arith.constant 0 : i32
    %c0_i32_0 = arith.constant 0 : i32
    return %arg1, %c0_i32 : i32, i32
  }
  func.func @transform_1(%arg0: i32, %arg1: i32) -> (i32, i32) {
    %c0_i32 = arith.constant 0 : i32
    %c0_i32_0 = arith.constant 0 : i32
    return %arg1, %c0_i32 : i32, i32
  }
  func.func @transform_2(%arg0: i32, %arg1: i32) -> (i32, i32) {
    %c0_i32 = arith.constant 0 : i32
    %c0_i32_0 = arith.constant 0 : i32
    return %arg1, %c0_i32 : i32, i32
  }
  func.func @transform_3(%arg0: i32, %arg1: i32) -> (i32, i32) {
    %c0_i32 = arith.constant 0 : i32
    %c0_i32_0 = arith.constant 0 : i32
    return %arg1, %c0_i32 : i32, i32
  }
  func.func @transform_4(%arg0: i32, %arg1: i32) -> (i32, i32) {
    %c0_i32 = arith.constant 0 : i32
    %c0_i32_0 = arith.constant 0 : i32
    return %arg0, %c0_i32 : i32, i32
  }
}

module attributes {stable_mosaic.version = 14 : i64} {
  func.func @_fin_body(%arg0: i32, %arg1: memref<256x1024xf32, #tpu.memory_space<vmem>>, %arg2: memref<256x1024xf32, #tpu.memory_space<vmem>>, %arg3: memref<256x1024xf32, #tpu.memory_space<vmem>>, %arg4: memref<256x1024xf32, #tpu.memory_space<vmem>>) attributes {dimension_semantics = [#tpu.dimension_semantics<arbitrary>], iteration_bounds = array<i64: 8>, scalar_prefetch = 0 : i64, scratch_operands = 0 : i64, tpu.core_type = #tpu.core_type<tc>, window_params = [{transform_indices = @transform_0, window_bounds = array<i64: 256, 1024>}, {transform_indices = @transform_1, window_bounds = array<i64: 256, 1024>}, {transform_indices = @transform_2, window_bounds = array<i64: 256, 1024>}, {transform_indices = @transform_3, window_bounds = array<i64: 256, 1024>}]} {
    %get3A = arith.constant 0 : index
    %get3A_0 = arith.constant 0 : index
    %get3A_1 = vector.load %arg1[%get3A, %get3A_0] : memref<256x1024xf32, #tpu.memory_space<vmem>>, vector<256x1024xf32>
    %get3A_2 = arith.constant 0 : index
    %get3A_3 = arith.constant 0 : index
    %get3A_4 = vector.load %arg2[%get3A_2, %get3A_3] : memref<256x1024xf32, #tpu.memory_space<vmem>>, vector<256x1024xf32>
    %mul3A = arith.constant 9.900000e-01 : f32
    %mul3A_5 = vector.broadcast %mul3A : f32 to vector<256x1024xf32>
    %mul3A_6 = arith.mulf %mul3A_5, %get3A_4 : vector<256x1024xf32>
    %add3A = arith.addf %get3A_1, %mul3A_6 : vector<256x1024xf32>
    %get3A_7 = arith.constant 0 : index
    %get3A_8 = arith.constant 0 : index
    %get3A_9 = vector.load %arg3[%get3A_7, %get3A_8] : memref<256x1024xf32, #tpu.memory_space<vmem>>, vector<256x1024xf32>
    %add3A_10 = arith.addf %add3A, %get3A_9 : vector<256x1024xf32>
    %swap3A = arith.constant 0 : index
    %swap3A_11 = arith.constant 0 : index
    %swap3A_12 = vector.load %arg4[%swap3A, %swap3A_11] : memref<256x1024xf32, #tpu.memory_space<vmem>>, vector<256x1024xf32>
    tpu.vector_store %arg4[%swap3A, %swap3A_11], %add3A_10 {strides = array<i32>} : memref<256x1024xf32, #tpu.memory_space<vmem>>, vector<256x1024xf32>,
    return
  }
  func.func @transform_0(%arg0: i32) -> (i32, i32) {
    %c0_i32 = arith.constant 0 : i32
    %c0_i32_0 = arith.constant 0 : i32
    return %arg0, %c0_i32 : i32, i32
  }
  func.func @transform_1(%arg0: i32) -> (i32, i32) {
    %c0_i32 = arith.constant 0 : i32
    %c0_i32_0 = arith.constant 0 : i32
    return %arg0, %c0_i32 : i32, i32
  }
  func.func @transform_2(%arg0: i32) -> (i32, i32) {
    %c0_i32 = arith.constant 0 : i32
    %c0_i32_0 = arith.constant 0 : i32
    return %arg0, %c0_i32 : i32, i32
  }
  func.func @transform_3(%arg0: i32) -> (i32, i32) {
    %c0_i32 = arith.constant 0 : i32
    %c0_i32_0 = arith.constant 0 : i32
    return %arg0, %c0_i32 : i32, i32
  }
}

</mosaic_0001>

<sc_bundles>
// kernel: kernel.12.cloned.1.call-start
scs
__scs_entry_jumppad:
0x0: {  	(pc) =	sbr.rel $0x88, $3  }
0x1: {  	(tag) =	ssettag $0x0;
	lr =	simm.s32 $0x1  }
0x2: {  	[smem:$0x3F99] =	sst lr;
	_ =	strace $0xD0000000  }
0x3: {  	_ = 	snop  }
0x4: {  	_ = 	snop  }
0x5: {  	_ = 	snop  }
0x6: {  	_ = 	snop  }
0x7: {  	_ = 	snop  }
__scs_overlays_trampoline_lowered:
0x8: {  	[smem:$0x3FA8] =	sst s0  }
0x9: {  	[smem:$0x3FA9] =	sst s1  }
0xa: {  	[smem:$0x3FAA] =	sst s2  }
0xb: {  	[smem:$0x3FAB] =	sst s3  }
0xc: {  	[smem:$0x3FAC] =	sst s4  }
0xd: {  	[smem:$0x3FAD] =	sst s5  }
0xe: {  	[smem:$0x3FAE] =	sst s6  }
0xf: {  	[smem:$0x3FAF] =	sst s7  }
0x10: {  	[smem:$0x3FB0] =	sst s8  }
0x11: {  	[smem:$0x3FB1] =	sst s9;
	s0 =	simm.s32 @!p0 $0x0  }
0x12: {  	s1 =	sld [smem:$0x3F97];
	s0 =	simm.s32 @p0 $0x1  }
0x13: {  	[smem:$0x3FB2] =	sst s0;
	s0 =	simm.s32 @!p1 $0x0  }
0x14: {  	s2 =	sld [smem:$0x3F96];
	s0 =	simm.s32 @p1 $0x1  }
0x15: {  	[smem:$0x3FB3] =	sst s0;
	s0 =	simm.s32 @!p2 $0x0  }
0x16: {  	s3 =	sld [smem:$0x3FDB];
	s0 =	simm.s32 @p2 $0x1  }
0x17: {  	s4 =	simm.s32 $0x1BF5;
	[smem:$0x3FB5] =	sst s0  }
0x18: {  	s0 =	sld [smem:$0x3F98];
	_ =	swait.ge [sflag:s4], $0x0  }
0x19: {  	s7 =	sld [smem:$0x3F99]  }
0x1a: {  	s8 =	sadd.s32 $0xFFFFE003, lr  }
0x1b: {  	s9 =	sadd.s32 $0xFFFFFEF7, lr;
	s5 =	simm.s32 $0xFFFFFFFF;
	p2 =	slt.u32 s8, $0xFFFFF086  }
0x1c: {  	p1 =	slt.u32 s9, $0xF7A;
	s5 =	simm.s32 @!p2 $0x0  }
0x1d: {  	s5 =	simm.s32 @p1 $0x1;
	p0 =	seq.s32 s7, s2  }
0x1e: {  	s7 =	smul.u32 @!p0 $0xF7A, s2;
	p2 =	seq.s32 @!p0 s5, $0x0  }
0x1f: {  	s9 =	smul.u32 $0xF7A, s1;
	s8 =	simm.s32 @!p0 $0x1BF5;
	p2 =	por !p2, p0  }
0x20: {  	[sflag:s8] =	ssyncset.s32 @!p0 $0xFFFFF086;
	s6 =	sadd.s32 @!p0 s3, s7;
	s7 =	simm.s32 @!p0 $0x108  }
0x21: {  	s3 =	sadd.s32 s3, s9;
	s6 =	sadd.s32 @!p0 $0x88, s6;
	s7 =	simm.s32 @p2 $0x1082  }
0x22: {  	[simem:s7], [sflag:s8] =	dma.local @!p0 [hbm:s6], $0xF7A  }
0x23: {  	s9 =	sor.u32 $0xD0000000, s2;
	s6 =	simm.s32 $0x108;
	_ =	swait.ge @!p0 [sflag:s8], $0x0  }
0x24: {  	s3 =	sadd.s32 $0x88, s3;
	s6 =	simm.s32 @!p1 $0x1082;
	[sflag:s4] =	ssyncset.s32 $0xFFFFF086  }
0x25: {  	[simem:s6], [sflag:s4] =	dma.local [hbm:s3], $0xF7A  }
0x26: {  	[smem:$0x3F99] =	sst s1;
	(tag) =	ssettag s2;
	_ =	strace s9  }
0x27: {  	s1 =	sld [smem:$0x3FA9]  }
0x28: {  	s2 =	sld [smem:$0x3FAA]  }
0x29: {  	s4 =	sld [smem:$0x3FAC]  }
0x2a: {  	p0 =	seq.s32 s5, $0x0;
	s5 =	sld [smem:$0x3FAD]  }
0x2b: {  	s6 =	sld [smem:$0x3FAE]  }
0x2c: {  	s7 =	sld [smem:$0x3FAF]  }
0x2d: {  	s3 =	simm.s32 $0x108;
	s8 =	sld [smem:$0x3FB0]  }
0x2e: {  	s3 =	simm.s32 @!p0 $0x1082;
	s9 =	sld [smem:$0x3FB1]  }
0x2f: {  	lr =	sadd.s32 s0, s3;
	s0 =	sld [smem:$0x3FA8]  }
0x30: {  	s3 =	sld [smem:$0x3FAB]  }
0x31: {  	[smem:$0x3FB4] =	sst s10  }
0x32: {  	s10 =	sld [smem:$0x3FB2];
	_ =	sdelay $0x3  }
0x33: {  	p0 =	seq.s32 s10, $0x1;
	s10 =	sld [smem:$0x3FB4];
	_ =	sdelay $0x3  }
0x34: {  	[smem:$0x3FB4] =	sst s10  }
0x35: {  	s10 =	sld [smem:$0x3FB3];
	_ =	sdelay $0x3  }
0x36: {  	p1 =	seq.s32 s10, $0x1;
	s10 =	sld [smem:$0x3FB4];
	_ =	sdelay $0x3  }
0x37: {  	[smem:$0x3FB4] =	sst s10  }
0x38: {  	s10 =	sld [smem:$0x3FB5]  }
0x39: {  	_ = 	snop;
	(pc) =	sbr.ind lr, $3  }
0x3a: {  	_ = 	snop  }
0x3b: {  	_ = 	snop  }
0x3c: {  	p2 =	seq.s32 s10, $0x1;
	s10 =	sld [smem:$0x3FB4]  }
0x3d: {  	_ =	shalt  }
0x3e: {  	_ =	shalt  }
0x3f: {  	_ =	shalt  }
0x40: {  	_ =	shalt  }
0x41: {  	_ =	shalt  }
0x42: {  	_ =	shalt  }
0x43: {  	_ =	shalt  }
0x44: {  	_ =	shalt  }
0x45: {  	_ =	shalt  }
0x46: {  	_ =	shalt  }
0x47: {  	_ =	shalt  }
0x48: {  	_ =	shalt  }
0x49: {  	_ =	shalt  }
0x4a: {  	_ =	shalt  }
0x4b: {  	_ =	shalt  }
0x4c: {  	_ =	shalt  }
0x4d: {  	_ =	shalt  }
0x4e: {  	_ =	shalt  }
0x4f: {  	_ =	shalt  }
0x50: {  	_ =	shalt  }
0x51: {  	_ =	shalt  }
0x52: {  	_ =	shalt  }
0x53: {  	_ =	shalt  }
0x54: {  	_ =	shalt  }
0x55: {  	_ =	shalt  }
0x56: {  	_ =	shalt  }
0x57: {  	_ =	shalt  }
0x58: {  	_ =	shalt  }
0x59: {  	_ =	shalt  }
0x5a: {  	_ =	shalt  }
0x5b: {  	_ =	shalt  }
0x5c: {  	_ =	shalt  }
0x5d: {  	_ =	shalt  }
0x5e: {  	_ =	shalt  }
0x5f: {  	_ =	shalt  }
0x60: {  	_ =	shalt  }
0x61: {  	_ =	shalt  }
0x62: {  	_ =	shalt  }
0x63: {  	_ =	shalt  }
0x64: {  	_ =	shalt  }
0x65: {  	_ =	shalt  }
0x66: {  	_ =	shalt  }
0x67: {  	_ =	shalt  }
0x68: {  	_ =	shalt  }
0x69: {  	_ =	shalt  }
0x6a: {  	_ =	shalt  }
0x6b: {  	_ =	shalt  }
0x6c: {  	_ =	shalt  }
0x6d: {  	_ =	shalt  }
0x6e: {  	_ =	shalt  }
0x6f: {  	_ =	shalt  }
0x70: {  	_ =	shalt  }
0x71: {  	_ =	shalt  }
0x72: {  	_ =	shalt  }
0x73: {  	_ =	shalt  }
0x74: {  	_ =	shalt  }
0x75: {  	_ =	shalt  }
0x76: {  	_ =	shalt  }
0x77: {  	_ =	shalt  }
0x78: {  	_ =	shalt  }
0x79: {  	_ =	shalt  }
0x7a: {  	_ =	shalt  }
0x7b: {  	_ =	shalt  }
0x7c: {  	_ =	shalt  }
0x7d: {  	_ =	shalt  }
0x7e: {  	_ =	shalt  }
0x7f: {  	_ =	shalt  }
0x80: {  	_ =	shalt  }
0x81: {  	_ =	shalt  }
0x82: {  	_ =	shalt  }
0x83: {  	_ =	shalt  }
0x84: {  	_ =	shalt  }
0x85: {  	_ =	shalt  }
0x86: {  	_ =	shalt  }
0x87: {  	_ =	shalt  }
.Lfunc_end0:
.L_simem_size_0:
called_computation.1_lowered:
.L_overlay_start_0:
0x88: {  	s2 =	sld [smem:$0x3FD9]  }
0x89: {  	s3 =	sld [smem:$0x3FFE];
	_ =	sdelay $0x1  }
0x8a: {  	s1 =	srdreg.scid  }
0x8b: {  	s0 =	sand.u32 $0x1, s1  }
0x8c: {  	s17 =	sshll.u32 s0, $0xA;
	s2 =	sadd.s32 s3, s2  }
0x8d: {  	s2 =	sadd.s32 s2, s17  }
0x8e: {  	[smem:$0x3FC0] =	sst s2  }
0x8f: {  	_ = 	snop  }
0x90: {  	s2 =	sld [smem:$0x3FD0];
	(tm) =	ssettm $0x1  }
0x91: {  	s18 =	sld [smem:$0x3FFB];
	_ =	sdelay $0x3  }
0x92: {  	_ =	strace s18  }
0x93: {  	s3 =	sld [smem:$0x3FFC];
	_ =	sdelay $0x3  }
0x94: {  	_ =	strace s3  }
0x95: {  	s3 =	sld [smem:$0x3FFD];
	_ =	sdelay $0x3  }
0x96: {  	_ =	strace s3  }
0x97: {  	_ =	strace $0x8FFFFFFF  }
0x98: {  	s19 =	sld [smem:$0x3FDB];
	_ =	sdelay $0x1  }
0x99: {  	s4 =	simm.s32 $_scs_section_size  }
0x9a: {  	s5 =	simm.s32 $_size__tile_overlayer_lowered;
	s6 =	simm.s32 $_tile_overlayer_lowered  }
0x9b: {  	s22 =	simm.s32 $0x1BFF;
	s21 =	sshll.u32 s6, $0x1;
	s3 =	sadd.s32 s4, s19  }
0x9c: {  	s7 =	simm.s32 $0x0;
	s20 =	sshll.u32 s5, $0x1;
	s5 =	sadd.s32 s21, s3  }
0x9d: {  	[timem:s7], [sflag:s22] =	dma.local [hbm:s5], s20  }
0x9e: {  	_ =	swait.ge [sflag:s22], s20  }
0x9f: {  	s4 =	ssub.s32 $0x0, s20;
	[sflag:s22] =	ssyncset.done $0x0  }
0xa0: {  	[sflag:s22] =	ssyncadd.s32 s4;
	_ =	sdelay $0x1  }
0xa1: {  	s23 =	simm.s32 $0x1B8B  }
0xa2: {  	_ =	swait.ge [sflag:s23], $0x1  }
0xa3: {  	[sflag:s23] =	ssyncset.done $0x0  }
0xa4: {  	s25 =	simm.s32 $0x1B8E;
	s24 =	sld [smem:$0x3FFE];
	[sflag:s23] =	ssyncadd.s32 $0xFFFFFFFF  }
0xa5: {  	s26 =	simm.s32 $execute0_lowered;
	[smem:$0x3FD2] =	sst s25  }
0xa6: {  	s5 =	sshll.u32 s26, $0x1;
	_ =	strace $0x80000049;
	[dreg:$0x1] =	wrdreg $0xFFFFFFFF  }
0xa7: {  	s28 =	simm.s32 $_size_execute0_lowered;
	s3 =	sadd.s32 s3, s5;
	[dreg:$0x0] =	wrdreg $0x0  }
0xa8: {  	s5 =	sshll.u32 s28, $0x1;
	[dreg:$0x2] =	wrdreg s3  }
0xa9: {  	[dreg:$0x3] =	wrdreg s5  }
0xaa: {  	[dreg:$0x4] =	wrdreg $0xC0  }
0xab: {  	_ =	task [dreg:s7], $0x5FFFF  }
0xac: {  	[dreg:$0x1] =	wrdreg $0xFFFFFFFF  }
0xad: {  	[dreg:$0x0] =	wrdreg $0x60  }
0xae: {  	[dreg:$0x2] =	wrdreg s24  }
0xaf: {  	[dreg:$0x3] =	wrdreg s2  }
0xb0: {  	[dreg:$0x4] =	wrdreg $0x9  }
0xb1: {  	_ =	task.clear_ibuf [dreg:s7], $0x5FFFF;
	_ =	strace $0x90000049  }
0xb2: {  	s29 =	simm.s32 $0x9;
	_ =	strace $0x8000004B  }
0xb3: {  	_ =	swait.ge [sflag:s29], $0x1  }
0xb4: {  	[sflag:s29] =	ssyncadd.s32 $0xFFFFFFFF  }
0xb5: {  	_ =	strace $0x9000004B  }
0xb6: {  	_ =	sfence  }
0xb7: {  	s30 =	sld [smem:$0x0];
	_ =	sdelay $0x2  }
0xb8: {  	s31 =	sshll.u32 s1, $0xD;
	s1 =	sshrl.u32 s1, $0x2  }
0xb9: {  	s3 =	sand.u32 $0x4000, s31;
	s1 =	sadd.s32 s1, s30  }
0xba: {  	s0 =	sor.u32 s3, s0;
	s1 =	sshll.u32 s1, $0x11  }
0xbb: {  	s0 =	sor.u32 s1, s0  }
0xbc: {  	s0 =	sadd.s32 $0x8F2B, s0  }
0xbd: {  	[sflag:s0] =	ssyncadd.remote.s32 $0x1  }
0xbe: {  	_ =	sfence.sel $0xFFFF  }
0xbf: {  	[dreg:$0x0] =	wrdreg $0xFFFFFFFF;
	(pc) =	sbr.abs _section_cstart, $3  }
0xc0: {  	[dreg:$0x1] =	wrdreg $0xFFFFFFFF  }
0xc1: {  	_ =	task.clear_ibuf [dreg:s7], $0x2FFFF;
	_ =	strace $0x9FFFFFFF  }
0xc2: {  	(tm) =	ssettm $0x7FFFFFFF  }
0xc3: {  	_ =	shalt  }
tec
execute0_lowered:
.L_overlay_start_1:
0x0: {  	(tag) =	ssettag $0x1  }
0x1: {  	s0 =	rddreg [dreg:$0x0]  }
0x2: {  	s2 =	rddreg [dreg:$0x1]  }
0x3: {  	s4 =	simm.s32 $0x0;
	s1 =	srdreg.scid;
	s3 =	stileid.u32  }
0x4: {  	s12 =	simm.s32 $0x3;
	s13 =	simm.s32 $0x400;
	s19 =	simm.s32 $0xC800  }
0x5: {  	s20 =	simm.s32 $0xD000;
	s21 =	simm.s32 $0xD800;
	s22 =	simm.s32 $0xE000  }
0x6: {  	s23 =	simm.s32 $0xE800;
	s24 =	simm.s32 $0xF000;
	s28 =	simm.s32 $0x1  }
0x7: {  	s29 =	simm.s32 $0x80;
	s30 =	simm.s32 $0x10800;
	[smem:$0x7FF] =	sst s4  }
0x8: {  	v2 =	vlaneseq.u32;
	s1 =	sand.u32 $0x1, s1;
	s3 =	sshll.u32 s3, $0x1;
	s4 =	sadd.s32 $0x4C00, s0  }
0x9: {  	vm0 =	vmmov $0xffff;
	v3 =	vimm.s32 $0x7;
	v4 =	vimm.s32 $0x3;
	s8 =	sadd.s32 $0x4D00, s0;
	s9 =	sadd.s32 $0x4E00, s0;
	s3 =	sor.u32 s1, s3  }
0xa: {  	v5 =	vimm.s32 $0x0;
	v6 =	vimm.s32 $0x1;
	v7 =	vimm.s32 $0x2;
	s10 =	sadd.s32 $0x4F00, s0;
	s1 =	ssub.s32 $0x2, s1;
	s5 =	sshll.u32 s3, $0x7  }
0xb: {  	v8 =	vimm.s32 $0x4;
	v9 =	vimm.s32 $0x5;
	v10 =	vimm.s32 $0x6;
	_ =	strace $0x8000004A;
	s6 =	sshrl.u32 s1, $0x1;
	s7 =	sadd.s32 s5, s0  }
0xc: {  	v11 =	vimm.s32 $0x8;
	v12 =	vimm.s32 $0x9;
	v13 =	vimm.s32 $0xA;
	s1 =	ssub.s32 s1, s6;
	s5 =	sshll.u32 s3, $0x6;
	s25 =	sadd.s32 $0x2C00, s7  }
0xd: {  	v14 =	vimm.s32 $0xB;
	v15 =	vimm.s32 $0xC;
	v16 =	vimm.s32 $0xD;
	s6 =	simm.s32 $0x2;
	s26 =	sadd.s32 $0x3C00, s7;
	[dreg:$0x3] =	wrdreg s25  }
0xe: {  	v17 =	vimm.s32 $0xE;
	v18 =	vimm.s32 $0xF;
	v1 =	vshrl.u32 v2, $0x3;
	s31 =	smax.u32 s1, $0x1;
	s1 =	simm.s32 $0x0;
	[dreg:$0x4] =	wrdreg s26  }
0xf: {  	v0 =	vand.u32 $0x7, v2;
	v2 =	vor.u32 $0x8, v2;
	v1 =	vmul.u32 $0x8, v1;
	[dreg:$0x5] =	wrdreg s31;
	s25 =	simm.s32 $0xF800;
	s26 =	simm.s32 $0x10000  }
.LBB2_1:
0x10: {  	[dreg:$0x6] =	wrdreg s1  }
0x11: {  	s0 =	simm.s32 $0x0;
	s3 =	rddreg [dreg:$0x3]  }
0x12: {  	[tilespmem:s0], [sflag:$0x3] =	stream.linear.gather [hbm4b:s3+s0], $0x400, $0x38;
	[tilespmem:$0x10C00] =	vst v63  }
0x13: {  	_ =	swait.ge [sflag:s12], $0x400  }
0x14: {  	[sflag:s12] =	ssyncset.done $0x0  }
0x15: {  	s7 =	rddreg [dreg:$0x4];
	[sflag:s12] =	ssyncadd.s32 $0xFFFFFC00  }
0x16: {  	[tilespmem:s13], [sflag:$0x3] =	stream.linear.gather [hbm4b:s7+s0], $0x400, $0x38;
	[tilespmem:$0x10C00] =	vst v63  }
0x17: {  	_ =	swait.ge [sflag:s12], $0x400  }
0x18: {  	[sflag:s12] =	ssyncset.done $0x0  }
0x19: {  	[sflag:s12] =	ssyncadd.s32 $0xFFFFFC00  }
0x1a: {  	v19 =	vld [tilespmem:$0x0];
	_ =	sdelay $0x4  }
0x1b: {  	v20 =	vshll.u32 v19, $0x3  }
0x1c: {  	v19 =	vand.u32 $0x7, v19;
	v20 =	vand.u32 $0xFFFFFFC0, v20  }
0x1d: {  	v19 =	vor.u32 v19, v20  }
0x1e: {  	v20 =	vperm.xlane v19, v0;
	_ =	sdelay $0x1  }
0x1f: {  	v20 =	vadd.s32 v1, v20;
	_ =	sdelay $0x3  }
0x20: {  	s11 =	simm.s32 $0x800  }
0x21: {  	[tilespmem:s11], [sflag:$0x1] =	stream.indirect_vreg.gather [hbm4b:s4+s0], $0x80, v20, vm0, $0xb8;
	[tilespmem:$0x10C00] =	vst v63  }
0x22: {  	s14 =	simm.s32 $0x1000;
	v19 =	vperm.xlane v19, v2  }
0x23: {  	[tilespmem:s14], [sflag:$0x1] =	stream.indirect_vreg.gather [hbm4b:s8+s0], $0x80, v20, vm0, $0xb8;
	[tilespmem:$0x10C00] =	vst v63  }
0x24: {  	s15 =	simm.s32 $0x1800;
	v19 =	vadd.s32 v1, v19  }
0x25: {  	[tilespmem:s15], [sflag:$0x1] =	stream.indirect_vreg.gather [hbm4b:s9+s0], $0x80, v20, vm0, $0xb8;
	[tilespmem:$0x10C00] =	vst v63  }
0x26: {  	s16 =	simm.s32 $0x2000  }
0x27: {  	[tilespmem:s16], [sflag:$0x1] =	stream.indirect_vreg.gather [hbm4b:s10+s0], $0x80, v20, vm0, $0xb8;
	[tilespmem:$0x10C00] =	vst v63  }
0x28: {  	s17 =	simm.s32 $0x2800  }
0x29: {  	[tilespmem:s17], [sflag:$0x1] =	stream.indirect_vreg.gather [hbm4b:s4+s0], $0x80, v19, vm0, $0xb8;
	[tilespmem:$0x10C00] =	vst v63  }
0x2a: {  	s18 =	simm.s32 $0x3000  }
0x2b: {  	[tilespmem:s18], [sflag:$0x1] =	stream.indirect_vreg.gather [hbm4b:s8+s0], $0x80, v19, vm0, $0xb8;
	[tilespmem:$0x10C00] =	vst v63  }
0x2c: {  	s31 =	simm.s32 $0x3800  }
0x2d: {  	[tilespmem:s31], [sflag:$0x1] =	stream.indirect_vreg.gather [hbm4b:s9+s0], $0x80, v19, vm0, $0xb8;
	[tilespmem:$0x10C00] =	vst v63  }
0x2e: {  	s3 =	simm.s32 $0x4000  }
0x2f: {  	[tilespmem:s3], [sflag:$0x1] =	stream.indirect_vreg.gather [hbm4b:s10+s0], $0x80, v19, vm0, $0xb8;
	[tilespmem:$0x10C00] =	vst v63  }
0x30: {  	v19 =	vld [tilespmem:$0x10];
	_ =	sdelay $0x4  }
0x31: {  	v20 =	vshll.u32 v19, $0x3  }
0x32: {  	v19 =	vand.u32 $0x7, v19;
	v20 =	vand.u32 $0xFFFFFFC0, v20  }
0x33: {  	v19 =	vor.u32 v19, v20  }
0x34: {  	v20 =	vperm.xlane v19, v0;
	_ =	sdelay $0x1  }
0x35: {  	v20 =	vadd.s32 v1, v20;
	_ =	sdelay $0x3  }
0x36: {  	s7 =	simm.s32 $0x4800  }
0x37: {  	[tilespmem:s7], [sflag:$0x1] =	stream.indirect_vreg.gather [hbm4b:s4+s0], $0x80, v20, vm0, $0xb8;
	[tilespmem:$0x10C00] =	vst v63  }
0x38: {  	s11 =	simm.s32 $0x5000;
	v19 =	vperm.xlane v19, v2  }
0x39: {  	[tilespmem:s11], [sflag:$0x1] =	stream.indirect_vreg.gather [hbm4b:s8+s0], $0x80, v20, vm0, $0xb8;
	[tilespmem:$0x10C00] =	vst v63  }
0x3a: {  	s14 =	simm.s32 $0x5800;
	v19 =	vadd.s32 v1, v19  }
0x3b: {  	[tilespmem:s14], [sflag:$0x1] =	stream.indirect_vreg.gather [hbm4b:s9+s0], $0x80, v20, vm0, $0xb8;
	[tilespmem:$0x10C00] =	vst v63  }
0x3c: {  	s15 =	simm.s32 $0x6000  }
0x3d: {  	[tilespmem:s15], [sflag:$0x1] =	stream.indirect_vreg.gather [hbm4b:s10+s0], $0x80, v20, vm0, $0xb8;
	[tilespmem:$0x10C00] =	vst v63  }
0x3e: {  	s16 =	simm.s32 $0x6800  }
0x3f: {  	[tilespmem:s16], [sflag:$0x1] =	stream.indirect_vreg.gather [hbm4b:s4+s0], $0x80, v19, vm0, $0xb8;
	[tilespmem:$0x10C00] =	vst v63  }
0x40: {  	s17 =	simm.s32 $0x7000  }
0x41: {  	[tilespmem:s17], [sflag:$0x1] =	stream.indirect_vreg.gather [hbm4b:s8+s0], $0x80, v19, vm0, $0xb8;
	[tilespmem:$0x10C00] =	vst v63  }
0x42: {  	s18 =	simm.s32 $0x7800  }
0x43: {  	[tilespmem:s18], [sflag:$0x1] =	stream.indirect_vreg.gather [hbm4b:s9+s0], $0x80, v19, vm0, $0xb8;
	[tilespmem:$0x10C00] =	vst v63  }
0x44: {  	s31 =	simm.s32 $0x8000;
	s11 =	simm.s32 $0x0  }
0x45: {  	[tilespmem:s31], [sflag:$0x1] =	stream.indirect_vreg.gather [hbm4b:s10+s0], $0x80, v19, vm0, $0xb8;
	[tilespmem:$0x10C00] =	vst v63  }
.LBB2_2:
0x46: {  	s7 =	sshllo.u32 s11, $0x1  }
0x47: {  	s3 =	sshll.u32 s7, $0x5  }
0x48: {  	v19 =	vld [tilespmem:s3+$0x0];
	_ =	sdelay $0x4  }
0x49: {  	v20 =	vshll.u32 v19, $0x3  }
0x4a: {  	v19 =	vand.u32 $0x7, v19;
	v20 =	vand.u32 $0xFFFFFFC0, v20  }
0x4b: {  	v19 =	vor.u32 v19, v20  }
0x4c: {  	v20 =	vperm.xlane v19, v0;
	_ =	sdelay $0x1  }
0x4d: {  	v20 =	vadd.s32 v1, v20;
	_ =	sdelay $0x3  }
0x4e: {  	s0 =	simm.s32 $0x0;
	s1 =	simm.s32 $0x8800  }
0x4f: {  	[tilespmem:s1], [sflag:$0x2] =	stream.indirect_vreg.gather [hbm4b:s4+s0], $0x80, v20, vm0, $0xb8;
	[tilespmem:$0x10C00] =	vst v63  }
0x50: {  	s15 =	simm.s32 $0x9000;
	v19 =	vperm.xlane v19, v2  }
0x51: {  	[tilespmem:s15], [sflag:$0x2] =	stream.indirect_vreg.gather [hbm4b:s8+s0], $0x80, v20, vm0, $0xb8;
	[tilespmem:$0x10C00] =	vst v63  }
0x52: {  	s16 =	simm.s32 $0x9800;
	v19 =	vadd.s32 v1, v19  }
0x53: {  	[tilespmem:s16], [sflag:$0x2] =	stream.indirect_vreg.gather [hbm4b:s9+s0], $0x80, v20, vm0, $0xb8;
	[tilespmem:$0x10C00] =	vst v63  }
0x54: {  	s17 =	simm.s32 $0xA000  }
0x55: {  	[tilespmem:s17], [sflag:$0x2] =	stream.indirect_vreg.gather [hbm4b:s10+s0], $0x80, v20, vm0, $0xb8;
	[tilespmem:$0x10C00] =	vst v63  }
0x56: {  	s18 =	simm.s32 $0xA800  }
0x57: {  	[tilespmem:s18], [sflag:$0x2] =	stream.indirect_vreg.gather [hbm4b:s4+s0], $0x80, v19, vm0, $0xb8;
	[tilespmem:$0x10C00] =	vst v63  }
0x58: {  	s14 =	simm.s32 $0xB000  }
0x59: {  	[tilespmem:s14], [sflag:$0x2] =	stream.indirect_vreg.gather [hbm4b:s8+s0], $0x80, v19, vm0, $0xb8;
	[tilespmem:$0x10C00] =	vst v63  }
0x5a: {  	s15 =	simm.s32 $0xB800  }
0x5b: {  	[tilespmem:s15], [sflag:$0x2] =	stream.indirect_vreg.gather [hbm4b:s9+s0], $0x80, v19, vm0, $0xb8;
	[tilespmem:$0x10C00] =	vst v63  }
0x5c: {  	s16 =	simm.s32 $0xC000  }
0x5d: {  	[tilespmem:s16], [sflag:$0x2] =	stream.indirect_vreg.gather [hbm4b:s10+s0], $0x80, v19, vm0, $0xb8;
	[tilespmem:$0x10C00] =	vst v63  }
0x5e: {  	v19 =	vld [tilespmem:s3+$0x10];
	_ =	sdelay $0x4  }
0x5f: {  	v20 =	vshll.u32 v19, $0x3  }
0x60: {  	v19 =	vand.u32 $0x7, v19;
	v20 =	vand.u32 $0xFFFFFFC0, v20  }
0x61: {  	v19 =	vor.u32 v19, v20  }
0x62: {  	v20 =	vperm.xlane v19, v0;
	_ =	sdelay $0x1  }
0x63: {  	v20 =	vadd.s32 v1, v20;
	_ =	sdelay $0x4  }
0x64: {  	[tilespmem:s19], [sflag:$0x2] =	stream.indirect_vreg.gather [hbm4b:s4+s0], $0x80, v20, vm0, $0xb8;
	[tilespmem:$0x10C00] =	vst v63  }
0x65: {  	v19 =	vperm.xlane v19, v2  }
0x66: {  	[tilespmem:s20], [sflag:$0x2] =	stream.indirect_vreg.gather [hbm4b:s8+s0], $0x80, v20, vm0, $0xb8;
	[tilespmem:$0x10C00] =	vst v63  }
0x67: {  	v19 =	vadd.s32 v1, v19  }
0x68: {  	[tilespmem:s21], [sflag:$0x2] =	stream.indirect_vreg.gather [hbm4b:s9+s0], $0x80, v20, vm0, $0xb8;
	[tilespmem:$0x10C00] =	vst v63  }
0x69: {  	_ = 	snop  }
0x6a: {  	[tilespmem:s22], [sflag:$0x2] =	stream.indirect_vreg.gather [hbm4b:s10+s0], $0x80, v20, vm0, $0xb8;
	[tilespmem:$0x10C00] =	vst v63  }
0x6b: {  	_ = 	snop  }
0x6c: {  	[tilespmem:s23], [sflag:$0x2] =	stream.indirect_vreg.gather [hbm4b:s4+s0], $0x80, v19, vm0, $0xb8;
	[tilespmem:$0x10C00] =	vst v63  }
0x6d: {  	_ = 	snop  }
0x6e: {  	[tilespmem:s24], [sflag:$0x2] =	stream.indirect_vreg.gather [hbm4b:s8+s0], $0x80, v19, vm0, $0xb8;
	[tilespmem:$0x10C00] =	vst v63  }
0x6f: {  	_ = 	snop  }
0x70: {  	[tilespmem:s25], [sflag:$0x2] =	stream.indirect_vreg.gather [hbm4b:s9+s0], $0x80, v19, vm0, $0xb8;
	[tilespmem:$0x10C00] =	vst v63  }
0x71: {  	_ = 	snop  }
0x72: {  	[tilespmem:s26], [sflag:$0x2] =	stream.indirect_vreg.gather [hbm4b:s10+s0], $0x80, v19, vm0, $0xb8;
	[tilespmem:$0x10C00] =	vst v63  }
0x73: {  	s31 =	sshll.u32 s11, $0x8;
	_ =	swait.ge [sflag:s28], $0x8000  }
0x74: {  	s17 =	sshrl.u32 s31, $0x2;
	[sflag:s28] =	ssyncset.done $0x0  }
0x75: {  	s14 =	sand.u32 $0x70, s0;
	s0 =	sand.u32 $0x1C00, s0;
	[sflag:s28] =	ssyncadd.s32 $0xFFFF8000  }
0x76: {  	s0 =	sor.u32 s14, s0;
	v34 =	vld [tilespmem:s17+$0x400]  }
0x77: {  	v22 =	vld [tilespmem:s0+$0x800]  }
0x78: {  	v23 =	vld [tilespmem:s0+$0x880];
	_ =	sdelay $0x1  }
0x79: {  	v24 =	vld [tilespmem:s0+$0x900]  }
0x7a: {  	v20 =	vperm.xlane v34, v5;
	v21 =	vperm.xlane v34, v6  }
0x7b: {  	v25 =	vld [tilespmem:s0+$0x980];
	v19 =	vperm.xlane v34, v7  }
0x7c: {  	v26 =	vmul.f32 v22, v20;
	v23 =	vmul.f32 v23, v21  }
0x7d: {  	v27 =	vld [tilespmem:s0+$0xA00]  }
0x7e: {  	v22 =	vperm.xlane v34, v4;
	v24 =	vmul.f32 v24, v19;
	v26 =	vadd.f32 v23, v26  }
0x7f: {  	v28 =	vld [tilespmem:s0+$0xA80]  }
0x80: {  	v23 =	vperm.xlane v34, v8;
	v25 =	vmul.f32 v25, v22;
	v26 =	vadd.f32 v24, v26  }
0x81: {  	v29 =	vld [tilespmem:s0+$0xB00]  }
0x82: {  	v24 =	vperm.xlane v34, v9;
	v27 =	vmul.f32 v27, v23;
	v26 =	vadd.f32 v25, v26  }
0x83: {  	v30 =	vld [tilespmem:s0+$0xB80]  }
0x84: {  	v25 =	vperm.xlane v34, v10;
	v28 =	vmul.f32 v28, v24;
	v27 =	vadd.f32 v27, v26  }
0x85: {  	v31 =	vld [tilespmem:s0+$0x2800]  }
0x86: {  	v26 =	vperm.xlane v34, v3;
	v29 =	vmul.f32 v29, v25;
	v28 =	vadd.f32 v28, v27  }
0x87: {  	v32 =	vld [tilespmem:s0+$0x2880]  }
0x88: {  	v27 =	vperm.xlane v34, v11;
	v30 =	vmul.f32 v30, v26;
	v29 =	vadd.f32 v29, v28  }
0x89: {  	v33 =	vld [tilespmem:s0+$0x2900]  }
0x8a: {  	v28 =	vperm.xlane v34, v12;
	v31 =	vmul.f32 v31, v27;
	v30 =	vadd.f32 v30, v29  }
0x8b: {  	v35 =	vld [tilespmem:s0+$0x2980]  }
0x8c: {  	v29 =	vperm.xlane v34, v13;
	v32 =	vmul.f32 v32, v28;
	v31 =	vadd.f32 v31, v30  }
0x8d: {  	v36 =	vld [tilespmem:s0+$0x2A00]  }
0x8e: {  	v30 =	vperm.xlane v34, v14;
	v33 =	vmul.f32 v33, v29;
	v32 =	vadd.f32 v32, v31  }
0x8f: {  	v37 =	vld [tilespmem:s0+$0x2A80]  }
0x90: {  	v31 =	vperm.xlane v34, v15;
	v35 =	vmul.f32 v35, v30;
	v33 =	vadd.f32 v33, v32  }
0x91: {  	v38 =	vld [tilespmem:s0+$0x2B00]  }
0x92: {  	v32 =	vperm.xlane v34, v16;
	v36 =	vmul.f32 v36, v31;
	v35 =	vadd.f32 v35, v33  }
0x93: {  	v39 =	vld [tilespmem:s0+$0x2B80]  }
0x94: {  	v33 =	vperm.xlane v34, v17;
	v61 =	vmul.f32 v37, v32;
	v35 =	vadd.f32 v36, v35;
	_ =	sdelay $0x1  }
0x95: {  	v34 =	vperm.xlane v34, v18;
	v62 =	vmul.f32 v38, v33;
	v35 =	vadd.f32 v61, v35;
	_ =	sdelay $0x1  }
0x96: {  	v63 =	vmul.f32 v39, v34;
	v35 =	vadd.f32 v62, v35;
	_ =	sdelay $0x1  }
0x97: {  	s18 =	simm.s32 $0x10;
	s14 =	simm.s32 $0x80;
	v35 =	vadd.f32 v63, v35  }
0x98: {  	s1 =	sand.u32 $0x70, s18;
	s15 =	sand.u32 $0x1C00, s14;
	s0 =	simm.s32 $0x10800  }
0x99: {  	s1 =	sor.u32 s1, s15;
	s15 =	simm.s32 $0x20;
	[tilespmem:s0+$0x0] =	vst v35  }
.LBB2_3:
0x9a: {  	p0 =	sne.s32 s15, $0x3F0;
	v35 =	vld [tilespmem:s1+$0x800]  }
0x9b: {  	v36 =	vld [tilespmem:s1+$0x880];
	_ =	sdelay $0x1  }
0x9c: {  	v37 =	vld [tilespmem:s1+$0x900];
	_ =	sdelay $0x1  }
0x9d: {  	v38 =	vld [tilespmem:s1+$0x980]  }
0x9e: {  	v35 =	vmul.f32 v35, v20;
	v36 =	vmul.f32 v36, v21  }
0x9f: {  	v39 =	vld [tilespmem:s1+$0xA00]  }
0xa0: {  	v35 =	vadd.f32 v36, v35;
	v36 =	vmul.f32 v37, v19  }
0xa1: {  	v37 =	vld [tilespmem:s1+$0xA80]  }
0xa2: {  	v35 =	vadd.f32 v36, v35;
	v36 =	vmul.f32 v38, v22  }
0xa3: {  	v38 =	vld [tilespmem:s1+$0xB00]  }
0xa4: {  	v35 =	vadd.f32 v36, v35;
	v36 =	vmul.f32 v39, v23  }
0xa5: {  	v39 =	vld [tilespmem:s1+$0xB80]  }
0xa6: {  	v35 =	vadd.f32 v36, v35;
	v36 =	vmul.f32 v37, v24  }
0xa7: {  	v37 =	vld [tilespmem:s1+$0x2800]  }
0xa8: {  	v35 =	vadd.f32 v36, v35;
	v36 =	vmul.f32 v38, v25  }
0xa9: {  	v38 =	vld [tilespmem:s1+$0x2880]  }
0xaa: {  	v35 =	vadd.f32 v36, v35;
	v36 =	vmul.f32 v39, v26  }
0xab: {  	v39 =	vld [tilespmem:s1+$0x2900]  }
0xac: {  	v35 =	vadd.f32 v36, v35;
	v36 =	vmul.f32 v37, v27  }
0xad: {  	v37 =	vld [tilespmem:s1+$0x2980]  }
0xae: {  	v35 =	vadd.f32 v36, v35;
	v36 =	vmul.f32 v38, v28  }
0xaf: {  	v38 =	vld [tilespmem:s1+$0x2A00]  }
0xb0: {  	v35 =	vadd.f32 v36, v35;
	v36 =	vmul.f32 v39, v29  }
0xb1: {  	v39 =	vld [tilespmem:s1+$0x2A80]  }
0xb2: {  	v35 =	vadd.f32 v36, v35;
	v36 =	vmul.f32 v37, v30  }
0xb3: {  	v37 =	vld [tilespmem:s1+$0x2B00]  }
0xb4: {  	v35 =	vadd.f32 v36, v35;
	v36 =	vmul.f32 v38, v31  }
0xb5: {  	v38 =	vld [tilespmem:s1+$0x2B80]  }
0xb6: {  	v35 =	vadd.f32 v36, v35;
	v36 =	vmul.f32 v39, v32;
	_ =	sdelay $0x1  }
0xb7: {  	v35 =	vadd.f32 v36, v35;
	v36 =	vmul.f32 v37, v33;
	_ =	sdelay $0x1  }
.Ltmp0:
0xb8: {  	v35 =	vadd.f32 v36, v35;
	v36 =	vmul.f32 v38, v34;
	(pc) =	sbr.rel @p0 .LBB2_3-.Ltmp0, $4  }
0xb9: {  	_ = 	snop  }
0xba: {  	s14 =	sadd.s32 $0x80, s14;
	v35 =	vadd.f32 v36, v35  }
0xbb: {  	s0 =	sadd.s32 $0x10, s0;
	s16 =	sand.u32 $0x1C00, s14;
	s1 =	sand.u32 $0x70, s15  }
0xbc: {  	s15 =	sadd.s32 $0x10, s15;
	s1 =	sor.u32 s1, s16;
	[tilespmem:s0+$0x0] =	vst v35  }
0xbd: {  	v35 =	vld [tilespmem:s1+$0x800]  }
0xbe: {  	v36 =	vld [tilespmem:s1+$0x880];
	_ =	sdelay $0x1  }
0xbf: {  	v37 =	vld [tilespmem:s1+$0x900];
	_ =	sdelay $0x1  }
0xc0: {  	v38 =	vld [tilespmem:s1+$0x980]  }
0xc1: {  	v20 =	vmul.f32 v35, v20;
	v21 =	vmul.f32 v36, v21  }
0xc2: {  	v53 =	vld [tilespmem:s1+$0xA00]  }
0xc3: {  	v19 =	vmul.f32 v37, v19;
	v20 =	vadd.f32 v21, v20  }
0xc4: {  	v21 =	vld [tilespmem:s1+$0xA80]  }
0xc5: {  	v19 =	vadd.f32 v19, v20;
	v20 =	vmul.f32 v38, v22  }
0xc6: {  	v22 =	vld [tilespmem:s1+$0xB00]  }
0xc7: {  	v19 =	vadd.f32 v20, v19;
	v20 =	vmul.f32 v53, v23  }
0xc8: {  	v23 =	vld [tilespmem:s1+$0xB80]  }
0xc9: {  	v19 =	vadd.f32 v20, v19;
	v20 =	vmul.f32 v21, v24  }
0xca: {  	v21 =	vld [tilespmem:s1+$0x2800]  }
0xcb: {  	v19 =	vadd.f32 v20, v19;
	v20 =	vmul.f32 v22, v25  }
0xcc: {  	v22 =	vld [tilespmem:s1+$0x2880]  }
0xcd: {  	v19 =	vadd.f32 v20, v19;
	v20 =	vmul.f32 v23, v26  }
0xce: {  	v23 =	vld [tilespmem:s1+$0x2900]  }
0xcf: {  	v19 =	vadd.f32 v20, v19;
	v20 =	vmul.f32 v21, v27  }
0xd0: {  	v21 =	vld [tilespmem:s1+$0x2980]  }
0xd1: {  	v19 =	vadd.f32 v20, v19;
	v20 =	vmul.f32 v22, v28  }
0xd2: {  	v22 =	vld [tilespmem:s1+$0x2A00]  }
0xd3: {  	v19 =	vadd.f32 v20, v19;
	v20 =	vmul.f32 v23, v29  }
0xd4: {  	v23 =	vld [tilespmem:s1+$0x2A80]  }
0xd5: {  	v19 =	vadd.f32 v20, v19;
	v20 =	vmul.f32 v21, v30  }
0xd6: {  	v21 =	vld [tilespmem:s1+$0x2B00]  }
0xd7: {  	v19 =	vadd.f32 v20, v19;
	v20 =	vmul.f32 v22, v31  }
0xd8: {  	v22 =	vld [tilespmem:s1+$0x2B80]  }
0xd9: {  	v19 =	vadd.f32 v20, v19;
	v20 =	vmul.f32 v23, v32;
	_ =	sdelay $0x1  }
0xda: {  	v19 =	vadd.f32 v20, v19;
	v20 =	vmul.f32 v21, v33;
	_ =	sdelay $0x1  }
0xdb: {  	s14 =	sshll.u32 s11, $0x2;
	v19 =	vadd.f32 v20, v19;
	v20 =	vmul.f32 v22, v34  }
0xdc: {  	s15 =	sshll.u32 s11, $0x6;
	s18 =	sadd.s32 s5, s14  }
0xdd: {  	s15 =	sand.u32 $0x40, s15;
	s1 =	sshll.u32 s18, $0x7;
	v19 =	vadd.f32 v20, v19  }
0xde: {  	s16 =	sadd.s32 $0x10, s0;
	s15 =	sadd.s32 s2, s15;
	s0 =	sand.u32 $0xFFFFC00, s1  }
0xdf: {  	s14 =	sor.u32 $0x1, s14;
	s1 =	simm.s32 $0x10800;
	s15 =	sadd.s32 s0, s15;
	[tilespmem:s16+$0x0] =	vst v19  }
0xe0: {  	[hbm4b:s15+s29] =	stream.strided.scatter [tilespmem:s1], [sflag:$0x3], $0x400, s13, s29, $0x38;
	[tilespmem:$0x10C00] =	vst v63  }
0xe1: {  	s14 =	sshll.u32 s14, $0x4;
	_ =	swait.ge [sflag:s12], $0x400  }
0xe2: {  	s18 =	sand.u32 $0x3FFFFFD0, s14;
	s16 =	simm.s32 $0x0;
	[sflag:s12] =	ssyncset.done $0x0  }
0xe3: {  	s17 =	sand.u32 $0x70, s16;
	s15 =	sand.u32 $0x1C00, s16;
	[sflag:s12] =	ssyncadd.s32 $0xFFFFFC00  }
0xe4: {  	s15 =	sor.u32 s17, s15;
	v54 =	vld [tilespmem:s18+$0x400]  }
0xe5: {  	v22 =	vld [tilespmem:s15+$0x4800]  }
0xe6: {  	v23 =	vld [tilespmem:s15+$0x4880];
	_ =	sdelay $0x1  }
0xe7: {  	v24 =	vld [tilespmem:s15+$0x4900]  }
0xe8: {  	v20 =	vperm.xlane v54, v5;
	v21 =	vperm.xlane v54, v6  }
0xe9: {  	v25 =	vld [tilespmem:s15+$0x4980];
	v19 =	vperm.xlane v54, v7  }
0xea: {  	v26 =	vmul.f32 v22, v20;
	v23 =	vmul.f32 v23, v21  }
0xeb: {  	v27 =	vld [tilespmem:s15+$0x4A00]  }
0xec: {  	v22 =	vperm.xlane v54, v4;
	v24 =	vmul.f32 v24, v19;
	v26 =	vadd.f32 v23, v26  }
0xed: {  	v28 =	vld [tilespmem:s15+$0x4A80]  }
0xee: {  	v23 =	vperm.xlane v54, v8;
	v25 =	vmul.f32 v25, v22;
	v26 =	vadd.f32 v24, v26  }
0xef: {  	v29 =	vld [tilespmem:s15+$0x4B00]  }
0xf0: {  	v24 =	vperm.xlane v54, v9;
	v27 =	vmul.f32 v27, v23;
	v26 =	vadd.f32 v25, v26  }
0xf1: {  	v30 =	vld [tilespmem:s15+$0x4B80]  }
0xf2: {  	v25 =	vperm.xlane v54, v10;
	v28 =	vmul.f32 v28, v24;
	v27 =	vadd.f32 v27, v26  }
0xf3: {  	v31 =	vld [tilespmem:s15+$0x6800]  }
0xf4: {  	v26 =	vperm.xlane v54, v3;
	v29 =	vmul.f32 v29, v25;
	v28 =	vadd.f32 v28, v27  }
0xf5: {  	v55 =	vld [tilespmem:s15+$0x6880]  }
0xf6: {  	v27 =	vperm.xlane v54, v11;
	v30 =	vmul.f32 v30, v26;
	v29 =	vadd.f32 v29, v28  }
0xf7: {  	v56 =	vld [tilespmem:s15+$0x6900]  }
0xf8: {  	v28 =	vperm.xlane v54, v12;
	v31 =	vmul.f32 v31, v27;
	v30 =	vadd.f32 v30, v29  }
0xf9: {  	v57 =	vld [tilespmem:s15+$0x6980]  }
0xfa: {  	v29 =	vperm.xlane v54, v13;
	v32 =	vmul.f32 v55, v28;
	v31 =	vadd.f32 v31, v30  }
0xfb: {  	v58 =	vld [tilespmem:s15+$0x6A00]  }
0xfc: {  	v30 =	vperm.xlane v54, v14;
	v33 =	vmul.f32 v56, v29;
	v32 =	vadd.f32 v32, v31  }
0xfd: {  	v59 =	vld [tilespmem:s15+$0x6A80]  }
0xfe: {  	v31 =	vperm.xlane v54, v15;
	v35 =	vmul.f32 v57, v30;
	v33 =	vadd.f32 v33, v32  }
0xff: {  	v60 =	vld [tilespmem:s15+$0x6B00]  }
0x100: {  	v32 =	vperm.xlane v54, v16;
	v36 =	vmul.f32 v58, v31;
	v35 =	vadd.f32 v35, v33  }
0x101: {  	v39 =	vld [tilespmem:s15+$0x6B80]  }
0x102: {  	v33 =	vperm.xlane v54, v17;
	v61 =	vmul.f32 v59, v32;
	v35 =	vadd.f32 v36, v35;
	_ =	sdelay $0x1  }
0x103: {  	v34 =	vperm.xlane v54, v18;
	v62 =	vmul.f32 v60, v33;
	v35 =	vadd.f32 v61, v35;
	_ =	sdelay $0x1  }
0x104: {  	v63 =	vmul.f32 v39, v34;
	v35 =	vadd.f32 v62, v35;
	_ =	sdelay $0x1  }
0x105: {  	s16 =	simm.s32 $0x80;
	s17 =	simm.s32 $0x10;
	v35 =	vadd.f32 v63, v35  }
0x106: {  	s15 =	sand.u32 $0x70, s17;
	s18 =	sand.u32 $0x1C00, s16  }
0x107: {  	s17 =	simm.s32 $0x20;
	s15 =	sor.u32 s15, s18;
	[tilespmem:s1+$0x0] =	vst v35  }
.LBB2_5:
0x108: {  	p0 =	sne.s32 s17, $0x3F0;
	v35 =	vld [tilespmem:s15+$0x4800]  }
0x109: {  	v36 =	vld [tilespmem:s15+$0x4880];
	_ =	sdelay $0x1  }
0x10a: {  	v37 =	vld [tilespmem:s15+$0x4900];
	_ =	sdelay $0x1  }
0x10b: {  	v38 =	vld [tilespmem:s15+$0x4980]  }
0x10c: {  	v35 =	vmul.f32 v35, v20;
	v36 =	vmul.f32 v36, v21  }
0x10d: {  	v39 =	vld [tilespmem:s15+$0x4A00]  }
0x10e: {  	v35 =	vadd.f32 v36, v35;
	v36 =	vmul.f32 v37, v19  }
0x10f: {  	v37 =	vld [tilespmem:s15+$0x4A80]  }
0x110: {  	v35 =	vadd.f32 v36, v35;
	v36 =	vmul.f32 v38, v22  }
0x111: {  	v38 =	vld [tilespmem:s15+$0x4B00]  }
0x112: {  	v35 =	vadd.f32 v36, v35;
	v36 =	vmul.f32 v39, v23  }
0x113: {  	v39 =	vld [tilespmem:s15+$0x4B80]  }
0x114: {  	v35 =	vadd.f32 v36, v35;
	v36 =	vmul.f32 v37, v24  }
0x115: {  	v37 =	vld [tilespmem:s15+$0x6800]  }
0x116: {  	v35 =	vadd.f32 v36, v35;
	v36 =	vmul.f32 v38, v25  }
0x117: {  	v38 =	vld [tilespmem:s15+$0x6880]  }
0x118: {  	v35 =	vadd.f32 v36, v35;
	v36 =	vmul.f32 v39, v26  }
0x119: {  	v39 =	vld [tilespmem:s15+$0x6900]  }
0x11a: {  	v35 =	vadd.f32 v36, v35;
	v36 =	vmul.f32 v37, v27  }
0x11b: {  	v37 =	vld [tilespmem:s15+$0x6980]  }
0x11c: {  	v35 =	vadd.f32 v36, v35;
	v36 =	vmul.f32 v38, v28  }
0x11d: {  	v38 =	vld [tilespmem:s15+$0x6A00]  }
0x11e: {  	v35 =	vadd.f32 v36, v35;
	v36 =	vmul.f32 v39, v29  }
0x11f: {  	v39 =	vld [tilespmem:s15+$0x6A80]  }
0x120: {  	v35 =	vadd.f32 v36, v35;
	v36 =	vmul.f32 v37, v30  }
0x121: {  	v37 =	vld [tilespmem:s15+$0x6B00]  }
0x122: {  	v35 =	vadd.f32 v36, v35;
	v36 =	vmul.f32 v38, v31  }
0x123: {  	v38 =	vld [tilespmem:s15+$0x6B80]  }
0x124: {  	v35 =	vadd.f32 v36, v35;
	v36 =	vmul.f32 v39, v32;
	_ =	sdelay $0x1  }
0x125: {  	v35 =	vadd.f32 v36, v35;
	v36 =	vmul.f32 v37, v33;
	_ =	sdelay $0x1  }
.Ltmp1:
0x126: {  	v35 =	vadd.f32 v36, v35;
	v36 =	vmul.f32 v38, v34;
	(pc) =	sbr.rel @p0 .LBB2_5-.Ltmp1, $4  }
0x127: {  	_ = 	snop  }
0x128: {  	s16 =	sadd.s32 $0x80, s16;
	v35 =	vadd.f32 v36, v35  }
0x129: {  	s1 =	sadd.s32 $0x10, s1;
	s18 =	sand.u32 $0x1C00, s16;
	s15 =	sand.u32 $0x70, s17  }
0x12a: {  	s17 =	sadd.s32 $0x10, s17;
	s15 =	sor.u32 s15, s18;
	[tilespmem:s1+$0x0] =	vst v35  }
0x12b: {  	v35 =	vld [tilespmem:s15+$0x4800]  }
0x12c: {  	v36 =	vld [tilespmem:s15+$0x4880];
	_ =	sdelay $0x1  }
0x12d: {  	v37 =	vld [tilespmem:s15+$0x4900];
	_ =	sdelay $0x1  }
0x12e: {  	v38 =	vld [tilespmem:s15+$0x4980]  }
0x12f: {  	v20 =	vmul.f32 v35, v20;
	v21 =	vmul.f32 v36, v21  }
0x130: {  	v53 =	vld [tilespmem:s15+$0x4A00]  }
0x131: {  	v19 =	vmul.f32 v37, v19;
	v20 =	vadd.f32 v21, v20  }
0x132: {  	v21 =	vld [tilespmem:s15+$0x4A80]  }
0x133: {  	v19 =	vadd.f32 v19, v20;
	v20 =	vmul.f32 v38, v22  }
0x134: {  	v22 =	vld [tilespmem:s15+$0x4B00]  }
0x135: {  	v19 =	vadd.f32 v20, v19;
	v20 =	vmul.f32 v53, v23  }
0x136: {  	v23 =	vld [tilespmem:s15+$0x4B80]  }
0x137: {  	v19 =	vadd.f32 v20, v19;
	v20 =	vmul.f32 v21, v24  }
0x138: {  	v21 =	vld [tilespmem:s15+$0x6800]  }
0x139: {  	v19 =	vadd.f32 v20, v19;
	v20 =	vmul.f32 v22, v25  }
0x13a: {  	v22 =	vld [tilespmem:s15+$0x6880]  }
0x13b: {  	v19 =	vadd.f32 v20, v19;
	v20 =	vmul.f32 v23, v26  }
0x13c: {  	v23 =	vld [tilespmem:s15+$0x6900]  }
0x13d: {  	v19 =	vadd.f32 v20, v19;
	v20 =	vmul.f32 v21, v27  }
0x13e: {  	v21 =	vld [tilespmem:s15+$0x6980]  }
0x13f: {  	v19 =	vadd.f32 v20, v19;
	v20 =	vmul.f32 v22, v28  }
0x140: {  	v22 =	vld [tilespmem:s15+$0x6A00]  }
0x141: {  	v19 =	vadd.f32 v20, v19;
	v20 =	vmul.f32 v23, v29  }
0x142: {  	v23 =	vld [tilespmem:s15+$0x6A80]  }
0x143: {  	v19 =	vadd.f32 v20, v19;
	v20 =	vmul.f32 v21, v30  }
0x144: {  	v21 =	vld [tilespmem:s15+$0x6B00]  }
0x145: {  	v19 =	vadd.f32 v20, v19;
	v20 =	vmul.f32 v22, v31  }
0x146: {  	v22 =	vld [tilespmem:s15+$0x6B80]  }
0x147: {  	v19 =	vadd.f32 v20, v19;
	v20 =	vmul.f32 v23, v32;
	_ =	sdelay $0x1  }
0x148: {  	v19 =	vadd.f32 v20, v19;
	v20 =	vmul.f32 v21, v33;
	_ =	sdelay $0x1  }
0x149: {  	v19 =	vadd.f32 v20, v19;
	v20 =	vmul.f32 v22, v34;
	_ =	sdelay $0x1  }
0x14a: {  	s14 =	sand.u32 $0x50, s14;
	v19 =	vadd.f32 v20, v19  }
0x14b: {  	s1 =	sadd.s32 $0x10, s1;
	s14 =	sadd.s32 s2, s14  }
0x14c: {  	s0 =	sadd.s32 s0, s14;
	[tilespmem:s1+$0x0] =	vst v19  }
0x14d: {  	[hbm4b:s0+s29] =	stream.strided.scatter [tilespmem:s30], [sflag:$0x3], $0x400, s13, s29, $0x38;
	[tilespmem:$0x10C00] =	vst v63  }
0x14e: {  	_ =	swait.ge [sflag:s12], $0x400  }
0x14f: {  	p0 =	seq.s32 s11, $0xF;
	[sflag:s12] =	ssyncset.done $0x0  }
0x150: {  	s0 =	sshrl.u32 @!p0 s31, $0x2;
	[sflag:s12] =	ssyncadd.s32 $0xFFFFFC00  }
0x151: {  	v19 =	vld @!p0 [tilespmem:s0+$0x40];
	_ =	sdelay $0x4  }
0x152: {  	v20 =	vshll.u32 @!p0 v19, $0x3  }
0x153: {  	v21 =	vlaneseq.u32 @!p0;
	v19 =	vand.u32 @!p0 $0x7, v19;
	v20 =	vand.u32 @!p0 $0xFFFFFFC0, v20  }
0x154: {  	v22 =	vshrl.u32 @!p0 v21, $0x3;
	v19 =	vor.u32 @!p0 v19, v20;
	v20 =	vand.u32 @!p0 $0x7, v21  }
0x155: {  	v22 =	vmul.u32 @!p0 $0x8, v22;
	v23 =	vperm.xlane @!p0 v19, v20;
	_ =	sdelay $0x1  }
0x156: {  	v23 =	vadd.s32 @!p0 v22, v23;
	_ =	sdelay $0x3  }
0x157: {  	vm1 =	vmmov @!p0 $0xffff;
	s14 =	simm.s32 @!p0 $0x800;
	s1 =	simm.s32 @!p0 $0x0  }
0x158: {  	v21 =	vor.u32 @!p0 $0x8, v21;
	[tilespmem:s14], [sflag:$0x1] =	stream.indirect_vreg.gather @!p0 [hbm4b:s4+s1], $0x80, v23, vm1, $0xb8;
	[tilespmem:$0x10C00] =	vst v63  }
0x159: {  	v19 =	vperm.xlane @!p0 v19, v21;
	s14 =	simm.s32 @!p0 $0x1000  }
0x15a: {  	[tilespmem:s14], [sflag:$0x1] =	stream.indirect_vreg.gather @!p0 [hbm4b:s8+s1], $0x80, v23, vm1, $0xb8;
	[tilespmem:$0x10C00] =	vst v63  }
0x15b: {  	v19 =	vadd.s32 @!p0 v22, v19;
	s14 =	simm.s32 @!p0 $0x1800  }
0x15c: {  	[tilespmem:s14], [sflag:$0x1] =	stream.indirect_vreg.gather @!p0 [hbm4b:s9+s1], $0x80, v23, vm1, $0xb8;
	[tilespmem:$0x10C00] =	vst v63  }
0x15d: {  	s14 =	simm.s32 @!p0 $0x2000  }
0x15e: {  	[tilespmem:s14], [sflag:$0x1] =	stream.indirect_vreg.gather @!p0 [hbm4b:s10+s1], $0x80, v23, vm1, $0xb8;
	[tilespmem:$0x10C00] =	vst v63  }
0x15f: {  	s14 =	simm.s32 @!p0 $0x2800  }
0x160: {  	[tilespmem:s14], [sflag:$0x1] =	stream.indirect_vreg.gather @!p0 [hbm4b:s4+s1], $0x80, v19, vm1, $0xb8;
	[tilespmem:$0x10C00] =	vst v63  }
0x161: {  	s14 =	simm.s32 @!p0 $0x3000  }
0x162: {  	[tilespmem:s14], [sflag:$0x1] =	stream.indirect_vreg.gather @!p0 [hbm4b:s8+s1], $0x80, v19, vm1, $0xb8;
	[tilespmem:$0x10C00] =	vst v63  }
0x163: {  	s14 =	simm.s32 @!p0 $0x3800  }
0x164: {  	[tilespmem:s14], [sflag:$0x1] =	stream.indirect_vreg.gather @!p0 [hbm4b:s9+s1], $0x80, v19, vm1, $0xb8;
	[tilespmem:$0x10C00] =	vst v63  }
0x165: {  	s14 =	simm.s32 @!p0 $0x4000  }
0x166: {  	[tilespmem:s14], [sflag:$0x1] =	stream.indirect_vreg.gather @!p0 [hbm4b:s10+s1], $0x80, v19, vm1, $0xb8;
	[tilespmem:$0x10C00] =	vst v63  }
0x167: {  	v19 =	vld @!p0 [tilespmem:s0+$0x50];
	_ =	sdelay $0x4  }
0x168: {  	v23 =	vshll.u32 @!p0 v19, $0x3  }
0x169: {  	v19 =	vand.u32 @!p0 $0x7, v19;
	v23 =	vand.u32 @!p0 $0xFFFFFFC0, v23  }
0x16a: {  	v19 =	vor.u32 @!p0 v19, v23  }
0x16b: {  	v20 =	vperm.xlane @!p0 v19, v20;
	_ =	sdelay $0x1  }
0x16c: {  	v20 =	vadd.s32 @!p0 v22, v20;
	_ =	sdelay $0x3  }
0x16d: {  	s0 =	simm.s32 @!p0 $0x4800  }
0x16e: {  	[tilespmem:s0], [sflag:$0x1] =	stream.indirect_vreg.gather @!p0 [hbm4b:s4+s1], $0x80, v20, vm1, $0xb8;
	[tilespmem:$0x10C00] =	vst v63  }
0x16f: {  	v19 =	vperm.xlane @!p0 v19, v21;
	s0 =	simm.s32 @!p0 $0x5000  }
0x170: {  	[tilespmem:s0], [sflag:$0x1] =	stream.indirect_vreg.gather @!p0 [hbm4b:s8+s1], $0x80, v20, vm1, $0xb8;
	[tilespmem:$0x10C00] =	vst v63  }
0x171: {  	v19 =	vadd.s32 @!p0 v22, v19;
	s0 =	simm.s32 @!p0 $0x5800  }
0x172: {  	[tilespmem:s0], [sflag:$0x1] =	stream.indirect_vreg.gather @!p0 [hbm4b:s9+s1], $0x80, v20, vm1, $0xb8;
	[tilespmem:$0x10C00] =	vst v63  }
0x173: {  	s0 =	simm.s32 @!p0 $0x6000  }
0x174: {  	[tilespmem:s0], [sflag:$0x1] =	stream.indirect_vreg.gather @!p0 [hbm4b:s10+s1], $0x80, v20, vm1, $0xb8;
	[tilespmem:$0x10C00] =	vst v63  }
0x175: {  	s0 =	simm.s32 @!p0 $0x6800  }
0x176: {  	[tilespmem:s0], [sflag:$0x1] =	stream.indirect_vreg.gather @!p0 [hbm4b:s4+s1], $0x80, v19, vm1, $0xb8;
	[tilespmem:$0x10C00] =	vst v63  }
0x177: {  	s0 =	simm.s32 @!p0 $0x7000  }
0x178: {  	[tilespmem:s0], [sflag:$0x1] =	stream.indirect_vreg.gather @!p0 [hbm4b:s8+s1], $0x80, v19, vm1, $0xb8;
	[tilespmem:$0x10C00] =	vst v63  }
0x179: {  	s0 =	simm.s32 @!p0 $0x7800  }
0x17a: {  	[tilespmem:s0], [sflag:$0x1] =	stream.indirect_vreg.gather @!p0 [hbm4b:s9+s1], $0x80, v19, vm1, $0xb8;
	[tilespmem:$0x10C00] =	vst v63  }
0x17b: {  	s0 =	simm.s32 @!p0 $0x8000  }
0x17c: {  	[tilespmem:s0], [sflag:$0x1] =	stream.indirect_vreg.gather @!p0 [hbm4b:s10+s1], $0x80, v19, vm1, $0xb8;
	[tilespmem:$0x10C00] =	vst v63  }
0x17d: {  	_ =	swait.ge [sflag:s6], $0x8000  }
0x17e: {  	s16 =	simm.s32 $0x0;
	[sflag:s6] =	ssyncset.done $0x0  }
0x17f: {  	s17 =	sand.u32 $0x70, s16;
	s0 =	sand.u32 $0x1C00, s16;
	[sflag:s6] =	ssyncadd.s32 $0xFFFF8000  }
0x180: {  	s0 =	sor.u32 s17, s0;
	v54 =	vld [tilespmem:s3+$0x400]  }
0x181: {  	v22 =	vld [tilespmem:s0+$0x8800]  }
0x182: {  	v23 =	vld [tilespmem:s0+$0x8880];
	_ =	sdelay $0x1  }
0x183: {  	v24 =	vld [tilespmem:s0+$0x8900]  }
0x184: {  	v20 =	vperm.xlane v54, v5;
	v21 =	vperm.xlane v54, v6  }
0x185: {  	v25 =	vld [tilespmem:s0+$0x8980];
	v19 =	vperm.xlane v54, v7  }
0x186: {  	v26 =	vmul.f32 v22, v20;
	v23 =	vmul.f32 v23, v21  }
0x187: {  	v27 =	vld [tilespmem:s0+$0x8A00]  }
0x188: {  	v22 =	vperm.xlane v54, v4;
	v24 =	vmul.f32 v24, v19;
	v26 =	vadd.f32 v23, v26  }
0x189: {  	v28 =	vld [tilespmem:s0+$0x8A80]  }
0x18a: {  	v23 =	vperm.xlane v54, v8;
	v25 =	vmul.f32 v25, v22;
	v26 =	vadd.f32 v24, v26  }
0x18b: {  	v29 =	vld [tilespmem:s0+$0x8B00]  }
0x18c: {  	v24 =	vperm.xlane v54, v9;
	v27 =	vmul.f32 v27, v23;
	v26 =	vadd.f32 v25, v26  }
0x18d: {  	v30 =	vld [tilespmem:s0+$0x8B80]  }
0x18e: {  	v25 =	vperm.xlane v54, v10;
	v28 =	vmul.f32 v28, v24;
	v27 =	vadd.f32 v27, v26  }
0x18f: {  	v31 =	vld [tilespmem:s0+$0xA800]  }
0x190: {  	v26 =	vperm.xlane v54, v3;
	v29 =	vmul.f32 v29, v25;
	v28 =	vadd.f32 v28, v27  }
0x191: {  	v55 =	vld [tilespmem:s0+$0xA880]  }
0x192: {  	v27 =	vperm.xlane v54, v11;
	v30 =	vmul.f32 v30, v26;
	v29 =	vadd.f32 v29, v28  }
0x193: {  	v56 =	vld [tilespmem:s0+$0xA900]  }
0x194: {  	v28 =	vperm.xlane v54, v12;
	v31 =	vmul.f32 v31, v27;
	v30 =	vadd.f32 v30, v29  }
0x195: {  	v57 =	vld [tilespmem:s0+$0xA980]  }
0x196: {  	v29 =	vperm.xlane v54, v13;
	v32 =	vmul.f32 v55, v28;
	v31 =	vadd.f32 v31, v30  }
0x197: {  	v58 =	vld [tilespmem:s0+$0xAA00]  }
0x198: {  	v30 =	vperm.xlane v54, v14;
	v33 =	vmul.f32 v56, v29;
	v32 =	vadd.f32 v32, v31  }
0x199: {  	v59 =	vld [tilespmem:s0+$0xAA80]  }
0x19a: {  	v31 =	vperm.xlane v54, v15;
	v35 =	vmul.f32 v57, v30;
	v33 =	vadd.f32 v33, v32  }
0x19b: {  	v60 =	vld [tilespmem:s0+$0xAB00]  }
0x19c: {  	v32 =	vperm.xlane v54, v16;
	v36 =	vmul.f32 v58, v31;
	v35 =	vadd.f32 v35, v33  }
0x19d: {  	v39 =	vld [tilespmem:s0+$0xAB80]  }
0x19e: {  	v33 =	vperm.xlane v54, v17;
	v61 =	vmul.f32 v59, v32;
	v35 =	vadd.f32 v36, v35;
	_ =	sdelay $0x1  }
0x19f: {  	v34 =	vperm.xlane v54, v18;
	v62 =	vmul.f32 v60, v33;
	v35 =	vadd.f32 v61, v35;
	_ =	sdelay $0x1  }
0x1a0: {  	v63 =	vmul.f32 v39, v34;
	v35 =	vadd.f32 v62, v35;
	_ =	sdelay $0x1  }
0x1a1: {  	s18 =	simm.s32 $0x10;
	s14 =	simm.s32 $0x80;
	v35 =	vadd.f32 v63, v35  }
0x1a2: {  	s31 =	sand.u32 $0x1C00, s14;
	s1 =	sand.u32 $0x70, s18;
	s0 =	simm.s32 $0x10800  }
0x1a3: {  	s15 =	simm.s32 $0x20;
	s1 =	sor.u32 s1, s31;
	[tilespmem:s0+$0x0] =	vst v35  }
.LBB2_7:
0x1a4: {  	p0 =	sne.s32 s15, $0x3F0;
	v35 =	vld [tilespmem:s1+$0x8800]  }
0x1a5: {  	v36 =	vld [tilespmem:s1+$0x8880];
	_ =	sdelay $0x1  }
0x1a6: {  	v37 =	vld [tilespmem:s1+$0x8900];
	_ =	sdelay $0x1  }
0x1a7: {  	v38 =	vld [tilespmem:s1+$0x8980]  }
0x1a8: {  	v35 =	vmul.f32 v35, v20;
	v36 =	vmul.f32 v36, v21  }
0x1a9: {  	v39 =	vld [tilespmem:s1+$0x8A00]  }
0x1aa: {  	v35 =	vadd.f32 v36, v35;
	v36 =	vmul.f32 v37, v19  }
0x1ab: {  	v37 =	vld [tilespmem:s1+$0x8A80]  }
0x1ac: {  	v35 =	vadd.f32 v36, v35;
	v36 =	vmul.f32 v38, v22  }
0x1ad: {  	v38 =	vld [tilespmem:s1+$0x8B00]  }
0x1ae: {  	v35 =	vadd.f32 v36, v35;
	v36 =	vmul.f32 v39, v23  }
0x1af: {  	v39 =	vld [tilespmem:s1+$0x8B80]  }
0x1b0: {  	v35 =	vadd.f32 v36, v35;
	v36 =	vmul.f32 v37, v24  }
0x1b1: {  	v37 =	vld [tilespmem:s1+$0xA800]  }
0x1b2: {  	v35 =	vadd.f32 v36, v35;
	v36 =	vmul.f32 v38, v25  }
0x1b3: {  	v38 =	vld [tilespmem:s1+$0xA880]  }
0x1b4: {  	v35 =	vadd.f32 v36, v35;
	v36 =	vmul.f32 v39, v26  }
0x1b5: {  	v39 =	vld [tilespmem:s1+$0xA900]  }
0x1b6: {  	v35 =	vadd.f32 v36, v35;
	v36 =	vmul.f32 v37, v27  }
0x1b7: {  	v37 =	vld [tilespmem:s1+$0xA980]  }
0x1b8: {  	v35 =	vadd.f32 v36, v35;
	v36 =	vmul.f32 v38, v28  }
0x1b9: {  	v38 =	vld [tilespmem:s1+$0xAA00]  }
0x1ba: {  	v35 =	vadd.f32 v36, v35;
	v36 =	vmul.f32 v39, v29  }
0x1bb: {  	v39 =	vld [tilespmem:s1+$0xAA80]  }
0x1bc: {  	v35 =	vadd.f32 v36, v35;
	v36 =	vmul.f32 v37, v30  }
0x1bd: {  	v37 =	vld [tilespmem:s1+$0xAB00]  }
0x1be: {  	v35 =	vadd.f32 v36, v35;
	v36 =	vmul.f32 v38, v31  }
0x1bf: {  	v38 =	vld [tilespmem:s1+$0xAB80]  }
0x1c0: {  	v35 =	vadd.f32 v36, v35;
	v36 =	vmul.f32 v39, v32;
	_ =	sdelay $0x1  }
0x1c1: {  	v35 =	vadd.f32 v36, v35;
	v36 =	vmul.f32 v37, v33;
	_ =	sdelay $0x1  }
.Ltmp2:
0x1c2: {  	v35 =	vadd.f32 v36, v35;
	v36 =	vmul.f32 v38, v34;
	(pc) =	sbr.rel @p0 .LBB2_7-.Ltmp2, $4  }
0x1c3: {  	_ = 	snop  }
0x1c4: {  	s14 =	sadd.s32 $0x80, s14;
	v35 =	vadd.f32 v36, v35  }
0x1c5: {  	s0 =	sadd.s32 $0x10, s0;
	s16 =	sand.u32 $0x1C00, s14;
	s1 =	sand.u32 $0x70, s15  }
0x1c6: {  	s15 =	sadd.s32 $0x10, s15;
	s1 =	sor.u32 s1, s16;
	[tilespmem:s0+$0x0] =	vst v35  }
0x1c7: {  	v35 =	vld [tilespmem:s1+$0x8800]  }
0x1c8: {  	v36 =	vld [tilespmem:s1+$0x8880];
	_ =	sdelay $0x1  }
0x1c9: {  	v37 =	vld [tilespmem:s1+$0x8900];
	_ =	sdelay $0x1  }
0x1ca: {  	v38 =	vld [tilespmem:s1+$0x8980]  }
0x1cb: {  	v20 =	vmul.f32 v35, v20;
	v21 =	vmul.f32 v36, v21  }
0x1cc: {  	v53 =	vld [tilespmem:s1+$0x8A00]  }
0x1cd: {  	v19 =	vmul.f32 v37, v19;
	v20 =	vadd.f32 v21, v20  }
0x1ce: {  	v21 =	vld [tilespmem:s1+$0x8A80]  }
0x1cf: {  	v19 =	vadd.f32 v19, v20;
	v20 =	vmul.f32 v38, v22  }
0x1d0: {  	v22 =	vld [tilespmem:s1+$0x8B00]  }
0x1d1: {  	v19 =	vadd.f32 v20, v19;
	v20 =	vmul.f32 v53, v23  }
0x1d2: {  	v23 =	vld [tilespmem:s1+$0x8B80]  }
0x1d3: {  	v19 =	vadd.f32 v20, v19;
	v20 =	vmul.f32 v21, v24  }
0x1d4: {  	v21 =	vld [tilespmem:s1+$0xA800]  }
0x1d5: {  	v19 =	vadd.f32 v20, v19;
	v20 =	vmul.f32 v22, v25  }
0x1d6: {  	v22 =	vld [tilespmem:s1+$0xA880]  }
0x1d7: {  	v19 =	vadd.f32 v20, v19;
	v20 =	vmul.f32 v23, v26  }
0x1d8: {  	v23 =	vld [tilespmem:s1+$0xA900]  }
0x1d9: {  	v19 =	vadd.f32 v20, v19;
	v20 =	vmul.f32 v21, v27  }
0x1da: {  	v21 =	vld [tilespmem:s1+$0xA980]  }
0x1db: {  	v19 =	vadd.f32 v20, v19;
	v20 =	vmul.f32 v22, v28  }
0x1dc: {  	v22 =	vld [tilespmem:s1+$0xAA00]  }
0x1dd: {  	v19 =	vadd.f32 v20, v19;
	v20 =	vmul.f32 v23, v29  }
0x1de: {  	v23 =	vld [tilespmem:s1+$0xAA80]  }
0x1df: {  	v19 =	vadd.f32 v20, v19;
	v20 =	vmul.f32 v21, v30  }
0x1e0: {  	v21 =	vld [tilespmem:s1+$0xAB00]  }
0x1e1: {  	v19 =	vadd.f32 v20, v19;
	v20 =	vmul.f32 v22, v31  }
0x1e2: {  	v22 =	vld [tilespmem:s1+$0xAB80]  }
0x1e3: {  	v19 =	vadd.f32 v20, v19;
	v20 =	vmul.f32 v23, v32;
	_ =	sdelay $0x1  }
0x1e4: {  	v19 =	vadd.f32 v20, v19;
	v20 =	vmul.f32 v21, v33;
	_ =	sdelay $0x1  }
0x1e5: {  	s31 =	sshll.u32 s7, $0x1;
	v19 =	vadd.f32 v20, v19;
	v20 =	vmul.f32 v22, v34  }
0x1e6: {  	s1 =	sadd.s32 s5, s31  }
0x1e7: {  	s3 =	sand.u32 $0x60, s3;
	s1 =	sshll.u32 s1, $0x7;
	v19 =	vadd.f32 v20, v19  }
0x1e8: {  	s14 =	sadd.s32 $0x10, s0;
	s3 =	sadd.s32 s2, s3;
	s0 =	sand.u32 $0xFFFFC00, s1  }
0x1e9: {  	s1 =	simm.s32 $0x10800;
	s3 =	sadd.s32 s0, s3;
	[tilespmem:s14+$0x0] =	vst v19  }
0x1ea: {  	[hbm4b:s3+s29] =	stream.strided.scatter [tilespmem:s1], [sflag:$0x3], $0x400, s13, s29, $0x38;
	[tilespmem:$0x10C00] =	vst v63  }
0x1eb: {  	s15 =	sshllo.u32 s7, $0x1;
	s16 =	simm.s32 $0x0;
	_ =	swait.ge [sflag:s12], $0x400  }
0x1ec: {  	s7 =	sand.u32 $0x1C00, s16;
	s3 =	sshll.u32 s15, $0x4;
	[sflag:s12] =	ssyncset.done $0x0  }
0x1ed: {  	s15 =	sand.u32 $0x70, s16;
	s17 =	sand.u32 $0x3FFFFFF0, s3;
	[sflag:s12] =	ssyncadd.s32 $0xFFFFFC00  }
0x1ee: {  	s7 =	sor.u32 s15, s7;
	v54 =	vld [tilespmem:s17+$0x400]  }
0x1ef: {  	v22 =	vld [tilespmem:s7+$0xC800]  }
0x1f0: {  	v23 =	vld [tilespmem:s7+$0xC880];
	_ =	sdelay $0x1  }
0x1f1: {  	v24 =	vld [tilespmem:s7+$0xC900]  }
0x1f2: {  	v20 =	vperm.xlane v54, v5;
	v21 =	vperm.xlane v54, v6  }
0x1f3: {  	v25 =	vld [tilespmem:s7+$0xC980];
	v19 =	vperm.xlane v54, v7  }
0x1f4: {  	v26 =	vmul.f32 v22, v20;
	v23 =	vmul.f32 v23, v21  }
0x1f5: {  	v27 =	vld [tilespmem:s7+$0xCA00]  }
0x1f6: {  	v22 =	vperm.xlane v54, v4;
	v24 =	vmul.f32 v24, v19;
	v26 =	vadd.f32 v23, v26  }
0x1f7: {  	v28 =	vld [tilespmem:s7+$0xCA80]  }
0x1f8: {  	v23 =	vperm.xlane v54, v8;
	v25 =	vmul.f32 v25, v22;
	v26 =	vadd.f32 v24, v26  }
0x1f9: {  	v29 =	vld [tilespmem:s7+$0xCB00]  }
0x1fa: {  	v24 =	vperm.xlane v54, v9;
	v27 =	vmul.f32 v27, v23;
	v26 =	vadd.f32 v25, v26  }
0x1fb: {  	v30 =	vld [tilespmem:s7+$0xCB80]  }
0x1fc: {  	v25 =	vperm.xlane v54, v10;
	v28 =	vmul.f32 v28, v24;
	v27 =	vadd.f32 v27, v26  }
0x1fd: {  	v31 =	vld [tilespmem:s7+$0xE800]  }
0x1fe: {  	v26 =	vperm.xlane v54, v3;
	v29 =	vmul.f32 v29, v25;
	v28 =	vadd.f32 v28, v27  }
0x1ff: {  	v55 =	vld [tilespmem:s7+$0xE880]  }
0x200: {  	v27 =	vperm.xlane v54, v11;
	v30 =	vmul.f32 v30, v26;
	v29 =	vadd.f32 v29, v28  }
0x201: {  	v56 =	vld [tilespmem:s7+$0xE900]  }
0x202: {  	v28 =	vperm.xlane v54, v12;
	v31 =	vmul.f32 v31, v27;
	v30 =	vadd.f32 v30, v29  }
0x203: {  	v57 =	vld [tilespmem:s7+$0xE980]  }
0x204: {  	v29 =	vperm.xlane v54, v13;
	v32 =	vmul.f32 v55, v28;
	v31 =	vadd.f32 v31, v30  }
0x205: {  	v58 =	vld [tilespmem:s7+$0xEA00]  }
0x206: {  	v30 =	vperm.xlane v54, v14;
	v33 =	vmul.f32 v56, v29;
	v32 =	vadd.f32 v32, v31  }
0x207: {  	v59 =	vld [tilespmem:s7+$0xEA80]  }
0x208: {  	v31 =	vperm.xlane v54, v15;
	v35 =	vmul.f32 v57, v30;
	v33 =	vadd.f32 v33, v32  }
0x209: {  	v60 =	vld [tilespmem:s7+$0xEB00]  }
0x20a: {  	v32 =	vperm.xlane v54, v16;
	v36 =	vmul.f32 v58, v31;
	v35 =	vadd.f32 v35, v33  }
0x20b: {  	v39 =	vld [tilespmem:s7+$0xEB80]  }
0x20c: {  	v33 =	vperm.xlane v54, v17;
	v61 =	vmul.f32 v59, v32;
	v35 =	vadd.f32 v36, v35;
	_ =	sdelay $0x1  }
0x20d: {  	v34 =	vperm.xlane v54, v18;
	v62 =	vmul.f32 v60, v33;
	v35 =	vadd.f32 v61, v35;
	_ =	sdelay $0x1  }
0x20e: {  	v63 =	vmul.f32 v39, v34;
	v35 =	vadd.f32 v62, v35;
	_ =	sdelay $0x1  }
0x20f: {  	s18 =	simm.s32 $0x10;
	s14 =	simm.s32 $0x80;
	v35 =	vadd.f32 v63, v35  }
0x210: {  	s31 =	sand.u32 $0x1C00, s14;
	s7 =	sand.u32 $0x70, s18  }
0x211: {  	s15 =	simm.s32 $0x20;
	s7 =	sor.u32 s7, s31;
	[tilespmem:s1+$0x0] =	vst v35  }
.LBB2_9:
0x212: {  	p0 =	sne.s32 s15, $0x3F0;
	v35 =	vld [tilespmem:s7+$0xC800]  }
0x213: {  	v36 =	vld [tilespmem:s7+$0xC880];
	_ =	sdelay $0x1  }
0x214: {  	v37 =	vld [tilespmem:s7+$0xC900];
	_ =	sdelay $0x1  }
0x215: {  	v38 =	vld [tilespmem:s7+$0xC980]  }
0x216: {  	v35 =	vmul.f32 v35, v20;
	v36 =	vmul.f32 v36, v21  }
0x217: {  	v39 =	vld [tilespmem:s7+$0xCA00]  }
0x218: {  	v35 =	vadd.f32 v36, v35;
	v36 =	vmul.f32 v37, v19  }
0x219: {  	v37 =	vld [tilespmem:s7+$0xCA80]  }
0x21a: {  	v35 =	vadd.f32 v36, v35;
	v36 =	vmul.f32 v38, v22  }
0x21b: {  	v38 =	vld [tilespmem:s7+$0xCB00]  }
0x21c: {  	v35 =	vadd.f32 v36, v35;
	v36 =	vmul.f32 v39, v23  }
0x21d: {  	v39 =	vld [tilespmem:s7+$0xCB80]  }
0x21e: {  	v35 =	vadd.f32 v36, v35;
	v36 =	vmul.f32 v37, v24  }
0x21f: {  	v37 =	vld [tilespmem:s7+$0xE800]  }
0x220: {  	v35 =	vadd.f32 v36, v35;
	v36 =	vmul.f32 v38, v25  }
0x221: {  	v38 =	vld [tilespmem:s7+$0xE880]  }
0x222: {  	v35 =	vadd.f32 v36, v35;
	v36 =	vmul.f32 v39, v26  }
0x223: {  	v39 =	vld [tilespmem:s7+$0xE900]  }
0x224: {  	v35 =	vadd.f32 v36, v35;
	v36 =	vmul.f32 v37, v27  }
0x225: {  	v37 =	vld [tilespmem:s7+$0xE980]  }
0x226: {  	v35 =	vadd.f32 v36, v35;
	v36 =	vmul.f32 v38, v28  }
0x227: {  	v38 =	vld [tilespmem:s7+$0xEA00]  }
0x228: {  	v35 =	vadd.f32 v36, v35;
	v36 =	vmul.f32 v39, v29  }
0x229: {  	v39 =	vld [tilespmem:s7+$0xEA80]  }
0x22a: {  	v35 =	vadd.f32 v36, v35;
	v36 =	vmul.f32 v37, v30  }
0x22b: {  	v37 =	vld [tilespmem:s7+$0xEB00]  }
0x22c: {  	v35 =	vadd.f32 v36, v35;
	v36 =	vmul.f32 v38, v31  }
0x22d: {  	v38 =	vld [tilespmem:s7+$0xEB80]  }
0x22e: {  	v35 =	vadd.f32 v36, v35;
	v36 =	vmul.f32 v39, v32;
	_ =	sdelay $0x1  }
0x22f: {  	v35 =	vadd.f32 v36, v35;
	v36 =	vmul.f32 v37, v33;
	_ =	sdelay $0x1  }
.Ltmp3:
0x230: {  	v35 =	vadd.f32 v36, v35;
	v36 =	vmul.f32 v38, v34;
	(pc) =	sbr.rel @p0 .LBB2_9-.Ltmp3, $4  }
0x231: {  	_ = 	snop  }
0x232: {  	s14 =	sadd.s32 $0x80, s14;
	v35 =	vadd.f32 v36, v35  }
0x233: {  	s1 =	sadd.s32 $0x10, s1;
	s16 =	sand.u32 $0x1C00, s14;
	s7 =	sand.u32 $0x70, s15  }
0x234: {  	s15 =	sadd.s32 $0x10, s15;
	s7 =	sor.u32 s7, s16;
	[tilespmem:s1+$0x0] =	vst v35  }
0x235: {  	v35 =	vld [tilespmem:s7+$0xC800]  }
0x236: {  	v36 =	vld [tilespmem:s7+$0xC880];
	_ =	sdelay $0x1  }
0x237: {  	v37 =	vld [tilespmem:s7+$0xC900];
	_ =	sdelay $0x1  }
0x238: {  	v38 =	vld [tilespmem:s7+$0xC980]  }
0x239: {  	v20 =	vmul.f32 v35, v20;
	v21 =	vmul.f32 v36, v21  }
0x23a: {  	v52 =	vld [tilespmem:s7+$0xCA00]  }
0x23b: {  	v19 =	vmul.f32 v37, v19;
	v20 =	vadd.f32 v21, v20  }
0x23c: {  	v53 =	vld [tilespmem:s7+$0xCA80]  }
0x23d: {  	v19 =	vadd.f32 v19, v20;
	v20 =	vmul.f32 v38, v22  }
0x23e: {  	v54 =	vld [tilespmem:s7+$0xCB00]  }
0x23f: {  	v19 =	vadd.f32 v20, v19;
	v20 =	vmul.f32 v52, v23  }
0x240: {  	v55 =	vld [tilespmem:s7+$0xCB80]  }
0x241: {  	v19 =	vadd.f32 v20, v19;
	v20 =	vmul.f32 v53, v24  }
0x242: {  	v56 =	vld [tilespmem:s7+$0xE800]  }
0x243: {  	v19 =	vadd.f32 v20, v19;
	v20 =	vmul.f32 v54, v25  }
0x244: {  	v57 =	vld [tilespmem:s7+$0xE880]  }
0x245: {  	v19 =	vadd.f32 v20, v19;
	v20 =	vmul.f32 v55, v26  }
0x246: {  	v58 =	vld [tilespmem:s7+$0xE900]  }
0x247: {  	v19 =	vadd.f32 v20, v19;
	v20 =	vmul.f32 v56, v27  }
0x248: {  	v59 =	vld [tilespmem:s7+$0xE980]  }
0x249: {  	v19 =	vadd.f32 v20, v19;
	v20 =	vmul.f32 v57, v28  }
0x24a: {  	v60 =	vld [tilespmem:s7+$0xEA00]  }
0x24b: {  	v19 =	vadd.f32 v20, v19;
	v20 =	vmul.f32 v58, v29  }
0x24c: {  	v61 =	vld [tilespmem:s7+$0xEA80]  }
0x24d: {  	v19 =	vadd.f32 v20, v19;
	v20 =	vmul.f32 v59, v30  }
0x24e: {  	v62 =	vld [tilespmem:s7+$0xEB00]  }
0x24f: {  	v19 =	vadd.f32 v20, v19;
	v20 =	vmul.f32 v60, v31  }
0x250: {  	v63 =	vld [tilespmem:s7+$0xEB80]  }
0x251: {  	v19 =	vadd.f32 v20, v19;
	v20 =	vmul.f32 v61, v32;
	_ =	sdelay $0x1  }
0x252: {  	v19 =	vadd.f32 v20, v19;
	v20 =	vmul.f32 v62, v33;
	_ =	sdelay $0x1  }
0x253: {  	v19 =	vadd.f32 v20, v19;
	v20 =	vmul.f32 v63, v34;
	_ =	sdelay $0x1  }
0x254: {  	s3 =	sand.u32 $0x70, s3;
	s11 =	sadd.s32 $0x1, s11;
	v19 =	vadd.f32 v20, v19  }
0x255: {  	s1 =	sadd.s32 $0x10, s1;
	s3 =	sadd.s32 s2, s3;
	p0 =	sne.s32 s11, $0x10  }
.Ltmp4:
0x256: {  	s0 =	sadd.s32 s0, s3;
	[tilespmem:s1+$0x0] =	vst v19;
	(pc) =	sbr.rel @p0 .LBB2_2-.Ltmp4, $4  }
0x257: {  	[hbm4b:s0+s29] =	stream.strided.scatter [tilespmem:s30], [sflag:$0x3], $0x400, s13, s29, $0x38;
	[tilespmem:$0x10C00] =	vst v63  }
0x258: {  	_ =	swait.ge [sflag:s12], $0x400  }
0x259: {  	[sflag:s12] =	ssyncset.done $0x0  }
0x25a: {  	[sflag:s12] =	ssyncadd.s32 $0xFFFFFC00  }
0x25b: {  	s1 =	rddreg [dreg:$0x6]  }
0x25c: {  	s0 =	rddreg [dreg:$0x5];
	s1 =	sadd.s32 $0x1, s1  }
0x25d: {  	p0 =	sne.s32 s1, s0  }
.Ltmp5:
0x25e: {  	_ = 	snop;
	(pc) =	sbr.rel @p0 .LBB2_1-.Ltmp5, $1  }
0x25f: {  	_ =	sdelay $0x3  }
0x260: {  	_ =	sfence.sel $0x180000  }
0x261: {  	[bflag:$0x0] =	sbarrier.arrive $0xFFFF  }
0x262: {  	_ =	strace $0x9000004A  }
0x263: {  	s0 =	stileid.u32;
	[bflag:$0x2] =	sbarrier.arrive $0xFFFF  }
0x264: {  	p0 =	sne.s32 s0, $0x0;
	s0 =	rddreg [dreg:$0x2]  }
0x265: {  	s0 =	sadd.s32 @!p0 $0x100000, s0  }
0x266: {  	[sflag:s0] =	ssyncadd.tile.s32 @!p0 $0x1;
	_ =	shalt  }
.Lfunc_end2:
_tile_overlayer_lowered:
.L_overlay_start_2:
0x267: {  	(tag) =	ssettag $0x2  }
0x268: {  	s0 =	rddreg [dreg:$0x0];
	s2 =	stileid.u32  }
0x269: {  	s1 =	rddreg [dreg:$0x1];
	p0 =	sne.s32 s2, $0x0  }
0x26a: {  	s3 =	rddreg [dreg:$0x2];
	[bflag:$0x3] =	sbarrier.arrive $0xFFFF;
	s2 =	simm.s32 @!p0 $0x1C03  }
0x26b: {  	[timem:s3], [sflag:s2] =	dma.local @!p0 [hbm:s0], s1  }
0x26c: {  	s0 =	simm.s32 @!p0 $0x3  }
0x26d: {  	_ =	swait.ge @!p0 [sflag:s0], s1  }
0x26e: {  	s1 =	ssub.s32 @!p0 $0x0, s1;
	[sflag:s0] =	ssyncset.done @!p0 $0x0  }
0x26f: {  	[sflag:s0] =	ssyncadd.s32 @!p0 s1  }
0x270: {  	[bflag:$0x3] =	sbarrier.arrive $0xFFFF  }
0x271: {  	_ =	shalt  }

// kernel: kernel.9.cloned.1.call-start
scs
__scs_entry_jumppad:
0x0: {  	(pc) =	sbr.rel $0x88, $3  }
0x1: {  	(tag) =	ssettag $0x0;
	lr =	simm.s32 $0x1  }
0x2: {  	[smem:$0x3F99] =	sst lr;
	_ =	strace $0xD0000000  }
0x3: {  	_ = 	snop  }
0x4: {  	_ = 	snop  }
0x5: {  	_ = 	snop  }
0x6: {  	_ = 	snop  }
0x7: {  	_ = 	snop  }
__scs_overlays_trampoline_lowered:
0x8: {  	[smem:$0x3FA8] =	sst s0  }
0x9: {  	[smem:$0x3FA9] =	sst s1  }
0xa: {  	[smem:$0x3FAA] =	sst s2  }
0xb: {  	[smem:$0x3FAB] =	sst s3  }
0xc: {  	[smem:$0x3FAC] =	sst s4  }
0xd: {  	[smem:$0x3FAD] =	sst s5  }
0xe: {  	[smem:$0x3FAE] =	sst s6  }
0xf: {  	[smem:$0x3FAF] =	sst s7  }
0x10: {  	[smem:$0x3FB0] =	sst s8  }
0x11: {  	[smem:$0x3FB1] =	sst s9;
	s0 =	simm.s32 @!p0 $0x0  }
0x12: {  	s1 =	sld [smem:$0x3F97];
	s0 =	simm.s32 @p0 $0x1  }
0x13: {  	[smem:$0x3FB2] =	sst s0;
	s0 =	simm.s32 @!p1 $0x0  }
0x14: {  	s2 =	sld [smem:$0x3F96];
	s0 =	simm.s32 @p1 $0x1  }
0x15: {  	[smem:$0x3FB3] =	sst s0;
	s0 =	simm.s32 @!p2 $0x0  }
0x16: {  	s3 =	sld [smem:$0x3FDB];
	s0 =	simm.s32 @p2 $0x1  }
0x17: {  	s4 =	simm.s32 $0x1BF5;
	[smem:$0x3FB5] =	sst s0  }
0x18: {  	s0 =	sld [smem:$0x3F98];
	_ =	swait.ge [sflag:s4], $0x0  }
0x19: {  	s7 =	sld [smem:$0x3F99]  }
0x1a: {  	s8 =	sadd.s32 $0xFFFFE003, lr  }
0x1b: {  	s9 =	sadd.s32 $0xFFFFFEF7, lr;
	s5 =	simm.s32 $0xFFFFFFFF;
	p2 =	slt.u32 s8, $0xFFFFF086  }
0x1c: {  	p1 =	slt.u32 s9, $0xF7A;
	s5 =	simm.s32 @!p2 $0x0  }
0x1d: {  	s5 =	simm.s32 @p1 $0x1;
	p0 =	seq.s32 s7, s2  }
0x1e: {  	s7 =	smul.u32 @!p0 $0xF7A, s2;
	p2 =	seq.s32 @!p0 s5, $0x0  }
0x1f: {  	s9 =	smul.u32 $0xF7A, s1;
	s8 =	simm.s32 @!p0 $0x1BF5;
	p2 =	por !p2, p0  }
0x20: {  	[sflag:s8] =	ssyncset.s32 @!p0 $0xFFFFF086;
	s6 =	sadd.s32 @!p0 s3, s7;
	s7 =	simm.s32 @!p0 $0x108  }
0x21: {  	s3 =	sadd.s32 s3, s9;
	s6 =	sadd.s32 @!p0 $0x88, s6;
	s7 =	simm.s32 @p2 $0x1082  }
0x22: {  	[simem:s7], [sflag:s8] =	dma.local @!p0 [hbm:s6], $0xF7A  }
0x23: {  	s9 =	sor.u32 $0xD0000000, s2;
	s6 =	simm.s32 $0x108;
	_ =	swait.ge @!p0 [sflag:s8], $0x0  }
0x24: {  	s3 =	sadd.s32 $0x88, s3;
	s6 =	simm.s32 @!p1 $0x1082;
	[sflag:s4] =	ssyncset.s32 $0xFFFFF086  }
0x25: {  	[simem:s6], [sflag:s4] =	dma.local [hbm:s3], $0xF7A  }
0x26: {  	[smem:$0x3F99] =	sst s1;
	(tag) =	ssettag s2;
	_ =	strace s9  }
0x27: {  	s1 =	sld [smem:$0x3FA9]  }
0x28: {  	s2 =	sld [smem:$0x3FAA]  }
0x29: {  	s4 =	sld [smem:$0x3FAC]  }
0x2a: {  	p0 =	seq.s32 s5, $0x0;
	s5 =	sld [smem:$0x3FAD]  }
0x2b: {  	s6 =	sld [smem:$0x3FAE]  }
0x2c: {  	s7 =	sld [smem:$0x3FAF]  }
0x2d: {  	s3 =	simm.s32 $0x108;
	s8 =	sld [smem:$0x3FB0]  }
0x2e: {  	s3 =	simm.s32 @!p0 $0x1082;
	s9 =	sld [smem:$0x3FB1]  }
0x2f: {  	lr =	sadd.s32 s0, s3;
	s0 =	sld [smem:$0x3FA8]  }
0x30: {  	s3 =	sld [smem:$0x3FAB]  }
0x31: {  	[smem:$0x3FB4] =	sst s10  }
0x32: {  	s10 =	sld [smem:$0x3FB2];
	_ =	sdelay $0x3  }
0x33: {  	p0 =	seq.s32 s10, $0x1;
	s10 =	sld [smem:$0x3FB4];
	_ =	sdelay $0x3  }
0x34: {  	[smem:$0x3FB4] =	sst s10  }
0x35: {  	s10 =	sld [smem:$0x3FB3];
	_ =	sdelay $0x3  }
0x36: {  	p1 =	seq.s32 s10, $0x1;
	s10 =	sld [smem:$0x3FB4];
	_ =	sdelay $0x3  }
0x37: {  	[smem:$0x3FB4] =	sst s10  }
0x38: {  	s10 =	sld [smem:$0x3FB5]  }
0x39: {  	_ = 	snop;
	(pc) =	sbr.ind lr, $3  }
0x3a: {  	_ = 	snop  }
0x3b: {  	_ = 	snop  }
0x3c: {  	p2 =	seq.s32 s10, $0x1;
	s10 =	sld [smem:$0x3FB4]  }
0x3d: {  	_ =	shalt  }
0x3e: {  	_ =	shalt  }
0x3f: {  	_ =	shalt  }
0x40: {  	_ =	shalt  }
0x41: {  	_ =	shalt  }
0x42: {  	_ =	shalt  }
0x43: {  	_ =	shalt  }
0x44: {  	_ =	shalt  }
0x45: {  	_ =	shalt  }
0x46: {  	_ =	shalt  }
0x47: {  	_ =	shalt  }
0x48: {  	_ =	shalt  }
0x49: {  	_ =	shalt  }
0x4a: {  	_ =	shalt  }
0x4b: {  	_ =	shalt  }
0x4c: {  	_ =	shalt  }
0x4d: {  	_ =	shalt  }
0x4e: {  	_ =	shalt  }
0x4f: {  	_ =	shalt  }
0x50: {  	_ =	shalt  }
0x51: {  	_ =	shalt  }
0x52: {  	_ =	shalt  }
0x53: {  	_ =	shalt  }
0x54: {  	_ =	shalt  }
0x55: {  	_ =	shalt  }
0x56: {  	_ =	shalt  }
0x57: {  	_ =	shalt  }
0x58: {  	_ =	shalt  }
0x59: {  	_ =	shalt  }
0x5a: {  	_ =	shalt  }
0x5b: {  	_ =	shalt  }
0x5c: {  	_ =	shalt  }
0x5d: {  	_ =	shalt  }
0x5e: {  	_ =	shalt  }
0x5f: {  	_ =	shalt  }
0x60: {  	_ =	shalt  }
0x61: {  	_ =	shalt  }
0x62: {  	_ =	shalt  }
0x63: {  	_ =	shalt  }
0x64: {  	_ =	shalt  }
0x65: {  	_ =	shalt  }
0x66: {  	_ =	shalt  }
0x67: {  	_ =	shalt  }
0x68: {  	_ =	shalt  }
0x69: {  	_ =	shalt  }
0x6a: {  	_ =	shalt  }
0x6b: {  	_ =	shalt  }
0x6c: {  	_ =	shalt  }
0x6d: {  	_ =	shalt  }
0x6e: {  	_ =	shalt  }
0x6f: {  	_ =	shalt  }
0x70: {  	_ =	shalt  }
0x71: {  	_ =	shalt  }
0x72: {  	_ =	shalt  }
0x73: {  	_ =	shalt  }
0x74: {  	_ =	shalt  }
0x75: {  	_ =	shalt  }
0x76: {  	_ =	shalt  }
0x77: {  	_ =	shalt  }
0x78: {  	_ =	shalt  }
0x79: {  	_ =	shalt  }
0x7a: {  	_ =	shalt  }
0x7b: {  	_ =	shalt  }
0x7c: {  	_ =	shalt  }
0x7d: {  	_ =	shalt  }
0x7e: {  	_ =	shalt  }
0x7f: {  	_ =	shalt  }
0x80: {  	_ =	shalt  }
0x81: {  	_ =	shalt  }
0x82: {  	_ =	shalt  }
0x83: {  	_ =	shalt  }
0x84: {  	_ =	shalt  }
0x85: {  	_ =	shalt  }
0x86: {  	_ =	shalt  }
0x87: {  	_ =	shalt  }
.Lfunc_end0:
.L_simem_size_0:
called_computation_lowered:
.L_overlay_start_0:
0x88: {  	s2 =	sld [smem:$0x3FD9]  }
0x89: {  	s3 =	sld [smem:$0x3FFE];
	_ =	sdelay $0x1  }
0x8a: {  	s1 =	srdreg.scid  }
0x8b: {  	s0 =	sand.u32 $0x1, s1  }
0x8c: {  	s17 =	sshll.u32 s0, $0xA;
	s2 =	sadd.s32 s3, s2  }
0x8d: {  	s2 =	sadd.s32 s2, s17  }
0x8e: {  	[smem:$0x3FC0] =	sst s2  }
0x8f: {  	_ = 	snop  }
0x90: {  	s2 =	sld [smem:$0x3FC7]  }
0x91: {  	s18 =	sld [smem:$0x3FD0];
	(tm) =	ssettm $0x1  }
0x92: {  	s4 =	sld [smem:$0x3FFB];
	_ =	sdelay $0x3  }
0x93: {  	_ =	strace s4  }
0x94: {  	s4 =	sld [smem:$0x3FFC];
	_ =	sdelay $0x3  }
0x95: {  	_ =	strace s4  }
0x96: {  	s4 =	sld [smem:$0x3FFD];
	_ =	sdelay $0x3  }
0x97: {  	_ =	strace s4  }
0x98: {  	_ =	strace $0x8FFFFFFF  }
0x99: {  	s19 =	sld [smem:$0x3FDB];
	_ =	sdelay $0x1  }
0x9a: {  	s5 =	simm.s32 $_scs_section_size  }
0x9b: {  	s6 =	simm.s32 $_size__tile_overlayer_lowered;
	s7 =	simm.s32 $_tile_overlayer_lowered  }
0x9c: {  	s22 =	simm.s32 $0x1BFF;
	s21 =	sshll.u32 s7, $0x1;
	s4 =	sadd.s32 s5, s19  }
0x9d: {  	s8 =	simm.s32 $0x0;
	s20 =	sshll.u32 s6, $0x1;
	s6 =	sadd.s32 s21, s4  }
0x9e: {  	[timem:s8], [sflag:s22] =	dma.local [hbm:s6], s20  }
0x9f: {  	_ =	swait.ge [sflag:s22], s20  }
0xa0: {  	s5 =	ssub.s32 $0x0, s20;
	[sflag:s22] =	ssyncset.done $0x0  }
0xa1: {  	[sflag:s22] =	ssyncadd.s32 s5;
	_ =	sdelay $0x1  }
0xa2: {  	s23 =	simm.s32 $0x1B8B  }
0xa3: {  	_ =	swait.ge [sflag:s23], $0x1  }
0xa4: {  	[sflag:s23] =	ssyncset.done $0x0  }
0xa5: {  	s25 =	simm.s32 $0x1B8E;
	s24 =	sld [smem:$0x3FFE];
	[sflag:s23] =	ssyncadd.s32 $0xFFFFFFFF  }
0xa6: {  	s26 =	simm.s32 $execute0_lowered;
	[smem:$0x3FD2] =	sst s25  }
0xa7: {  	s6 =	sshll.u32 s26, $0x1;
	_ =	strace $0x80000046;
	[dreg:$0x1] =	wrdreg $0xFFFFFFFF  }
0xa8: {  	s28 =	simm.s32 $_size_execute0_lowered;
	s4 =	sadd.s32 s4, s6;
	[dreg:$0x0] =	wrdreg $0x0  }
0xa9: {  	s6 =	sshll.u32 s28, $0x1;
	[dreg:$0x2] =	wrdreg s4  }
0xaa: {  	[dreg:$0x3] =	wrdreg s6  }
0xab: {  	[dreg:$0x4] =	wrdreg $0xC0  }
0xac: {  	_ =	task [dreg:s8], $0x5FFFF  }
0xad: {  	[dreg:$0x1] =	wrdreg $0xFFFFFFFF  }
0xae: {  	[dreg:$0x0] =	wrdreg $0x60  }
0xaf: {  	[dreg:$0x2] =	wrdreg s2  }
0xb0: {  	[dreg:$0x3] =	wrdreg s24  }
0xb1: {  	[dreg:$0x4] =	wrdreg s18  }
0xb2: {  	[dreg:$0x5] =	wrdreg $0x9  }
0xb3: {  	_ =	task.clear_ibuf [dreg:s8], $0x6FFFF;
	_ =	strace $0x90000046  }
0xb4: {  	s29 =	simm.s32 $0x9;
	_ =	strace $0x80000048  }
0xb5: {  	_ =	swait.ge [sflag:s29], $0x1  }
0xb6: {  	[sflag:s29] =	ssyncadd.s32 $0xFFFFFFFF  }
0xb7: {  	_ =	strace $0x90000048  }
0xb8: {  	_ =	sfence  }
0xb9: {  	s30 =	sld [smem:$0x0];
	_ =	sdelay $0x2  }
0xba: {  	s31 =	sshll.u32 s1, $0xD;
	s1 =	sshrl.u32 s1, $0x2  }
0xbb: {  	s3 =	sand.u32 $0x4000, s31;
	s1 =	sadd.s32 s1, s30  }
0xbc: {  	s0 =	sor.u32 s3, s0;
	s1 =	sshll.u32 s1, $0x11  }
0xbd: {  	s0 =	sor.u32 s1, s0  }
0xbe: {  	s0 =	sadd.s32 $0x8F2B, s0  }
0xbf: {  	[sflag:s0] =	ssyncadd.remote.s32 $0x1  }
0xc0: {  	_ =	sfence.sel $0xFFFF  }
0xc1: {  	[dreg:$0x0] =	wrdreg $0xFFFFFFFF;
	(pc) =	sbr.abs _section_cstart, $3  }
0xc2: {  	[dreg:$0x1] =	wrdreg $0xFFFFFFFF  }
0xc3: {  	_ =	task.clear_ibuf [dreg:s8], $0x2FFFF;
	_ =	strace $0x9FFFFFFF  }
0xc4: {  	(tm) =	ssettm $0x7FFFFFFF  }
0xc5: {  	_ =	shalt  }
tec
execute0_lowered:
.L_overlay_start_1:
0x0: {  	(tag) =	ssettag $0x1  }
0x1: {  	s1 =	rddreg [dreg:$0x0]  }
0x2: {  	s0 =	rddreg [dreg:$0x1]  }
0x3: {  	s3 =	rddreg [dreg:$0x2]  }
0x4: {  	s2 =	srdreg.scid;
	s4 =	stileid.u32  }
0x5: {  	s5 =	simm.s32 $0x0;
	s12 =	simm.s32 $0x3;
	s13 =	simm.s32 $0x400  }
0x6: {  	s19 =	simm.s32 $0xC800;
	s20 =	simm.s32 $0xD000;
	s21 =	simm.s32 $0xD800  }
0x7: {  	s22 =	simm.s32 $0xE000;
	s23 =	simm.s32 $0xE800;
	s24 =	simm.s32 $0xF000  }
0x8: {  	s28 =	simm.s32 $0x1;
	s29 =	simm.s32 $0x80;
	s30 =	simm.s32 $0x10800  }
0x9: {  	v2 =	vlaneseq.u32;
	s2 =	sand.u32 $0x1, s2;
	s4 =	sshll.u32 s4, $0x1;
	[smem:$0x7FF] =	sst s5  }
0xa: {  	vm0 =	vmmov $0xffff;
	v3 =	vimm.s32 $0x7;
	v4 =	vimm.s32 $0x3;
	s8 =	sadd.s32 $0x100, s1;
	s9 =	sadd.s32 $0x200, s1;
	s4 =	sor.u32 s2, s4  }
0xb: {  	v5 =	vimm.s32 $0x0;
	v6 =	vimm.s32 $0x1;
	v7 =	vimm.s32 $0x2;
	s10 =	sadd.s32 $0x300, s1;
	s2 =	ssub.s32 $0x2, s2;
	s25 =	sshll.u32 s4, $0x7  }
0xc: {  	v8 =	vimm.s32 $0x4;
	v9 =	vimm.s32 $0x5;
	v10 =	vimm.s32 $0x6;
	_ =	strace $0x80000047;
	s6 =	sshrl.u32 s2, $0x1;
	s0 =	sadd.s32 s25, s0  }
0xd: {  	v11 =	vimm.s32 $0x8;
	v12 =	vimm.s32 $0x9;
	v13 =	vimm.s32 $0xA;
	s5 =	sshll.u32 s4, $0x6;
	s2 =	ssub.s32 s2, s6;
	s26 =	sadd.s32 $0x2C00, s0  }
0xe: {  	v14 =	vimm.s32 $0xB;
	v15 =	vimm.s32 $0xC;
	v16 =	vimm.s32 $0xD;
	s25 =	simm.s32 $0xF800;
	s0 =	sadd.s32 $0x3C00, s0;
	[dreg:$0x4] =	wrdreg s26  }
0xf: {  	v17 =	vimm.s32 $0xE;
	v18 =	vimm.s32 $0xF;
	v1 =	vshrl.u32 v2, $0x3;
	s6 =	simm.s32 $0x2;
	s31 =	smax.u32 s2, $0x1;
	[dreg:$0x5] =	wrdreg s0  }
0x10: {  	v0 =	vand.u32 $0x7, v2;
	v2 =	vor.u32 $0x8, v2;
	v1 =	vmul.u32 $0x8, v1;
	s2 =	simm.s32 $0x0;
	[dreg:$0x6] =	wrdreg s31;
	s26 =	simm.s32 $0x10000  }
.LBB2_1:
0x11: {  	[dreg:$0x7] =	wrdreg s2  }
0x12: {  	s0 =	simm.s32 $0x0;
	s4 =	rddreg [dreg:$0x4]  }
0x13: {  	[tilespmem:s0], [sflag:$0x3] =	stream.linear.gather [hbm4b:s4+s0], $0x400, $0x38;
	[tilespmem:$0x10C00] =	vst v63  }
0x14: {  	_ =	swait.ge [sflag:s12], $0x400  }
0x15: {  	[sflag:s12] =	ssyncset.done $0x0  }
0x16: {  	s7 =	rddreg [dreg:$0x5];
	[sflag:s12] =	ssyncadd.s32 $0xFFFFFC00  }
0x17: {  	[tilespmem:s13], [sflag:$0x3] =	stream.linear.gather [hbm4b:s7+s0], $0x400, $0x38;
	[tilespmem:$0x10C00] =	vst v63  }
0x18: {  	_ =	swait.ge [sflag:s12], $0x400  }
0x19: {  	[sflag:s12] =	ssyncset.done $0x0  }
0x1a: {  	[sflag:s12] =	ssyncadd.s32 $0xFFFFFC00  }
0x1b: {  	v19 =	vld [tilespmem:$0x0];
	_ =	sdelay $0x4  }
0x1c: {  	v20 =	vshll.u32 v19, $0x3  }
0x1d: {  	v19 =	vand.u32 $0x7, v19;
	v20 =	vand.u32 $0xFFFFFFC0, v20  }
0x1e: {  	v19 =	vor.u32 v19, v20  }
0x1f: {  	v20 =	vperm.xlane v19, v0;
	_ =	sdelay $0x1  }
0x20: {  	v20 =	vadd.s32 v1, v20;
	_ =	sdelay $0x3  }
0x21: {  	s11 =	simm.s32 $0x800  }
0x22: {  	[tilespmem:s11], [sflag:$0x1] =	stream.indirect_vreg.gather [hbm4b:s1+s0], $0x80, v20, vm0, $0xb8;
	[tilespmem:$0x10C00] =	vst v63  }
0x23: {  	s14 =	simm.s32 $0x1000;
	v19 =	vperm.xlane v19, v2  }
0x24: {  	[tilespmem:s14], [sflag:$0x1] =	stream.indirect_vreg.gather [hbm4b:s8+s0], $0x80, v20, vm0, $0xb8;
	[tilespmem:$0x10C00] =	vst v63  }
0x25: {  	s15 =	simm.s32 $0x1800;
	v19 =	vadd.s32 v1, v19  }
0x26: {  	[tilespmem:s15], [sflag:$0x1] =	stream.indirect_vreg.gather [hbm4b:s9+s0], $0x80, v20, vm0, $0xb8;
	[tilespmem:$0x10C00] =	vst v63  }
0x27: {  	s16 =	simm.s32 $0x2000  }
0x28: {  	[tilespmem:s16], [sflag:$0x1] =	stream.indirect_vreg.gather [hbm4b:s10+s0], $0x80, v20, vm0, $0xb8;
	[tilespmem:$0x10C00] =	vst v63  }
0x29: {  	s17 =	simm.s32 $0x2800  }
0x2a: {  	[tilespmem:s17], [sflag:$0x1] =	stream.indirect_vreg.gather [hbm4b:s1+s0], $0x80, v19, vm0, $0xb8;
	[tilespmem:$0x10C00] =	vst v63  }
0x2b: {  	s18 =	simm.s32 $0x3000  }
0x2c: {  	[tilespmem:s18], [sflag:$0x1] =	stream.indirect_vreg.gather [hbm4b:s8+s0], $0x80, v19, vm0, $0xb8;
	[tilespmem:$0x10C00] =	vst v63  }
0x2d: {  	s31 =	simm.s32 $0x3800  }
0x2e: {  	[tilespmem:s31], [sflag:$0x1] =	stream.indirect_vreg.gather [hbm4b:s9+s0], $0x80, v19, vm0, $0xb8;
	[tilespmem:$0x10C00] =	vst v63  }
0x2f: {  	s4 =	simm.s32 $0x4000  }
0x30: {  	[tilespmem:s4], [sflag:$0x1] =	stream.indirect_vreg.gather [hbm4b:s10+s0], $0x80, v19, vm0, $0xb8;
	[tilespmem:$0x10C00] =	vst v63  }
0x31: {  	v19 =	vld [tilespmem:$0x10];
	_ =	sdelay $0x4  }
0x32: {  	v20 =	vshll.u32 v19, $0x3  }
0x33: {  	v19 =	vand.u32 $0x7, v19;
	v20 =	vand.u32 $0xFFFFFFC0, v20  }
0x34: {  	v19 =	vor.u32 v19, v20  }
0x35: {  	v20 =	vperm.xlane v19, v0;
	_ =	sdelay $0x1  }
0x36: {  	v20 =	vadd.s32 v1, v20;
	_ =	sdelay $0x3  }
0x37: {  	s7 =	simm.s32 $0x4800  }
0x38: {  	[tilespmem:s7], [sflag:$0x1] =	stream.indirect_vreg.gather [hbm4b:s1+s0], $0x80, v20, vm0, $0xb8;
	[tilespmem:$0x10C00] =	vst v63  }
0x39: {  	s11 =	simm.s32 $0x5000;
	v19 =	vperm.xlane v19, v2  }
0x3a: {  	[tilespmem:s11], [sflag:$0x1] =	stream.indirect_vreg.gather [hbm4b:s8+s0], $0x80, v20, vm0, $0xb8;
	[tilespmem:$0x10C00] =	vst v63  }
0x3b: {  	s14 =	simm.s32 $0x5800;
	v19 =	vadd.s32 v1, v19  }
0x3c: {  	[tilespmem:s14], [sflag:$0x1] =	stream.indirect_vreg.gather [hbm4b:s9+s0], $0x80, v20, vm0, $0xb8;
	[tilespmem:$0x10C00] =	vst v63  }
0x3d: {  	s15 =	simm.s32 $0x6000  }
0x3e: {  	[tilespmem:s15], [sflag:$0x1] =	stream.indirect_vreg.gather [hbm4b:s10+s0], $0x80, v20, vm0, $0xb8;
	[tilespmem:$0x10C00] =	vst v63  }
0x3f: {  	s16 =	simm.s32 $0x6800  }
0x40: {  	[tilespmem:s16], [sflag:$0x1] =	stream.indirect_vreg.gather [hbm4b:s1+s0], $0x80, v19, vm0, $0xb8;
	[tilespmem:$0x10C00] =	vst v63  }
0x41: {  	s17 =	simm.s32 $0x7000  }
0x42: {  	[tilespmem:s17], [sflag:$0x1] =	stream.indirect_vreg.gather [hbm4b:s8+s0], $0x80, v19, vm0, $0xb8;
	[tilespmem:$0x10C00] =	vst v63  }
0x43: {  	s18 =	simm.s32 $0x7800  }
0x44: {  	[tilespmem:s18], [sflag:$0x1] =	stream.indirect_vreg.gather [hbm4b:s9+s0], $0x80, v19, vm0, $0xb8;
	[tilespmem:$0x10C00] =	vst v63  }
0x45: {  	s31 =	simm.s32 $0x8000;
	s11 =	simm.s32 $0x0  }
0x46: {  	[tilespmem:s31], [sflag:$0x1] =	stream.indirect_vreg.gather [hbm4b:s10+s0], $0x80, v19, vm0, $0xb8;
	[tilespmem:$0x10C00] =	vst v63  }
.LBB2_2:
0x47: {  	s7 =	sshllo.u32 s11, $0x1  }
0x48: {  	s4 =	sshll.u32 s7, $0x5  }
0x49: {  	v19 =	vld [tilespmem:s4+$0x0];
	_ =	sdelay $0x4  }
0x4a: {  	v20 =	vshll.u32 v19, $0x3  }
0x4b: {  	v19 =	vand.u32 $0x7, v19;
	v20 =	vand.u32 $0xFFFFFFC0, v20  }
0x4c: {  	v19 =	vor.u32 v19, v20  }
0x4d: {  	v20 =	vperm.xlane v19, v0;
	_ =	sdelay $0x1  }
0x4e: {  	v20 =	vadd.s32 v1, v20;
	_ =	sdelay $0x3  }
0x4f: {  	s0 =	simm.s32 $0x0;
	s2 =	simm.s32 $0x8800  }
0x50: {  	[tilespmem:s2], [sflag:$0x2] =	stream.indirect_vreg.gather [hbm4b:s1+s0], $0x80, v20, vm0, $0xb8;
	[tilespmem:$0x10C00] =	vst v63  }
0x51: {  	s15 =	simm.s32 $0x9000;
	v19 =	vperm.xlane v19, v2  }
0x52: {  	[tilespmem:s15], [sflag:$0x2] =	stream.indirect_vreg.gather [hbm4b:s8+s0], $0x80, v20, vm0, $0xb8;
	[tilespmem:$0x10C00] =	vst v63  }
0x53: {  	s16 =	simm.s32 $0x9800;
	v19 =	vadd.s32 v1, v19  }
0x54: {  	[tilespmem:s16], [sflag:$0x2] =	stream.indirect_vreg.gather [hbm4b:s9+s0], $0x80, v20, vm0, $0xb8;
	[tilespmem:$0x10C00] =	vst v63  }
0x55: {  	s17 =	simm.s32 $0xA000  }
0x56: {  	[tilespmem:s17], [sflag:$0x2] =	stream.indirect_vreg.gather [hbm4b:s10+s0], $0x80, v20, vm0, $0xb8;
	[tilespmem:$0x10C00] =	vst v63  }
0x57: {  	s18 =	simm.s32 $0xA800  }
0x58: {  	[tilespmem:s18], [sflag:$0x2] =	stream.indirect_vreg.gather [hbm4b:s1+s0], $0x80, v19, vm0, $0xb8;
	[tilespmem:$0x10C00] =	vst v63  }
0x59: {  	s14 =	simm.s32 $0xB000  }
0x5a: {  	[tilespmem:s14], [sflag:$0x2] =	stream.indirect_vreg.gather [hbm4b:s8+s0], $0x80, v19, vm0, $0xb8;
	[tilespmem:$0x10C00] =	vst v63  }
0x5b: {  	s15 =	simm.s32 $0xB800  }
0x5c: {  	[tilespmem:s15], [sflag:$0x2] =	stream.indirect_vreg.gather [hbm4b:s9+s0], $0x80, v19, vm0, $0xb8;
	[tilespmem:$0x10C00] =	vst v63  }
0x5d: {  	s16 =	simm.s32 $0xC000  }
0x5e: {  	[tilespmem:s16], [sflag:$0x2] =	stream.indirect_vreg.gather [hbm4b:s10+s0], $0x80, v19, vm0, $0xb8;
	[tilespmem:$0x10C00] =	vst v63  }
0x5f: {  	v19 =	vld [tilespmem:s4+$0x10];
	_ =	sdelay $0x4  }
0x60: {  	v20 =	vshll.u32 v19, $0x3  }
0x61: {  	v19 =	vand.u32 $0x7, v19;
	v20 =	vand.u32 $0xFFFFFFC0, v20  }
0x62: {  	v19 =	vor.u32 v19, v20  }
0x63: {  	v20 =	vperm.xlane v19, v0;
	_ =	sdelay $0x1  }
0x64: {  	v20 =	vadd.s32 v1, v20;
	_ =	sdelay $0x4  }
0x65: {  	[tilespmem:s19], [sflag:$0x2] =	stream.indirect_vreg.gather [hbm4b:s1+s0], $0x80, v20, vm0, $0xb8;
	[tilespmem:$0x10C00] =	vst v63  }
0x66: {  	v19 =	vperm.xlane v19, v2  }
0x67: {  	[tilespmem:s20], [sflag:$0x2] =	stream.indirect_vreg.gather [hbm4b:s8+s0], $0x80, v20, vm0, $0xb8;
	[tilespmem:$0x10C00] =	vst v63  }
0x68: {  	v19 =	vadd.s32 v1, v19  }
0x69: {  	[tilespmem:s21], [sflag:$0x2] =	stream.indirect_vreg.gather [hbm4b:s9+s0], $0x80, v20, vm0, $0xb8;
	[tilespmem:$0x10C00] =	vst v63  }
0x6a: {  	_ = 	snop  }
0x6b: {  	[tilespmem:s22], [sflag:$0x2] =	stream.indirect_vreg.gather [hbm4b:s10+s0], $0x80, v20, vm0, $0xb8;
	[tilespmem:$0x10C00] =	vst v63  }
0x6c: {  	_ = 	snop  }
0x6d: {  	[tilespmem:s23], [sflag:$0x2] =	stream.indirect_vreg.gather [hbm4b:s1+s0], $0x80, v19, vm0, $0xb8;
	[tilespmem:$0x10C00] =	vst v63  }
0x6e: {  	_ = 	snop  }
0x6f: {  	[tilespmem:s24], [sflag:$0x2] =	stream.indirect_vreg.gather [hbm4b:s8+s0], $0x80, v19, vm0, $0xb8;
	[tilespmem:$0x10C00] =	vst v63  }
0x70: {  	_ = 	snop  }
0x71: {  	[tilespmem:s25], [sflag:$0x2] =	stream.indirect_vreg.gather [hbm4b:s9+s0], $0x80, v19, vm0, $0xb8;
	[tilespmem:$0x10C00] =	vst v63  }
0x72: {  	_ = 	snop  }
0x73: {  	[tilespmem:s26], [sflag:$0x2] =	stream.indirect_vreg.gather [hbm4b:s10+s0], $0x80, v19, vm0, $0xb8;
	[tilespmem:$0x10C00] =	vst v63  }
0x74: {  	s31 =	sshll.u32 s11, $0x8;
	_ =	swait.ge [sflag:s28], $0x8000  }
0x75: {  	s17 =	sshrl.u32 s31, $0x2;
	[sflag:s28] =	ssyncset.done $0x0  }
0x76: {  	s14 =	sand.u32 $0x70, s0;
	s0 =	sand.u32 $0x1C00, s0;
	[sflag:s28] =	ssyncadd.s32 $0xFFFF8000  }
0x77: {  	s0 =	sor.u32 s14, s0;
	v34 =	vld [tilespmem:s17+$0x400]  }
0x78: {  	v22 =	vld [tilespmem:s0+$0x800]  }
0x79: {  	v23 =	vld [tilespmem:s0+$0x880];
	_ =	sdelay $0x1  }
0x7a: {  	v24 =	vld [tilespmem:s0+$0x900]  }
0x7b: {  	v20 =	vperm.xlane v34, v5;
	v21 =	vperm.xlane v34, v6  }
0x7c: {  	v25 =	vld [tilespmem:s0+$0x980];
	v19 =	vperm.xlane v34, v7  }
0x7d: {  	v26 =	vmul.f32 v22, v20;
	v23 =	vmul.f32 v23, v21  }
0x7e: {  	v27 =	vld [tilespmem:s0+$0xA00]  }
0x7f: {  	v22 =	vperm.xlane v34, v4;
	v24 =	vmul.f32 v24, v19;
	v26 =	vadd.f32 v23, v26  }
0x80: {  	v28 =	vld [tilespmem:s0+$0xA80]  }
0x81: {  	v23 =	vperm.xlane v34, v8;
	v25 =	vmul.f32 v25, v22;
	v26 =	vadd.f32 v24, v26  }
0x82: {  	v29 =	vld [tilespmem:s0+$0xB00]  }
0x83: {  	v24 =	vperm.xlane v34, v9;
	v27 =	vmul.f32 v27, v23;
	v26 =	vadd.f32 v25, v26  }
0x84: {  	v30 =	vld [tilespmem:s0+$0xB80]  }
0x85: {  	v25 =	vperm.xlane v34, v10;
	v28 =	vmul.f32 v28, v24;
	v27 =	vadd.f32 v27, v26  }
0x86: {  	v31 =	vld [tilespmem:s0+$0x2800]  }
0x87: {  	v26 =	vperm.xlane v34, v3;
	v29 =	vmul.f32 v29, v25;
	v28 =	vadd.f32 v28, v27  }
0x88: {  	v32 =	vld [tilespmem:s0+$0x2880]  }
0x89: {  	v27 =	vperm.xlane v34, v11;
	v30 =	vmul.f32 v30, v26;
	v29 =	vadd.f32 v29, v28  }
0x8a: {  	v33 =	vld [tilespmem:s0+$0x2900]  }
0x8b: {  	v28 =	vperm.xlane v34, v12;
	v31 =	vmul.f32 v31, v27;
	v30 =	vadd.f32 v30, v29  }
0x8c: {  	v35 =	vld [tilespmem:s0+$0x2980]  }
0x8d: {  	v29 =	vperm.xlane v34, v13;
	v32 =	vmul.f32 v32, v28;
	v31 =	vadd.f32 v31, v30  }
0x8e: {  	v36 =	vld [tilespmem:s0+$0x2A00]  }
0x8f: {  	v30 =	vperm.xlane v34, v14;
	v33 =	vmul.f32 v33, v29;
	v32 =	vadd.f32 v32, v31  }
0x90: {  	v37 =	vld [tilespmem:s0+$0x2A80]  }
0x91: {  	v31 =	vperm.xlane v34, v15;
	v35 =	vmul.f32 v35, v30;
	v33 =	vadd.f32 v33, v32  }
0x92: {  	v38 =	vld [tilespmem:s0+$0x2B00]  }
0x93: {  	v32 =	vperm.xlane v34, v16;
	v36 =	vmul.f32 v36, v31;
	v35 =	vadd.f32 v35, v33  }
0x94: {  	v39 =	vld [tilespmem:s0+$0x2B80]  }
0x95: {  	v33 =	vperm.xlane v34, v17;
	v61 =	vmul.f32 v37, v32;
	v35 =	vadd.f32 v36, v35;
	_ =	sdelay $0x1  }
0x96: {  	v34 =	vperm.xlane v34, v18;
	v62 =	vmul.f32 v38, v33;
	v35 =	vadd.f32 v61, v35;
	_ =	sdelay $0x1  }
0x97: {  	v63 =	vmul.f32 v39, v34;
	v35 =	vadd.f32 v62, v35;
	_ =	sdelay $0x1  }
0x98: {  	s18 =	simm.s32 $0x10;
	s14 =	simm.s32 $0x80;
	v35 =	vadd.f32 v63, v35  }
0x99: {  	s2 =	sand.u32 $0x70, s18;
	s15 =	sand.u32 $0x1C00, s14;
	s0 =	simm.s32 $0x10800  }
0x9a: {  	s2 =	sor.u32 s2, s15;
	s15 =	simm.s32 $0x20;
	[tilespmem:s0+$0x0] =	vst v35  }
.LBB2_3:
0x9b: {  	p0 =	sne.s32 s15, $0x3F0;
	v35 =	vld [tilespmem:s2+$0x800]  }
0x9c: {  	v36 =	vld [tilespmem:s2+$0x880];
	_ =	sdelay $0x1  }
0x9d: {  	v37 =	vld [tilespmem:s2+$0x900];
	_ =	sdelay $0x1  }
0x9e: {  	v38 =	vld [tilespmem:s2+$0x980]  }
0x9f: {  	v35 =	vmul.f32 v35, v20;
	v36 =	vmul.f32 v36, v21  }
0xa0: {  	v39 =	vld [tilespmem:s2+$0xA00]  }
0xa1: {  	v35 =	vadd.f32 v36, v35;
	v36 =	vmul.f32 v37, v19  }
0xa2: {  	v37 =	vld [tilespmem:s2+$0xA80]  }
0xa3: {  	v35 =	vadd.f32 v36, v35;
	v36 =	vmul.f32 v38, v22  }
0xa4: {  	v38 =	vld [tilespmem:s2+$0xB00]  }
0xa5: {  	v35 =	vadd.f32 v36, v35;
	v36 =	vmul.f32 v39, v23  }
0xa6: {  	v39 =	vld [tilespmem:s2+$0xB80]  }
0xa7: {  	v35 =	vadd.f32 v36, v35;
	v36 =	vmul.f32 v37, v24  }
0xa8: {  	v37 =	vld [tilespmem:s2+$0x2800]  }
0xa9: {  	v35 =	vadd.f32 v36, v35;
	v36 =	vmul.f32 v38, v25  }
0xaa: {  	v38 =	vld [tilespmem:s2+$0x2880]  }
0xab: {  	v35 =	vadd.f32 v36, v35;
	v36 =	vmul.f32 v39, v26  }
0xac: {  	v39 =	vld [tilespmem:s2+$0x2900]  }
0xad: {  	v35 =	vadd.f32 v36, v35;
	v36 =	vmul.f32 v37, v27  }
0xae: {  	v37 =	vld [tilespmem:s2+$0x2980]  }
0xaf: {  	v35 =	vadd.f32 v36, v35;
	v36 =	vmul.f32 v38, v28  }
0xb0: {  	v38 =	vld [tilespmem:s2+$0x2A00]  }
0xb1: {  	v35 =	vadd.f32 v36, v35;
	v36 =	vmul.f32 v39, v29  }
0xb2: {  	v39 =	vld [tilespmem:s2+$0x2A80]  }
0xb3: {  	v35 =	vadd.f32 v36, v35;
	v36 =	vmul.f32 v37, v30  }
0xb4: {  	v37 =	vld [tilespmem:s2+$0x2B00]  }
0xb5: {  	v35 =	vadd.f32 v36, v35;
	v36 =	vmul.f32 v38, v31  }
0xb6: {  	v38 =	vld [tilespmem:s2+$0x2B80]  }
0xb7: {  	v35 =	vadd.f32 v36, v35;
	v36 =	vmul.f32 v39, v32;
	_ =	sdelay $0x1  }
0xb8: {  	v35 =	vadd.f32 v36, v35;
	v36 =	vmul.f32 v37, v33;
	_ =	sdelay $0x1  }
.Ltmp0:
0xb9: {  	v35 =	vadd.f32 v36, v35;
	v36 =	vmul.f32 v38, v34;
	(pc) =	sbr.rel @p0 .LBB2_3-.Ltmp0, $4  }
0xba: {  	_ = 	snop  }
0xbb: {  	s14 =	sadd.s32 $0x80, s14;
	v35 =	vadd.f32 v36, v35  }
0xbc: {  	s0 =	sadd.s32 $0x10, s0;
	s16 =	sand.u32 $0x1C00, s14;
	s2 =	sand.u32 $0x70, s15  }
0xbd: {  	s15 =	sadd.s32 $0x10, s15;
	s2 =	sor.u32 s2, s16;
	[tilespmem:s0+$0x0] =	vst v35  }
0xbe: {  	v35 =	vld [tilespmem:s2+$0x800]  }
0xbf: {  	v36 =	vld [tilespmem:s2+$0x880];
	_ =	sdelay $0x1  }
0xc0: {  	v37 =	vld [tilespmem:s2+$0x900];
	_ =	sdelay $0x1  }
0xc1: {  	v38 =	vld [tilespmem:s2+$0x980]  }
0xc2: {  	v20 =	vmul.f32 v35, v20;
	v21 =	vmul.f32 v36, v21  }
0xc3: {  	v53 =	vld [tilespmem:s2+$0xA00]  }
0xc4: {  	v19 =	vmul.f32 v37, v19;
	v20 =	vadd.f32 v21, v20  }
0xc5: {  	v21 =	vld [tilespmem:s2+$0xA80]  }
0xc6: {  	v19 =	vadd.f32 v19, v20;
	v20 =	vmul.f32 v38, v22  }
0xc7: {  	v22 =	vld [tilespmem:s2+$0xB00]  }
0xc8: {  	v19 =	vadd.f32 v20, v19;
	v20 =	vmul.f32 v53, v23  }
0xc9: {  	v23 =	vld [tilespmem:s2+$0xB80]  }
0xca: {  	v19 =	vadd.f32 v20, v19;
	v20 =	vmul.f32 v21, v24  }
0xcb: {  	v21 =	vld [tilespmem:s2+$0x2800]  }
0xcc: {  	v19 =	vadd.f32 v20, v19;
	v20 =	vmul.f32 v22, v25  }
0xcd: {  	v22 =	vld [tilespmem:s2+$0x2880]  }
0xce: {  	v19 =	vadd.f32 v20, v19;
	v20 =	vmul.f32 v23, v26  }
0xcf: {  	v23 =	vld [tilespmem:s2+$0x2900]  }
0xd0: {  	v19 =	vadd.f32 v20, v19;
	v20 =	vmul.f32 v21, v27  }
0xd1: {  	v21 =	vld [tilespmem:s2+$0x2980]  }
0xd2: {  	v19 =	vadd.f32 v20, v19;
	v20 =	vmul.f32 v22, v28  }
0xd3: {  	v22 =	vld [tilespmem:s2+$0x2A00]  }
0xd4: {  	v19 =	vadd.f32 v20, v19;
	v20 =	vmul.f32 v23, v29  }
0xd5: {  	v23 =	vld [tilespmem:s2+$0x2A80]  }
0xd6: {  	v19 =	vadd.f32 v20, v19;
	v20 =	vmul.f32 v21, v30  }
0xd7: {  	v21 =	vld [tilespmem:s2+$0x2B00]  }
0xd8: {  	v19 =	vadd.f32 v20, v19;
	v20 =	vmul.f32 v22, v31  }
0xd9: {  	v22 =	vld [tilespmem:s2+$0x2B80]  }
0xda: {  	v19 =	vadd.f32 v20, v19;
	v20 =	vmul.f32 v23, v32;
	_ =	sdelay $0x1  }
0xdb: {  	v19 =	vadd.f32 v20, v19;
	v20 =	vmul.f32 v21, v33;
	_ =	sdelay $0x1  }
0xdc: {  	s14 =	sshll.u32 s11, $0x2;
	v19 =	vadd.f32 v20, v19;
	v20 =	vmul.f32 v22, v34  }
0xdd: {  	s15 =	sshll.u32 s11, $0x6;
	s18 =	sadd.s32 s5, s14  }
0xde: {  	s15 =	sand.u32 $0x40, s15;
	s2 =	sshll.u32 s18, $0x7;
	v19 =	vadd.f32 v20, v19  }
0xdf: {  	s16 =	sadd.s32 $0x10, s0;
	s15 =	sadd.s32 s3, s15;
	s0 =	sand.u32 $0xFFFFC00, s2  }
0xe0: {  	s14 =	sor.u32 $0x1, s14;
	s2 =	simm.s32 $0x10800;
	s15 =	sadd.s32 s0, s15;
	[tilespmem:s16+$0x0] =	vst v19  }
0xe1: {  	[hbm4b:s15+s29] =	stream.strided.scatter [tilespmem:s2], [sflag:$0x3], $0x400, s13, s29, $0x38;
	[tilespmem:$0x10C00] =	vst v63  }
0xe2: {  	s14 =	sshll.u32 s14, $0x4;
	_ =	swait.ge [sflag:s12], $0x400  }
0xe3: {  	s18 =	sand.u32 $0x3FFFFFD0, s14;
	s16 =	simm.s32 $0x0;
	[sflag:s12] =	ssyncset.done $0x0  }
0xe4: {  	s17 =	sand.u32 $0x70, s16;
	s15 =	sand.u32 $0x1C00, s16;
	[sflag:s12] =	ssyncadd.s32 $0xFFFFFC00  }
0xe5: {  	s15 =	sor.u32 s17, s15;
	v54 =	vld [tilespmem:s18+$0x400]  }
0xe6: {  	v22 =	vld [tilespmem:s15+$0x4800]  }
0xe7: {  	v23 =	vld [tilespmem:s15+$0x4880];
	_ =	sdelay $0x1  }
0xe8: {  	v24 =	vld [tilespmem:s15+$0x4900]  }
0xe9: {  	v20 =	vperm.xlane v54, v5;
	v21 =	vperm.xlane v54, v6  }
0xea: {  	v25 =	vld [tilespmem:s15+$0x4980];
	v19 =	vperm.xlane v54, v7  }
0xeb: {  	v26 =	vmul.f32 v22, v20;
	v23 =	vmul.f32 v23, v21  }
0xec: {  	v27 =	vld [tilespmem:s15+$0x4A00]  }
0xed: {  	v22 =	vperm.xlane v54, v4;
	v24 =	vmul.f32 v24, v19;
	v26 =	vadd.f32 v23, v26  }
0xee: {  	v28 =	vld [tilespmem:s15+$0x4A80]  }
0xef: {  	v23 =	vperm.xlane v54, v8;
	v25 =	vmul.f32 v25, v22;
	v26 =	vadd.f32 v24, v26  }
0xf0: {  	v29 =	vld [tilespmem:s15+$0x4B00]  }
0xf1: {  	v24 =	vperm.xlane v54, v9;
	v27 =	vmul.f32 v27, v23;
	v26 =	vadd.f32 v25, v26  }
0xf2: {  	v30 =	vld [tilespmem:s15+$0x4B80]  }
0xf3: {  	v25 =	vperm.xlane v54, v10;
	v28 =	vmul.f32 v28, v24;
	v27 =	vadd.f32 v27, v26  }
0xf4: {  	v31 =	vld [tilespmem:s15+$0x6800]  }
0xf5: {  	v26 =	vperm.xlane v54, v3;
	v29 =	vmul.f32 v29, v25;
	v28 =	vadd.f32 v28, v27  }
0xf6: {  	v55 =	vld [tilespmem:s15+$0x6880]  }
0xf7: {  	v27 =	vperm.xlane v54, v11;
	v30 =	vmul.f32 v30, v26;
	v29 =	vadd.f32 v29, v28  }
0xf8: {  	v56 =	vld [tilespmem:s15+$0x6900]  }
0xf9: {  	v28 =	vperm.xlane v54, v12;
	v31 =	vmul.f32 v31, v27;
	v30 =	vadd.f32 v30, v29  }
0xfa: {  	v57 =	vld [tilespmem:s15+$0x6980]  }
0xfb: {  	v29 =	vperm.xlane v54, v13;
	v32 =	vmul.f32 v55, v28;
	v31 =	vadd.f32 v31, v30  }
0xfc: {  	v58 =	vld [tilespmem:s15+$0x6A00]  }
0xfd: {  	v30 =	vperm.xlane v54, v14;
	v33 =	vmul.f32 v56, v29;
	v32 =	vadd.f32 v32, v31  }
0xfe: {  	v59 =	vld [tilespmem:s15+$0x6A80]  }
0xff: {  	v31 =	vperm.xlane v54, v15;
	v35 =	vmul.f32 v57, v30;
	v33 =	vadd.f32 v33, v32  }
0x100: {  	v60 =	vld [tilespmem:s15+$0x6B00]  }
0x101: {  	v32 =	vperm.xlane v54, v16;
	v36 =	vmul.f32 v58, v31;
	v35 =	vadd.f32 v35, v33  }
0x102: {  	v39 =	vld [tilespmem:s15+$0x6B80]  }
0x103: {  	v33 =	vperm.xlane v54, v17;
	v61 =	vmul.f32 v59, v32;
	v35 =	vadd.f32 v36, v35;
	_ =	sdelay $0x1  }
0x104: {  	v34 =	vperm.xlane v54, v18;
	v62 =	vmul.f32 v60, v33;
	v35 =	vadd.f32 v61, v35;
	_ =	sdelay $0x1  }
0x105: {  	v63 =	vmul.f32 v39, v34;
	v35 =	vadd.f32 v62, v35;
	_ =	sdelay $0x1  }
0x106: {  	s16 =	simm.s32 $0x80;
	s17 =	simm.s32 $0x10;
	v35 =	vadd.f32 v63, v35  }
0x107: {  	s15 =	sand.u32 $0x70, s17;
	s18 =	sand.u32 $0x1C00, s16  }
0x108: {  	s17 =	simm.s32 $0x20;
	s15 =	sor.u32 s15, s18;
	[tilespmem:s2+$0x0] =	vst v35  }
.LBB2_5:
0x109: {  	p0 =	sne.s32 s17, $0x3F0;
	v35 =	vld [tilespmem:s15+$0x4800]  }
0x10a: {  	v36 =	vld [tilespmem:s15+$0x4880];
	_ =	sdelay $0x1  }
0x10b: {  	v37 =	vld [tilespmem:s15+$0x4900];
	_ =	sdelay $0x1  }
0x10c: {  	v38 =	vld [tilespmem:s15+$0x4980]  }
0x10d: {  	v35 =	vmul.f32 v35, v20;
	v36 =	vmul.f32 v36, v21  }
0x10e: {  	v39 =	vld [tilespmem:s15+$0x4A00]  }
0x10f: {  	v35 =	vadd.f32 v36, v35;
	v36 =	vmul.f32 v37, v19  }
0x110: {  	v37 =	vld [tilespmem:s15+$0x4A80]  }
0x111: {  	v35 =	vadd.f32 v36, v35;
	v36 =	vmul.f32 v38, v22  }
0x112: {  	v38 =	vld [tilespmem:s15+$0x4B00]  }
0x113: {  	v35 =	vadd.f32 v36, v35;
	v36 =	vmul.f32 v39, v23  }
0x114: {  	v39 =	vld [tilespmem:s15+$0x4B80]  }
0x115: {  	v35 =	vadd.f32 v36, v35;
	v36 =	vmul.f32 v37, v24  }
0x116: {  	v37 =	vld [tilespmem:s15+$0x6800]  }
0x117: {  	v35 =	vadd.f32 v36, v35;
	v36 =	vmul.f32 v38, v25  }
0x118: {  	v38 =	vld [tilespmem:s15+$0x6880]  }
0x119: {  	v35 =	vadd.f32 v36, v35;
	v36 =	vmul.f32 v39, v26  }
0x11a: {  	v39 =	vld [tilespmem:s15+$0x6900]  }
0x11b: {  	v35 =	vadd.f32 v36, v35;
	v36 =	vmul.f32 v37, v27  }
0x11c: {  	v37 =	vld [tilespmem:s15+$0x6980]  }
0x11d: {  	v35 =	vadd.f32 v36, v35;
	v36 =	vmul.f32 v38, v28  }
0x11e: {  	v38 =	vld [tilespmem:s15+$0x6A00]  }
0x11f: {  	v35 =	vadd.f32 v36, v35;
	v36 =	vmul.f32 v39, v29  }
0x120: {  	v39 =	vld [tilespmem:s15+$0x6A80]  }
0x121: {  	v35 =	vadd.f32 v36, v35;
	v36 =	vmul.f32 v37, v30  }
0x122: {  	v37 =	vld [tilespmem:s15+$0x6B00]  }
0x123: {  	v35 =	vadd.f32 v36, v35;
	v36 =	vmul.f32 v38, v31  }
0x124: {  	v38 =	vld [tilespmem:s15+$0x6B80]  }
0x125: {  	v35 =	vadd.f32 v36, v35;
	v36 =	vmul.f32 v39, v32;
	_ =	sdelay $0x1  }
0x126: {  	v35 =	vadd.f32 v36, v35;
	v36 =	vmul.f32 v37, v33;
	_ =	sdelay $0x1  }
.Ltmp1:
0x127: {  	v35 =	vadd.f32 v36, v35;
	v36 =	vmul.f32 v38, v34;
	(pc) =	sbr.rel @p0 .LBB2_5-.Ltmp1, $4  }
0x128: {  	_ = 	snop  }
0x129: {  	s16 =	sadd.s32 $0x80, s16;
	v35 =	vadd.f32 v36, v35  }
0x12a: {  	s2 =	sadd.s32 $0x10, s2;
	s18 =	sand.u32 $0x1C00, s16;
	s15 =	sand.u32 $0x70, s17  }
0x12b: {  	s17 =	sadd.s32 $0x10, s17;
	s15 =	sor.u32 s15, s18;
	[tilespmem:s2+$0x0] =	vst v35  }
0x12c: {  	v35 =	vld [tilespmem:s15+$0x4800]  }
0x12d: {  	v36 =	vld [tilespmem:s15+$0x4880];
	_ =	sdelay $0x1  }
0x12e: {  	v37 =	vld [tilespmem:s15+$0x4900];
	_ =	sdelay $0x1  }
0x12f: {  	v38 =	vld [tilespmem:s15+$0x4980]  }
0x130: {  	v20 =	vmul.f32 v35, v20;
	v21 =	vmul.f32 v36, v21  }
0x131: {  	v53 =	vld [tilespmem:s15+$0x4A00]  }
0x132: {  	v19 =	vmul.f32 v37, v19;
	v20 =	vadd.f32 v21, v20  }
0x133: {  	v21 =	vld [tilespmem:s15+$0x4A80]  }
0x134: {  	v19 =	vadd.f32 v19, v20;
	v20 =	vmul.f32 v38, v22  }
0x135: {  	v22 =	vld [tilespmem:s15+$0x4B00]  }
0x136: {  	v19 =	vadd.f32 v20, v19;
	v20 =	vmul.f32 v53, v23  }
0x137: {  	v23 =	vld [tilespmem:s15+$0x4B80]  }
0x138: {  	v19 =	vadd.f32 v20, v19;
	v20 =	vmul.f32 v21, v24  }
0x139: {  	v21 =	vld [tilespmem:s15+$0x6800]  }
0x13a: {  	v19 =	vadd.f32 v20, v19;
	v20 =	vmul.f32 v22, v25  }
0x13b: {  	v22 =	vld [tilespmem:s15+$0x6880]  }
0x13c: {  	v19 =	vadd.f32 v20, v19;
	v20 =	vmul.f32 v23, v26  }
0x13d: {  	v23 =	vld [tilespmem:s15+$0x6900]  }
0x13e: {  	v19 =	vadd.f32 v20, v19;
	v20 =	vmul.f32 v21, v27  }
0x13f: {  	v21 =	vld [tilespmem:s15+$0x6980]  }
0x140: {  	v19 =	vadd.f32 v20, v19;
	v20 =	vmul.f32 v22, v28  }
0x141: {  	v22 =	vld [tilespmem:s15+$0x6A00]  }
0x142: {  	v19 =	vadd.f32 v20, v19;
	v20 =	vmul.f32 v23, v29  }
0x143: {  	v23 =	vld [tilespmem:s15+$0x6A80]  }
0x144: {  	v19 =	vadd.f32 v20, v19;
	v20 =	vmul.f32 v21, v30  }
0x145: {  	v21 =	vld [tilespmem:s15+$0x6B00]  }
0x146: {  	v19 =	vadd.f32 v20, v19;
	v20 =	vmul.f32 v22, v31  }
0x147: {  	v22 =	vld [tilespmem:s15+$0x6B80]  }
0x148: {  	v19 =	vadd.f32 v20, v19;
	v20 =	vmul.f32 v23, v32;
	_ =	sdelay $0x1  }
0x149: {  	v19 =	vadd.f32 v20, v19;
	v20 =	vmul.f32 v21, v33;
	_ =	sdelay $0x1  }
0x14a: {  	v19 =	vadd.f32 v20, v19;
	v20 =	vmul.f32 v22, v34;
	_ =	sdelay $0x1  }
0x14b: {  	s14 =	sand.u32 $0x50, s14;
	v19 =	vadd.f32 v20, v19  }
0x14c: {  	s2 =	sadd.s32 $0x10, s2;
	s14 =	sadd.s32 s3, s14  }
0x14d: {  	s0 =	sadd.s32 s0, s14;
	[tilespmem:s2+$0x0] =	vst v19  }
0x14e: {  	[hbm4b:s0+s29] =	stream.strided.scatter [tilespmem:s30], [sflag:$0x3], $0x400, s13, s29, $0x38;
	[tilespmem:$0x10C00] =	vst v63  }
0x14f: {  	_ =	swait.ge [sflag:s12], $0x400  }
0x150: {  	p0 =	seq.s32 s11, $0xF;
	[sflag:s12] =	ssyncset.done $0x0  }
0x151: {  	s0 =	sshrl.u32 @!p0 s31, $0x2;
	[sflag:s12] =	ssyncadd.s32 $0xFFFFFC00  }
0x152: {  	v19 =	vld @!p0 [tilespmem:s0+$0x40];
	_ =	sdelay $0x4  }
0x153: {  	v20 =	vshll.u32 @!p0 v19, $0x3  }
0x154: {  	v21 =	vlaneseq.u32 @!p0;
	v19 =	vand.u32 @!p0 $0x7, v19;
	v20 =	vand.u32 @!p0 $0xFFFFFFC0, v20  }
0x155: {  	v22 =	vshrl.u32 @!p0 v21, $0x3;
	v19 =	vor.u32 @!p0 v19, v20;
	v20 =	vand.u32 @!p0 $0x7, v21  }
0x156: {  	v22 =	vmul.u32 @!p0 $0x8, v22;
	v23 =	vperm.xlane @!p0 v19, v20;
	_ =	sdelay $0x1  }
0x157: {  	v23 =	vadd.s32 @!p0 v22, v23;
	_ =	sdelay $0x3  }
0x158: {  	vm1 =	vmmov @!p0 $0xffff;
	s14 =	simm.s32 @!p0 $0x800;
	s2 =	simm.s32 @!p0 $0x0  }
0x159: {  	v21 =	vor.u32 @!p0 $0x8, v21;
	[tilespmem:s14], [sflag:$0x1] =	stream.indirect_vreg.gather @!p0 [hbm4b:s1+s2], $0x80, v23, vm1, $0xb8;
	[tilespmem:$0x10C00] =	vst v63  }
0x15a: {  	v19 =	vperm.xlane @!p0 v19, v21;
	s14 =	simm.s32 @!p0 $0x1000  }
0x15b: {  	[tilespmem:s14], [sflag:$0x1] =	stream.indirect_vreg.gather @!p0 [hbm4b:s8+s2], $0x80, v23, vm1, $0xb8;
	[tilespmem:$0x10C00] =	vst v63  }
0x15c: {  	v19 =	vadd.s32 @!p0 v22, v19;
	s14 =	simm.s32 @!p0 $0x1800  }
0x15d: {  	[tilespmem:s14], [sflag:$0x1] =	stream.indirect_vreg.gather @!p0 [hbm4b:s9+s2], $0x80, v23, vm1, $0xb8;
	[tilespmem:$0x10C00] =	vst v63  }
0x15e: {  	s14 =	simm.s32 @!p0 $0x2000  }
0x15f: {  	[tilespmem:s14], [sflag:$0x1] =	stream.indirect_vreg.gather @!p0 [hbm4b:s10+s2], $0x80, v23, vm1, $0xb8;
	[tilespmem:$0x10C00] =	vst v63  }
0x160: {  	s14 =	simm.s32 @!p0 $0x2800  }
0x161: {  	[tilespmem:s14], [sflag:$0x1] =	stream.indirect_vreg.gather @!p0 [hbm4b:s1+s2], $0x80, v19, vm1, $0xb8;
	[tilespmem:$0x10C00] =	vst v63  }
0x162: {  	s14 =	simm.s32 @!p0 $0x3000  }
0x163: {  	[tilespmem:s14], [sflag:$0x1] =	stream.indirect_vreg.gather @!p0 [hbm4b:s8+s2], $0x80, v19, vm1, $0xb8;
	[tilespmem:$0x10C00] =	vst v63  }
0x164: {  	s14 =	simm.s32 @!p0 $0x3800  }
0x165: {  	[tilespmem:s14], [sflag:$0x1] =	stream.indirect_vreg.gather @!p0 [hbm4b:s9+s2], $0x80, v19, vm1, $0xb8;
	[tilespmem:$0x10C00] =	vst v63  }
0x166: {  	s14 =	simm.s32 @!p0 $0x4000  }
0x167: {  	[tilespmem:s14], [sflag:$0x1] =	stream.indirect_vreg.gather @!p0 [hbm4b:s10+s2], $0x80, v19, vm1, $0xb8;
	[tilespmem:$0x10C00] =	vst v63  }
0x168: {  	v19 =	vld @!p0 [tilespmem:s0+$0x50];
	_ =	sdelay $0x4  }
0x169: {  	v23 =	vshll.u32 @!p0 v19, $0x3  }
0x16a: {  	v19 =	vand.u32 @!p0 $0x7, v19;
	v23 =	vand.u32 @!p0 $0xFFFFFFC0, v23  }
0x16b: {  	v19 =	vor.u32 @!p0 v19, v23  }
0x16c: {  	v20 =	vperm.xlane @!p0 v19, v20;
	_ =	sdelay $0x1  }
0x16d: {  	v20 =	vadd.s32 @!p0 v22, v20;
	_ =	sdelay $0x3  }
0x16e: {  	s0 =	simm.s32 @!p0 $0x4800  }
0x16f: {  	[tilespmem:s0], [sflag:$0x1] =	stream.indirect_vreg.gather @!p0 [hbm4b:s1+s2], $0x80, v20, vm1, $0xb8;
	[tilespmem:$0x10C00] =	vst v63  }
0x170: {  	v19 =	vperm.xlane @!p0 v19, v21;
	s0 =	simm.s32 @!p0 $0x5000  }
0x171: {  	[tilespmem:s0], [sflag:$0x1] =	stream.indirect_vreg.gather @!p0 [hbm4b:s8+s2], $0x80, v20, vm1, $0xb8;
	[tilespmem:$0x10C00] =	vst v63  }
0x172: {  	v19 =	vadd.s32 @!p0 v22, v19;
	s0 =	simm.s32 @!p0 $0x5800  }
0x173: {  	[tilespmem:s0], [sflag:$0x1] =	stream.indirect_vreg.gather @!p0 [hbm4b:s9+s2], $0x80, v20, vm1, $0xb8;
	[tilespmem:$0x10C00] =	vst v63  }
0x174: {  	s0 =	simm.s32 @!p0 $0x6000  }
0x175: {  	[tilespmem:s0], [sflag:$0x1] =	stream.indirect_vreg.gather @!p0 [hbm4b:s10+s2], $0x80, v20, vm1, $0xb8;
	[tilespmem:$0x10C00] =	vst v63  }
0x176: {  	s0 =	simm.s32 @!p0 $0x6800  }
0x177: {  	[tilespmem:s0], [sflag:$0x1] =	stream.indirect_vreg.gather @!p0 [hbm4b:s1+s2], $0x80, v19, vm1, $0xb8;
	[tilespmem:$0x10C00] =	vst v63  }
0x178: {  	s0 =	simm.s32 @!p0 $0x7000  }
0x179: {  	[tilespmem:s0], [sflag:$0x1] =	stream.indirect_vreg.gather @!p0 [hbm4b:s8+s2], $0x80, v19, vm1, $0xb8;
	[tilespmem:$0x10C00] =	vst v63  }
0x17a: {  	s0 =	simm.s32 @!p0 $0x7800  }
0x17b: {  	[tilespmem:s0], [sflag:$0x1] =	stream.indirect_vreg.gather @!p0 [hbm4b:s9+s2], $0x80, v19, vm1, $0xb8;
	[tilespmem:$0x10C00] =	vst v63  }
0x17c: {  	s0 =	simm.s32 @!p0 $0x8000  }
0x17d: {  	[tilespmem:s0], [sflag:$0x1] =	stream.indirect_vreg.gather @!p0 [hbm4b:s10+s2], $0x80, v19, vm1, $0xb8;
	[tilespmem:$0x10C00] =	vst v63  }
0x17e: {  	_ =	swait.ge [sflag:s6], $0x8000  }
0x17f: {  	s16 =	simm.s32 $0x0;
	[sflag:s6] =	ssyncset.done $0x0  }
0x180: {  	s17 =	sand.u32 $0x70, s16;
	s0 =	sand.u32 $0x1C00, s16;
	[sflag:s6] =	ssyncadd.s32 $0xFFFF8000  }
0x181: {  	s0 =	sor.u32 s17, s0;
	v54 =	vld [tilespmem:s4+$0x400]  }
0x182: {  	v22 =	vld [tilespmem:s0+$0x8800]  }
0x183: {  	v23 =	vld [tilespmem:s0+$0x8880];
	_ =	sdelay $0x1  }
0x184: {  	v24 =	vld [tilespmem:s0+$0x8900]  }
0x185: {  	v20 =	vperm.xlane v54, v5;
	v21 =	vperm.xlane v54, v6  }
0x186: {  	v25 =	vld [tilespmem:s0+$0x8980];
	v19 =	vperm.xlane v54, v7  }
0x187: {  	v26 =	vmul.f32 v22, v20;
	v23 =	vmul.f32 v23, v21  }
0x188: {  	v27 =	vld [tilespmem:s0+$0x8A00]  }
0x189: {  	v22 =	vperm.xlane v54, v4;
	v24 =	vmul.f32 v24, v19;
	v26 =	vadd.f32 v23, v26  }
0x18a: {  	v28 =	vld [tilespmem:s0+$0x8A80]  }
0x18b: {  	v23 =	vperm.xlane v54, v8;
	v25 =	vmul.f32 v25, v22;
	v26 =	vadd.f32 v24, v26  }
0x18c: {  	v29 =	vld [tilespmem:s0+$0x8B00]  }
0x18d: {  	v24 =	vperm.xlane v54, v9;
	v27 =	vmul.f32 v27, v23;
	v26 =	vadd.f32 v25, v26  }
0x18e: {  	v30 =	vld [tilespmem:s0+$0x8B80]  }
0x18f: {  	v25 =	vperm.xlane v54, v10;
	v28 =	vmul.f32 v28, v24;
	v27 =	vadd.f32 v27, v26  }
0x190: {  	v31 =	vld [tilespmem:s0+$0xA800]  }
0x191: {  	v26 =	vperm.xlane v54, v3;
	v29 =	vmul.f32 v29, v25;
	v28 =	vadd.f32 v28, v27  }
0x192: {  	v55 =	vld [tilespmem:s0+$0xA880]  }
0x193: {  	v27 =	vperm.xlane v54, v11;
	v30 =	vmul.f32 v30, v26;
	v29 =	vadd.f32 v29, v28  }
0x194: {  	v56 =	vld [tilespmem:s0+$0xA900]  }
0x195: {  	v28 =	vperm.xlane v54, v12;
	v31 =	vmul.f32 v31, v27;
	v30 =	vadd.f32 v30, v29  }
0x196: {  	v57 =	vld [tilespmem:s0+$0xA980]  }
0x197: {  	v29 =	vperm.xlane v54, v13;
	v32 =	vmul.f32 v55, v28;
	v31 =	vadd.f32 v31, v30  }
0x198: {  	v58 =	vld [tilespmem:s0+$0xAA00]  }
0x199: {  	v30 =	vperm.xlane v54, v14;
	v33 =	vmul.f32 v56, v29;
	v32 =	vadd.f32 v32, v31  }
0x19a: {  	v59 =	vld [tilespmem:s0+$0xAA80]  }
0x19b: {  	v31 =	vperm.xlane v54, v15;
	v35 =	vmul.f32 v57, v30;
	v33 =	vadd.f32 v33, v32  }
0x19c: {  	v60 =	vld [tilespmem:s0+$0xAB00]  }
0x19d: {  	v32 =	vperm.xlane v54, v16;
	v36 =	vmul.f32 v58, v31;
	v35 =	vadd.f32 v35, v33  }
0x19e: {  	v39 =	vld [tilespmem:s0+$0xAB80]  }
0x19f: {  	v33 =	vperm.xlane v54, v17;
	v61 =	vmul.f32 v59, v32;
	v35 =	vadd.f32 v36, v35;
	_ =	sdelay $0x1  }
0x1a0: {  	v34 =	vperm.xlane v54, v18;
	v62 =	vmul.f32 v60, v33;
	v35 =	vadd.f32 v61, v35;
	_ =	sdelay $0x1  }
0x1a1: {  	v63 =	vmul.f32 v39, v34;
	v35 =	vadd.f32 v62, v35;
	_ =	sdelay $0x1  }
0x1a2: {  	s18 =	simm.s32 $0x10;
	s14 =	simm.s32 $0x80;
	v35 =	vadd.f32 v63, v35  }
0x1a3: {  	s31 =	sand.u32 $0x1C00, s14;
	s2 =	sand.u32 $0x70, s18;
	s0 =	simm.s32 $0x10800  }
0x1a4: {  	s15 =	simm.s32 $0x20;
	s2 =	sor.u32 s2, s31;
	[tilespmem:s0+$0x0] =	vst v35  }
.LBB2_7:
0x1a5: {  	p0 =	sne.s32 s15, $0x3F0;
	v35 =	vld [tilespmem:s2+$0x8800]  }
0x1a6: {  	v36 =	vld [tilespmem:s2+$0x8880];
	_ =	sdelay $0x1  }
0x1a7: {  	v37 =	vld [tilespmem:s2+$0x8900];
	_ =	sdelay $0x1  }
0x1a8: {  	v38 =	vld [tilespmem:s2+$0x8980]  }
0x1a9: {  	v35 =	vmul.f32 v35, v20;
	v36 =	vmul.f32 v36, v21  }
0x1aa: {  	v39 =	vld [tilespmem:s2+$0x8A00]  }
0x1ab: {  	v35 =	vadd.f32 v36, v35;
	v36 =	vmul.f32 v37, v19  }
0x1ac: {  	v37 =	vld [tilespmem:s2+$0x8A80]  }
0x1ad: {  	v35 =	vadd.f32 v36, v35;
	v36 =	vmul.f32 v38, v22  }
0x1ae: {  	v38 =	vld [tilespmem:s2+$0x8B00]  }
0x1af: {  	v35 =	vadd.f32 v36, v35;
	v36 =	vmul.f32 v39, v23  }
0x1b0: {  	v39 =	vld [tilespmem:s2+$0x8B80]  }
0x1b1: {  	v35 =	vadd.f32 v36, v35;
	v36 =	vmul.f32 v37, v24  }
0x1b2: {  	v37 =	vld [tilespmem:s2+$0xA800]  }
0x1b3: {  	v35 =	vadd.f32 v36, v35;
	v36 =	vmul.f32 v38, v25  }
0x1b4: {  	v38 =	vld [tilespmem:s2+$0xA880]  }
0x1b5: {  	v35 =	vadd.f32 v36, v35;
	v36 =	vmul.f32 v39, v26  }
0x1b6: {  	v39 =	vld [tilespmem:s2+$0xA900]  }
0x1b7: {  	v35 =	vadd.f32 v36, v35;
	v36 =	vmul.f32 v37, v27  }
0x1b8: {  	v37 =	vld [tilespmem:s2+$0xA980]  }
0x1b9: {  	v35 =	vadd.f32 v36, v35;
	v36 =	vmul.f32 v38, v28  }
0x1ba: {  	v38 =	vld [tilespmem:s2+$0xAA00]  }
0x1bb: {  	v35 =	vadd.f32 v36, v35;
	v36 =	vmul.f32 v39, v29  }
0x1bc: {  	v39 =	vld [tilespmem:s2+$0xAA80]  }
0x1bd: {  	v35 =	vadd.f32 v36, v35;
	v36 =	vmul.f32 v37, v30  }
0x1be: {  	v37 =	vld [tilespmem:s2+$0xAB00]  }
0x1bf: {  	v35 =	vadd.f32 v36, v35;
	v36 =	vmul.f32 v38, v31  }
0x1c0: {  	v38 =	vld [tilespmem:s2+$0xAB80]  }
0x1c1: {  	v35 =	vadd.f32 v36, v35;
	v36 =	vmul.f32 v39, v32;
	_ =	sdelay $0x1  }
0x1c2: {  	v35 =	vadd.f32 v36, v35;
	v36 =	vmul.f32 v37, v33;
	_ =	sdelay $0x1  }
.Ltmp2:
0x1c3: {  	v35 =	vadd.f32 v36, v35;
	v36 =	vmul.f32 v38, v34;
	(pc) =	sbr.rel @p0 .LBB2_7-.Ltmp2, $4  }
0x1c4: {  	_ = 	snop  }
0x1c5: {  	s14 =	sadd.s32 $0x80, s14;
	v35 =	vadd.f32 v36, v35  }
0x1c6: {  	s0 =	sadd.s32 $0x10, s0;
	s16 =	sand.u32 $0x1C00, s14;
	s2 =	sand.u32 $0x70, s15  }
0x1c7: {  	s15 =	sadd.s32 $0x10, s15;
	s2 =	sor.u32 s2, s16;
	[tilespmem:s0+$0x0] =	vst v35  }
0x1c8: {  	v35 =	vld [tilespmem:s2+$0x8800]  }
0x1c9: {  	v36 =	vld [tilespmem:s2+$0x8880];
	_ =	sdelay $0x1  }
0x1ca: {  	v37 =	vld [tilespmem:s2+$0x8900];
	_ =	sdelay $0x1  }
0x1cb: {  	v38 =	vld [tilespmem:s2+$0x8980]  }
0x1cc: {  	v20 =	vmul.f32 v35, v20;
	v21 =	vmul.f32 v36, v21  }
0x1cd: {  	v53 =	vld [tilespmem:s2+$0x8A00]  }
0x1ce: {  	v19 =	vmul.f32 v37, v19;
	v20 =	vadd.f32 v21, v20  }
0x1cf: {  	v21 =	vld [tilespmem:s2+$0x8A80]  }
0x1d0: {  	v19 =	vadd.f32 v19, v20;
	v20 =	vmul.f32 v38, v22  }
0x1d1: {  	v22 =	vld [tilespmem:s2+$0x8B00]  }
0x1d2: {  	v19 =	vadd.f32 v20, v19;
	v20 =	vmul.f32 v53, v23  }
0x1d3: {  	v23 =	vld [tilespmem:s2+$0x8B80]  }
0x1d4: {  	v19 =	vadd.f32 v20, v19;
	v20 =	vmul.f32 v21, v24  }
0x1d5: {  	v21 =	vld [tilespmem:s2+$0xA800]  }
0x1d6: {  	v19 =	vadd.f32 v20, v19;
	v20 =	vmul.f32 v22, v25  }
0x1d7: {  	v22 =	vld [tilespmem:s2+$0xA880]  }
0x1d8: {  	v19 =	vadd.f32 v20, v19;
	v20 =	vmul.f32 v23, v26  }
0x1d9: {  	v23 =	vld [tilespmem:s2+$0xA900]  }
0x1da: {  	v19 =	vadd.f32 v20, v19;
	v20 =	vmul.f32 v21, v27  }
0x1db: {  	v21 =	vld [tilespmem:s2+$0xA980]  }
0x1dc: {  	v19 =	vadd.f32 v20, v19;
	v20 =	vmul.f32 v22, v28  }
0x1dd: {  	v22 =	vld [tilespmem:s2+$0xAA00]  }
0x1de: {  	v19 =	vadd.f32 v20, v19;
	v20 =	vmul.f32 v23, v29  }
0x1df: {  	v23 =	vld [tilespmem:s2+$0xAA80]  }
0x1e0: {  	v19 =	vadd.f32 v20, v19;
	v20 =	vmul.f32 v21, v30  }
0x1e1: {  	v21 =	vld [tilespmem:s2+$0xAB00]  }
0x1e2: {  	v19 =	vadd.f32 v20, v19;
	v20 =	vmul.f32 v22, v31  }
0x1e3: {  	v22 =	vld [tilespmem:s2+$0xAB80]  }
0x1e4: {  	v19 =	vadd.f32 v20, v19;
	v20 =	vmul.f32 v23, v32;
	_ =	sdelay $0x1  }
0x1e5: {  	v19 =	vadd.f32 v20, v19;
	v20 =	vmul.f32 v21, v33;
	_ =	sdelay $0x1  }
0x1e6: {  	s31 =	sshll.u32 s7, $0x1;
	v19 =	vadd.f32 v20, v19;
	v20 =	vmul.f32 v22, v34  }
0x1e7: {  	s2 =	sadd.s32 s5, s31  }
0x1e8: {  	s4 =	sand.u32 $0x60, s4;
	s2 =	sshll.u32 s2, $0x7;
	v19 =	vadd.f32 v20, v19  }
0x1e9: {  	s14 =	sadd.s32 $0x10, s0;
	s4 =	sadd.s32 s3, s4;
	s0 =	sand.u32 $0xFFFFC00, s2  }
0x1ea: {  	s2 =	simm.s32 $0x10800;
	s4 =	sadd.s32 s0, s4;
	[tilespmem:s14+$0x0] =	vst v19  }
0x1eb: {  	[hbm4b:s4+s29] =	stream.strided.scatter [tilespmem:s2], [sflag:$0x3], $0x400, s13, s29, $0x38;
	[tilespmem:$0x10C00] =	vst v63  }
0x1ec: {  	s15 =	sshllo.u32 s7, $0x1;
	s16 =	simm.s32 $0x0;
	_ =	swait.ge [sflag:s12], $0x400  }
0x1ed: {  	s7 =	sand.u32 $0x1C00, s16;
	s4 =	sshll.u32 s15, $0x4;
	[sflag:s12] =	ssyncset.done $0x0  }
0x1ee: {  	s15 =	sand.u32 $0x70, s16;
	s17 =	sand.u32 $0x3FFFFFF0, s4;
	[sflag:s12] =	ssyncadd.s32 $0xFFFFFC00  }
0x1ef: {  	s7 =	sor.u32 s15, s7;
	v54 =	vld [tilespmem:s17+$0x400]  }
0x1f0: {  	v22 =	vld [tilespmem:s7+$0xC800]  }
0x1f1: {  	v23 =	vld [tilespmem:s7+$0xC880];
	_ =	sdelay $0x1  }
0x1f2: {  	v24 =	vld [tilespmem:s7+$0xC900]  }
0x1f3: {  	v20 =	vperm.xlane v54, v5;
	v21 =	vperm.xlane v54, v6  }
0x1f4: {  	v25 =	vld [tilespmem:s7+$0xC980];
	v19 =	vperm.xlane v54, v7  }
0x1f5: {  	v26 =	vmul.f32 v22, v20;
	v23 =	vmul.f32 v23, v21  }
0x1f6: {  	v27 =	vld [tilespmem:s7+$0xCA00]  }
0x1f7: {  	v22 =	vperm.xlane v54, v4;
	v24 =	vmul.f32 v24, v19;
	v26 =	vadd.f32 v23, v26  }
0x1f8: {  	v28 =	vld [tilespmem:s7+$0xCA80]  }
0x1f9: {  	v23 =	vperm.xlane v54, v8;
	v25 =	vmul.f32 v25, v22;
	v26 =	vadd.f32 v24, v26  }
0x1fa: {  	v29 =	vld [tilespmem:s7+$0xCB00]  }
0x1fb: {  	v24 =	vperm.xlane v54, v9;
	v27 =	vmul.f32 v27, v23;
	v26 =	vadd.f32 v25, v26  }
0x1fc: {  	v30 =	vld [tilespmem:s7+$0xCB80]  }
0x1fd: {  	v25 =	vperm.xlane v54, v10;
	v28 =	vmul.f32 v28, v24;
	v27 =	vadd.f32 v27, v26  }
0x1fe: {  	v31 =	vld [tilespmem:s7+$0xE800]  }
0x1ff: {  	v26 =	vperm.xlane v54, v3;
	v29 =	vmul.f32 v29, v25;
	v28 =	vadd.f32 v28, v27  }
0x200: {  	v55 =	vld [tilespmem:s7+$0xE880]  }
0x201: {  	v27 =	vperm.xlane v54, v11;
	v30 =	vmul.f32 v30, v26;
	v29 =	vadd.f32 v29, v28  }
0x202: {  	v56 =	vld [tilespmem:s7+$0xE900]  }
0x203: {  	v28 =	vperm.xlane v54, v12;
	v31 =	vmul.f32 v31, v27;
	v30 =	vadd.f32 v30, v29  }
0x204: {  	v57 =	vld [tilespmem:s7+$0xE980]  }
0x205: {  	v29 =	vperm.xlane v54, v13;
	v32 =	vmul.f32 v55, v28;
	v31 =	vadd.f32 v31, v30  }
0x206: {  	v58 =	vld [tilespmem:s7+$0xEA00]  }
0x207: {  	v30 =	vperm.xlane v54, v14;
	v33 =	vmul.f32 v56, v29;
	v32 =	vadd.f32 v32, v31  }
0x208: {  	v59 =	vld [tilespmem:s7+$0xEA80]  }
0x209: {  	v31 =	vperm.xlane v54, v15;
	v35 =	vmul.f32 v57, v30;
	v33 =	vadd.f32 v33, v32  }
0x20a: {  	v60 =	vld [tilespmem:s7+$0xEB00]  }
0x20b: {  	v32 =	vperm.xlane v54, v16;
	v36 =	vmul.f32 v58, v31;
	v35 =	vadd.f32 v35, v33  }
0x20c: {  	v39 =	vld [tilespmem:s7+$0xEB80]  }
0x20d: {  	v33 =	vperm.xlane v54, v17;
	v61 =	vmul.f32 v59, v32;
	v35 =	vadd.f32 v36, v35;
	_ =	sdelay $0x1  }
0x20e: {  	v34 =	vperm.xlane v54, v18;
	v62 =	vmul.f32 v60, v33;
	v35 =	vadd.f32 v61, v35;
	_ =	sdelay $0x1  }
0x20f: {  	v63 =	vmul.f32 v39, v34;
	v35 =	vadd.f32 v62, v35;
	_ =	sdelay $0x1  }
0x210: {  	s18 =	simm.s32 $0x10;
	s14 =	simm.s32 $0x80;
	v35 =	vadd.f32 v63, v35  }
0x211: {  	s31 =	sand.u32 $0x1C00, s14;
	s7 =	sand.u32 $0x70, s18  }
0x212: {  	s15 =	simm.s32 $0x20;
	s7 =	sor.u32 s7, s31;
	[tilespmem:s2+$0x0] =	vst v35  }
.LBB2_9:
0x213: {  	p0 =	sne.s32 s15, $0x3F0;
	v35 =	vld [tilespmem:s7+$0xC800]  }
0x214: {  	v36 =	vld [tilespmem:s7+$0xC880];
	_ =	sdelay $0x1  }
0x215: {  	v37 =	vld [tilespmem:s7+$0xC900];
	_ =	sdelay $0x1  }
0x216: {  	v38 =	vld [tilespmem:s7+$0xC980]  }
0x217: {  	v35 =	vmul.f32 v35, v20;
	v36 =	vmul.f32 v36, v21  }
0x218: {  	v39 =	vld [tilespmem:s7+$0xCA00]  }
0x219: {  	v35 =	vadd.f32 v36, v35;
	v36 =	vmul.f32 v37, v19  }
0x21a: {  	v37 =	vld [tilespmem:s7+$0xCA80]  }
0x21b: {  	v35 =	vadd.f32 v36, v35;
	v36 =	vmul.f32 v38, v22  }
0x21c: {  	v38 =	vld [tilespmem:s7+$0xCB00]  }
0x21d: {  	v35 =	vadd.f32 v36, v35;
	v36 =	vmul.f32 v39, v23  }
0x21e: {  	v39 =	vld [tilespmem:s7+$0xCB80]  }
0x21f: {  	v35 =	vadd.f32 v36, v35;
	v36 =	vmul.f32 v37, v24  }
0x220: {  	v37 =	vld [tilespmem:s7+$0xE800]  }
0x221: {  	v35 =	vadd.f32 v36, v35;
	v36 =	vmul.f32 v38, v25  }
0x222: {  	v38 =	vld [tilespmem:s7+$0xE880]  }
0x223: {  	v35 =	vadd.f32 v36, v35;
	v36 =	vmul.f32 v39, v26  }
0x224: {  	v39 =	vld [tilespmem:s7+$0xE900]  }
0x225: {  	v35 =	vadd.f32 v36, v35;
	v36 =	vmul.f32 v37, v27  }
0x226: {  	v37 =	vld [tilespmem:s7+$0xE980]  }
0x227: {  	v35 =	vadd.f32 v36, v35;
	v36 =	vmul.f32 v38, v28  }
0x228: {  	v38 =	vld [tilespmem:s7+$0xEA00]  }
0x229: {  	v35 =	vadd.f32 v36, v35;
	v36 =	vmul.f32 v39, v29  }
0x22a: {  	v39 =	vld [tilespmem:s7+$0xEA80]  }
0x22b: {  	v35 =	vadd.f32 v36, v35;
	v36 =	vmul.f32 v37, v30  }
0x22c: {  	v37 =	vld [tilespmem:s7+$0xEB00]  }
0x22d: {  	v35 =	vadd.f32 v36, v35;
	v36 =	vmul.f32 v38, v31  }
0x22e: {  	v38 =	vld [tilespmem:s7+$0xEB80]  }
0x22f: {  	v35 =	vadd.f32 v36, v35;
	v36 =	vmul.f32 v39, v32;
	_ =	sdelay $0x1  }
0x230: {  	v35 =	vadd.f32 v36, v35;
	v36 =	vmul.f32 v37, v33;
	_ =	sdelay $0x1  }
.Ltmp3:
0x231: {  	v35 =	vadd.f32 v36, v35;
	v36 =	vmul.f32 v38, v34;
	(pc) =	sbr.rel @p0 .LBB2_9-.Ltmp3, $4  }
0x232: {  	_ = 	snop  }
0x233: {  	s14 =	sadd.s32 $0x80, s14;
	v35 =	vadd.f32 v36, v35  }
0x234: {  	s2 =	sadd.s32 $0x10, s2;
	s16 =	sand.u32 $0x1C00, s14;
	s7 =	sand.u32 $0x70, s15  }
0x235: {  	s15 =	sadd.s32 $0x10, s15;
	s7 =	sor.u32 s7, s16;
	[tilespmem:s2+$0x0] =	vst v35  }
0x236: {  	v35 =	vld [tilespmem:s7+$0xC800]  }
0x237: {  	v36 =	vld [tilespmem:s7+$0xC880];
	_ =	sdelay $0x1  }
0x238: {  	v37 =	vld [tilespmem:s7+$0xC900];
	_ =	sdelay $0x1  }
0x239: {  	v38 =	vld [tilespmem:s7+$0xC980]  }
0x23a: {  	v20 =	vmul.f32 v35, v20;
	v21 =	vmul.f32 v36, v21  }
0x23b: {  	v52 =	vld [tilespmem:s7+$0xCA00]  }
0x23c: {  	v19 =	vmul.f32 v37, v19;
	v20 =	vadd.f32 v21, v20  }
0x23d: {  	v53 =	vld [tilespmem:s7+$0xCA80]  }
0x23e: {  	v19 =	vadd.f32 v19, v20;
	v20 =	vmul.f32 v38, v22  }
0x23f: {  	v54 =	vld [tilespmem:s7+$0xCB00]  }
0x240: {  	v19 =	vadd.f32 v20, v19;
	v20 =	vmul.f32 v52, v23  }
0x241: {  	v55 =	vld [tilespmem:s7+$0xCB80]  }
0x242: {  	v19 =	vadd.f32 v20, v19;
	v20 =	vmul.f32 v53, v24  }
0x243: {  	v56 =	vld [tilespmem:s7+$0xE800]  }
0x244: {  	v19 =	vadd.f32 v20, v19;
	v20 =	vmul.f32 v54, v25  }
0x245: {  	v57 =	vld [tilespmem:s7+$0xE880]  }
0x246: {  	v19 =	vadd.f32 v20, v19;
	v20 =	vmul.f32 v55, v26  }
0x247: {  	v58 =	vld [tilespmem:s7+$0xE900]  }
0x248: {  	v19 =	vadd.f32 v20, v19;
	v20 =	vmul.f32 v56, v27  }
0x249: {  	v59 =	vld [tilespmem:s7+$0xE980]  }
0x24a: {  	v19 =	vadd.f32 v20, v19;
	v20 =	vmul.f32 v57, v28  }
0x24b: {  	v60 =	vld [tilespmem:s7+$0xEA00]  }
0x24c: {  	v19 =	vadd.f32 v20, v19;
	v20 =	vmul.f32 v58, v29  }
0x24d: {  	v61 =	vld [tilespmem:s7+$0xEA80]  }
0x24e: {  	v19 =	vadd.f32 v20, v19;
	v20 =	vmul.f32 v59, v30  }
0x24f: {  	v62 =	vld [tilespmem:s7+$0xEB00]  }
0x250: {  	v19 =	vadd.f32 v20, v19;
	v20 =	vmul.f32 v60, v31  }
0x251: {  	v63 =	vld [tilespmem:s7+$0xEB80]  }
0x252: {  	v19 =	vadd.f32 v20, v19;
	v20 =	vmul.f32 v61, v32;
	_ =	sdelay $0x1  }
0x253: {  	v19 =	vadd.f32 v20, v19;
	v20 =	vmul.f32 v62, v33;
	_ =	sdelay $0x1  }
0x254: {  	v19 =	vadd.f32 v20, v19;
	v20 =	vmul.f32 v63, v34;
	_ =	sdelay $0x1  }
0x255: {  	s4 =	sand.u32 $0x70, s4;
	s11 =	sadd.s32 $0x1, s11;
	v19 =	vadd.f32 v20, v19  }
0x256: {  	s2 =	sadd.s32 $0x10, s2;
	s4 =	sadd.s32 s3, s4;
	p0 =	sne.s32 s11, $0x10  }
.Ltmp4:
0x257: {  	s0 =	sadd.s32 s0, s4;
	[tilespmem:s2+$0x0] =	vst v19;
	(pc) =	sbr.rel @p0 .LBB2_2-.Ltmp4, $4  }
0x258: {  	[hbm4b:s0+s29] =	stream.strided.scatter [tilespmem:s30], [sflag:$0x3], $0x400, s13, s29, $0x38;
	[tilespmem:$0x10C00] =	vst v63  }
0x259: {  	_ =	swait.ge [sflag:s12], $0x400  }
0x25a: {  	[sflag:s12] =	ssyncset.done $0x0  }
0x25b: {  	[sflag:s12] =	ssyncadd.s32 $0xFFFFFC00  }
0x25c: {  	s2 =	rddreg [dreg:$0x7]  }
0x25d: {  	s0 =	rddreg [dreg:$0x6];
	s2 =	sadd.s32 $0x1, s2  }
0x25e: {  	p0 =	sne.s32 s2, s0  }
.Ltmp5:
0x25f: {  	_ = 	snop;
	(pc) =	sbr.rel @p0 .LBB2_1-.Ltmp5, $1  }
0x260: {  	_ =	sdelay $0x3  }
0x261: {  	_ =	sfence.sel $0x180000  }
0x262: {  	[bflag:$0x0] =	sbarrier.arrive $0xFFFF  }
0x263: {  	_ =	strace $0x90000047  }
0x264: {  	s0 =	stileid.u32;
	[bflag:$0x2] =	sbarrier.arrive $0xFFFF  }
0x265: {  	p0 =	sne.s32 s0, $0x0;
	s0 =	rddreg [dreg:$0x3]  }
0x266: {  	s0 =	sadd.s32 @!p0 $0x100000, s0  }
0x267: {  	[sflag:s0] =	ssyncadd.tile.s32 @!p0 $0x1;
	_ =	shalt  }
.Lfunc_end2:
_tile_overlayer_lowered:
.L_overlay_start_2:
0x268: {  	(tag) =	ssettag $0x2  }
0x269: {  	s0 =	rddreg [dreg:$0x0];
	s2 =	stileid.u32  }
0x26a: {  	s1 =	rddreg [dreg:$0x1];
	p0 =	sne.s32 s2, $0x0  }
0x26b: {  	s3 =	rddreg [dreg:$0x2];
	[bflag:$0x3] =	sbarrier.arrive $0xFFFF;
	s2 =	simm.s32 @!p0 $0x1C03  }
0x26c: {  	[timem:s3], [sflag:s2] =	dma.local @!p0 [hbm:s0], s1  }
0x26d: {  	s0 =	simm.s32 @!p0 $0x3  }
0x26e: {  	_ =	swait.ge @!p0 [sflag:s0], s1  }
0x26f: {  	s1 =	ssub.s32 @!p0 $0x0, s1;
	[sflag:s0] =	ssyncset.done @!p0 $0x0  }
0x270: {  	[sflag:s0] =	ssyncadd.s32 @!p0 s1  }
0x271: {  	[bflag:$0x3] =	sbarrier.arrive $0xFFFF  }
0x272: {  	_ =	shalt  }

</sc_bundles>
